<compile_context>
chip_gen: v7x
topology: tpu7x:2x2x1
jax: 0.10.2.dev20260603
libtpu: 0.0.44.dev20260713+nightly
codegen_flags: <defaults>
</compile_context>

<pallas_src>
import functools

import jax
import jax.numpy as jnp
import numpy as np
from jax import lax
from jax.experimental import pallas as pl
from jax.experimental.pallas import tpu as pltpu
from jax.experimental.pallas import tpu_sc as plsc

N_ROWS = 8192
N_FEAT = 1024
N_BINS = 16
NC = 2
NS = 16
NW = NC * NS
ROWS_PER_W = N_ROWS // NW
BLK = 32
NBLK = ROWS_PER_W // BLK
LANES = 16

_BIN_COUNTS = np.array(
    [900, 1200, 750, 1100, 980, 640, 1300, 870, 1020, 760, 1150, 690, 940,
     1080, 820, 1010], dtype=np.float64)


def _static_weights():
    mat_rows = []
    w_rows = []
    for gs in (2, 4, 8):
        g = N_BINS // gs
        sums = _BIN_COUNTS.reshape(g, gs).sum(axis=1)
        diffs = sums.max() - sums
        md = diffs.max() if diffs.max() != 0 else 1.0
        norm = (diffs / md).astype(np.float32)
        for i in range(g):
            row = np.zeros(N_BINS, dtype=np.float32)
            row[i * gs:(i + 1) * gs] = 1.0
            mat_rows.append(row)
            w_rows.append(np.exp(norm[i]) / np.float32(g))
    while len(mat_rows) < 16:
        mat_rows.append(np.zeros(N_BINS, dtype=np.float32))
        w_rows.append(np.float32(0.0))
    return np.stack(mat_rows), np.array(w_rows, dtype=np.float32).reshape(16, 1)


_GROUP_MAT, _GROUP_W = _static_weights()


def _sc_body(feat_hbm, lab_hbm, outsum, outsq, outcnt,
             rows_a, rows_b, lab_v, idx_v, bin_s, acc_sum, acc_sq, acc_cnt,
             sem_a, sem_b):
    c = lax.axis_index("c")
    s = lax.axis_index("s")
    wid = c * NS + s
    base = wid * ROWS_PER_W
    zero16 = jnp.zeros((LANES,), jnp.float32)
    lane = lax.iota(jnp.int32, LANES)
    one_row = jnp.where(lane == 0, jnp.float32(1.0), jnp.float32(0.0))

    def zrow(i, _):
        for b in range(N_BINS):
            acc_sum[b, pl.ds(i * LANES, LANES)] = zero16
        return 0
    lax.fori_loop(0, N_FEAT // LANES, zrow, 0)
    for b in range(N_BINS):
        acc_sq[b, pl.ds(0, LANES)] = zero16
        acc_cnt[b, pl.ds(0, LANES)] = zero16

    pltpu.sync_copy(lab_hbm.at[pl.ds(base, ROWS_PER_W)], lab_v)
    for g in range(ROWS_PER_W // LANES):
        lv = lab_v[pl.ds(g * LANES, LANES)]
        bi = (lv * jnp.float32(N_BINS)).astype(jnp.int32)
        idx_v[pl.ds(g * LANES, LANES)] = jnp.clip(bi, 0, N_BINS - 1)

    def stage(r, _):
        bin_s[r] = idx_v[pl.ds(r, LANES)][0]
        return 0
    lax.fori_loop(0, ROWS_PER_W, stage, 0)

    def start(blk, buf, sem):
        pltpu.async_copy(feat_hbm.at[pl.ds(base + blk * BLK, BLK)], buf, sem)

    def wait(blk, buf, sem):
        pltpu.make_async_copy(feat_hbm.at[pl.ds(base + blk * BLK, BLK)],
                              buf, sem).wait()

    ILV = 4
    SEG = 16

    def accumulate(blk, buf):
        def rown(rr, _):
            r = rr * ILV
            bins = [bin_s[blk * BLK + r + i] for i in range(ILV)]

            def seg(si, sq):
                sq = list(sq)
                s0 = si * (SEG * LANES)
                for chl in range(SEG):
                    sl = pl.ds(s0 + chl * LANES, LANES)
                    vs = [buf[r + i, sl] for i in range(ILV)]
                    for i in range(ILV):
                        plsc.addupdate(acc_sum.at[bins[i], sl], vs[i])
                    for i in range(ILV):
                        sq[i] = sq[i] + vs[i] * vs[i]
                return tuple(sq)

            sq = lax.fori_loop(0, N_FEAT // LANES // SEG, seg,
                               (zero16,) * ILV)
            for i in range(ILV):
                plsc.addupdate(acc_sq.at[bins[i], pl.ds(0, LANES)], sq[i])
                plsc.addupdate(acc_cnt.at[bins[i], pl.ds(0, LANES)], one_row)
            return 0

        lax.fori_loop(0, BLK // ILV, rown, 0)

    start(0, rows_a, sem_a)
    def pipe(h, _):
        b0 = h * 2
        start(b0 + 1, rows_b, sem_b)
        wait(b0, rows_a, sem_a)
        accumulate(b0, rows_a)

        @pl.when(b0 + 2 < NBLK)
        def _():
            start(b0 + 2, rows_a, sem_a)

        wait(b0 + 1, rows_b, sem_b)
        accumulate(b0 + 1, rows_b)
        return 0

    lax.fori_loop(0, NBLK // 2, pipe, 0)

    pltpu.sync_copy(acc_sum, outsum.at[wid])
    pltpu.sync_copy(acc_sq, outsq.at[wid])
    pltpu.sync_copy(acc_cnt, outcnt.at[wid])


def _make_sc_call():
    mesh = plsc.VectorSubcoreMesh(core_axis_name="c", subcore_axis_name="s")
    return pl.kernel(
        _sc_body,
        out_type=[
            jax.ShapeDtypeStruct((NW, N_BINS, N_FEAT), jnp.float32),
            jax.ShapeDtypeStruct((NW, N_BINS, LANES), jnp.float32),
            jax.ShapeDtypeStruct((NW, N_BINS, LANES), jnp.float32),
        ],
        mesh=mesh,
        scratch_types=[
            pltpu.VMEM((BLK, N_FEAT), jnp.float32),
            pltpu.VMEM((BLK, N_FEAT), jnp.float32),
            pltpu.VMEM((ROWS_PER_W,), jnp.float32),
            pltpu.VMEM((ROWS_PER_W + LANES,), jnp.int32),
            pltpu.SMEM((ROWS_PER_W,), jnp.int32),
            pltpu.VMEM((N_BINS, N_FEAT), jnp.float32),
            pltpu.VMEM((N_BINS, LANES), jnp.float32),
            pltpu.VMEM((N_BINS, LANES), jnp.float32),
            pltpu.SemaphoreType.DMA,
            pltpu.SemaphoreType.DMA,
        ],
    )


def _combine_body(sum_ref, sq_ref, cnt_ref, mat_ref, w_ref, out_ref):
    binsum = sum_ref[0]
    binsq = sq_ref[0]
    cnt = cnt_ref[0]
    for w in range(1, NW):
        binsum = binsum + sum_ref[w]
        binsq = binsq + sq_ref[w]
        cnt = cnt + cnt_ref[w]
    q = jnp.sum(binsq, axis=1, keepdims=True)
    c = cnt[:, 0:1]
    m = mat_ref[...]
    sg = jnp.dot(m, binsum, preferred_element_type=jnp.float32)
    qg = jnp.dot(m, q, preferred_element_type=jnp.float32)
    cg = jnp.maximum(jnp.dot(m, c, preferred_element_type=jnp.float32), 1.0)
    nrm = jnp.sum(sg * sg, axis=1, keepdims=True)
    l2 = qg / cg - nrm / (cg * cg)
    out_ref[0, 0] = jnp.sum(l2 * w_ref[...])


def kernel(features, labels):
    sc_call = _make_sc_call()
    psum, psq, pcnt = sc_call(features, labels)
    loss = pl.pallas_call(
        _combine_body,
        out_shape=jax.ShapeDtypeStruct((1, 1), jnp.float32),
        out_specs=pl.BlockSpec(memory_space=pltpu.SMEM),
    )(psum, psq, pcnt, jnp.asarray(_GROUP_MAT), jnp.asarray(_GROUP_W))
    return loss.reshape(1)

# --- scband reference (transcript-rebuilt; emitter-appended) ---
"""Pipeline reference for scband-center-ir-39058432590039 (READ-ONLY COPY).

The authoritative reference and input builder live on the scoring server;
editing this copy changes nothing except your own understanding.
"""

import jax, jax.numpy as jnp
import numpy as np

COUNTS = [900, 1200, 750, 1100, 980, 640, 1300, 870, 1020, 760, 1150, 690, 940, 1080, 820, 1010]
WEIGHT = {(i / 16.0, (i + 1) / 16.0): COUNTS[i] for i in range(16)}
K = [2, 4, 8]


def group_dict_keys(data_dict, n):
    if len(data_dict) % n != 0:
        raise ValueError('The boundaries should be divisible by k.')
    keys = list(data_dict.keys())
    return [keys[i:i + n] for i in range(0, len(keys), n)]


def weight_by_clusture(data_dict, group_list):
    group_sums = []
    for group in group_list:
        group_sums.append(sum(data_dict.get(key, 0) for key in group))
    max_value = max(group_sums)
    diffs = [max_value - v for v in group_sums]
    max_diff = max(diffs) if max(diffs) != 0 else 1
    normalized = [d / max_diff for d in diffs]
    return {i: norm for i, norm in enumerate(normalized)}


def setup_inputs(seed: int = 0):
    key = jax.random.key(seed)
    k1, k2 = jax.random.split(key)
    features = jax.random.normal(k1, (8192, 1024), dtype=jnp.float32)
    labels = jax.random.uniform(k2, (8192,), dtype=jnp.float32)
    return {"features": features, "labels": labels}


def _center_ir(features, labels):
    if labels.ndim == 2:
        labels = labels.squeeze(-1)
    loss = jnp.zeros(1, dtype=features.dtype)
    for group_size in K:
        group_list = group_dict_keys(WEIGHT, group_size)
        group_weight = weight_by_clusture(WEIGHT, group_list)
        # compute_labelwise_feature_mean (masked mean per group)
        means = []
        mask_stats = []
        for group in group_list:
            mask = jnp.zeros(labels.shape[0], dtype=bool)
            for low, high in group:
                mask = mask | ((labels >= low) & (labels < high))
            m = mask.astype(features.dtype)
            cnt = m.sum()
            mean = (features * m[:, None]).sum(axis=0) / jnp.maximum(cnt, 1.0)
            means.append(mean)
            mask_stats.append((m, cnt))
        # l2_error_per_feature (all groups are populated with N=8192, so no skip branch)
        l2_list = []
        for i, (m, cnt) in enumerate(mask_stats):
            diffs = features - means[i][None, :]
            squared = (diffs ** 2).sum(axis=1)
            l2 = (squared * m).sum() / jnp.maximum(cnt, 1.0)
            l2_list.append(l2 * jnp.exp(jnp.asarray(group_weight[i], dtype=features.dtype)))
        loss = loss + jnp.stack(l2_list).mean()
    return loss


def reference(features, labels):
    return _center_ir(features, labels)

if __name__ == "__main__":
    import jax
    _d = setup_inputs()
    print(jax.jit(kernel)(*tuple(_d.values())))

</pallas_src>

<mosaic_0001>
#map = affine_map<(d0, d1) -> (0, 0)>
#map1 = affine_map<(d0, d1) -> (0)>
#map2 = affine_map<(d0, d1) -> (0, 0, 0)>
module attributes {stable_mosaic.version = 14 : i64} {
  func.func @_sc_body(%arg0: i32, %arg1: i32, %arg2: memref<8192x1024xf32, #tpu.memory_space<hbm>>, %arg3: memref<8192xf32, #tpu.memory_space<hbm>>, %arg4: memref<32x16x1024xf32, #tpu.memory_space<hbm>>, %arg5: memref<32x16x16xf32, #tpu.memory_space<hbm>>, %arg6: memref<32x16x16xf32, #tpu.memory_space<hbm>>, %arg7: memref<32x1024xf32, #tpu.memory_space<vmem>>, %arg8: memref<32x1024xf32, #tpu.memory_space<vmem>>, %arg9: memref<256xf32, #tpu.memory_space<vmem>>, %arg10: memref<272xi32, #tpu.memory_space<vmem>>, %arg11: memref<256xi32, #tpu.memory_space<smem>>, %arg12: memref<16x1024xf32, #tpu.memory_space<vmem>>, %arg13: memref<16x16xf32, #tpu.memory_space<vmem>>, %arg14: memref<16x16xf32, #tpu.memory_space<vmem>>, %arg15: memref<!tpu.dma_semaphore, #tpu.memory_space<semaphore_mem>>, %arg16: memref<!tpu.dma_semaphore, #tpu.memory_space<semaphore_mem>>) attributes {dimension_semantics = [#tpu.dimension_semantics<core_parallel>, #tpu.dimension_semantics<subcore_parallel>], iteration_bounds = array<i64: 2, 16>, scalar_prefetch = 0 : i64, scratch_operands = 10 : i64, tpu.core_type = #tpu.core_type<sc_vector_subcore>, window_params = [{transform_indices = #map}, {transform_indices = #map1}, {transform_indices = #map2}, {transform_indices = #map2}, {transform_indices = #map2}]} {
    %mul3A = arith.constant 16 : i32
    %mul3A_0 = arith.muli %arg0, %mul3A : i32
    %add3A = arith.addi %mul3A_0, %arg1 : i32
    %mul3A_1 = arith.constant 256 : i32
    %mul3A_2 = arith.muli %add3A, %mul3A_1 : i32
    %broadcast_in_dim3A = arith.constant 0.000000e+00 : f32
    %broadcast_in_dim3A_3 = vector.broadcast %broadcast_in_dim3A : f32 to vector<16xf32>
    %iota3A = tpu.iota {dimensions = array<i32: 0>} : vector<16xi32>
    %eq3A = arith.constant 0 : i32
    %eq3A_4 = vector.broadcast %eq3A : i32 to vector<16xi32>
    %eq3A_5 = arith.cmpi eq, %iota3A, %eq3A_4 : vector<16xi32>
    %jit3A = arith.constant 1.000000e+00 : f32
    %jit3A_6 = arith.constant 0.000000e+00 : f32
    %broadcast_in_dim3A_7 = vector.broadcast %jit3A : f32 to vector<16xf32>
    %broadcast_in_dim3A_8 = vector.broadcast %jit3A_6 : f32 to vector<16xf32>
    %select_n3A = arith.select %eq3A_5, %broadcast_in_dim3A_7, %broadcast_in_dim3A_8 : vector<16xi1>, vector<16xf32>
    %scan3A = arith.constant 0 : i32
    %scan3A_9 = arith.constant 0 : i32
    %scan3A_10 = arith.constant 64 : i32
    %scan3A_11 = arith.addi %scan3A_9, %scan3A_10 : i32
    %scan3A_12 = arith.constant 1 : i32
    %scan3A_13 = scf.for %scan3A_493 = %scan3A_9 to %scan3A_11 step %scan3A_12 iter_args(%scan3A_494 = %scan3A) -> (i32)  : i32 {
      %mul3A_495 = arith.constant 16 : i32
      %mul3A_496 = arith.muli %scan3A_493, %mul3A_495 : i32
      %swap3A_497 = arith.constant 0 : i32
      %swap3A_498 = arith.index_cast %swap3A_497 : i32 to index
      %swap3A_499 = arith.index_cast %mul3A_496 : i32 to index
      %swap3A_500 = tpu.vector_load %arg12[%swap3A_498, %swap3A_499] {strides = array<i32>} : memref<16x1024xf32, #tpu.memory_space<vmem>>, vector<1x16xf32>,
      %swap3A_501 = vector.shape_cast %swap3A_500 : vector<1x16xf32> to vector<16xf32>
      %swap3A_502 = vector.shape_cast %broadcast_in_dim3A_3 : vector<16xf32> to vector<1x16xf32>
      tpu.vector_store %arg12[%swap3A_498, %swap3A_499], %swap3A_502 {strides = array<i32>} : memref<16x1024xf32, #tpu.memory_space<vmem>>, vector<1x16xf32>,
      %mul3A_503 = arith.constant 16 : i32
      %mul3A_504 = arith.muli %scan3A_493, %mul3A_503 : i32
      %swap3A_505 = arith.constant 1 : i32
      %swap3A_506 = arith.index_cast %swap3A_505 : i32 to index
      %swap3A_507 = arith.index_cast %mul3A_504 : i32 to index
      %swap3A_508 = tpu.vector_load %arg12[%swap3A_506, %swap3A_507] {strides = array<i32>} : memref<16x1024xf32, #tpu.memory_space<vmem>>, vector<1x16xf32>,
      %swap3A_509 = vector.shape_cast %swap3A_508 : vector<1x16xf32> to vector<16xf32>
      %swap3A_510 = vector.shape_cast %broadcast_in_dim3A_3 : vector<16xf32> to vector<1x16xf32>
      tpu.vector_store %arg12[%swap3A_506, %swap3A_507], %swap3A_510 {strides = array<i32>} : memref<16x1024xf32, #tpu.memory_space<vmem>>, vector<1x16xf32>,
      %mul3A_511 = arith.constant 16 : i32
      %mul3A_512 = arith.muli %scan3A_493, %mul3A_511 : i32
      %swap3A_513 = arith.constant 2 : i32
      %swap3A_514 = arith.index_cast %swap3A_513 : i32 to index
      %swap3A_515 = arith.index_cast %mul3A_512 : i32 to index
      %swap3A_516 = tpu.vector_load %arg12[%swap3A_514, %swap3A_515] {strides = array<i32>} : memref<16x1024xf32, #tpu.memory_space<vmem>>, vector<1x16xf32>,
      %swap3A_517 = vector.shape_cast %swap3A_516 : vector<1x16xf32> to vector<16xf32>
      %swap3A_518 = vector.shape_cast %broadcast_in_dim3A_3 : vector<16xf32> to vector<1x16xf32>
      tpu.vector_store %arg12[%swap3A_514, %swap3A_515], %swap3A_518 {strides = array<i32>} : memref<16x1024xf32, #tpu.memory_space<vmem>>, vector<1x16xf32>,
      %mul3A_519 = arith.constant 16 : i32
      %mul3A_520 = arith.muli %scan3A_493, %mul3A_519 : i32
      %swap3A_521 = arith.constant 3 : i32
      %swap3A_522 = arith.index_cast %swap3A_521 : i32 to index
      %swap3A_523 = arith.index_cast %mul3A_520 : i32 to index
      %swap3A_524 = tpu.vector_load %arg12[%swap3A_522, %swap3A_523] {strides = array<i32>} : memref<16x1024xf32, #tpu.memory_space<vmem>>, vector<1x16xf32>,
      %swap3A_525 = vector.shape_cast %swap3A_524 : vector<1x16xf32> to vector<16xf32>
      %swap3A_526 = vector.shape_cast %broadcast_in_dim3A_3 : vector<16xf32> to vector<1x16xf32>
      tpu.vector_store %arg12[%swap3A_522, %swap3A_523], %swap3A_526 {strides = array<i32>} : memref<16x1024xf32, #tpu.memory_space<vmem>>, vector<1x16xf32>,
      %mul3A_527 = arith.constant 16 : i32
      %mul3A_528 = arith.muli %scan3A_493, %mul3A_527 : i32
      %swap3A_529 = arith.constant 4 : i32
      %swap3A_530 = arith.index_cast %swap3A_529 : i32 to index
      %swap3A_531 = arith.index_cast %mul3A_528 : i32 to index
      %swap3A_532 = tpu.vector_load %arg12[%swap3A_530, %swap3A_531] {strides = array<i32>} : memref<16x1024xf32, #tpu.memory_space<vmem>>, vector<1x16xf32>,
      %swap3A_533 = vector.shape_cast %swap3A_532 : vector<1x16xf32> to vector<16xf32>
      %swap3A_534 = vector.shape_cast %broadcast_in_dim3A_3 : vector<16xf32> to vector<1x16xf32>
      tpu.vector_store %arg12[%swap3A_530, %swap3A_531], %swap3A_534 {strides = array<i32>} : memref<16x1024xf32, #tpu.memory_space<vmem>>, vector<1x16xf32>,
      %mul3A_535 = arith.constant 16 : i32
      %mul3A_536 = arith.muli %scan3A_493, %mul3A_535 : i32
      %swap3A_537 = arith.constant 5 : i32
      %swap3A_538 = arith.index_cast %swap3A_537 : i32 to index
      %swap3A_539 = arith.index_cast %mul3A_536 : i32 to index
      %swap3A_540 = tpu.vector_load %arg12[%swap3A_538, %swap3A_539] {strides = array<i32>} : memref<16x1024xf32, #tpu.memory_space<vmem>>, vector<1x16xf32>,
      %swap3A_541 = vector.shape_cast %swap3A_540 : vector<1x16xf32> to vector<16xf32>
      %swap3A_542 = vector.shape_cast %broadcast_in_dim3A_3 : vector<16xf32> to vector<1x16xf32>
      tpu.vector_store %arg12[%swap3A_538, %swap3A_539], %swap3A_542 {strides = array<i32>} : memref<16x1024xf32, #tpu.memory_space<vmem>>, vector<1x16xf32>,
      %mul3A_543 = arith.constant 16 : i32
      %mul3A_544 = arith.muli %scan3A_493, %mul3A_543 : i32
      %swap3A_545 = arith.constant 6 : i32
      %swap3A_546 = arith.index_cast %swap3A_545 : i32 to index
      %swap3A_547 = arith.index_cast %mul3A_544 : i32 to index
      %swap3A_548 = tpu.vector_load %arg12[%swap3A_546, %swap3A_547] {strides = array<i32>} : memref<16x1024xf32, #tpu.memory_space<vmem>>, vector<1x16xf32>,
      %swap3A_549 = vector.shape_cast %swap3A_548 : vector<1x16xf32> to vector<16xf32>
      %swap3A_550 = vector.shape_cast %broadcast_in_dim3A_3 : vector<16xf32> to vector<1x16xf32>
      tpu.vector_store %arg12[%swap3A_546, %swap3A_547], %swap3A_550 {strides = array<i32>} : memref<16x1024xf32, #tpu.memory_space<vmem>>, vector<1x16xf32>,
      %mul3A_551 = arith.constant 16 : i32
      %mul3A_552 = arith.muli %scan3A_493, %mul3A_551 : i32
      %swap3A_553 = arith.constant 7 : i32
      %swap3A_554 = arith.index_cast %swap3A_553 : i32 to index
      %swap3A_555 = arith.index_cast %mul3A_552 : i32 to index
      %swap3A_556 = tpu.vector_load %arg12[%swap3A_554, %swap3A_555] {strides = array<i32>} : memref<16x1024xf32, #tpu.memory_space<vmem>>, vector<1x16xf32>,
      %swap3A_557 = vector.shape_cast %swap3A_556 : vector<1x16xf32> to vector<16xf32>
      %swap3A_558 = vector.shape_cast %broadcast_in_dim3A_3 : vector<16xf32> to vector<1x16xf32>
      tpu.vector_store %arg12[%swap3A_554, %swap3A_555], %swap3A_558 {strides = array<i32>} : memref<16x1024xf32, #tpu.memory_space<vmem>>, vector<1x16xf32>,
      %mul3A_559 = arith.constant 16 : i32
      %mul3A_560 = arith.muli %scan3A_493, %mul3A_559 : i32
      %swap3A_561 = arith.constant 8 : i32
      %swap3A_562 = arith.index_cast %swap3A_561 : i32 to index
      %swap3A_563 = arith.index_cast %mul3A_560 : i32 to index
      %swap3A_564 = tpu.vector_load %arg12[%swap3A_562, %swap3A_563] {strides = array<i32>} : memref<16x1024xf32, #tpu.memory_space<vmem>>, vector<1x16xf32>,
      %swap3A_565 = vector.shape_cast %swap3A_564 : vector<1x16xf32> to vector<16xf32>
      %swap3A_566 = vector.shape_cast %broadcast_in_dim3A_3 : vector<16xf32> to vector<1x16xf32>
      tpu.vector_store %arg12[%swap3A_562, %swap3A_563], %swap3A_566 {strides = array<i32>} : memref<16x1024xf32, #tpu.memory_space<vmem>>, vector<1x16xf32>,
      %mul3A_567 = arith.constant 16 : i32
      %mul3A_568 = arith.muli %scan3A_493, %mul3A_567 : i32
      %swap3A_569 = arith.constant 9 : i32
      %swap3A_570 = arith.index_cast %swap3A_569 : i32 to index
      %swap3A_571 = arith.index_cast %mul3A_568 : i32 to index
      %swap3A_572 = tpu.vector_load %arg12[%swap3A_570, %swap3A_571] {strides = array<i32>} : memref<16x1024xf32, #tpu.memory_space<vmem>>, vector<1x16xf32>,
      %swap3A_573 = vector.shape_cast %swap3A_572 : vector<1x16xf32> to vector<16xf32>
      %swap3A_574 = vector.shape_cast %broadcast_in_dim3A_3 : vector<16xf32> to vector<1x16xf32>
      tpu.vector_store %arg12[%swap3A_570, %swap3A_571], %swap3A_574 {strides = array<i32>} : memref<16x1024xf32, #tpu.memory_space<vmem>>, vector<1x16xf32>,
      %mul3A_575 = arith.constant 16 : i32
      %mul3A_576 = arith.muli %scan3A_493, %mul3A_575 : i32
      %swap3A_577 = arith.constant 10 : i32
      %swap3A_578 = arith.index_cast %swap3A_577 : i32 to index
      %swap3A_579 = arith.index_cast %mul3A_576 : i32 to index
      %swap3A_580 = tpu.vector_load %arg12[%swap3A_578, %swap3A_579] {strides = array<i32>} : memref<16x1024xf32, #tpu.memory_space<vmem>>, vector<1x16xf32>,
      %swap3A_581 = vector.shape_cast %swap3A_580 : vector<1x16xf32> to vector<16xf32>
      %swap3A_582 = vector.shape_cast %broadcast_in_dim3A_3 : vector<16xf32> to vector<1x16xf32>
      tpu.vector_store %arg12[%swap3A_578, %swap3A_579], %swap3A_582 {strides = array<i32>} : memref<16x1024xf32, #tpu.memory_space<vmem>>, vector<1x16xf32>,
      %mul3A_583 = arith.constant 16 : i32
      %mul3A_584 = arith.muli %scan3A_493, %mul3A_583 : i32
      %swap3A_585 = arith.constant 11 : i32
      %swap3A_586 = arith.index_cast %swap3A_585 : i32 to index
      %swap3A_587 = arith.index_cast %mul3A_584 : i32 to index
      %swap3A_588 = tpu.vector_load %arg12[%swap3A_586, %swap3A_587] {strides = array<i32>} : memref<16x1024xf32, #tpu.memory_space<vmem>>, vector<1x16xf32>,
      %swap3A_589 = vector.shape_cast %swap3A_588 : vector<1x16xf32> to vector<16xf32>
      %swap3A_590 = vector.shape_cast %broadcast_in_dim3A_3 : vector<16xf32> to vector<1x16xf32>
      tpu.vector_store %arg12[%swap3A_586, %swap3A_587], %swap3A_590 {strides = array<i32>} : memref<16x1024xf32, #tpu.memory_space<vmem>>, vector<1x16xf32>,
      %mul3A_591 = arith.constant 16 : i32
      %mul3A_592 = arith.muli %scan3A_493, %mul3A_591 : i32
      %swap3A_593 = arith.constant 12 : i32
      %swap3A_594 = arith.index_cast %swap3A_593 : i32 to index
      %swap3A_595 = arith.index_cast %mul3A_592 : i32 to index
      %swap3A_596 = tpu.vector_load %arg12[%swap3A_594, %swap3A_595] {strides = array<i32>} : memref<16x1024xf32, #tpu.memory_space<vmem>>, vector<1x16xf32>,
      %swap3A_597 = vector.shape_cast %swap3A_596 : vector<1x16xf32> to vector<16xf32>
      %swap3A_598 = vector.shape_cast %broadcast_in_dim3A_3 : vector<16xf32> to vector<1x16xf32>
      tpu.vector_store %arg12[%swap3A_594, %swap3A_595], %swap3A_598 {strides = array<i32>} : memref<16x1024xf32, #tpu.memory_space<vmem>>, vector<1x16xf32>,
      %mul3A_599 = arith.constant 16 : i32
      %mul3A_600 = arith.muli %scan3A_493, %mul3A_599 : i32
      %swap3A_601 = arith.constant 13 : i32
      %swap3A_602 = arith.index_cast %swap3A_601 : i32 to index
      %swap3A_603 = arith.index_cast %mul3A_600 : i32 to index
      %swap3A_604 = tpu.vector_load %arg12[%swap3A_602, %swap3A_603] {strides = array<i32>} : memref<16x1024xf32, #tpu.memory_space<vmem>>, vector<1x16xf32>,
      %swap3A_605 = vector.shape_cast %swap3A_604 : vector<1x16xf32> to vector<16xf32>
      %swap3A_606 = vector.shape_cast %broadcast_in_dim3A_3 : vector<16xf32> to vector<1x16xf32>
      tpu.vector_store %arg12[%swap3A_602, %swap3A_603], %swap3A_606 {strides = array<i32>} : memref<16x1024xf32, #tpu.memory_space<vmem>>, vector<1x16xf32>,
      %mul3A_607 = arith.constant 16 : i32
      %mul3A_608 = arith.muli %scan3A_493, %mul3A_607 : i32
      %swap3A_609 = arith.constant 14 : i32
      %swap3A_610 = arith.index_cast %swap3A_609 : i32 to index
      %swap3A_611 = arith.index_cast %mul3A_608 : i32 to index
      %swap3A_612 = tpu.vector_load %arg12[%swap3A_610, %swap3A_611] {strides = array<i32>} : memref<16x1024xf32, #tpu.memory_space<vmem>>, vector<1x16xf32>,
      %swap3A_613 = vector.shape_cast %swap3A_612 : vector<1x16xf32> to vector<16xf32>
      %swap3A_614 = vector.shape_cast %broadcast_in_dim3A_3 : vector<16xf32> to vector<1x16xf32>
      tpu.vector_store %arg12[%swap3A_610, %swap3A_611], %swap3A_614 {strides = array<i32>} : memref<16x1024xf32, #tpu.memory_space<vmem>>, vector<1x16xf32>,
      %mul3A_615 = arith.constant 16 : i32
      %mul3A_616 = arith.muli %scan3A_493, %mul3A_615 : i32
      %swap3A_617 = arith.constant 15 : i32
      %swap3A_618 = arith.index_cast %swap3A_617 : i32 to index
      %swap3A_619 = arith.index_cast %mul3A_616 : i32 to index
      %swap3A_620 = tpu.vector_load %arg12[%swap3A_618, %swap3A_619] {strides = array<i32>} : memref<16x1024xf32, #tpu.memory_space<vmem>>, vector<1x16xf32>,
      %swap3A_621 = vector.shape_cast %swap3A_620 : vector<1x16xf32> to vector<16xf32>
      %swap3A_622 = vector.shape_cast %broadcast_in_dim3A_3 : vector<16xf32> to vector<1x16xf32>
      tpu.vector_store %arg12[%swap3A_618, %swap3A_619], %swap3A_622 {strides = array<i32>} : memref<16x1024xf32, #tpu.memory_space<vmem>>, vector<1x16xf32>,
      %scan3A_623 = arith.constant 0 : i32
      scf.yield %scan3A_623 : i32
    }
    %scan3A_14 = arith.constant 64 : i32
    %swap3A = arith.constant 0 : i32
    %swap3A_15 = arith.index_cast %swap3A : i32 to index
    %swap3A_16 = arith.constant 0 : index
    %swap3A_17 = tpu.vector_load %arg13[%swap3A_15, %swap3A_16] {strides = array<i32>} : memref<16x16xf32, #tpu.memory_space<vmem>>, vector<1x16xf32>,
    %swap3A_18 = vector.shape_cast %swap3A_17 : vector<1x16xf32> to vector<16xf32>
    %swap3A_19 = vector.shape_cast %broadcast_in_dim3A_3 : vector<16xf32> to vector<1x16xf32>
    tpu.vector_store %arg13[%swap3A_15, %swap3A_16], %swap3A_19 {strides = array<i32>} : memref<16x16xf32, #tpu.memory_space<vmem>>, vector<1x16xf32>,
    %swap3A_20 = arith.constant 0 : i32
    %swap3A_21 = arith.index_cast %swap3A_20 : i32 to index
    %swap3A_22 = arith.constant 0 : index
    %swap3A_23 = tpu.vector_load %arg14[%swap3A_21, %swap3A_22] {strides = array<i32>} : memref<16x16xf32, #tpu.memory_space<vmem>>, vector<1x16xf32>,
    %swap3A_24 = vector.shape_cast %swap3A_23 : vector<1x16xf32> to vector<16xf32>
    %swap3A_25 = vector.shape_cast %broadcast_in_dim3A_3 : vector<16xf32> to vector<1x16xf32>
    tpu.vector_store %arg14[%swap3A_21, %swap3A_22], %swap3A_25 {strides = array<i32>} : memref<16x16xf32, #tpu.memory_space<vmem>>, vector<1x16xf32>,
    %swap3A_26 = arith.constant 1 : i32
    %swap3A_27 = arith.index_cast %swap3A_26 : i32 to index
    %swap3A_28 = arith.constant 0 : index
    %swap3A_29 = tpu.vector_load %arg13[%swap3A_27, %swap3A_28] {strides = array<i32>} : memref<16x16xf32, #tpu.memory_space<vmem>>, vector<1x16xf32>,
    %swap3A_30 = vector.shape_cast %swap3A_29 : vector<1x16xf32> to vector<16xf32>
    %swap3A_31 = vector.shape_cast %broadcast_in_dim3A_3 : vector<16xf32> to vector<1x16xf32>
    tpu.vector_store %arg13[%swap3A_27, %swap3A_28], %swap3A_31 {strides = array<i32>} : memref<16x16xf32, #tpu.memory_space<vmem>>, vector<1x16xf32>,
    %swap3A_32 = arith.constant 1 : i32
    %swap3A_33 = arith.index_cast %swap3A_32 : i32 to index
    %swap3A_34 = arith.constant 0 : index
    %swap3A_35 = tpu.vector_load %arg14[%swap3A_33, %swap3A_34] {strides = array<i32>} : memref<16x16xf32, #tpu.memory_space<vmem>>, vector<1x16xf32>,
    %swap3A_36 = vector.shape_cast %swap3A_35 : vector<1x16xf32> to vector<16xf32>
    %swap3A_37 = vector.shape_cast %broadcast_in_dim3A_3 : vector<16xf32> to vector<1x16xf32>
    tpu.vector_store %arg14[%swap3A_33, %swap3A_34], %swap3A_37 {strides = array<i32>} : memref<16x16xf32, #tpu.memory_space<vmem>>, vector<1x16xf32>,
    %swap3A_38 = arith.constant 2 : i32
    %swap3A_39 = arith.index_cast %swap3A_38 : i32 to index
    %swap3A_40 = arith.constant 0 : index
    %swap3A_41 = tpu.vector_load %arg13[%swap3A_39, %swap3A_40] {strides = array<i32>} : memref<16x16xf32, #tpu.memory_space<vmem>>, vector<1x16xf32>,
    %swap3A_42 = vector.shape_cast %swap3A_41 : vector<1x16xf32> to vector<16xf32>
    %swap3A_43 = vector.shape_cast %broadcast_in_dim3A_3 : vector<16xf32> to vector<1x16xf32>
    tpu.vector_store %arg13[%swap3A_39, %swap3A_40], %swap3A_43 {strides = array<i32>} : memref<16x16xf32, #tpu.memory_space<vmem>>, vector<1x16xf32>,
    %swap3A_44 = arith.constant 2 : i32
    %swap3A_45 = arith.index_cast %swap3A_44 : i32 to index
    %swap3A_46 = arith.constant 0 : index
    %swap3A_47 = tpu.vector_load %arg14[%swap3A_45, %swap3A_46] {strides = array<i32>} : memref<16x16xf32, #tpu.memory_space<vmem>>, vector<1x16xf32>,
    %swap3A_48 = vector.shape_cast %swap3A_47 : vector<1x16xf32> to vector<16xf32>
    %swap3A_49 = vector.shape_cast %broadcast_in_dim3A_3 : vector<16xf32> to vector<1x16xf32>
    tpu.vector_store %arg14[%swap3A_45, %swap3A_46], %swap3A_49 {strides = array<i32>} : memref<16x16xf32, #tpu.memory_space<vmem>>, vector<1x16xf32>,
    %swap3A_50 = arith.constant 3 : i32
    %swap3A_51 = arith.index_cast %swap3A_50 : i32 to index
    %swap3A_52 = arith.constant 0 : index
    %swap3A_53 = tpu.vector_load %arg13[%swap3A_51, %swap3A_52] {strides = array<i32>} : memref<16x16xf32, #tpu.memory_space<vmem>>, vector<1x16xf32>,
    %swap3A_54 = vector.shape_cast %swap3A_53 : vector<1x16xf32> to vector<16xf32>
    %swap3A_55 = vector.shape_cast %broadcast_in_dim3A_3 : vector<16xf32> to vector<1x16xf32>
    tpu.vector_store %arg13[%swap3A_51, %swap3A_52], %swap3A_55 {strides = array<i32>} : memref<16x16xf32, #tpu.memory_space<vmem>>, vector<1x16xf32>,
    %swap3A_56 = arith.constant 3 : i32
    %swap3A_57 = arith.index_cast %swap3A_56 : i32 to index
    %swap3A_58 = arith.constant 0 : index
    %swap3A_59 = tpu.vector_load %arg14[%swap3A_57, %swap3A_58] {strides = array<i32>} : memref<16x16xf32, #tpu.memory_space<vmem>>, vector<1x16xf32>,
    %swap3A_60 = vector.shape_cast %swap3A_59 : vector<1x16xf32> to vector<16xf32>
    %swap3A_61 = vector.shape_cast %broadcast_in_dim3A_3 : vector<16xf32> to vector<1x16xf32>
    tpu.vector_store %arg14[%swap3A_57, %swap3A_58], %swap3A_61 {strides = array<i32>} : memref<16x16xf32, #tpu.memory_space<vmem>>, vector<1x16xf32>,
    %swap3A_62 = arith.constant 4 : i32
    %swap3A_63 = arith.index_cast %swap3A_62 : i32 to index
    %swap3A_64 = arith.constant 0 : index
    %swap3A_65 = tpu.vector_load %arg13[%swap3A_63, %swap3A_64] {strides = array<i32>} : memref<16x16xf32, #tpu.memory_space<vmem>>, vector<1x16xf32>,
    %swap3A_66 = vector.shape_cast %swap3A_65 : vector<1x16xf32> to vector<16xf32>
    %swap3A_67 = vector.shape_cast %broadcast_in_dim3A_3 : vector<16xf32> to vector<1x16xf32>
    tpu.vector_store %arg13[%swap3A_63, %swap3A_64], %swap3A_67 {strides = array<i32>} : memref<16x16xf32, #tpu.memory_space<vmem>>, vector<1x16xf32>,
    %swap3A_68 = arith.constant 4 : i32
    %swap3A_69 = arith.index_cast %swap3A_68 : i32 to index
    %swap3A_70 = arith.constant 0 : index
    %swap3A_71 = tpu.vector_load %arg14[%swap3A_69, %swap3A_70] {strides = array<i32>} : memref<16x16xf32, #tpu.memory_space<vmem>>, vector<1x16xf32>,
    %swap3A_72 = vector.shape_cast %swap3A_71 : vector<1x16xf32> to vector<16xf32>
    %swap3A_73 = vector.shape_cast %broadcast_in_dim3A_3 : vector<16xf32> to vector<1x16xf32>
    tpu.vector_store %arg14[%swap3A_69, %swap3A_70], %swap3A_73 {strides = array<i32>} : memref<16x16xf32, #tpu.memory_space<vmem>>, vector<1x16xf32>,
    %swap3A_74 = arith.constant 5 : i32
    %swap3A_75 = arith.index_cast %swap3A_74 : i32 to index
    %swap3A_76 = arith.constant 0 : index
    %swap3A_77 = tpu.vector_load %arg13[%swap3A_75, %swap3A_76] {strides = array<i32>} : memref<16x16xf32, #tpu.memory_space<vmem>>, vector<1x16xf32>,
    %swap3A_78 = vector.shape_cast %swap3A_77 : vector<1x16xf32> to vector<16xf32>
    %swap3A_79 = vector.shape_cast %broadcast_in_dim3A_3 : vector<16xf32> to vector<1x16xf32>
    tpu.vector_store %arg13[%swap3A_75, %swap3A_76], %swap3A_79 {strides = array<i32>} : memref<16x16xf32, #tpu.memory_space<vmem>>, vector<1x16xf32>,
    %swap3A_80 = arith.constant 5 : i32
    %swap3A_81 = arith.index_cast %swap3A_80 : i32 to index
    %swap3A_82 = arith.constant 0 : index
    %swap3A_83 = tpu.vector_load %arg14[%swap3A_81, %swap3A_82] {strides = array<i32>} : memref<16x16xf32, #tpu.memory_space<vmem>>, vector<1x16xf32>,
    %swap3A_84 = vector.shape_cast %swap3A_83 : vector<1x16xf32> to vector<16xf32>
    %swap3A_85 = vector.shape_cast %broadcast_in_dim3A_3 : vector<16xf32> to vector<1x16xf32>
    tpu.vector_store %arg14[%swap3A_81, %swap3A_82], %swap3A_85 {strides = array<i32>} : memref<16x16xf32, #tpu.memory_space<vmem>>, vector<1x16xf32>,
    %swap3A_86 = arith.constant 6 : i32
    %swap3A_87 = arith.index_cast %swap3A_86 : i32 to index
    %swap3A_88 = arith.constant 0 : index
    %swap3A_89 = tpu.vector_load %arg13[%swap3A_87, %swap3A_88] {strides = array<i32>} : memref<16x16xf32, #tpu.memory_space<vmem>>, vector<1x16xf32>,
    %swap3A_90 = vector.shape_cast %swap3A_89 : vector<1x16xf32> to vector<16xf32>
    %swap3A_91 = vector.shape_cast %broadcast_in_dim3A_3 : vector<16xf32> to vector<1x16xf32>
    tpu.vector_store %arg13[%swap3A_87, %swap3A_88], %swap3A_91 {strides = array<i32>} : memref<16x16xf32, #tpu.memory_space<vmem>>, vector<1x16xf32>,
    %swap3A_92 = arith.constant 6 : i32
    %swap3A_93 = arith.index_cast %swap3A_92 : i32 to index
    %swap3A_94 = arith.constant 0 : index
    %swap3A_95 = tpu.vector_load %arg14[%swap3A_93, %swap3A_94] {strides = array<i32>} : memref<16x16xf32, #tpu.memory_space<vmem>>, vector<1x16xf32>,
    %swap3A_96 = vector.shape_cast %swap3A_95 : vector<1x16xf32> to vector<16xf32>
    %swap3A_97 = vector.shape_cast %broadcast_in_dim3A_3 : vector<16xf32> to vector<1x16xf32>
    tpu.vector_store %arg14[%swap3A_93, %swap3A_94], %swap3A_97 {strides = array<i32>} : memref<16x16xf32, #tpu.memory_space<vmem>>, vector<1x16xf32>,
    %swap3A_98 = arith.constant 7 : i32
    %swap3A_99 = arith.index_cast %swap3A_98 : i32 to index
    %swap3A_100 = arith.constant 0 : index
    %swap3A_101 = tpu.vector_load %arg13[%swap3A_99, %swap3A_100] {strides = array<i32>} : memref<16x16xf32, #tpu.memory_space<vmem>>, vector<1x16xf32>,
    %swap3A_102 = vector.shape_cast %swap3A_101 : vector<1x16xf32> to vector<16xf32>
    %swap3A_103 = vector.shape_cast %broadcast_in_dim3A_3 : vector<16xf32> to vector<1x16xf32>
    tpu.vector_store %arg13[%swap3A_99, %swap3A_100], %swap3A_103 {strides = array<i32>} : memref<16x16xf32, #tpu.memory_space<vmem>>, vector<1x16xf32>,
    %swap3A_104 = arith.constant 7 : i32
    %swap3A_105 = arith.index_cast %swap3A_104 : i32 to index
    %swap3A_106 = arith.constant 0 : index
    %swap3A_107 = tpu.vector_load %arg14[%swap3A_105, %swap3A_106] {strides = array<i32>} : memref<16x16xf32, #tpu.memory_space<vmem>>, vector<1x16xf32>,
    %swap3A_108 = vector.shape_cast %swap3A_107 : vector<1x16xf32> to vector<16xf32>
    %swap3A_109 = vector.shape_cast %broadcast_in_dim3A_3 : vector<16xf32> to vector<1x16xf32>
    tpu.vector_store %arg14[%swap3A_105, %swap3A_106], %swap3A_109 {strides = array<i32>} : memref<16x16xf32, #tpu.memory_space<vmem>>, vector<1x16xf32>,
    %swap3A_110 = arith.constant 8 : i32
    %swap3A_111 = arith.index_cast %swap3A_110 : i32 to index
    %swap3A_112 = arith.constant 0 : index
    %swap3A_113 = tpu.vector_load %arg13[%swap3A_111, %swap3A_112] {strides = array<i32>} : memref<16x16xf32, #tpu.memory_space<vmem>>, vector<1x16xf32>,
    %swap3A_114 = vector.shape_cast %swap3A_113 : vector<1x16xf32> to vector<16xf32>
    %swap3A_115 = vector.shape_cast %broadcast_in_dim3A_3 : vector<16xf32> to vector<1x16xf32>
    tpu.vector_store %arg13[%swap3A_111, %swap3A_112], %swap3A_115 {strides = array<i32>} : memref<16x16xf32, #tpu.memory_space<vmem>>, vector<1x16xf32>,
    %swap3A_116 = arith.constant 8 : i32
    %swap3A_117 = arith.index_cast %swap3A_116 : i32 to index
    %swap3A_118 = arith.constant 0 : index
    %swap3A_119 = tpu.vector_load %arg14[%swap3A_117, %swap3A_118] {strides = array<i32>} : memref<16x16xf32, #tpu.memory_space<vmem>>, vector<1x16xf32>,
    %swap3A_120 = vector.shape_cast %swap3A_119 : vector<1x16xf32> to vector<16xf32>
    %swap3A_121 = vector.shape_cast %broadcast_in_dim3A_3 : vector<16xf32> to vector<1x16xf32>
    tpu.vector_store %arg14[%swap3A_117, %swap3A_118], %swap3A_121 {strides = array<i32>} : memref<16x16xf32, #tpu.memory_space<vmem>>, vector<1x16xf32>,
    %swap3A_122 = arith.constant 9 : i32
    %swap3A_123 = arith.index_cast %swap3A_122 : i32 to index
    %swap3A_124 = arith.constant 0 : index
    %swap3A_125 = tpu.vector_load %arg13[%swap3A_123, %swap3A_124] {strides = array<i32>} : memref<16x16xf32, #tpu.memory_space<vmem>>, vector<1x16xf32>,
    %swap3A_126 = vector.shape_cast %swap3A_125 : vector<1x16xf32> to vector<16xf32>
    %swap3A_127 = vector.shape_cast %broadcast_in_dim3A_3 : vector<16xf32> to vector<1x16xf32>
    tpu.vector_store %arg13[%swap3A_123, %swap3A_124], %swap3A_127 {strides = array<i32>} : memref<16x16xf32, #tpu.memory_space<vmem>>, vector<1x16xf32>,
    %swap3A_128 = arith.constant 9 : i32
    %swap3A_129 = arith.index_cast %swap3A_128 : i32 to index
    %swap3A_130 = arith.constant 0 : index
    %swap3A_131 = tpu.vector_load %arg14[%swap3A_129, %swap3A_130] {strides = array<i32>} : memref<16x16xf32, #tpu.memory_space<vmem>>, vector<1x16xf32>,
    %swap3A_132 = vector.shape_cast %swap3A_131 : vector<1x16xf32> to vector<16xf32>
    %swap3A_133 = vector.shape_cast %broadcast_in_dim3A_3 : vector<16xf32> to vector<1x16xf32>
    tpu.vector_store %arg14[%swap3A_129, %swap3A_130], %swap3A_133 {strides = array<i32>} : memref<16x16xf32, #tpu.memory_space<vmem>>, vector<1x16xf32>,
    %swap3A_134 = arith.constant 10 : i32
    %swap3A_135 = arith.index_cast %swap3A_134 : i32 to index
    %swap3A_136 = arith.constant 0 : index
    %swap3A_137 = tpu.vector_load %arg13[%swap3A_135, %swap3A_136] {strides = array<i32>} : memref<16x16xf32, #tpu.memory_space<vmem>>, vector<1x16xf32>,
    %swap3A_138 = vector.shape_cast %swap3A_137 : vector<1x16xf32> to vector<16xf32>
    %swap3A_139 = vector.shape_cast %broadcast_in_dim3A_3 : vector<16xf32> to vector<1x16xf32>
    tpu.vector_store %arg13[%swap3A_135, %swap3A_136], %swap3A_139 {strides = array<i32>} : memref<16x16xf32, #tpu.memory_space<vmem>>, vector<1x16xf32>,
    %swap3A_140 = arith.constant 10 : i32
    %swap3A_141 = arith.index_cast %swap3A_140 : i32 to index
    %swap3A_142 = arith.constant 0 : index
    %swap3A_143 = tpu.vector_load %arg14[%swap3A_141, %swap3A_142] {strides = array<i32>} : memref<16x16xf32, #tpu.memory_space<vmem>>, vector<1x16xf32>,
    %swap3A_144 = vector.shape_cast %swap3A_143 : vector<1x16xf32> to vector<16xf32>
    %swap3A_145 = vector.shape_cast %broadcast_in_dim3A_3 : vector<16xf32> to vector<1x16xf32>
    tpu.vector_store %arg14[%swap3A_141, %swap3A_142], %swap3A_145 {strides = array<i32>} : memref<16x16xf32, #tpu.memory_space<vmem>>, vector<1x16xf32>,
    %swap3A_146 = arith.constant 11 : i32
    %swap3A_147 = arith.index_cast %swap3A_146 : i32 to index
    %swap3A_148 = arith.constant 0 : index
    %swap3A_149 = tpu.vector_load %arg13[%swap3A_147, %swap3A_148] {strides = array<i32>} : memref<16x16xf32, #tpu.memory_space<vmem>>, vector<1x16xf32>,
    %swap3A_150 = vector.shape_cast %swap3A_149 : vector<1x16xf32> to vector<16xf32>
    %swap3A_151 = vector.shape_cast %broadcast_in_dim3A_3 : vector<16xf32> to vector<1x16xf32>
    tpu.vector_store %arg13[%swap3A_147, %swap3A_148], %swap3A_151 {strides = array<i32>} : memref<16x16xf32, #tpu.memory_space<vmem>>, vector<1x16xf32>,
    %swap3A_152 = arith.constant 11 : i32
    %swap3A_153 = arith.index_cast %swap3A_152 : i32 to index
    %swap3A_154 = arith.constant 0 : index
    %swap3A_155 = tpu.vector_load %arg14[%swap3A_153, %swap3A_154] {strides = array<i32>} : memref<16x16xf32, #tpu.memory_space<vmem>>, vector<1x16xf32>,
    %swap3A_156 = vector.shape_cast %swap3A_155 : vector<1x16xf32> to vector<16xf32>
    %swap3A_157 = vector.shape_cast %broadcast_in_dim3A_3 : vector<16xf32> to vector<1x16xf32>
    tpu.vector_store %arg14[%swap3A_153, %swap3A_154], %swap3A_157 {strides = array<i32>} : memref<16x16xf32, #tpu.memory_space<vmem>>, vector<1x16xf32>,
    %swap3A_158 = arith.constant 12 : i32
    %swap3A_159 = arith.index_cast %swap3A_158 : i32 to index
    %swap3A_160 = arith.constant 0 : index
    %swap3A_161 = tpu.vector_load %arg13[%swap3A_159, %swap3A_160] {strides = array<i32>} : memref<16x16xf32, #tpu.memory_space<vmem>>, vector<1x16xf32>,
    %swap3A_162 = vector.shape_cast %swap3A_161 : vector<1x16xf32> to vector<16xf32>
    %swap3A_163 = vector.shape_cast %broadcast_in_dim3A_3 : vector<16xf32> to vector<1x16xf32>
    tpu.vector_store %arg13[%swap3A_159, %swap3A_160], %swap3A_163 {strides = array<i32>} : memref<16x16xf32, #tpu.memory_space<vmem>>, vector<1x16xf32>,
    %swap3A_164 = arith.constant 12 : i32
    %swap3A_165 = arith.index_cast %swap3A_164 : i32 to index
    %swap3A_166 = arith.constant 0 : index
    %swap3A_167 = tpu.vector_load %arg14[%swap3A_165, %swap3A_166] {strides = array<i32>} : memref<16x16xf32, #tpu.memory_space<vmem>>, vector<1x16xf32>,
    %swap3A_168 = vector.shape_cast %swap3A_167 : vector<1x16xf32> to vector<16xf32>
    %swap3A_169 = vector.shape_cast %broadcast_in_dim3A_3 : vector<16xf32> to vector<1x16xf32>
    tpu.vector_store %arg14[%swap3A_165, %swap3A_166], %swap3A_169 {strides = array<i32>} : memref<16x16xf32, #tpu.memory_space<vmem>>, vector<1x16xf32>,
    %swap3A_170 = arith.constant 13 : i32
    %swap3A_171 = arith.index_cast %swap3A_170 : i32 to index
    %swap3A_172 = arith.constant 0 : index
    %swap3A_173 = tpu.vector_load %arg13[%swap3A_171, %swap3A_172] {strides = array<i32>} : memref<16x16xf32, #tpu.memory_space<vmem>>, vector<1x16xf32>,
    %swap3A_174 = vector.shape_cast %swap3A_173 : vector<1x16xf32> to vector<16xf32>
    %swap3A_175 = vector.shape_cast %broadcast_in_dim3A_3 : vector<16xf32> to vector<1x16xf32>
    tpu.vector_store %arg13[%swap3A_171, %swap3A_172], %swap3A_175 {strides = array<i32>} : memref<16x16xf32, #tpu.memory_space<vmem>>, vector<1x16xf32>,
    %swap3A_176 = arith.constant 13 : i32
    %swap3A_177 = arith.index_cast %swap3A_176 : i32 to index
    %swap3A_178 = arith.constant 0 : index
    %swap3A_179 = tpu.vector_load %arg14[%swap3A_177, %swap3A_178] {strides = array<i32>} : memref<16x16xf32, #tpu.memory_space<vmem>>, vector<1x16xf32>,
    %swap3A_180 = vector.shape_cast %swap3A_179 : vector<1x16xf32> to vector<16xf32>
    %swap3A_181 = vector.shape_cast %broadcast_in_dim3A_3 : vector<16xf32> to vector<1x16xf32>
    tpu.vector_store %arg14[%swap3A_177, %swap3A_178], %swap3A_181 {strides = array<i32>} : memref<16x16xf32, #tpu.memory_space<vmem>>, vector<1x16xf32>,
    %swap3A_182 = arith.constant 14 : i32
    %swap3A_183 = arith.index_cast %swap3A_182 : i32 to index
    %swap3A_184 = arith.constant 0 : index
    %swap3A_185 = tpu.vector_load %arg13[%swap3A_183, %swap3A_184] {strides = array<i32>} : memref<16x16xf32, #tpu.memory_space<vmem>>, vector<1x16xf32>,
    %swap3A_186 = vector.shape_cast %swap3A_185 : vector<1x16xf32> to vector<16xf32>
    %swap3A_187 = vector.shape_cast %broadcast_in_dim3A_3 : vector<16xf32> to vector<1x16xf32>
    tpu.vector_store %arg13[%swap3A_183, %swap3A_184], %swap3A_187 {strides = array<i32>} : memref<16x16xf32, #tpu.memory_space<vmem>>, vector<1x16xf32>,
    %swap3A_188 = arith.constant 14 : i32
    %swap3A_189 = arith.index_cast %swap3A_188 : i32 to index
    %swap3A_190 = arith.constant 0 : index
    %swap3A_191 = tpu.vector_load %arg14[%swap3A_189, %swap3A_190] {strides = array<i32>} : memref<16x16xf32, #tpu.memory_space<vmem>>, vector<1x16xf32>,
    %swap3A_192 = vector.shape_cast %swap3A_191 : vector<1x16xf32> to vector<16xf32>
    %swap3A_193 = vector.shape_cast %broadcast_in_dim3A_3 : vector<16xf32> to vector<1x16xf32>
    tpu.vector_store %arg14[%swap3A_189, %swap3A_190], %swap3A_193 {strides = array<i32>} : memref<16x16xf32, #tpu.memory_space<vmem>>, vector<1x16xf32>,
    %swap3A_194 = arith.constant 15 : i32
    %swap3A_195 = arith.index_cast %swap3A_194 : i32 to index
    %swap3A_196 = arith.constant 0 : index
    %swap3A_197 = tpu.vector_load %arg13[%swap3A_195, %swap3A_196] {strides = array<i32>} : memref<16x16xf32, #tpu.memory_space<vmem>>, vector<1x16xf32>,
    %swap3A_198 = vector.shape_cast %swap3A_197 : vector<1x16xf32> to vector<16xf32>
    %swap3A_199 = vector.shape_cast %broadcast_in_dim3A_3 : vector<16xf32> to vector<1x16xf32>
    tpu.vector_store %arg13[%swap3A_195, %swap3A_196], %swap3A_199 {strides = array<i32>} : memref<16x16xf32, #tpu.memory_space<vmem>>, vector<1x16xf32>,
    %swap3A_200 = arith.constant 15 : i32
    %swap3A_201 = arith.index_cast %swap3A_200 : i32 to index
    %swap3A_202 = arith.constant 0 : index
    %swap3A_203 = tpu.vector_load %arg14[%swap3A_201, %swap3A_202] {strides = array<i32>} : memref<16x16xf32, #tpu.memory_space<vmem>>, vector<1x16xf32>,
    %swap3A_204 = vector.shape_cast %swap3A_203 : vector<1x16xf32> to vector<16xf32>
    %swap3A_205 = vector.shape_cast %broadcast_in_dim3A_3 : vector<16xf32> to vector<1x16xf32>
    tpu.vector_store %arg14[%swap3A_201, %swap3A_202], %swap3A_205 {strides = array<i32>} : memref<16x16xf32, #tpu.memory_space<vmem>>, vector<1x16xf32>,
    "tpu.region"() ({
      %run_scoped3A = tpu.sem_alloc : memref<!tpu.dma_semaphore, #tpu.memory_space<semaphore_mem>>
      %dma_start3A_493 = tpu.memref_slice %arg3[%mul3A_2] : memref<8192xf32, #tpu.memory_space<hbm>> -> memref<256xf32, #tpu.memory_space<hbm>>
      %dma_start3A_494 = tpu.memref_slice %arg3[%mul3A_2] : memref<8192xf32, #tpu.memory_space<hbm>> -> memref<256xf32, #tpu.memory_space<hbm>>
      tpu.enqueue_dma source(%dma_start3A_494 : memref<256xf32, #tpu.memory_space<hbm>>) target(%arg9 : memref<256xf32, #tpu.memory_space<vmem>>) target_semaphore(%run_scoped3A : memref<!tpu.dma_semaphore, #tpu.memory_space<semaphore_mem>>)
      %dma_wait3A = tpu.memref_slice %arg3[%mul3A_2] : memref<8192xf32, #tpu.memory_space<hbm>> -> memref<256xf32, #tpu.memory_space<hbm>>
      %dma_wait3A_495 = tpu.memref_slice %arg3[%mul3A_2] : memref<8192xf32, #tpu.memory_space<hbm>> -> memref<256xf32, #tpu.memory_space<hbm>>
      tpu.wait_dma2 semaphore(%run_scoped3A : memref<!tpu.dma_semaphore, #tpu.memory_space<semaphore_mem>>) src(%dma_wait3A_495 : memref<256xf32, #tpu.memory_space<hbm>>) dst(%arg9 : memref<256xf32, #tpu.memory_space<vmem>>)
      tpu.yield
    }) : () -> ()
    %get3A = arith.constant 0 : index
    %get3A_206 = tpu.vector_load %arg9[%get3A] {strides = array<i32>} : memref<256xf32, #tpu.memory_space<vmem>>, vector<16xf32>,
    %get3A_207 = vector.shape_cast %get3A_206 : vector<16xf32> to vector<16xf32>
    %mul3A_208 = arith.constant 1.600000e+01 : f32
    %mul3A_209 = vector.broadcast %mul3A_208 : f32 to vector<16xf32>
    %mul3A_210 = arith.mulf %get3A_207, %mul3A_209 : vector<16xf32>
    %convert_element_type3A = arith.fptosi %mul3A_210 : vector<16xf32> to vector<16xi32>
    %jit3A_211 = arith.constant 0 : i32
    %jit3A_212 = arith.constant 15 : i32
    %max3A = vector.broadcast %jit3A_211 : i32 to vector<16xi32>
    %max3A_213 = arith.maxsi %max3A, %convert_element_type3A : vector<16xi32>
    %min3A = vector.broadcast %jit3A_212 : i32 to vector<16xi32>
    %min3A_214 = arith.minsi %min3A, %max3A_213 : vector<16xi32>
    %swap3A_215 = arith.constant 0 : index
    %swap3A_216 = tpu.vector_load %arg10[%swap3A_215] {strides = array<i32>} : memref<272xi32, #tpu.memory_space<vmem>>, vector<16xi32>,
    %swap3A_217 = vector.shape_cast %swap3A_216 : vector<16xi32> to vector<16xi32>
    %swap3A_218 = vector.shape_cast %min3A_214 : vector<16xi32> to vector<16xi32>
    tpu.vector_store %arg10[%swap3A_215], %swap3A_218 {strides = array<i32>} : memref<272xi32, #tpu.memory_space<vmem>>, vector<16xi32>,
    %get3A_219 = arith.constant 16 : index
    %get3A_220 = tpu.vector_load %arg9[%get3A_219] {strides = array<i32>} : memref<256xf32, #tpu.memory_space<vmem>>, vector<16xf32>,
    %get3A_221 = vector.shape_cast %get3A_220 : vector<16xf32> to vector<16xf32>
    %mul3A_222 = arith.constant 1.600000e+01 : f32
    %mul3A_223 = vector.broadcast %mul3A_222 : f32 to vector<16xf32>
    %mul3A_224 = arith.mulf %get3A_221, %mul3A_223 : vector<16xf32>
    %convert_element_type3A_225 = arith.fptosi %mul3A_224 : vector<16xf32> to vector<16xi32>
    %jit3A_226 = arith.constant 0 : i32
    %jit3A_227 = arith.constant 15 : i32
    %max3A_228 = vector.broadcast %jit3A_226 : i32 to vector<16xi32>
    %max3A_229 = arith.maxsi %max3A_228, %convert_element_type3A_225 : vector<16xi32>
    %min3A_230 = vector.broadcast %jit3A_227 : i32 to vector<16xi32>
    %min3A_231 = arith.minsi %min3A_230, %max3A_229 : vector<16xi32>
    %swap3A_232 = arith.constant 16 : index
    %swap3A_233 = tpu.vector_load %arg10[%swap3A_232] {strides = array<i32>} : memref<272xi32, #tpu.memory_space<vmem>>, vector<16xi32>,
    %swap3A_234 = vector.shape_cast %swap3A_233 : vector<16xi32> to vector<16xi32>
    %swap3A_235 = vector.shape_cast %min3A_231 : vector<16xi32> to vector<16xi32>
    tpu.vector_store %arg10[%swap3A_232], %swap3A_235 {strides = array<i32>} : memref<272xi32, #tpu.memory_space<vmem>>, vector<16xi32>,
    %get3A_236 = arith.constant 32 : index
    %get3A_237 = tpu.vector_load %arg9[%get3A_236] {strides = array<i32>} : memref<256xf32, #tpu.memory_space<vmem>>, vector<16xf32>,
    %get3A_238 = vector.shape_cast %get3A_237 : vector<16xf32> to vector<16xf32>
    %mul3A_239 = arith.constant 1.600000e+01 : f32
    %mul3A_240 = vector.broadcast %mul3A_239 : f32 to vector<16xf32>
    %mul3A_241 = arith.mulf %get3A_238, %mul3A_240 : vector<16xf32>
    %convert_element_type3A_242 = arith.fptosi %mul3A_241 : vector<16xf32> to vector<16xi32>
    %jit3A_243 = arith.constant 0 : i32
    %jit3A_244 = arith.constant 15 : i32
    %max3A_245 = vector.broadcast %jit3A_243 : i32 to vector<16xi32>
    %max3A_246 = arith.maxsi %max3A_245, %convert_element_type3A_242 : vector<16xi32>
    %min3A_247 = vector.broadcast %jit3A_244 : i32 to vector<16xi32>
    %min3A_248 = arith.minsi %min3A_247, %max3A_246 : vector<16xi32>
    %swap3A_249 = arith.constant 32 : index
    %swap3A_250 = tpu.vector_load %arg10[%swap3A_249] {strides = array<i32>} : memref<272xi32, #tpu.memory_space<vmem>>, vector<16xi32>,
    %swap3A_251 = vector.shape_cast %swap3A_250 : vector<16xi32> to vector<16xi32>
    %swap3A_252 = vector.shape_cast %min3A_248 : vector<16xi32> to vector<16xi32>
    tpu.vector_store %arg10[%swap3A_249], %swap3A_252 {strides = array<i32>} : memref<272xi32, #tpu.memory_space<vmem>>, vector<16xi32>,
    %get3A_253 = arith.constant 48 : index
    %get3A_254 = tpu.vector_load %arg9[%get3A_253] {strides = array<i32>} : memref<256xf32, #tpu.memory_space<vmem>>, vector<16xf32>,
    %get3A_255 = vector.shape_cast %get3A_254 : vector<16xf32> to vector<16xf32>
    %mul3A_256 = arith.constant 1.600000e+01 : f32
    %mul3A_257 = vector.broadcast %mul3A_256 : f32 to vector<16xf32>
    %mul3A_258 = arith.mulf %get3A_255, %mul3A_257 : vector<16xf32>
    %convert_element_type3A_259 = arith.fptosi %mul3A_258 : vector<16xf32> to vector<16xi32>
    %jit3A_260 = arith.constant 0 : i32
    %jit3A_261 = arith.constant 15 : i32
    %max3A_262 = vector.broadcast %jit3A_260 : i32 to vector<16xi32>
    %max3A_263 = arith.maxsi %max3A_262, %convert_element_type3A_259 : vector<16xi32>
    %min3A_264 = vector.broadcast %jit3A_261 : i32 to vector<16xi32>
    %min3A_265 = arith.minsi %min3A_264, %max3A_263 : vector<16xi32>
    %swap3A_266 = arith.constant 48 : index
    %swap3A_267 = tpu.vector_load %arg10[%swap3A_266] {strides = array<i32>} : memref<272xi32, #tpu.memory_space<vmem>>, vector<16xi32>,
    %swap3A_268 = vector.shape_cast %swap3A_267 : vector<16xi32> to vector<16xi32>
    %swap3A_269 = vector.shape_cast %min3A_265 : vector<16xi32> to vector<16xi32>
    tpu.vector_store %arg10[%swap3A_266], %swap3A_269 {strides = array<i32>} : memref<272xi32, #tpu.memory_space<vmem>>, vector<16xi32>,
    %get3A_270 = arith.constant 64 : index
    %get3A_271 = tpu.vector_load %arg9[%get3A_270] {strides = array<i32>} : memref<256xf32, #tpu.memory_space<vmem>>, vector<16xf32>,
    %get3A_272 = vector.shape_cast %get3A_271 : vector<16xf32> to vector<16xf32>
    %mul3A_273 = arith.constant 1.600000e+01 : f32
    %mul3A_274 = vector.broadcast %mul3A_273 : f32 to vector<16xf32>
    %mul3A_275 = arith.mulf %get3A_272, %mul3A_274 : vector<16xf32>
    %convert_element_type3A_276 = arith.fptosi %mul3A_275 : vector<16xf32> to vector<16xi32>
    %jit3A_277 = arith.constant 0 : i32
    %jit3A_278 = arith.constant 15 : i32
    %max3A_279 = vector.broadcast %jit3A_277 : i32 to vector<16xi32>
    %max3A_280 = arith.maxsi %max3A_279, %convert_element_type3A_276 : vector<16xi32>
    %min3A_281 = vector.broadcast %jit3A_278 : i32 to vector<16xi32>
    %min3A_282 = arith.minsi %min3A_281, %max3A_280 : vector<16xi32>
    %swap3A_283 = arith.constant 64 : index
    %swap3A_284 = tpu.vector_load %arg10[%swap3A_283] {strides = array<i32>} : memref<272xi32, #tpu.memory_space<vmem>>, vector<16xi32>,
    %swap3A_285 = vector.shape_cast %swap3A_284 : vector<16xi32> to vector<16xi32>
    %swap3A_286 = vector.shape_cast %min3A_282 : vector<16xi32> to vector<16xi32>
    tpu.vector_store %arg10[%swap3A_283], %swap3A_286 {strides = array<i32>} : memref<272xi32, #tpu.memory_space<vmem>>, vector<16xi32>,
    %get3A_287 = arith.constant 80 : index
    %get3A_288 = tpu.vector_load %arg9[%get3A_287] {strides = array<i32>} : memref<256xf32, #tpu.memory_space<vmem>>, vector<16xf32>,
    %get3A_289 = vector.shape_cast %get3A_288 : vector<16xf32> to vector<16xf32>
    %mul3A_290 = arith.constant 1.600000e+01 : f32
    %mul3A_291 = vector.broadcast %mul3A_290 : f32 to vector<16xf32>
    %mul3A_292 = arith.mulf %get3A_289, %mul3A_291 : vector<16xf32>
    %convert_element_type3A_293 = arith.fptosi %mul3A_292 : vector<16xf32> to vector<16xi32>
    %jit3A_294 = arith.constant 0 : i32
    %jit3A_295 = arith.constant 15 : i32
    %max3A_296 = vector.broadcast %jit3A_294 : i32 to vector<16xi32>
    %max3A_297 = arith.maxsi %max3A_296, %convert_element_type3A_293 : vector<16xi32>
    %min3A_298 = vector.broadcast %jit3A_295 : i32 to vector<16xi32>
    %min3A_299 = arith.minsi %min3A_298, %max3A_297 : vector<16xi32>
    %swap3A_300 = arith.constant 80 : index
    %swap3A_301 = tpu.vector_load %arg10[%swap3A_300] {strides = array<i32>} : memref<272xi32, #tpu.memory_space<vmem>>, vector<16xi32>,
    %swap3A_302 = vector.shape_cast %swap3A_301 : vector<16xi32> to vector<16xi32>
    %swap3A_303 = vector.shape_cast %min3A_299 : vector<16xi32> to vector<16xi32>
    tpu.vector_store %arg10[%swap3A_300], %swap3A_303 {strides = array<i32>} : memref<272xi32, #tpu.memory_space<vmem>>, vector<16xi32>,
    %get3A_304 = arith.constant 96 : index
    %get3A_305 = tpu.vector_load %arg9[%get3A_304] {strides = array<i32>} : memref<256xf32, #tpu.memory_space<vmem>>, vector<16xf32>,
    %get3A_306 = vector.shape_cast %get3A_305 : vector<16xf32> to vector<16xf32>
    %mul3A_307 = arith.constant 1.600000e+01 : f32
    %mul3A_308 = vector.broadcast %mul3A_307 : f32 to vector<16xf32>
    %mul3A_309 = arith.mulf %get3A_306, %mul3A_308 : vector<16xf32>
    %convert_element_type3A_310 = arith.fptosi %mul3A_309 : vector<16xf32> to vector<16xi32>
    %jit3A_311 = arith.constant 0 : i32
    %jit3A_312 = arith.constant 15 : i32
    %max3A_313 = vector.broadcast %jit3A_311 : i32 to vector<16xi32>
    %max3A_314 = arith.maxsi %max3A_313, %convert_element_type3A_310 : vector<16xi32>
    %min3A_315 = vector.broadcast %jit3A_312 : i32 to vector<16xi32>
    %min3A_316 = arith.minsi %min3A_315, %max3A_314 : vector<16xi32>
    %swap3A_317 = arith.constant 96 : index
    %swap3A_318 = tpu.vector_load %arg10[%swap3A_317] {strides = array<i32>} : memref<272xi32, #tpu.memory_space<vmem>>, vector<16xi32>,
    %swap3A_319 = vector.shape_cast %swap3A_318 : vector<16xi32> to vector<16xi32>
    %swap3A_320 = vector.shape_cast %min3A_316 : vector<16xi32> to vector<16xi32>
    tpu.vector_store %arg10[%swap3A_317], %swap3A_320 {strides = array<i32>} : memref<272xi32, #tpu.memory_space<vmem>>, vector<16xi32>,
    %get3A_321 = arith.constant 112 : index
    %get3A_322 = tpu.vector_load %arg9[%get3A_321] {strides = array<i32>} : memref<256xf32, #tpu.memory_space<vmem>>, vector<16xf32>,
    %get3A_323 = vector.shape_cast %get3A_322 : vector<16xf32> to vector<16xf32>
    %mul3A_324 = arith.constant 1.600000e+01 : f32
    %mul3A_325 = vector.broadcast %mul3A_324 : f32 to vector<16xf32>
    %mul3A_326 = arith.mulf %get3A_323, %mul3A_325 : vector<16xf32>
    %convert_element_type3A_327 = arith.fptosi %mul3A_326 : vector<16xf32> to vector<16xi32>
    %jit3A_328 = arith.constant 0 : i32
    %jit3A_329 = arith.constant 15 : i32
    %max3A_330 = vector.broadcast %jit3A_328 : i32 to vector<16xi32>
    %max3A_331 = arith.maxsi %max3A_330, %convert_element_type3A_327 : vector<16xi32>
    %min3A_332 = vector.broadcast %jit3A_329 : i32 to vector<16xi32>
    %min3A_333 = arith.minsi %min3A_332, %max3A_331 : vector<16xi32>
    %swap3A_334 = arith.constant 112 : index
    %swap3A_335 = tpu.vector_load %arg10[%swap3A_334] {strides = array<i32>} : memref<272xi32, #tpu.memory_space<vmem>>, vector<16xi32>,
    %swap3A_336 = vector.shape_cast %swap3A_335 : vector<16xi32> to vector<16xi32>
    %swap3A_337 = vector.shape_cast %min3A_333 : vector<16xi32> to vector<16xi32>
    tpu.vector_store %arg10[%swap3A_334], %swap3A_337 {strides = array<i32>} : memref<272xi32, #tpu.memory_space<vmem>>, vector<16xi32>,
    %get3A_338 = arith.constant 128 : index
    %get3A_339 = tpu.vector_load %arg9[%get3A_338] {strides = array<i32>} : memref<256xf32, #tpu.memory_space<vmem>>, vector<16xf32>,
    %get3A_340 = vector.shape_cast %get3A_339 : vector<16xf32> to vector<16xf32>
    %mul3A_341 = arith.constant 1.600000e+01 : f32
    %mul3A_342 = vector.broadcast %mul3A_341 : f32 to vector<16xf32>
    %mul3A_343 = arith.mulf %get3A_340, %mul3A_342 : vector<16xf32>
    %convert_element_type3A_344 = arith.fptosi %mul3A_343 : vector<16xf32> to vector<16xi32>
    %jit3A_345 = arith.constant 0 : i32
    %jit3A_346 = arith.constant 15 : i32
    %max3A_347 = vector.broadcast %jit3A_345 : i32 to vector<16xi32>
    %max3A_348 = arith.maxsi %max3A_347, %convert_element_type3A_344 : vector<16xi32>
    %min3A_349 = vector.broadcast %jit3A_346 : i32 to vector<16xi32>
    %min3A_350 = arith.minsi %min3A_349, %max3A_348 : vector<16xi32>
    %swap3A_351 = arith.constant 128 : index
    %swap3A_352 = tpu.vector_load %arg10[%swap3A_351] {strides = array<i32>} : memref<272xi32, #tpu.memory_space<vmem>>, vector<16xi32>,
    %swap3A_353 = vector.shape_cast %swap3A_352 : vector<16xi32> to vector<16xi32>
    %swap3A_354 = vector.shape_cast %min3A_350 : vector<16xi32> to vector<16xi32>
    tpu.vector_store %arg10[%swap3A_351], %swap3A_354 {strides = array<i32>} : memref<272xi32, #tpu.memory_space<vmem>>, vector<16xi32>,
    %get3A_355 = arith.constant 144 : index
    %get3A_356 = tpu.vector_load %arg9[%get3A_355] {strides = array<i32>} : memref<256xf32, #tpu.memory_space<vmem>>, vector<16xf32>,
    %get3A_357 = vector.shape_cast %get3A_356 : vector<16xf32> to vector<16xf32>
    %mul3A_358 = arith.constant 1.600000e+01 : f32
    %mul3A_359 = vector.broadcast %mul3A_358 : f32 to vector<16xf32>
    %mul3A_360 = arith.mulf %get3A_357, %mul3A_359 : vector<16xf32>
    %convert_element_type3A_361 = arith.fptosi %mul3A_360 : vector<16xf32> to vector<16xi32>
    %jit3A_362 = arith.constant 0 : i32
    %jit3A_363 = arith.constant 15 : i32
    %max3A_364 = vector.broadcast %jit3A_362 : i32 to vector<16xi32>
    %max3A_365 = arith.maxsi %max3A_364, %convert_element_type3A_361 : vector<16xi32>
    %min3A_366 = vector.broadcast %jit3A_363 : i32 to vector<16xi32>
    %min3A_367 = arith.minsi %min3A_366, %max3A_365 : vector<16xi32>
    %swap3A_368 = arith.constant 144 : index
    %swap3A_369 = tpu.vector_load %arg10[%swap3A_368] {strides = array<i32>} : memref<272xi32, #tpu.memory_space<vmem>>, vector<16xi32>,
    %swap3A_370 = vector.shape_cast %swap3A_369 : vector<16xi32> to vector<16xi32>
    %swap3A_371 = vector.shape_cast %min3A_367 : vector<16xi32> to vector<16xi32>
    tpu.vector_store %arg10[%swap3A_368], %swap3A_371 {strides = array<i32>} : memref<272xi32, #tpu.memory_space<vmem>>, vector<16xi32>,
    %get3A_372 = arith.constant 160 : index
    %get3A_373 = tpu.vector_load %arg9[%get3A_372] {strides = array<i32>} : memref<256xf32, #tpu.memory_space<vmem>>, vector<16xf32>,
    %get3A_374 = vector.shape_cast %get3A_373 : vector<16xf32> to vector<16xf32>
    %mul3A_375 = arith.constant 1.600000e+01 : f32
    %mul3A_376 = vector.broadcast %mul3A_375 : f32 to vector<16xf32>
    %mul3A_377 = arith.mulf %get3A_374, %mul3A_376 : vector<16xf32>
    %convert_element_type3A_378 = arith.fptosi %mul3A_377 : vector<16xf32> to vector<16xi32>
    %jit3A_379 = arith.constant 0 : i32
    %jit3A_380 = arith.constant 15 : i32
    %max3A_381 = vector.broadcast %jit3A_379 : i32 to vector<16xi32>
    %max3A_382 = arith.maxsi %max3A_381, %convert_element_type3A_378 : vector<16xi32>
    %min3A_383 = vector.broadcast %jit3A_380 : i32 to vector<16xi32>
    %min3A_384 = arith.minsi %min3A_383, %max3A_382 : vector<16xi32>
    %swap3A_385 = arith.constant 160 : index
    %swap3A_386 = tpu.vector_load %arg10[%swap3A_385] {strides = array<i32>} : memref<272xi32, #tpu.memory_space<vmem>>, vector<16xi32>,
    %swap3A_387 = vector.shape_cast %swap3A_386 : vector<16xi32> to vector<16xi32>
    %swap3A_388 = vector.shape_cast %min3A_384 : vector<16xi32> to vector<16xi32>
    tpu.vector_store %arg10[%swap3A_385], %swap3A_388 {strides = array<i32>} : memref<272xi32, #tpu.memory_space<vmem>>, vector<16xi32>,
    %get3A_389 = arith.constant 176 : index
    %get3A_390 = tpu.vector_load %arg9[%get3A_389] {strides = array<i32>} : memref<256xf32, #tpu.memory_space<vmem>>, vector<16xf32>,
    %get3A_391 = vector.shape_cast %get3A_390 : vector<16xf32> to vector<16xf32>
    %mul3A_392 = arith.constant 1.600000e+01 : f32
    %mul3A_393 = vector.broadcast %mul3A_392 : f32 to vector<16xf32>
    %mul3A_394 = arith.mulf %get3A_391, %mul3A_393 : vector<16xf32>
    %convert_element_type3A_395 = arith.fptosi %mul3A_394 : vector<16xf32> to vector<16xi32>
    %jit3A_396 = arith.constant 0 : i32
    %jit3A_397 = arith.constant 15 : i32
    %max3A_398 = vector.broadcast %jit3A_396 : i32 to vector<16xi32>
    %max3A_399 = arith.maxsi %max3A_398, %convert_element_type3A_395 : vector<16xi32>
    %min3A_400 = vector.broadcast %jit3A_397 : i32 to vector<16xi32>
    %min3A_401 = arith.minsi %min3A_400, %max3A_399 : vector<16xi32>
    %swap3A_402 = arith.constant 176 : index
    %swap3A_403 = tpu.vector_load %arg10[%swap3A_402] {strides = array<i32>} : memref<272xi32, #tpu.memory_space<vmem>>, vector<16xi32>,
    %swap3A_404 = vector.shape_cast %swap3A_403 : vector<16xi32> to vector<16xi32>
    %swap3A_405 = vector.shape_cast %min3A_401 : vector<16xi32> to vector<16xi32>
    tpu.vector_store %arg10[%swap3A_402], %swap3A_405 {strides = array<i32>} : memref<272xi32, #tpu.memory_space<vmem>>, vector<16xi32>,
    %get3A_406 = arith.constant 192 : index
    %get3A_407 = tpu.vector_load %arg9[%get3A_406] {strides = array<i32>} : memref<256xf32, #tpu.memory_space<vmem>>, vector<16xf32>,
    %get3A_408 = vector.shape_cast %get3A_407 : vector<16xf32> to vector<16xf32>
    %mul3A_409 = arith.constant 1.600000e+01 : f32
    %mul3A_410 = vector.broadcast %mul3A_409 : f32 to vector<16xf32>
    %mul3A_411 = arith.mulf %get3A_408, %mul3A_410 : vector<16xf32>
    %convert_element_type3A_412 = arith.fptosi %mul3A_411 : vector<16xf32> to vector<16xi32>
    %jit3A_413 = arith.constant 0 : i32
    %jit3A_414 = arith.constant 15 : i32
    %max3A_415 = vector.broadcast %jit3A_413 : i32 to vector<16xi32>
    %max3A_416 = arith.maxsi %max3A_415, %convert_element_type3A_412 : vector<16xi32>
    %min3A_417 = vector.broadcast %jit3A_414 : i32 to vector<16xi32>
    %min3A_418 = arith.minsi %min3A_417, %max3A_416 : vector<16xi32>
    %swap3A_419 = arith.constant 192 : index
    %swap3A_420 = tpu.vector_load %arg10[%swap3A_419] {strides = array<i32>} : memref<272xi32, #tpu.memory_space<vmem>>, vector<16xi32>,
    %swap3A_421 = vector.shape_cast %swap3A_420 : vector<16xi32> to vector<16xi32>
    %swap3A_422 = vector.shape_cast %min3A_418 : vector<16xi32> to vector<16xi32>
    tpu.vector_store %arg10[%swap3A_419], %swap3A_422 {strides = array<i32>} : memref<272xi32, #tpu.memory_space<vmem>>, vector<16xi32>,
    %get3A_423 = arith.constant 208 : index
    %get3A_424 = tpu.vector_load %arg9[%get3A_423] {strides = array<i32>} : memref<256xf32, #tpu.memory_space<vmem>>, vector<16xf32>,
    %get3A_425 = vector.shape_cast %get3A_424 : vector<16xf32> to vector<16xf32>
    %mul3A_426 = arith.constant 1.600000e+01 : f32
    %mul3A_427 = vector.broadcast %mul3A_426 : f32 to vector<16xf32>
    %mul3A_428 = arith.mulf %get3A_425, %mul3A_427 : vector<16xf32>
    %convert_element_type3A_429 = arith.fptosi %mul3A_428 : vector<16xf32> to vector<16xi32>
    %jit3A_430 = arith.constant 0 : i32
    %jit3A_431 = arith.constant 15 : i32
    %max3A_432 = vector.broadcast %jit3A_430 : i32 to vector<16xi32>
    %max3A_433 = arith.maxsi %max3A_432, %convert_element_type3A_429 : vector<16xi32>
    %min3A_434 = vector.broadcast %jit3A_431 : i32 to vector<16xi32>
    %min3A_435 = arith.minsi %min3A_434, %max3A_433 : vector<16xi32>
    %swap3A_436 = arith.constant 208 : index
    %swap3A_437 = tpu.vector_load %arg10[%swap3A_436] {strides = array<i32>} : memref<272xi32, #tpu.memory_space<vmem>>, vector<16xi32>,
    %swap3A_438 = vector.shape_cast %swap3A_437 : vector<16xi32> to vector<16xi32>
    %swap3A_439 = vector.shape_cast %min3A_435 : vector<16xi32> to vector<16xi32>
    tpu.vector_store %arg10[%swap3A_436], %swap3A_439 {strides = array<i32>} : memref<272xi32, #tpu.memory_space<vmem>>, vector<16xi32>,
    %get3A_440 = arith.constant 224 : index
    %get3A_441 = tpu.vector_load %arg9[%get3A_440] {strides = array<i32>} : memref<256xf32, #tpu.memory_space<vmem>>, vector<16xf32>,
    %get3A_442 = vector.shape_cast %get3A_441 : vector<16xf32> to vector<16xf32>
    %mul3A_443 = arith.constant 1.600000e+01 : f32
    %mul3A_444 = vector.broadcast %mul3A_443 : f32 to vector<16xf32>
    %mul3A_445 = arith.mulf %get3A_442, %mul3A_444 : vector<16xf32>
    %convert_element_type3A_446 = arith.fptosi %mul3A_445 : vector<16xf32> to vector<16xi32>
    %jit3A_447 = arith.constant 0 : i32
    %jit3A_448 = arith.constant 15 : i32
    %max3A_449 = vector.broadcast %jit3A_447 : i32 to vector<16xi32>
    %max3A_450 = arith.maxsi %max3A_449, %convert_element_type3A_446 : vector<16xi32>
    %min3A_451 = vector.broadcast %jit3A_448 : i32 to vector<16xi32>
    %min3A_452 = arith.minsi %min3A_451, %max3A_450 : vector<16xi32>
    %swap3A_453 = arith.constant 224 : index
    %swap3A_454 = tpu.vector_load %arg10[%swap3A_453] {strides = array<i32>} : memref<272xi32, #tpu.memory_space<vmem>>, vector<16xi32>,
    %swap3A_455 = vector.shape_cast %swap3A_454 : vector<16xi32> to vector<16xi32>
    %swap3A_456 = vector.shape_cast %min3A_452 : vector<16xi32> to vector<16xi32>
    tpu.vector_store %arg10[%swap3A_453], %swap3A_456 {strides = array<i32>} : memref<272xi32, #tpu.memory_space<vmem>>, vector<16xi32>,
    %get3A_457 = arith.constant 240 : index
    %get3A_458 = tpu.vector_load %arg9[%get3A_457] {strides = array<i32>} : memref<256xf32, #tpu.memory_space<vmem>>, vector<16xf32>,
    %get3A_459 = vector.shape_cast %get3A_458 : vector<16xf32> to vector<16xf32>
    %mul3A_460 = arith.constant 1.600000e+01 : f32
    %mul3A_461 = vector.broadcast %mul3A_460 : f32 to vector<16xf32>
    %mul3A_462 = arith.mulf %get3A_459, %mul3A_461 : vector<16xf32>
    %convert_element_type3A_463 = arith.fptosi %mul3A_462 : vector<16xf32> to vector<16xi32>
    %jit3A_464 = arith.constant 0 : i32
    %jit3A_465 = arith.constant 15 : i32
    %max3A_466 = vector.broadcast %jit3A_464 : i32 to vector<16xi32>
    %max3A_467 = arith.maxsi %max3A_466, %convert_element_type3A_463 : vector<16xi32>
    %min3A_468 = vector.broadcast %jit3A_465 : i32 to vector<16xi32>
    %min3A_469 = arith.minsi %min3A_468, %max3A_467 : vector<16xi32>
    %swap3A_470 = arith.constant 240 : index
    %swap3A_471 = tpu.vector_load %arg10[%swap3A_470] {strides = array<i32>} : memref<272xi32, #tpu.memory_space<vmem>>, vector<16xi32>,
    %swap3A_472 = vector.shape_cast %swap3A_471 : vector<16xi32> to vector<16xi32>
    %swap3A_473 = vector.shape_cast %min3A_469 : vector<16xi32> to vector<16xi32>
    tpu.vector_store %arg10[%swap3A_470], %swap3A_473 {strides = array<i32>} : memref<272xi32, #tpu.memory_space<vmem>>, vector<16xi32>,
    %scan3A_474 = arith.constant 0 : i32
    %scan3A_475 = arith.constant 0 : i32
    %scan3A_476 = arith.constant 256 : i32
    %scan3A_477 = arith.addi %scan3A_475, %scan3A_476 : i32
    %scan3A_478 = arith.constant 1 : i32
    %scan3A_479 = scf.for %scan3A_493 = %scan3A_475 to %scan3A_477 step %scan3A_478 iter_args(%scan3A_494 = %scan3A_474) -> (i32)  : i32 {
      %get3A_495 = arith.index_cast %scan3A_493 : i32 to index
      %get3A_496 = tpu.vector_load %arg10[%get3A_495] {strides = array<i32>} : memref<272xi32, #tpu.memory_space<vmem>>, vector<16xi32>,
      %get3A_497 = vector.shape_cast %get3A_496 : vector<16xi32> to vector<16xi32>
      %slice3A = vector.extract_strided_slice %get3A_497 {offsets = [0], sizes = [1], strides = [1]} : vector<16xi32> to vector<1xi32>
      %squeeze3A = vector.extract %slice3A[0] : i32 from vector<1xi32>
      %swap3A_498 = arith.index_cast %scan3A_493 : i32 to index
      %swap3A_499 = memref.load %arg11[%swap3A_498] : memref<256xi32, #tpu.memory_space<smem>>
      memref.store %squeeze3A, %arg11[%swap3A_498] : memref<256xi32, #tpu.memory_space<smem>>
      %scan3A_500 = arith.constant 0 : i32
      scf.yield %scan3A_500 : i32
    }
    %scan3A_480 = arith.constant 256 : i32
    %add3A_481 = arith.constant 0 : i32
    %add3A_482 = arith.addi %mul3A_2, %add3A_481 : i32
    %dma_start3A = arith.constant 0 : i32
    %dma_start3A_483 = tpu.memref_slice %arg2[%add3A_482, %dma_start3A] : memref<8192x1024xf32, #tpu.memory_space<hbm>> -> memref<32x1024xf32, #tpu.memory_space<hbm>>
    %dma_start3A_484 = arith.constant 0 : i32
    %dma_start3A_485 = tpu.memref_slice %arg2[%add3A_482, %dma_start3A_484] : memref<8192x1024xf32, #tpu.memory_space<hbm>> -> memref<32x1024xf32, #tpu.memory_space<hbm>>
    tpu.enqueue_dma source(%dma_start3A_485 : memref<32x1024xf32, #tpu.memory_space<hbm>>) target(%arg7 : memref<32x1024xf32, #tpu.memory_space<vmem>>) target_semaphore(%arg15 : memref<!tpu.dma_semaphore, #tpu.memory_space<semaphore_mem>>)
    %scan3A_486 = arith.constant 0 : i32
    %scan3A_487 = arith.constant 0 : i32
    %scan3A_488 = arith.constant 4 : i32
    %scan3A_489 = arith.addi %scan3A_487, %scan3A_488 : i32
    %scan3A_490 = arith.constant 1 : i32
    %scan3A_491 = scf.for %scan3A_493 = %scan3A_487 to %scan3A_489 step %scan3A_490 iter_args(%scan3A_494 = %scan3A_486) -> (i32)  : i32 {
      %mul3A_495 = arith.constant 2 : i32
      %mul3A_496 = arith.muli %scan3A_493, %mul3A_495 : i32
      %add3A_497 = arith.constant 1 : i32
      %add3A_498 = arith.addi %mul3A_496, %add3A_497 : i32
      %mul3A_499 = arith.constant 32 : i32
      %mul3A_500 = arith.muli %add3A_498, %mul3A_499 : i32
      %add3A_501 = arith.addi %mul3A_2, %mul3A_500 : i32
      %dma_start3A_502 = arith.constant 0 : i32
      %dma_start3A_503 = tpu.memref_slice %arg2[%add3A_501, %dma_start3A_502] : memref<8192x1024xf32, #tpu.memory_space<hbm>> -> memref<32x1024xf32, #tpu.memory_space<hbm>>
      %dma_start3A_504 = arith.constant 0 : i32
      %dma_start3A_505 = tpu.memref_slice %arg2[%add3A_501, %dma_start3A_504] : memref<8192x1024xf32, #tpu.memory_space<hbm>> -> memref<32x1024xf32, #tpu.memory_space<hbm>>
      tpu.enqueue_dma source(%dma_start3A_505 : memref<32x1024xf32, #tpu.memory_space<hbm>>) target(%arg8 : memref<32x1024xf32, #tpu.memory_space<vmem>>) target_semaphore(%arg16 : memref<!tpu.dma_semaphore, #tpu.memory_space<semaphore_mem>>)
      %mul3A_506 = arith.constant 32 : i32
      %mul3A_507 = arith.muli %mul3A_496, %mul3A_506 : i32
      %add3A_508 = arith.addi %mul3A_2, %mul3A_507 : i32
      %dma_wait3A = arith.constant 0 : i32
      %dma_wait3A_509 = tpu.memref_slice %arg2[%add3A_508, %dma_wait3A] : memref<8192x1024xf32, #tpu.memory_space<hbm>> -> memref<32x1024xf32, #tpu.memory_space<hbm>>
      %dma_wait3A_510 = arith.constant 0 : i32
      %dma_wait3A_511 = tpu.memref_slice %arg2[%add3A_508, %dma_wait3A_510] : memref<8192x1024xf32, #tpu.memory_space<hbm>> -> memref<32x1024xf32, #tpu.memory_space<hbm>>
      tpu.wait_dma2 semaphore(%arg15 : memref<!tpu.dma_semaphore, #tpu.memory_space<semaphore_mem>>) src(%dma_wait3A_511 : memref<32x1024xf32, #tpu.memory_space<hbm>>) dst(%arg7 : memref<32x1024xf32, #tpu.memory_space<vmem>>)
      %scan3A_512 = arith.constant 0 : i32
      %scan3A_513 = arith.constant 0 : i32
      %scan3A_514 = arith.constant 8 : i32
      %scan3A_515 = arith.addi %scan3A_513, %scan3A_514 : i32
      %scan3A_516 = arith.constant 1 : i32
      %scan3A_517 = scf.for %scan3A_543 = %scan3A_513 to %scan3A_515 step %scan3A_516 iter_args(%scan3A_544 = %scan3A_512) -> (i32)  : i32 {
        %mul3A_545 = arith.constant 4 : i32
        %mul3A_546 = arith.muli %scan3A_543, %mul3A_545 : i32
        %mul3A_547 = arith.constant 32 : i32
        %mul3A_548 = arith.muli %mul3A_496, %mul3A_547 : i32
        %add3A_549 = arith.addi %mul3A_548, %mul3A_546 : i32
        %add3A_550 = arith.constant 0 : i32
        %add3A_551 = arith.addi %add3A_549, %add3A_550 : i32
        %get3A_552 = arith.index_cast %add3A_551 : i32 to index
        %get3A_553 = memref.load %arg11[%get3A_552] : memref<256xi32, #tpu.memory_space<smem>>
        %mul3A_554 = arith.constant 32 : i32
        %mul3A_555 = arith.muli %mul3A_496, %mul3A_554 : i32
        %add3A_556 = arith.addi %mul3A_555, %mul3A_546 : i32
        %add3A_557 = arith.constant 1 : i32
        %add3A_558 = arith.addi %add3A_556, %add3A_557 : i32
        %get3A_559 = arith.index_cast %add3A_558 : i32 to index
        %get3A_560 = memref.load %arg11[%get3A_559] : memref<256xi32, #tpu.memory_space<smem>>
        %mul3A_561 = arith.constant 32 : i32
        %mul3A_562 = arith.muli %mul3A_496, %mul3A_561 : i32
        %add3A_563 = arith.addi %mul3A_562, %mul3A_546 : i32
        %add3A_564 = arith.constant 2 : i32
        %add3A_565 = arith.addi %add3A_563, %add3A_564 : i32
        %get3A_566 = arith.index_cast %add3A_565 : i32 to index
        %get3A_567 = memref.load %arg11[%get3A_566] : memref<256xi32, #tpu.memory_space<smem>>
        %mul3A_568 = arith.constant 32 : i32
        %mul3A_569 = arith.muli %mul3A_496, %mul3A_568 : i32
        %add3A_570 = arith.addi %mul3A_569, %mul3A_546 : i32
        %add3A_571 = arith.constant 3 : i32
        %add3A_572 = arith.addi %add3A_570, %add3A_571 : i32
        %get3A_573 = arith.index_cast %add3A_572 : i32 to index
        %get3A_574 = memref.load %arg11[%get3A_573] : memref<256xi32, #tpu.memory_space<smem>>
        %scan3A_575 = arith.constant 0 : i32
        %scan3A_576 = arith.constant 4 : i32
        %scan3A_577 = arith.addi %scan3A_575, %scan3A_576 : i32
        %scan3A_578 = arith.constant 1 : i32
        %scan3A_579:4 = scf.for %scan3A_622 = %scan3A_575 to %scan3A_577 step %scan3A_578 iter_args(%scan3A_623 = %broadcast_in_dim3A_3, %scan3A_624 = %broadcast_in_dim3A_3, %scan3A_625 = %broadcast_in_dim3A_3, %scan3A_626 = %broadcast_in_dim3A_3) -> (vector<16xf32>, vector<16xf32>, vector<16xf32>, vector<16xf32>)  : i32 {
          %mul3A_627 = arith.constant 256 : i32
          %mul3A_628 = arith.muli %scan3A_622, %mul3A_627 : i32
          %add3A_629 = arith.constant 0 : i32
          %add3A_630 = arith.addi %mul3A_628, %add3A_629 : i32
          %add3A_631 = arith.constant 0 : i32
          %add3A_632 = arith.addi %mul3A_546, %add3A_631 : i32
          %get3A_633 = arith.index_cast %add3A_632 : i32 to index
          %get3A_634 = arith.index_cast %add3A_630 : i32 to index
          %get3A_635 = tpu.vector_load %arg7[%get3A_633, %get3A_634] {strides = array<i32>} : memref<32x1024xf32, #tpu.memory_space<vmem>>, vector<1x16xf32>,
          %get3A_636 = vector.shape_cast %get3A_635 : vector<1x16xf32> to vector<16xf32>
          %add3A_637 = arith.constant 1 : i32
          %add3A_638 = arith.addi %mul3A_546, %add3A_637 : i32
          %get3A_639 = arith.index_cast %add3A_638 : i32 to index
          %get3A_640 = arith.index_cast %add3A_630 : i32 to index
          %get3A_641 = tpu.vector_load %arg7[%get3A_639, %get3A_640] {strides = array<i32>} : memref<32x1024xf32, #tpu.memory_space<vmem>>, vector<1x16xf32>,
          %get3A_642 = vector.shape_cast %get3A_641 : vector<1x16xf32> to vector<16xf32>
          %add3A_643 = arith.constant 2 : i32
          %add3A_644 = arith.addi %mul3A_546, %add3A_643 : i32
          %get3A_645 = arith.index_cast %add3A_644 : i32 to index
          %get3A_646 = arith.index_cast %add3A_630 : i32 to index
          %get3A_647 = tpu.vector_load %arg7[%get3A_645, %get3A_646] {strides = array<i32>} : memref<32x1024xf32, #tpu.memory_space<vmem>>, vector<1x16xf32>,
          %get3A_648 = vector.shape_cast %get3A_647 : vector<1x16xf32> to vector<16xf32>
          %add3A_649 = arith.constant 3 : i32
          %add3A_650 = arith.addi %mul3A_546, %add3A_649 : i32
          %get3A_651 = arith.index_cast %add3A_650 : i32 to index
          %get3A_652 = arith.index_cast %add3A_630 : i32 to index
          %get3A_653 = tpu.vector_load %arg7[%get3A_651, %get3A_652] {strides = array<i32>} : memref<32x1024xf32, #tpu.memory_space<vmem>>, vector<1x16xf32>,
          %get3A_654 = vector.shape_cast %get3A_653 : vector<1x16xf32> to vector<16xf32>
          %swap3A_655 = arith.index_cast %get3A_553 : i32 to index
          %swap3A_656 = arith.index_cast %add3A_630 : i32 to index
          %swap3A_657 = tpu.vector_load %arg12[%swap3A_655, %swap3A_656] {strides = array<i32>} : memref<16x1024xf32, #tpu.memory_space<vmem>>, vector<1x16xf32>,
          %swap3A_658 = vector.shape_cast %swap3A_657 : vector<1x16xf32> to vector<16xf32>
          %swap3A_659 = vector.shape_cast %get3A_636 : vector<16xf32> to vector<1x16xf32>
          tpu.vector_store %arg12[%swap3A_655, %swap3A_656], %swap3A_659 {add = true, strides = array<i32>} : memref<16x1024xf32, #tpu.memory_space<vmem>>, vector<1x16xf32>,
          %swap3A_660 = arith.index_cast %get3A_560 : i32 to index
          %swap3A_661 = arith.index_cast %add3A_630 : i32 to index
          %swap3A_662 = tpu.vector_load %arg12[%swap3A_660, %swap3A_661] {strides = array<i32>} : memref<16x1024xf32, #tpu.memory_space<vmem>>, vector<1x16xf32>,
          %swap3A_663 = vector.shape_cast %swap3A_662 : vector<1x16xf32> to vector<16xf32>
          %swap3A_664 = vector.shape_cast %get3A_642 : vector<16xf32> to vector<1x16xf32>
          tpu.vector_store %arg12[%swap3A_660, %swap3A_661], %swap3A_664 {add = true, strides = array<i32>} : memref<16x1024xf32, #tpu.memory_space<vmem>>, vector<1x16xf32>,
          %swap3A_665 = arith.index_cast %get3A_567 : i32 to index
          %swap3A_666 = arith.index_cast %add3A_630 : i32 to index
          %swap3A_667 = tpu.vector_load %arg12[%swap3A_665, %swap3A_666] {strides = array<i32>} : memref<16x1024xf32, #tpu.memory_space<vmem>>, vector<1x16xf32>,
          %swap3A_668 = vector.shape_cast %swap3A_667 : vector<1x16xf32> to vector<16xf32>
          %swap3A_669 = vector.shape_cast %get3A_648 : vector<16xf32> to vector<1x16xf32>
          tpu.vector_store %arg12[%swap3A_665, %swap3A_666], %swap3A_669 {add = true, strides = array<i32>} : memref<16x1024xf32, #tpu.memory_space<vmem>>, vector<1x16xf32>,
          %swap3A_670 = arith.index_cast %get3A_574 : i32 to index
          %swap3A_671 = arith.index_cast %add3A_630 : i32 to index
          %swap3A_672 = tpu.vector_load %arg12[%swap3A_670, %swap3A_671] {strides = array<i32>} : memref<16x1024xf32, #tpu.memory_space<vmem>>, vector<1x16xf32>,
          %swap3A_673 = vector.shape_cast %swap3A_672 : vector<1x16xf32> to vector<16xf32>
          %swap3A_674 = vector.shape_cast %get3A_654 : vector<16xf32> to vector<1x16xf32>
          tpu.vector_store %arg12[%swap3A_670, %swap3A_671], %swap3A_674 {add = true, strides = array<i32>} : memref<16x1024xf32, #tpu.memory_space<vmem>>, vector<1x16xf32>,
          %mul3A_675 = arith.mulf %get3A_636, %get3A_636 : vector<16xf32>
          %add3A_676 = arith.addf %scan3A_623, %mul3A_675 : vector<16xf32>
          %mul3A_677 = arith.mulf %get3A_642, %get3A_642 : vector<16xf32>
          %add3A_678 = arith.addf %scan3A_624, %mul3A_677 : vector<16xf32>
          %mul3A_679 = arith.mulf %get3A_648, %get3A_648 : vector<16xf32>
          %add3A_680 = arith.addf %scan3A_625, %mul3A_679 : vector<16xf32>
          %mul3A_681 = arith.mulf %get3A_654, %get3A_654 : vector<16xf32>
          %add3A_682 = arith.addf %scan3A_626, %mul3A_681 : vector<16xf32>
          %add3A_683 = arith.constant 16 : i32
          %add3A_684 = arith.addi %mul3A_628, %add3A_683 : i32
          %add3A_685 = arith.constant 0 : i32
          %add3A_686 = arith.addi %mul3A_546, %add3A_685 : i32
          %get3A_687 = arith.index_cast %add3A_686 : i32 to index
          %get3A_688 = arith.index_cast %add3A_684 : i32 to index
          %get3A_689 = tpu.vector_load %arg7[%get3A_687, %get3A_688] {strides = array<i32>} : memref<32x1024xf32, #tpu.memory_space<vmem>>, vector<1x16xf32>,
          %get3A_690 = vector.shape_cast %get3A_689 : vector<1x16xf32> to vector<16xf32>
          %add3A_691 = arith.constant 1 : i32
          %add3A_692 = arith.addi %mul3A_546, %add3A_691 : i32
          %get3A_693 = arith.index_cast %add3A_692 : i32 to index
          %get3A_694 = arith.index_cast %add3A_684 : i32 to index
          %get3A_695 = tpu.vector_load %arg7[%get3A_693, %get3A_694] {strides = array<i32>} : memref<32x1024xf32, #tpu.memory_space<vmem>>, vector<1x16xf32>,
          %get3A_696 = vector.shape_cast %get3A_695 : vector<1x16xf32> to vector<16xf32>
          %add3A_697 = arith.constant 2 : i32
          %add3A_698 = arith.addi %mul3A_546, %add3A_697 : i32
          %get3A_699 = arith.index_cast %add3A_698 : i32 to index
          %get3A_700 = arith.index_cast %add3A_684 : i32 to index
          %get3A_701 = tpu.vector_load %arg7[%get3A_699, %get3A_700] {strides = array<i32>} : memref<32x1024xf32, #tpu.memory_space<vmem>>, vector<1x16xf32>,
          %get3A_702 = vector.shape_cast %get3A_701 : vector<1x16xf32> to vector<16xf32>
          %add3A_703 = arith.constant 3 : i32
          %add3A_704 = arith.addi %mul3A_546, %add3A_703 : i32
          %get3A_705 = arith.index_cast %add3A_704 : i32 to index
          %get3A_706 = arith.index_cast %add3A_684 : i32 to index
          %get3A_707 = tpu.vector_load %arg7[%get3A_705, %get3A_706] {strides = array<i32>} : memref<32x1024xf32, #tpu.memory_space<vmem>>, vector<1x16xf32>,
          %get3A_708 = vector.shape_cast %get3A_707 : vector<1x16xf32> to vector<16xf32>
          %swap3A_709 = arith.index_cast %get3A_553 : i32 to index
          %swap3A_710 = arith.index_cast %add3A_684 : i32 to index
          %swap3A_711 = tpu.vector_load %arg12[%swap3A_709, %swap3A_710] {strides = array<i32>} : memref<16x1024xf32, #tpu.memory_space<vmem>>, vector<1x16xf32>,
          %swap3A_712 = vector.shape_cast %swap3A_711 : vector<1x16xf32> to vector<16xf32>
          %swap3A_713 = vector.shape_cast %get3A_690 : vector<16xf32> to vector<1x16xf32>
          tpu.vector_store %arg12[%swap3A_709, %swap3A_710], %swap3A_713 {add = true, strides = array<i32>} : memref<16x1024xf32, #tpu.memory_space<vmem>>, vector<1x16xf32>,
          %swap3A_714 = arith.index_cast %get3A_560 : i32 to index
          %swap3A_715 = arith.index_cast %add3A_684 : i32 to index
          %swap3A_716 = tpu.vector_load %arg12[%swap3A_714, %swap3A_715] {strides = array<i32>} : memref<16x1024xf32, #tpu.memory_space<vmem>>, vector<1x16xf32>,
          %swap3A_717 = vector.shape_cast %swap3A_716 : vector<1x16xf32> to vector<16xf32>
          %swap3A_718 = vector.shape_cast %get3A_696 : vector<16xf32> to vector<1x16xf32>
          tpu.vector_store %arg12[%swap3A_714, %swap3A_715], %swap3A_718 {add = true, strides = array<i32>} : memref<16x1024xf32, #tpu.memory_space<vmem>>, vector<1x16xf32>,
          %swap3A_719 = arith.index_cast %get3A_567 : i32 to index
          %swap3A_720 = arith.index_cast %add3A_684 : i32 to index
          %swap3A_721 = tpu.vector_load %arg12[%swap3A_719, %swap3A_720] {strides = array<i32>} : memref<16x1024xf32, #tpu.memory_space<vmem>>, vector<1x16xf32>,
          %swap3A_722 = vector.shape_cast %swap3A_721 : vector<1x16xf32> to vector<16xf32>
          %swap3A_723 = vector.shape_cast %get3A_702 : vector<16xf32> to vector<1x16xf32>
          tpu.vector_store %arg12[%swap3A_719, %swap3A_720], %swap3A_723 {add = true, strides = array<i32>} : memref<16x1024xf32, #tpu.memory_space<vmem>>, vector<1x16xf32>,
          %swap3A_724 = arith.index_cast %get3A_574 : i32 to index
          %swap3A_725 = arith.index_cast %add3A_684 : i32 to index
          %swap3A_726 = tpu.vector_load %arg12[%swap3A_724, %swap3A_725] {strides = array<i32>} : memref<16x1024xf32, #tpu.memory_space<vmem>>, vector<1x16xf32>,
          %swap3A_727 = vector.shape_cast %swap3A_726 : vector<1x16xf32> to vector<16xf32>
          %swap3A_728 = vector.shape_cast %get3A_708 : vector<16xf32> to vector<1x16xf32>
          tpu.vector_store %arg12[%swap3A_724, %swap3A_725], %swap3A_728 {add = true, strides = array<i32>} : memref<16x1024xf32, #tpu.memory_space<vmem>>, vector<1x16xf32>,
          %mul3A_729 = arith.mulf %get3A_690, %get3A_690 : vector<16xf32>
          %add3A_730 = arith.addf %add3A_676, %mul3A_729 : vector<16xf32>
          %mul3A_731 = arith.mulf %get3A_696, %get3A_696 : vector<16xf32>
          %add3A_732 = arith.addf %add3A_678, %mul3A_731 : vector<16xf32>
          %mul3A_733 = arith.mulf %get3A_702, %get3A_702 : vector<16xf32>
          %add3A_734 = arith.addf %add3A_680, %mul3A_733 : vector<16xf32>
          %mul3A_735 = arith.mulf %get3A_708, %get3A_708 : vector<16xf32>
          %add3A_736 = arith.addf %add3A_682, %mul3A_735 : vector<16xf32>
          %add3A_737 = arith.constant 32 : i32
          %add3A_738 = arith.addi %mul3A_628, %add3A_737 : i32
          %add3A_739 = arith.constant 0 : i32
          %add3A_740 = arith.addi %mul3A_546, %add3A_739 : i32
          %get3A_741 = arith.index_cast %add3A_740 : i32 to index
          %get3A_742 = arith.index_cast %add3A_738 : i32 to index
          %get3A_743 = tpu.vector_load %arg7[%get3A_741, %get3A_742] {strides = array<i32>} : memref<32x1024xf32, #tpu.memory_space<vmem>>, vector<1x16xf32>,
          %get3A_744 = vector.shape_cast %get3A_743 : vector<1x16xf32> to vector<16xf32>
          %add3A_745 = arith.constant 1 : i32
          %add3A_746 = arith.addi %mul3A_546, %add3A_745 : i32
          %get3A_747 = arith.index_cast %add3A_746 : i32 to index
          %get3A_748 = arith.index_cast %add3A_738 : i32 to index
          %get3A_749 = tpu.vector_load %arg7[%get3A_747, %get3A_748] {strides = array<i32>} : memref<32x1024xf32, #tpu.memory_space<vmem>>, vector<1x16xf32>,
          %get3A_750 = vector.shape_cast %get3A_749 : vector<1x16xf32> to vector<16xf32>
          %add3A_751 = arith.constant 2 : i32
          %add3A_752 = arith.addi %mul3A_546, %add3A_751 : i32
          %get3A_753 = arith.index_cast %add3A_752 : i32 to index
          %get3A_754 = arith.index_cast %add3A_738 : i32 to index
          %get3A_755 = tpu.vector_load %arg7[%get3A_753, %get3A_754] {strides = array<i32>} : memref<32x1024xf32, #tpu.memory_space<vmem>>, vector<1x16xf32>,
          %get3A_756 = vector.shape_cast %get3A_755 : vector<1x16xf32> to vector<16xf32>
          %add3A_757 = arith.constant 3 : i32
          %add3A_758 = arith.addi %mul3A_546, %add3A_757 : i32
          %get3A_759 = arith.index_cast %add3A_758 : i32 to index
          %get3A_760 = arith.index_cast %add3A_738 : i32 to index
          %get3A_761 = tpu.vector_load %arg7[%get3A_759, %get3A_760] {strides = array<i32>} : memref<32x1024xf32, #tpu.memory_space<vmem>>, vector<1x16xf32>,
          %get3A_762 = vector.shape_cast %get3A_761 : vector<1x16xf32> to vector<16xf32>
          %swap3A_763 = arith.index_cast %get3A_553 : i32 to index
          %swap3A_764 = arith.index_cast %add3A_738 : i32 to index
          %swap3A_765 = tpu.vector_load %arg12[%swap3A_763, %swap3A_764] {strides = array<i32>} : memref<16x1024xf32, #tpu.memory_space<vmem>>, vector<1x16xf32>,
          %swap3A_766 = vector.shape_cast %swap3A_765 : vector<1x16xf32> to vector<16xf32>
          %swap3A_767 = vector.shape_cast %get3A_744 : vector<16xf32> to vector<1x16xf32>
          tpu.vector_store %arg12[%swap3A_763, %swap3A_764], %swap3A_767 {add = true, strides = array<i32>} : memref<16x1024xf32, #tpu.memory_space<vmem>>, vector<1x16xf32>,
          %swap3A_768 = arith.index_cast %get3A_560 : i32 to index
          %swap3A_769 = arith.index_cast %add3A_738 : i32 to index
          %swap3A_770 = tpu.vector_load %arg12[%swap3A_768, %swap3A_769] {strides = array<i32>} : memref<16x1024xf32, #tpu.memory_space<vmem>>, vector<1x16xf32>,
          %swap3A_771 = vector.shape_cast %swap3A_770 : vector<1x16xf32> to vector<16xf32>
          %swap3A_772 = vector.shape_cast %get3A_750 : vector<16xf32> to vector<1x16xf32>
          tpu.vector_store %arg12[%swap3A_768, %swap3A_769], %swap3A_772 {add = true, strides = array<i32>} : memref<16x1024xf32, #tpu.memory_space<vmem>>, vector<1x16xf32>,
          %swap3A_773 = arith.index_cast %get3A_567 : i32 to index
          %swap3A_774 = arith.index_cast %add3A_738 : i32 to index
          %swap3A_775 = tpu.vector_load %arg12[%swap3A_773, %swap3A_774] {strides = array<i32>} : memref<16x1024xf32, #tpu.memory_space<vmem>>, vector<1x16xf32>,
          %swap3A_776 = vector.shape_cast %swap3A_775 : vector<1x16xf32> to vector<16xf32>
          %swap3A_777 = vector.shape_cast %get3A_756 : vector<16xf32> to vector<1x16xf32>
          tpu.vector_store %arg12[%swap3A_773, %swap3A_774], %swap3A_777 {add = true, strides = array<i32>} : memref<16x1024xf32, #tpu.memory_space<vmem>>, vector<1x16xf32>,
          %swap3A_778 = arith.index_cast %get3A_574 : i32 to index
          %swap3A_779 = arith.index_cast %add3A_738 : i32 to index
          %swap3A_780 = tpu.vector_load %arg12[%swap3A_778, %swap3A_779] {strides = array<i32>} : memref<16x1024xf32, #tpu.memory_space<vmem>>, vector<1x16xf32>,
          %swap3A_781 = vector.shape_cast %swap3A_780 : vector<1x16xf32> to vector<16xf32>
          %swap3A_782 = vector.shape_cast %get3A_762 : vector<16xf32> to vector<1x16xf32>
          tpu.vector_store %arg12[%swap3A_778, %swap3A_779], %swap3A_782 {add = true, strides = array<i32>} : memref<16x1024xf32, #tpu.memory_space<vmem>>, vector<1x16xf32>,
          %mul3A_783 = arith.mulf %get3A_744, %get3A_744 : vector<16xf32>
          %add3A_784 = arith.addf %add3A_730, %mul3A_783 : vector<16xf32>
          %mul3A_785 = arith.mulf %get3A_750, %get3A_750 : vector<16xf32>
          %add3A_786 = arith.addf %add3A_732, %mul3A_785 : vector<16xf32>
          %mul3A_787 = arith.mulf %get3A_756, %get3A_756 : vector<16xf32>
          %add3A_788 = arith.addf %add3A_734, %mul3A_787 : vector<16xf32>
          %mul3A_789 = arith.mulf %get3A_762, %get3A_762 : vector<16xf32>
          %add3A_790 = arith.addf %add3A_736, %mul3A_789 : vector<16xf32>
          %add3A_791 = arith.constant 48 : i32
          %add3A_792 = arith.addi %mul3A_628, %add3A_791 : i32
          %add3A_793 = arith.constant 0 : i32
          %add3A_794 = arith.addi %mul3A_546, %add3A_793 : i32
          %get3A_795 = arith.index_cast %add3A_794 : i32 to index
          %get3A_796 = arith.index_cast %add3A_792 : i32 to index
          %get3A_797 = tpu.vector_load %arg7[%get3A_795, %get3A_796] {strides = array<i32>} : memref<32x1024xf32, #tpu.memory_space<vmem>>, vector<1x16xf32>,
          %get3A_798 = vector.shape_cast %get3A_797 : vector<1x16xf32> to vector<16xf32>
          %add3A_799 = arith.constant 1 : i32
          %add3A_800 = arith.addi %mul3A_546, %add3A_799 : i32
          %get3A_801 = arith.index_cast %add3A_800 : i32 to index
          %get3A_802 = arith.index_cast %add3A_792 : i32 to index
          %get3A_803 = tpu.vector_load %arg7[%get3A_801, %get3A_802] {strides = array<i32>} : memref<32x1024xf32, #tpu.memory_space<vmem>>, vector<1x16xf32>,
          %get3A_804 = vector.shape_cast %get3A_803 : vector<1x16xf32> to vector<16xf32>
          %add3A_805 = arith.constant 2 : i32
          %add3A_806 = arith.addi %mul3A_546, %add3A_805 : i32
          %get3A_807 = arith.index_cast %add3A_806 : i32 to index
          %get3A_808 = arith.index_cast %add3A_792 : i32 to index
          %get3A_809 = tpu.vector_load %arg7[%get3A_807, %get3A_808] {strides = array<i32>} : memref<32x1024xf32, #tpu.memory_space<vmem>>, vector<1x16xf32>,
          %get3A_810 = vector.shape_cast %get3A_809 : vector<1x16xf32> to vector<16xf32>
          %add3A_811 = arith.constant 3 : i32
          %add3A_812 = arith.addi %mul3A_546, %add3A_811 : i32
          %get3A_813 = arith.index_cast %add3A_812 : i32 to index
          %get3A_814 = arith.index_cast %add3A_792 : i32 to index
          %get3A_815 = tpu.vector_load %arg7[%get3A_813, %get3A_814] {strides = array<i32>} : memref<32x1024xf32, #tpu.memory_space<vmem>>, vector<1x16xf32>,
          %get3A_816 = vector.shape_cast %get3A_815 : vector<1x16xf32> to vector<16xf32>
          %swap3A_817 = arith.index_cast %get3A_553 : i32 to index
          %swap3A_818 = arith.index_cast %add3A_792 : i32 to index
          %swap3A_819 = tpu.vector_load %arg12[%swap3A_817, %swap3A_818] {strides = array<i32>} : memref<16x1024xf32, #tpu.memory_space<vmem>>, vector<1x16xf32>,
          %swap3A_820 = vector.shape_cast %swap3A_819 : vector<1x16xf32> to vector<16xf32>
          %swap3A_821 = vector.shape_cast %get3A_798 : vector<16xf32> to vector<1x16xf32>
          tpu.vector_store %arg12[%swap3A_817, %swap3A_818], %swap3A_821 {add = true, strides = array<i32>} : memref<16x1024xf32, #tpu.memory_space<vmem>>, vector<1x16xf32>,
          %swap3A_822 = arith.index_cast %get3A_560 : i32 to index
          %swap3A_823 = arith.index_cast %add3A_792 : i32 to index
          %swap3A_824 = tpu.vector_load %arg12[%swap3A_822, %swap3A_823] {strides = array<i32>} : memref<16x1024xf32, #tpu.memory_space<vmem>>, vector<1x16xf32>,
          %swap3A_825 = vector.shape_cast %swap3A_824 : vector<1x16xf32> to vector<16xf32>
          %swap3A_826 = vector.shape_cast %get3A_804 : vector<16xf32> to vector<1x16xf32>
          tpu.vector_store %arg12[%swap3A_822, %swap3A_823], %swap3A_826 {add = true, strides = array<i32>} : memref<16x1024xf32, #tpu.memory_space<vmem>>, vector<1x16xf32>,
          %swap3A_827 = arith.index_cast %get3A_567 : i32 to index
          %swap3A_828 = arith.index_cast %add3A_792 : i32 to index
          %swap3A_829 = tpu.vector_load %arg12[%swap3A_827, %swap3A_828] {strides = array<i32>} : memref<16x1024xf32, #tpu.memory_space<vmem>>, vector<1x16xf32>,
          %swap3A_830 = vector.shape_cast %swap3A_829 : vector<1x16xf32> to vector<16xf32>
          %swap3A_831 = vector.shape_cast %get3A_810 : vector<16xf32> to vector<1x16xf32>
          tpu.vector_store %arg12[%swap3A_827, %swap3A_828], %swap3A_831 {add = true, strides = array<i32>} : memref<16x1024xf32, #tpu.memory_space<vmem>>, vector<1x16xf32>,
          %swap3A_832 = arith.index_cast %get3A_574 : i32 to index
          %swap3A_833 = arith.index_cast %add3A_792 : i32 to index
          %swap3A_834 = tpu.vector_load %arg12[%swap3A_832, %swap3A_833] {strides = array<i32>} : memref<16x1024xf32, #tpu.memory_space<vmem>>, vector<1x16xf32>,
          %swap3A_835 = vector.shape_cast %swap3A_834 : vector<1x16xf32> to vector<16xf32>
          %swap3A_836 = vector.shape_cast %get3A_816 : vector<16xf32> to vector<1x16xf32>
          tpu.vector_store %arg12[%swap3A_832, %swap3A_833], %swap3A_836 {add = true, strides = array<i32>} : memref<16x1024xf32, #tpu.memory_space<vmem>>, vector<1x16xf32>,
          %mul3A_837 = arith.mulf %get3A_798, %get3A_798 : vector<16xf32>
          %add3A_838 = arith.addf %add3A_784, %mul3A_837 : vector<16xf32>
          %mul3A_839 = arith.mulf %get3A_804, %get3A_804 : vector<16xf32>
          %add3A_840 = arith.addf %add3A_786, %mul3A_839 : vector<16xf32>
          %mul3A_841 = arith.mulf %get3A_810, %get3A_810 : vector<16xf32>
          %add3A_842 = arith.addf %add3A_788, %mul3A_841 : vector<16xf32>
          %mul3A_843 = arith.mulf %get3A_816, %get3A_816 : vector<16xf32>
          %add3A_844 = arith.addf %add3A_790, %mul3A_843 : vector<16xf32>
          %add3A_845 = arith.constant 64 : i32
          %add3A_846 = arith.addi %mul3A_628, %add3A_845 : i32
          %add3A_847 = arith.constant 0 : i32
          %add3A_848 = arith.addi %mul3A_546, %add3A_847 : i32
          %get3A_849 = arith.index_cast %add3A_848 : i32 to index
          %get3A_850 = arith.index_cast %add3A_846 : i32 to index
          %get3A_851 = tpu.vector_load %arg7[%get3A_849, %get3A_850] {strides = array<i32>} : memref<32x1024xf32, #tpu.memory_space<vmem>>, vector<1x16xf32>,
          %get3A_852 = vector.shape_cast %get3A_851 : vector<1x16xf32> to vector<16xf32>
          %add3A_853 = arith.constant 1 : i32
          %add3A_854 = arith.addi %mul3A_546, %add3A_853 : i32
          %get3A_855 = arith.index_cast %add3A_854 : i32 to index
          %get3A_856 = arith.index_cast %add3A_846 : i32 to index
          %get3A_857 = tpu.vector_load %arg7[%get3A_855, %get3A_856] {strides = array<i32>} : memref<32x1024xf32, #tpu.memory_space<vmem>>, vector<1x16xf32>,
          %get3A_858 = vector.shape_cast %get3A_857 : vector<1x16xf32> to vector<16xf32>
          %add3A_859 = arith.constant 2 : i32
          %add3A_860 = arith.addi %mul3A_546, %add3A_859 : i32
          %get3A_861 = arith.index_cast %add3A_860 : i32 to index
          %get3A_862 = arith.index_cast %add3A_846 : i32 to index
          %get3A_863 = tpu.vector_load %arg7[%get3A_861, %get3A_862] {strides = array<i32>} : memref<32x1024xf32, #tpu.memory_space<vmem>>, vector<1x16xf32>,
          %get3A_864 = vector.shape_cast %get3A_863 : vector<1x16xf32> to vector<16xf32>
          %add3A_865 = arith.constant 3 : i32
          %add3A_866 = arith.addi %mul3A_546, %add3A_865 : i32
          %get3A_867 = arith.index_cast %add3A_866 : i32 to index
          %get3A_868 = arith.index_cast %add3A_846 : i32 to index
          %get3A_869 = tpu.vector_load %arg7[%get3A_867, %get3A_868] {strides = array<i32>} : memref<32x1024xf32, #tpu.memory_space<vmem>>, vector<1x16xf32>,
          %get3A_870 = vector.shape_cast %get3A_869 : vector<1x16xf32> to vector<16xf32>
          %swap3A_871 = arith.index_cast %get3A_553 : i32 to index
          %swap3A_872 = arith.index_cast %add3A_846 : i32 to index
          %swap3A_873 = tpu.vector_load %arg12[%swap3A_871, %swap3A_872] {strides = array<i32>} : memref<16x1024xf32, #tpu.memory_space<vmem>>, vector<1x16xf32>,
          %swap3A_874 = vector.shape_cast %swap3A_873 : vector<1x16xf32> to vector<16xf32>
          %swap3A_875 = vector.shape_cast %get3A_852 : vector<16xf32> to vector<1x16xf32>
          tpu.vector_store %arg12[%swap3A_871, %swap3A_872], %swap3A_875 {add = true, strides = array<i32>} : memref<16x1024xf32, #tpu.memory_space<vmem>>, vector<1x16xf32>,
          %swap3A_876 = arith.index_cast %get3A_560 : i32 to index
          %swap3A_877 = arith.index_cast %add3A_846 : i32 to index
          %swap3A_878 = tpu.vector_load %arg12[%swap3A_876, %swap3A_877] {strides = array<i32>} : memref<16x1024xf32, #tpu.memory_space<vmem>>, vector<1x16xf32>,
          %swap3A_879 = vector.shape_cast %swap3A_878 : vector<1x16xf32> to vector<16xf32>
          %swap3A_880 = vector.shape_cast %get3A_858 : vector<16xf32> to vector<1x16xf32>
          tpu.vector_store %arg12[%swap3A_876, %swap3A_877], %swap3A_880 {add = true, strides = array<i32>} : memref<16x1024xf32, #tpu.memory_space<vmem>>, vector<1x16xf32>,
          %swap3A_881 = arith.index_cast %get3A_567 : i32 to index
          %swap3A_882 = arith.index_cast %add3A_846 : i32 to index
          %swap3A_883 = tpu.vector_load %arg12[%swap3A_881, %swap3A_882] {strides = array<i32>} : memref<16x1024xf32, #tpu.memory_space<vmem>>, vector<1x16xf32>,
          %swap3A_884 = vector.shape_cast %swap3A_883 : vector<1x16xf32> to vector<16xf32>
          %swap3A_885 = vector.shape_cast %get3A_864 : vector<16xf32> to vector<1x16xf32>
          tpu.vector_store %arg12[%swap3A_881, %swap3A_882], %swap3A_885 {add = true, strides = array<i32>} : memref<16x1024xf32, #tpu.memory_space<vmem>>, vector<1x16xf32>,
          %swap3A_886 = arith.index_cast %get3A_574 : i32 to index
          %swap3A_887 = arith.index_cast %add3A_846 : i32 to index
          %swap3A_888 = tpu.vector_load %arg12[%swap3A_886, %swap3A_887] {strides = array<i32>} : memref<16x1024xf32, #tpu.memory_space<vmem>>, vector<1x16xf32>,
          %swap3A_889 = vector.shape_cast %swap3A_888 : vector<1x16xf32> to vector<16xf32>
          %swap3A_890 = vector.shape_cast %get3A_870 : vector<16xf32> to vector<1x16xf32>
          tpu.vector_store %arg12[%swap3A_886, %swap3A_887], %swap3A_890 {add = true, strides = array<i32>} : memref<16x1024xf32, #tpu.memory_space<vmem>>, vector<1x16xf32>,
          %mul3A_891 = arith.mulf %get3A_852, %get3A_852 : vector<16xf32>
          %add3A_892 = arith.addf %add3A_838, %mul3A_891 : vector<16xf32>
          %mul3A_893 = arith.mulf %get3A_858, %get3A_858 : vector<16xf32>
          %add3A_894 = arith.addf %add3A_840, %mul3A_893 : vector<16xf32>
          %mul3A_895 = arith.mulf %get3A_864, %get3A_864 : vector<16xf32>
          %add3A_896 = arith.addf %add3A_842, %mul3A_895 : vector<16xf32>
          %mul3A_897 = arith.mulf %get3A_870, %get3A_870 : vector<16xf32>
          %add3A_898 = arith.addf %add3A_844, %mul3A_897 : vector<16xf32>
          %add3A_899 = arith.constant 80 : i32
          %add3A_900 = arith.addi %mul3A_628, %add3A_899 : i32
          %add3A_901 = arith.constant 0 : i32
          %add3A_902 = arith.addi %mul3A_546, %add3A_901 : i32
          %get3A_903 = arith.index_cast %add3A_902 : i32 to index
          %get3A_904 = arith.index_cast %add3A_900 : i32 to index
          %get3A_905 = tpu.vector_load %arg7[%get3A_903, %get3A_904] {strides = array<i32>} : memref<32x1024xf32, #tpu.memory_space<vmem>>, vector<1x16xf32>,
          %get3A_906 = vector.shape_cast %get3A_905 : vector<1x16xf32> to vector<16xf32>
          %add3A_907 = arith.constant 1 : i32
          %add3A_908 = arith.addi %mul3A_546, %add3A_907 : i32
          %get3A_909 = arith.index_cast %add3A_908 : i32 to index
          %get3A_910 = arith.index_cast %add3A_900 : i32 to index
          %get3A_911 = tpu.vector_load %arg7[%get3A_909, %get3A_910] {strides = array<i32>} : memref<32x1024xf32, #tpu.memory_space<vmem>>, vector<1x16xf32>,
          %get3A_912 = vector.shape_cast %get3A_911 : vector<1x16xf32> to vector<16xf32>
          %add3A_913 = arith.constant 2 : i32
          %add3A_914 = arith.addi %mul3A_546, %add3A_913 : i32
          %get3A_915 = arith.index_cast %add3A_914 : i32 to index
          %get3A_916 = arith.index_cast %add3A_900 : i32 to index
          %get3A_917 = tpu.vector_load %arg7[%get3A_915, %get3A_916] {strides = array<i32>} : memref<32x1024xf32, #tpu.memory_space<vmem>>, vector<1x16xf32>,
          %get3A_918 = vector.shape_cast %get3A_917 : vector<1x16xf32> to vector<16xf32>
          %add3A_919 = arith.constant 3 : i32
          %add3A_920 = arith.addi %mul3A_546, %add3A_919 : i32
          %get3A_921 = arith.index_cast %add3A_920 : i32 to index
          %get3A_922 = arith.index_cast %add3A_900 : i32 to index
          %get3A_923 = tpu.vector_load %arg7[%get3A_921, %get3A_922] {strides = array<i32>} : memref<32x1024xf32, #tpu.memory_space<vmem>>, vector<1x16xf32>,
          %get3A_924 = vector.shape_cast %get3A_923 : vector<1x16xf32> to vector<16xf32>
          %swap3A_925 = arith.index_cast %get3A_553 : i32 to index
          %swap3A_926 = arith.index_cast %add3A_900 : i32 to index
          %swap3A_927 = tpu.vector_load %arg12[%swap3A_925, %swap3A_926] {strides = array<i32>} : memref<16x1024xf32, #tpu.memory_space<vmem>>, vector<1x16xf32>,
          %swap3A_928 = vector.shape_cast %swap3A_927 : vector<1x16xf32> to vector<16xf32>
          %swap3A_929 = vector.shape_cast %get3A_906 : vector<16xf32> to vector<1x16xf32>
          tpu.vector_store %arg12[%swap3A_925, %swap3A_926], %swap3A_929 {add = true, strides = array<i32>} : memref<16x1024xf32, #tpu.memory_space<vmem>>, vector<1x16xf32>,
          %swap3A_930 = arith.index_cast %get3A_560 : i32 to index
          %swap3A_931 = arith.index_cast %add3A_900 : i32 to index
          %swap3A_932 = tpu.vector_load %arg12[%swap3A_930, %swap3A_931] {strides = array<i32>} : memref<16x1024xf32, #tpu.memory_space<vmem>>, vector<1x16xf32>,
          %swap3A_933 = vector.shape_cast %swap3A_932 : vector<1x16xf32> to vector<16xf32>
          %swap3A_934 = vector.shape_cast %get3A_912 : vector<16xf32> to vector<1x16xf32>
          tpu.vector_store %arg12[%swap3A_930, %swap3A_931], %swap3A_934 {add = true, strides = array<i32>} : memref<16x1024xf32, #tpu.memory_space<vmem>>, vector<1x16xf32>,
          %swap3A_935 = arith.index_cast %get3A_567 : i32 to index
          %swap3A_936 = arith.index_cast %add3A_900 : i32 to index
          %swap3A_937 = tpu.vector_load %arg12[%swap3A_935, %swap3A_936] {strides = array<i32>} : memref<16x1024xf32, #tpu.memory_space<vmem>>, vector<1x16xf32>,
          %swap3A_938 = vector.shape_cast %swap3A_937 : vector<1x16xf32> to vector<16xf32>
          %swap3A_939 = vector.shape_cast %get3A_918 : vector<16xf32> to vector<1x16xf32>
          tpu.vector_store %arg12[%swap3A_935, %swap3A_936], %swap3A_939 {add = true, strides = array<i32>} : memref<16x1024xf32, #tpu.memory_space<vmem>>, vector<1x16xf32>,
          %swap3A_940 = arith.index_cast %get3A_574 : i32 to index
          %swap3A_941 = arith.index_cast %add3A_900 : i32 to index
          %swap3A_942 = tpu.vector_load %arg12[%swap3A_940, %swap3A_941] {strides = array<i32>} : memref<16x1024xf32, #tpu.memory_space<vmem>>, vector<1x16xf32>,
          %swap3A_943 = vector.shape_cast %swap3A_942 : vector<1x16xf32> to vector<16xf32>
          %swap3A_944 = vector.shape_cast %get3A_924 : vector<16xf32> to vector<1x16xf32>
          tpu.vector_store %arg12[%swap3A_940, %swap3A_941], %swap3A_944 {add = true, strides = array<i32>} : memref<16x1024xf32, #tpu.memory_space<vmem>>, vector<1x16xf32>,
          %mul3A_945 = arith.mulf %get3A_906, %get3A_906 : vector<16xf32>
          %add3A_946 = arith.addf %add3A_892, %mul3A_945 : vector<16xf32>
          %mul3A_947 = arith.mulf %get3A_912, %get3A_912 : vector<16xf32>
          %add3A_948 = arith.addf %add3A_894, %mul3A_947 : vector<16xf32>
          %mul3A_949 = arith.mulf %get3A_918, %get3A_918 : vector<16xf32>
          %add3A_950 = arith.addf %add3A_896, %mul3A_949 : vector<16xf32>
          %mul3A_951 = arith.mulf %get3A_924, %get3A_924 : vector<16xf32>
          %add3A_952 = arith.addf %add3A_898, %mul3A_951 : vector<16xf32>
          %add3A_953 = arith.constant 96 : i32
          %add3A_954 = arith.addi %mul3A_628, %add3A_953 : i32
          %add3A_955 = arith.constant 0 : i32
          %add3A_956 = arith.addi %mul3A_546, %add3A_955 : i32
          %get3A_957 = arith.index_cast %add3A_956 : i32 to index
          %get3A_958 = arith.index_cast %add3A_954 : i32 to index
          %get3A_959 = tpu.vector_load %arg7[%get3A_957, %get3A_958] {strides = array<i32>} : memref<32x1024xf32, #tpu.memory_space<vmem>>, vector<1x16xf32>,
          %get3A_960 = vector.shape_cast %get3A_959 : vector<1x16xf32> to vector<16xf32>
          %add3A_961 = arith.constant 1 : i32
          %add3A_962 = arith.addi %mul3A_546, %add3A_961 : i32
          %get3A_963 = arith.index_cast %add3A_962 : i32 to index
          %get3A_964 = arith.index_cast %add3A_954 : i32 to index
          %get3A_965 = tpu.vector_load %arg7[%get3A_963, %get3A_964] {strides = array<i32>} : memref<32x1024xf32, #tpu.memory_space<vmem>>, vector<1x16xf32>,
          %get3A_966 = vector.shape_cast %get3A_965 : vector<1x16xf32> to vector<16xf32>
          %add3A_967 = arith.constant 2 : i32
          %add3A_968 = arith.addi %mul3A_546, %add3A_967 : i32
          %get3A_969 = arith.index_cast %add3A_968 : i32 to index
          %get3A_970 = arith.index_cast %add3A_954 : i32 to index
          %get3A_971 = tpu.vector_load %arg7[%get3A_969, %get3A_970] {strides = array<i32>} : memref<32x1024xf32, #tpu.memory_space<vmem>>, vector<1x16xf32>,
          %get3A_972 = vector.shape_cast %get3A_971 : vector<1x16xf32> to vector<16xf32>
          %add3A_973 = arith.constant 3 : i32
          %add3A_974 = arith.addi %mul3A_546, %add3A_973 : i32
          %get3A_975 = arith.index_cast %add3A_974 : i32 to index
          %get3A_976 = arith.index_cast %add3A_954 : i32 to index
          %get3A_977 = tpu.vector_load %arg7[%get3A_975, %get3A_976] {strides = array<i32>} : memref<32x1024xf32, #tpu.memory_space<vmem>>, vector<1x16xf32>,
          %get3A_978 = vector.shape_cast %get3A_977 : vector<1x16xf32> to vector<16xf32>
          %swap3A_979 = arith.index_cast %get3A_553 : i32 to index
          %swap3A_980 = arith.index_cast %add3A_954 : i32 to index
          %swap3A_981 = tpu.vector_load %arg12[%swap3A_979, %swap3A_980] {strides = array<i32>} : memref<16x1024xf32, #tpu.memory_space<vmem>>, vector<1x16xf32>,
          %swap3A_982 = vector.shape_cast %swap3A_981 : vector<1x16xf32> to vector<16xf32>
          %swap3A_983 = vector.shape_cast %get3A_960 : vector<16xf32> to vector<1x16xf32>
          tpu.vector_store %arg12[%swap3A_979, %swap3A_980], %swap3A_983 {add = true, strides = array<i32>} : memref<16x1024xf32, #tpu.memory_space<vmem>>, vector<1x16xf32>,
          %swap3A_984 = arith.index_cast %get3A_560 : i32 to index
          %swap3A_985 = arith.index_cast %add3A_954 : i32 to index
          %swap3A_986 = tpu.vector_load %arg12[%swap3A_984, %swap3A_985] {strides = array<i32>} : memref<16x1024xf32, #tpu.memory_space<vmem>>, vector<1x16xf32>,
          %swap3A_987 = vector.shape_cast %swap3A_986 : vector<1x16xf32> to vector<16xf32>
          %swap3A_988 = vector.shape_cast %get3A_966 : vector<16xf32> to vector<1x16xf32>
          tpu.vector_store %arg12[%swap3A_984, %swap3A_985], %swap3A_988 {add = true, strides = array<i32>} : memref<16x1024xf32, #tpu.memory_space<vmem>>, vector<1x16xf32>,
          %swap3A_989 = arith.index_cast %get3A_567 : i32 to index
          %swap3A_990 = arith.index_cast %add3A_954 : i32 to index
          %swap3A_991 = tpu.vector_load %arg12[%swap3A_989, %swap3A_990] {strides = array<i32>} : memref<16x1024xf32, #tpu.memory_space<vmem>>, vector<1x16xf32>,
          %swap3A_992 = vector.shape_cast %swap3A_991 : vector<1x16xf32> to vector<16xf32>
          %swap3A_993 = vector.shape_cast %get3A_972 : vector<16xf32> to vector<1x16xf32>
          tpu.vector_store %arg12[%swap3A_989, %swap3A_990], %swap3A_993 {add = true, strides = array<i32>} : memref<16x1024xf32, #tpu.memory_space<vmem>>, vector<1x16xf32>,
          %swap3A_994 = arith.index_cast %get3A_574 : i32 to index
          %swap3A_995 = arith.index_cast %add3A_954 : i32 to index
          %swap3A_996 = tpu.vector_load %arg12[%swap3A_994, %swap3A_995] {strides = array<i32>} : memref<16x1024xf32, #tpu.memory_space<vmem>>, vector<1x16xf32>,
          %swap3A_997 = vector.shape_cast %swap3A_996 : vector<1x16xf32> to vector<16xf32>
          %swap3A_998 = vector.shape_cast %get3A_978 : vector<16xf32> to vector<1x16xf32>
          tpu.vector_store %arg12[%swap3A_994, %swap3A_995], %swap3A_998 {add = true, strides = array<i32>} : memref<16x1024xf32, #tpu.memory_space<vmem>>, vector<1x16xf32>,
          %mul3A_999 = arith.mulf %get3A_960, %get3A_960 : vector<16xf32>
          %add3A_1000 = arith.addf %add3A_946, %mul3A_999 : vector<16xf32>
          %mul3A_1001 = arith.mulf %get3A_966, %get3A_966 : vector<16xf32>
          %add3A_1002 = arith.addf %add3A_948, %mul3A_1001 : vector<16xf32>
          %mul3A_1003 = arith.mulf %get3A_972, %get3A_972 : vector<16xf32>
          %add3A_1004 = arith.addf %add3A_950, %mul3A_1003 : vector<16xf32>
          %mul3A_1005 = arith.mulf %get3A_978, %get3A_978 : vector<16xf32>
          %add3A_1006 = arith.addf %add3A_952, %mul3A_1005 : vector<16xf32>
          %add3A_1007 = arith.constant 112 : i32
          %add3A_1008 = arith.addi %mul3A_628, %add3A_1007 : i32
          %add3A_1009 = arith.constant 0 : i32
          %add3A_1010 = arith.addi %mul3A_546, %add3A_1009 : i32
          %get3A_1011 = arith.index_cast %add3A_1010 : i32 to index
          %get3A_1012 = arith.index_cast %add3A_1008 : i32 to index
          %get3A_1013 = tpu.vector_load %arg7[%get3A_1011, %get3A_1012] {strides = array<i32>} : memref<32x1024xf32, #tpu.memory_space<vmem>>, vector<1x16xf32>,
          %get3A_1014 = vector.shape_cast %get3A_1013 : vector<1x16xf32> to vector<16xf32>
          %add3A_1015 = arith.constant 1 : i32
          %add3A_1016 = arith.addi %mul3A_546, %add3A_1015 : i32
          %get3A_1017 = arith.index_cast %add3A_1016 : i32 to index
          %get3A_1018 = arith.index_cast %add3A_1008 : i32 to index
          %get3A_1019 = tpu.vector_load %arg7[%get3A_1017, %get3A_1018] {strides = array<i32>} : memref<32x1024xf32, #tpu.memory_space<vmem>>, vector<1x16xf32>,
          %get3A_1020 = vector.shape_cast %get3A_1019 : vector<1x16xf32> to vector<16xf32>
          %add3A_1021 = arith.constant 2 : i32
          %add3A_1022 = arith.addi %mul3A_546, %add3A_1021 : i32
          %get3A_1023 = arith.index_cast %add3A_1022 : i32 to index
          %get3A_1024 = arith.index_cast %add3A_1008 : i32 to index
          %get3A_1025 = tpu.vector_load %arg7[%get3A_1023, %get3A_1024] {strides = array<i32>} : memref<32x1024xf32, #tpu.memory_space<vmem>>, vector<1x16xf32>,
          %get3A_1026 = vector.shape_cast %get3A_1025 : vector<1x16xf32> to vector<16xf32>
          %add3A_1027 = arith.constant 3 : i32
          %add3A_1028 = arith.addi %mul3A_546, %add3A_1027 : i32
          %get3A_1029 = arith.index_cast %add3A_1028 : i32 to index
          %get3A_1030 = arith.index_cast %add3A_1008 : i32 to index
          %get3A_1031 = tpu.vector_load %arg7[%get3A_1029, %get3A_1030] {strides = array<i32>} : memref<32x1024xf32, #tpu.memory_space<vmem>>, vector<1x16xf32>,
          %get3A_1032 = vector.shape_cast %get3A_1031 : vector<1x16xf32> to vector<16xf32>
          %swap3A_1033 = arith.index_cast %get3A_553 : i32 to index
          %swap3A_1034 = arith.index_cast %add3A_1008 : i32 to index
          %swap3A_1035 = tpu.vector_load %arg12[%swap3A_1033, %swap3A_1034] {strides = array<i32>} : memref<16x1024xf32, #tpu.memory_space<vmem>>, vector<1x16xf32>,
          %swap3A_1036 = vector.shape_cast %swap3A_1035 : vector<1x16xf32> to vector<16xf32>
          %swap3A_1037 = vector.shape_cast %get3A_1014 : vector<16xf32> to vector<1x16xf32>
          tpu.vector_store %arg12[%swap3A_1033, %swap3A_1034], %swap3A_1037 {add = true, strides = array<i32>} : memref<16x1024xf32, #tpu.memory_space<vmem>>, vector<1x16xf32>,
          %swap3A_1038 = arith.index_cast %get3A_560 : i32 to index
          %swap3A_1039 = arith.index_cast %add3A_1008 : i32 to index
          %swap3A_1040 = tpu.vector_load %arg12[%swap3A_1038, %swap3A_1039] {strides = array<i32>} : memref<16x1024xf32, #tpu.memory_space<vmem>>, vector<1x16xf32>,
          %swap3A_1041 = vector.shape_cast %swap3A_1040 : vector<1x16xf32> to vector<16xf32>
          %swap3A_1042 = vector.shape_cast %get3A_1020 : vector<16xf32> to vector<1x16xf32>
          tpu.vector_store %arg12[%swap3A_1038, %swap3A_1039], %swap3A_1042 {add = true, strides = array<i32>} : memref<16x1024xf32, #tpu.memory_space<vmem>>, vector<1x16xf32>,
          %swap3A_1043 = arith.index_cast %get3A_567 : i32 to index
          %swap3A_1044 = arith.index_cast %add3A_1008 : i32 to index
          %swap3A_1045 = tpu.vector_load %arg12[%swap3A_1043, %swap3A_1044] {strides = array<i32>} : memref<16x1024xf32, #tpu.memory_space<vmem>>, vector<1x16xf32>,
          %swap3A_1046 = vector.shape_cast %swap3A_1045 : vector<1x16xf32> to vector<16xf32>
          %swap3A_1047 = vector.shape_cast %get3A_1026 : vector<16xf32> to vector<1x16xf32>
          tpu.vector_store %arg12[%swap3A_1043, %swap3A_1044], %swap3A_1047 {add = true, strides = array<i32>} : memref<16x1024xf32, #tpu.memory_space<vmem>>, vector<1x16xf32>,
          %swap3A_1048 = arith.index_cast %get3A_574 : i32 to index
          %swap3A_1049 = arith.index_cast %add3A_1008 : i32 to index
          %swap3A_1050 = tpu.vector_load %arg12[%swap3A_1048, %swap3A_1049] {strides = array<i32>} : memref<16x1024xf32, #tpu.memory_space<vmem>>, vector<1x16xf32>,
          %swap3A_1051 = vector.shape_cast %swap3A_1050 : vector<1x16xf32> to vector<16xf32>
          %swap3A_1052 = vector.shape_cast %get3A_1032 : vector<16xf32> to vector<1x16xf32>
          tpu.vector_store %arg12[%swap3A_1048, %swap3A_1049], %swap3A_1052 {add = true, strides = array<i32>} : memref<16x1024xf32, #tpu.memory_space<vmem>>, vector<1x16xf32>,
          %mul3A_1053 = arith.mulf %get3A_1014, %get3A_1014 : vector<16xf32>
          %add3A_1054 = arith.addf %add3A_1000, %mul3A_1053 : vector<16xf32>
          %mul3A_1055 = arith.mulf %get3A_1020, %get3A_1020 : vector<16xf32>
          %add3A_1056 = arith.addf %add3A_1002, %mul3A_1055 : vector<16xf32>
          %mul3A_1057 = arith.mulf %get3A_1026, %get3A_1026 : vector<16xf32>
          %add3A_1058 = arith.addf %add3A_1004, %mul3A_1057 : vector<16xf32>
          %mul3A_1059 = arith.mulf %get3A_1032, %get3A_1032 : vector<16xf32>
          %add3A_1060 = arith.addf %add3A_1006, %mul3A_1059 : vector<16xf32>
          %add3A_1061 = arith.constant 128 : i32
          %add3A_1062 = arith.addi %mul3A_628, %add3A_1061 : i32
          %add3A_1063 = arith.constant 0 : i32
          %add3A_1064 = arith.addi %mul3A_546, %add3A_1063 : i32
          %get3A_1065 = arith.index_cast %add3A_1064 : i32 to index
          %get3A_1066 = arith.index_cast %add3A_1062 : i32 to index
          %get3A_1067 = tpu.vector_load %arg7[%get3A_1065, %get3A_1066] {strides = array<i32>} : memref<32x1024xf32, #tpu.memory_space<vmem>>, vector<1x16xf32>,
          %get3A_1068 = vector.shape_cast %get3A_1067 : vector<1x16xf32> to vector<16xf32>
          %add3A_1069 = arith.constant 1 : i32
          %add3A_1070 = arith.addi %mul3A_546, %add3A_1069 : i32
          %get3A_1071 = arith.index_cast %add3A_1070 : i32 to index
          %get3A_1072 = arith.index_cast %add3A_1062 : i32 to index
          %get3A_1073 = tpu.vector_load %arg7[%get3A_1071, %get3A_1072] {strides = array<i32>} : memref<32x1024xf32, #tpu.memory_space<vmem>>, vector<1x16xf32>,
          %get3A_1074 = vector.shape_cast %get3A_1073 : vector<1x16xf32> to vector<16xf32>
          %add3A_1075 = arith.constant 2 : i32
          %add3A_1076 = arith.addi %mul3A_546, %add3A_1075 : i32
          %get3A_1077 = arith.index_cast %add3A_1076 : i32 to index
          %get3A_1078 = arith.index_cast %add3A_1062 : i32 to index
          %get3A_1079 = tpu.vector_load %arg7[%get3A_1077, %get3A_1078] {strides = array<i32>} : memref<32x1024xf32, #tpu.memory_space<vmem>>, vector<1x16xf32>,
          %get3A_1080 = vector.shape_cast %get3A_1079 : vector<1x16xf32> to vector<16xf32>
          %add3A_1081 = arith.constant 3 : i32
          %add3A_1082 = arith.addi %mul3A_546, %add3A_1081 : i32
          %get3A_1083 = arith.index_cast %add3A_1082 : i32 to index
          %get3A_1084 = arith.index_cast %add3A_1062 : i32 to index
          %get3A_1085 = tpu.vector_load %arg7[%get3A_1083, %get3A_1084] {strides = array<i32>} : memref<32x1024xf32, #tpu.memory_space<vmem>>, vector<1x16xf32>,
          %get3A_1086 = vector.shape_cast %get3A_1085 : vector<1x16xf32> to vector<16xf32>
          %swap3A_1087 = arith.index_cast %get3A_553 : i32 to index
          %swap3A_1088 = arith.index_cast %add3A_1062 : i32 to index
          %swap3A_1089 = tpu.vector_load %arg12[%swap3A_1087, %swap3A_1088] {strides = array<i32>} : memref<16x1024xf32, #tpu.memory_space<vmem>>, vector<1x16xf32>,
          %swap3A_1090 = vector.shape_cast %swap3A_1089 : vector<1x16xf32> to vector<16xf32>
          %swap3A_1091 = vector.shape_cast %get3A_1068 : vector<16xf32> to vector<1x16xf32>
          tpu.vector_store %arg12[%swap3A_1087, %swap3A_1088], %swap3A_1091 {add = true, strides = array<i32>} : memref<16x1024xf32, #tpu.memory_space<vmem>>, vector<1x16xf32>,
          %swap3A_1092 = arith.index_cast %get3A_560 : i32 to index
          %swap3A_1093 = arith.index_cast %add3A_1062 : i32 to index
          %swap3A_1094 = tpu.vector_load %arg12[%swap3A_1092, %swap3A_1093] {strides = array<i32>} : memref<16x1024xf32, #tpu.memory_space<vmem>>, vector<1x16xf32>,
          %swap3A_1095 = vector.shape_cast %swap3A_1094 : vector<1x16xf32> to vector<16xf32>
          %swap3A_1096 = vector.shape_cast %get3A_1074 : vector<16xf32> to vector<1x16xf32>
          tpu.vector_store %arg12[%swap3A_1092, %swap3A_1093], %swap3A_1096 {add = true, strides = array<i32>} : memref<16x1024xf32, #tpu.memory_space<vmem>>, vector<1x16xf32>,
          %swap3A_1097 = arith.index_cast %get3A_567 : i32 to index
          %swap3A_1098 = arith.index_cast %add3A_1062 : i32 to index
          %swap3A_1099 = tpu.vector_load %arg12[%swap3A_1097, %swap3A_1098] {strides = array<i32>} : memref<16x1024xf32, #tpu.memory_space<vmem>>, vector<1x16xf32>,
          %swap3A_1100 = vector.shape_cast %swap3A_1099 : vector<1x16xf32> to vector<16xf32>
          %swap3A_1101 = vector.shape_cast %get3A_1080 : vector<16xf32> to vector<1x16xf32>
          tpu.vector_store %arg12[%swap3A_1097, %swap3A_1098], %swap3A_1101 {add = true, strides = array<i32>} : memref<16x1024xf32, #tpu.memory_space<vmem>>, vector<1x16xf32>,
          %swap3A_1102 = arith.index_cast %get3A_574 : i32 to index
          %swap3A_1103 = arith.index_cast %add3A_1062 : i32 to index
          %swap3A_1104 = tpu.vector_load %arg12[%swap3A_1102, %swap3A_1103] {strides = array<i32>} : memref<16x1024xf32, #tpu.memory_space<vmem>>, vector<1x16xf32>,
          %swap3A_1105 = vector.shape_cast %swap3A_1104 : vector<1x16xf32> to vector<16xf32>
          %swap3A_1106 = vector.shape_cast %get3A_1086 : vector<16xf32> to vector<1x16xf32>
          tpu.vector_store %arg12[%swap3A_1102, %swap3A_1103], %swap3A_1106 {add = true, strides = array<i32>} : memref<16x1024xf32, #tpu.memory_space<vmem>>, vector<1x16xf32>,
          %mul3A_1107 = arith.mulf %get3A_1068, %get3A_1068 : vector<16xf32>
          %add3A_1108 = arith.addf %add3A_1054, %mul3A_1107 : vector<16xf32>
          %mul3A_1109 = arith.mulf %get3A_1074, %get3A_1074 : vector<16xf32>
          %add3A_1110 = arith.addf %add3A_1056, %mul3A_1109 : vector<16xf32>
          %mul3A_1111 = arith.mulf %get3A_1080, %get3A_1080 : vector<16xf32>
          %add3A_1112 = arith.addf %add3A_1058, %mul3A_1111 : vector<16xf32>
          %mul3A_1113 = arith.mulf %get3A_1086, %get3A_1086 : vector<16xf32>
          %add3A_1114 = arith.addf %add3A_1060, %mul3A_1113 : vector<16xf32>
          %add3A_1115 = arith.constant 144 : i32
          %add3A_1116 = arith.addi %mul3A_628, %add3A_1115 : i32
          %add3A_1117 = arith.constant 0 : i32
          %add3A_1118 = arith.addi %mul3A_546, %add3A_1117 : i32
          %get3A_1119 = arith.index_cast %add3A_1118 : i32 to index
          %get3A_1120 = arith.index_cast %add3A_1116 : i32 to index
          %get3A_1121 = tpu.vector_load %arg7[%get3A_1119, %get3A_1120] {strides = array<i32>} : memref<32x1024xf32, #tpu.memory_space<vmem>>, vector<1x16xf32>,
          %get3A_1122 = vector.shape_cast %get3A_1121 : vector<1x16xf32> to vector<16xf32>
          %add3A_1123 = arith.constant 1 : i32
          %add3A_1124 = arith.addi %mul3A_546, %add3A_1123 : i32
          %get3A_1125 = arith.index_cast %add3A_1124 : i32 to index
          %get3A_1126 = arith.index_cast %add3A_1116 : i32 to index
          %get3A_1127 = tpu.vector_load %arg7[%get3A_1125, %get3A_1126] {strides = array<i32>} : memref<32x1024xf32, #tpu.memory_space<vmem>>, vector<1x16xf32>,
          %get3A_1128 = vector.shape_cast %get3A_1127 : vector<1x16xf32> to vector<16xf32>
          %add3A_1129 = arith.constant 2 : i32
          %add3A_1130 = arith.addi %mul3A_546, %add3A_1129 : i32
          %get3A_1131 = arith.index_cast %add3A_1130 : i32 to index
          %get3A_1132 = arith.index_cast %add3A_1116 : i32 to index
          %get3A_1133 = tpu.vector_load %arg7[%get3A_1131, %get3A_1132] {strides = array<i32>} : memref<32x1024xf32, #tpu.memory_space<vmem>>, vector<1x16xf32>,
          %get3A_1134 = vector.shape_cast %get3A_1133 : vector<1x16xf32> to vector<16xf32>
          %add3A_1135 = arith.constant 3 : i32
          %add3A_1136 = arith.addi %mul3A_546, %add3A_1135 : i32
          %get3A_1137 = arith.index_cast %add3A_1136 : i32 to index
          %get3A_1138 = arith.index_cast %add3A_1116 : i32 to index
          %get3A_1139 = tpu.vector_load %arg7[%get3A_1137, %get3A_1138] {strides = array<i32>} : memref<32x1024xf32, #tpu.memory_space<vmem>>, vector<1x16xf32>,
          %get3A_1140 = vector.shape_cast %get3A_1139 : vector<1x16xf32> to vector<16xf32>
          %swap3A_1141 = arith.index_cast %get3A_553 : i32 to index
          %swap3A_1142 = arith.index_cast %add3A_1116 : i32 to index
          %swap3A_1143 = tpu.vector_load %arg12[%swap3A_1141, %swap3A_1142] {strides = array<i32>} : memref<16x1024xf32, #tpu.memory_space<vmem>>, vector<1x16xf32>,
          %swap3A_1144 = vector.shape_cast %swap3A_1143 : vector<1x16xf32> to vector<16xf32>
          %swap3A_1145 = vector.shape_cast %get3A_1122 : vector<16xf32> to vector<1x16xf32>
          tpu.vector_store %arg12[%swap3A_1141, %swap3A_1142], %swap3A_1145 {add = true, strides = array<i32>} : memref<16x1024xf32, #tpu.memory_space<vmem>>, vector<1x16xf32>,
          %swap3A_1146 = arith.index_cast %get3A_560 : i32 to index
          %swap3A_1147 = arith.index_cast %add3A_1116 : i32 to index
          %swap3A_1148 = tpu.vector_load %arg12[%swap3A_1146, %swap3A_1147] {strides = array<i32>} : memref<16x1024xf32, #tpu.memory_space<vmem>>, vector<1x16xf32>,
          %swap3A_1149 = vector.shape_cast %swap3A_1148 : vector<1x16xf32> to vector<16xf32>
          %swap3A_1150 = vector.shape_cast %get3A_1128 : vector<16xf32> to vector<1x16xf32>
          tpu.vector_store %arg12[%swap3A_1146, %swap3A_1147], %swap3A_1150 {add = true, strides = array<i32>} : memref<16x1024xf32, #tpu.memory_space<vmem>>, vector<1x16xf32>,
          %swap3A_1151 = arith.index_cast %get3A_567 : i32 to index
          %swap3A_1152 = arith.index_cast %add3A_1116 : i32 to index
          %swap3A_1153 = tpu.vector_load %arg12[%swap3A_1151, %swap3A_1152] {strides = array<i32>} : memref<16x1024xf32, #tpu.memory_space<vmem>>, vector<1x16xf32>,
          %swap3A_1154 = vector.shape_cast %swap3A_1153 : vector<1x16xf32> to vector<16xf32>
          %swap3A_1155 = vector.shape_cast %get3A_1134 : vector<16xf32> to vector<1x16xf32>
          tpu.vector_store %arg12[%swap3A_1151, %swap3A_1152], %swap3A_1155 {add = true, strides = array<i32>} : memref<16x1024xf32, #tpu.memory_space<vmem>>, vector<1x16xf32>,
          %swap3A_1156 = arith.index_cast %get3A_574 : i32 to index
          %swap3A_1157 = arith.index_cast %add3A_1116 : i32 to index
          %swap3A_1158 = tpu.vector_load %arg12[%swap3A_1156, %swap3A_1157] {strides = array<i32>} : memref<16x1024xf32, #tpu.memory_space<vmem>>, vector<1x16xf32>,
          %swap3A_1159 = vector.shape_cast %swap3A_1158 : vector<1x16xf32> to vector<16xf32>
          %swap3A_1160 = vector.shape_cast %get3A_1140 : vector<16xf32> to vector<1x16xf32>
          tpu.vector_store %arg12[%swap3A_1156, %swap3A_1157], %swap3A_1160 {add = true, strides = array<i32>} : memref<16x1024xf32, #tpu.memory_space<vmem>>, vector<1x16xf32>,
          %mul3A_1161 = arith.mulf %get3A_1122, %get3A_1122 : vector<16xf32>
          %add3A_1162 = arith.addf %add3A_1108, %mul3A_1161 : vector<16xf32>
          %mul3A_1163 = arith.mulf %get3A_1128, %get3A_1128 : vector<16xf32>
          %add3A_1164 = arith.addf %add3A_1110, %mul3A_1163 : vector<16xf32>
          %mul3A_1165 = arith.mulf %get3A_1134, %get3A_1134 : vector<16xf32>
          %add3A_1166 = arith.addf %add3A_1112, %mul3A_1165 : vector<16xf32>
          %mul3A_1167 = arith.mulf %get3A_1140, %get3A_1140 : vector<16xf32>
          %add3A_1168 = arith.addf %add3A_1114, %mul3A_1167 : vector<16xf32>
          %add3A_1169 = arith.constant 160 : i32
          %add3A_1170 = arith.addi %mul3A_628, %add3A_1169 : i32
          %add3A_1171 = arith.constant 0 : i32
          %add3A_1172 = arith.addi %mul3A_546, %add3A_1171 : i32
          %get3A_1173 = arith.index_cast %add3A_1172 : i32 to index
          %get3A_1174 = arith.index_cast %add3A_1170 : i32 to index
          %get3A_1175 = tpu.vector_load %arg7[%get3A_1173, %get3A_1174] {strides = array<i32>} : memref<32x1024xf32, #tpu.memory_space<vmem>>, vector<1x16xf32>,
          %get3A_1176 = vector.shape_cast %get3A_1175 : vector<1x16xf32> to vector<16xf32>
          %add3A_1177 = arith.constant 1 : i32
          %add3A_1178 = arith.addi %mul3A_546, %add3A_1177 : i32
          %get3A_1179 = arith.index_cast %add3A_1178 : i32 to index
          %get3A_1180 = arith.index_cast %add3A_1170 : i32 to index
          %get3A_1181 = tpu.vector_load %arg7[%get3A_1179, %get3A_1180] {strides = array<i32>} : memref<32x1024xf32, #tpu.memory_space<vmem>>, vector<1x16xf32>,
          %get3A_1182 = vector.shape_cast %get3A_1181 : vector<1x16xf32> to vector<16xf32>
          %add3A_1183 = arith.constant 2 : i32
          %add3A_1184 = arith.addi %mul3A_546, %add3A_1183 : i32
          %get3A_1185 = arith.index_cast %add3A_1184 : i32 to index
          %get3A_1186 = arith.index_cast %add3A_1170 : i32 to index
          %get3A_1187 = tpu.vector_load %arg7[%get3A_1185, %get3A_1186] {strides = array<i32>} : memref<32x1024xf32, #tpu.memory_space<vmem>>, vector<1x16xf32>,
          %get3A_1188 = vector.shape_cast %get3A_1187 : vector<1x16xf32> to vector<16xf32>
          %add3A_1189 = arith.constant 3 : i32
          %add3A_1190 = arith.addi %mul3A_546, %add3A_1189 : i32
          %get3A_1191 = arith.index_cast %add3A_1190 : i32 to index
          %get3A_1192 = arith.index_cast %add3A_1170 : i32 to index
          %get3A_1193 = tpu.vector_load %arg7[%get3A_1191, %get3A_1192] {strides = array<i32>} : memref<32x1024xf32, #tpu.memory_space<vmem>>, vector<1x16xf32>,
          %get3A_1194 = vector.shape_cast %get3A_1193 : vector<1x16xf32> to vector<16xf32>
          %swap3A_1195 = arith.index_cast %get3A_553 : i32 to index
          %swap3A_1196 = arith.index_cast %add3A_1170 : i32 to index
          %swap3A_1197 = tpu.vector_load %arg12[%swap3A_1195, %swap3A_1196] {strides = array<i32>} : memref<16x1024xf32, #tpu.memory_space<vmem>>, vector<1x16xf32>,
          %swap3A_1198 = vector.shape_cast %swap3A_1197 : vector<1x16xf32> to vector<16xf32>
          %swap3A_1199 = vector.shape_cast %get3A_1176 : vector<16xf32> to vector<1x16xf32>
          tpu.vector_store %arg12[%swap3A_1195, %swap3A_1196], %swap3A_1199 {add = true, strides = array<i32>} : memref<16x1024xf32, #tpu.memory_space<vmem>>, vector<1x16xf32>,
          %swap3A_1200 = arith.index_cast %get3A_560 : i32 to index
          %swap3A_1201 = arith.index_cast %add3A_1170 : i32 to index
          %swap3A_1202 = tpu.vector_load %arg12[%swap3A_1200, %swap3A_1201] {strides = array<i32>} : memref<16x1024xf32, #tpu.memory_space<vmem>>, vector<1x16xf32>,
          %swap3A_1203 = vector.shape_cast %swap3A_1202 : vector<1x16xf32> to vector<16xf32>
          %swap3A_1204 = vector.shape_cast %get3A_1182 : vector<16xf32> to vector<1x16xf32>
          tpu.vector_store %arg12[%swap3A_1200, %swap3A_1201], %swap3A_1204 {add = true, strides = array<i32>} : memref<16x1024xf32, #tpu.memory_space<vmem>>, vector<1x16xf32>,
          %swap3A_1205 = arith.index_cast %get3A_567 : i32 to index
          %swap3A_1206 = arith.index_cast %add3A_1170 : i32 to index
          %swap3A_1207 = tpu.vector_load %arg12[%swap3A_1205, %swap3A_1206] {strides = array<i32>} : memref<16x1024xf32, #tpu.memory_space<vmem>>, vector<1x16xf32>,
          %swap3A_1208 = vector.shape_cast %swap3A_1207 : vector<1x16xf32> to vector<16xf32>
          %swap3A_1209 = vector.shape_cast %get3A_1188 : vector<16xf32> to vector<1x16xf32>
          tpu.vector_store %arg12[%swap3A_1205, %swap3A_1206], %swap3A_1209 {add = true, strides = array<i32>} : memref<16x1024xf32, #tpu.memory_space<vmem>>, vector<1x16xf32>,
          %swap3A_1210 = arith.index_cast %get3A_574 : i32 to index
          %swap3A_1211 = arith.index_cast %add3A_1170 : i32 to index
          %swap3A_1212 = tpu.vector_load %arg12[%swap3A_1210, %swap3A_1211] {strides = array<i32>} : memref<16x1024xf32, #tpu.memory_space<vmem>>, vector<1x16xf32>,
          %swap3A_1213 = vector.shape_cast %swap3A_1212 : vector<1x16xf32> to vector<16xf32>
          %swap3A_1214 = vector.shape_cast %get3A_1194 : vector<16xf32> to vector<1x16xf32>
          tpu.vector_store %arg12[%swap3A_1210, %swap3A_1211], %swap3A_1214 {add = true, strides = array<i32>} : memref<16x1024xf32, #tpu.memory_space<vmem>>, vector<1x16xf32>,
          %mul3A_1215 = arith.mulf %get3A_1176, %get3A_1176 : vector<16xf32>
          %add3A_1216 = arith.addf %add3A_1162, %mul3A_1215 : vector<16xf32>
          %mul3A_1217 = arith.mulf %get3A_1182, %get3A_1182 : vector<16xf32>
          %add3A_1218 = arith.addf %add3A_1164, %mul3A_1217 : vector<16xf32>
          %mul3A_1219 = arith.mulf %get3A_1188, %get3A_1188 : vector<16xf32>
          %add3A_1220 = arith.addf %add3A_1166, %mul3A_1219 : vector<16xf32>
          %mul3A_1221 = arith.mulf %get3A_1194, %get3A_1194 : vector<16xf32>
          %add3A_1222 = arith.addf %add3A_1168, %mul3A_1221 : vector<16xf32>
          %add3A_1223 = arith.constant 176 : i32
          %add3A_1224 = arith.addi %mul3A_628, %add3A_1223 : i32
          %add3A_1225 = arith.constant 0 : i32
          %add3A_1226 = arith.addi %mul3A_546, %add3A_1225 : i32
          %get3A_1227 = arith.index_cast %add3A_1226 : i32 to index
          %get3A_1228 = arith.index_cast %add3A_1224 : i32 to index
          %get3A_1229 = tpu.vector_load %arg7[%get3A_1227, %get3A_1228] {strides = array<i32>} : memref<32x1024xf32, #tpu.memory_space<vmem>>, vector<1x16xf32>,
          %get3A_1230 = vector.shape_cast %get3A_1229 : vector<1x16xf32> to vector<16xf32>
          %add3A_1231 = arith.constant 1 : i32
          %add3A_1232 = arith.addi %mul3A_546, %add3A_1231 : i32
          %get3A_1233 = arith.index_cast %add3A_1232 : i32 to index
          %get3A_1234 = arith.index_cast %add3A_1224 : i32 to index
          %get3A_1235 = tpu.vector_load %arg7[%get3A_1233, %get3A_1234] {strides = array<i32>} : memref<32x1024xf32, #tpu.memory_space<vmem>>, vector<1x16xf32>,
          %get3A_1236 = vector.shape_cast %get3A_1235 : vector<1x16xf32> to vector<16xf32>
          %add3A_1237 = arith.constant 2 : i32
          %add3A_1238 = arith.addi %mul3A_546, %add3A_1237 : i32
          %get3A_1239 = arith.index_cast %add3A_1238 : i32 to index
          %get3A_1240 = arith.index_cast %add3A_1224 : i32 to index
          %get3A_1241 = tpu.vector_load %arg7[%get3A_1239, %get3A_1240] {strides = array<i32>} : memref<32x1024xf32, #tpu.memory_space<vmem>>, vector<1x16xf32>,
          %get3A_1242 = vector.shape_cast %get3A_1241 : vector<1x16xf32> to vector<16xf32>
          %add3A_1243 = arith.constant 3 : i32
          %add3A_1244 = arith.addi %mul3A_546, %add3A_1243 : i32
          %get3A_1245 = arith.index_cast %add3A_1244 : i32 to index
          %get3A_1246 = arith.index_cast %add3A_1224 : i32 to index
          %get3A_1247 = tpu.vector_load %arg7[%get3A_1245, %get3A_1246] {strides = array<i32>} : memref<32x1024xf32, #tpu.memory_space<vmem>>, vector<1x16xf32>,
          %get3A_1248 = vector.shape_cast %get3A_1247 : vector<1x16xf32> to vector<16xf32>
          %swap3A_1249 = arith.index_cast %get3A_553 : i32 to index
          %swap3A_1250 = arith.index_cast %add3A_1224 : i32 to index
          %swap3A_1251 = tpu.vector_load %arg12[%swap3A_1249, %swap3A_1250] {strides = array<i32>} : memref<16x1024xf32, #tpu.memory_space<vmem>>, vector<1x16xf32>,
          %swap3A_1252 = vector.shape_cast %swap3A_1251 : vector<1x16xf32> to vector<16xf32>
          %swap3A_1253 = vector.shape_cast %get3A_1230 : vector<16xf32> to vector<1x16xf32>
          tpu.vector_store %arg12[%swap3A_1249, %swap3A_1250], %swap3A_1253 {add = true, strides = array<i32>} : memref<16x1024xf32, #tpu.memory_space<vmem>>, vector<1x16xf32>,
          %swap3A_1254 = arith.index_cast %get3A_560 : i32 to index
          %swap3A_1255 = arith.index_cast %add3A_1224 : i32 to index
          %swap3A_1256 = tpu.vector_load %arg12[%swap3A_1254, %swap3A_1255] {strides = array<i32>} : memref<16x1024xf32, #tpu.memory_space<vmem>>, vector<1x16xf32>,
          %swap3A_1257 = vector.shape_cast %swap3A_1256 : vector<1x16xf32> to vector<16xf32>
          %swap3A_1258 = vector.shape_cast %get3A_1236 : vector<16xf32> to vector<1x16xf32>
          tpu.vector_store %arg12[%swap3A_1254, %swap3A_1255], %swap3A_1258 {add = true, strides = array<i32>} : memref<16x1024xf32, #tpu.memory_space<vmem>>, vector<1x16xf32>,
          %swap3A_1259 = arith.index_cast %get3A_567 : i32 to index
          %swap3A_1260 = arith.index_cast %add3A_1224 : i32 to index
          %swap3A_1261 = tpu.vector_load %arg12[%swap3A_1259, %swap3A_1260] {strides = array<i32>} : memref<16x1024xf32, #tpu.memory_space<vmem>>, vector<1x16xf32>,
          %swap3A_1262 = vector.shape_cast %swap3A_1261 : vector<1x16xf32> to vector<16xf32>
          %swap3A_1263 = vector.shape_cast %get3A_1242 : vector<16xf32> to vector<1x16xf32>
          tpu.vector_store %arg12[%swap3A_1259, %swap3A_1260], %swap3A_1263 {add = true, strides = array<i32>} : memref<16x1024xf32, #tpu.memory_space<vmem>>, vector<1x16xf32>,
          %swap3A_1264 = arith.index_cast %get3A_574 : i32 to index
          %swap3A_1265 = arith.index_cast %add3A_1224 : i32 to index
          %swap3A_1266 = tpu.vector_load %arg12[%swap3A_1264, %swap3A_1265] {strides = array<i32>} : memref<16x1024xf32, #tpu.memory_space<vmem>>, vector<1x16xf32>,
          %swap3A_1267 = vector.shape_cast %swap3A_1266 : vector<1x16xf32> to vector<16xf32>
          %swap3A_1268 = vector.shape_cast %get3A_1248 : vector<16xf32> to vector<1x16xf32>
          tpu.vector_store %arg12[%swap3A_1264, %swap3A_1265], %swap3A_1268 {add = true, strides = array<i32>} : memref<16x1024xf32, #tpu.memory_space<vmem>>, vector<1x16xf32>,
          %mul3A_1269 = arith.mulf %get3A_1230, %get3A_1230 : vector<16xf32>
          %add3A_1270 = arith.addf %add3A_1216, %mul3A_1269 : vector<16xf32>
          %mul3A_1271 = arith.mulf %get3A_1236, %get3A_1236 : vector<16xf32>
          %add3A_1272 = arith.addf %add3A_1218, %mul3A_1271 : vector<16xf32>
          %mul3A_1273 = arith.mulf %get3A_1242, %get3A_1242 : vector<16xf32>
          %add3A_1274 = arith.addf %add3A_1220, %mul3A_1273 : vector<16xf32>
          %mul3A_1275 = arith.mulf %get3A_1248, %get3A_1248 : vector<16xf32>
          %add3A_1276 = arith.addf %add3A_1222, %mul3A_1275 : vector<16xf32>
          %add3A_1277 = arith.constant 192 : i32
          %add3A_1278 = arith.addi %mul3A_628, %add3A_1277 : i32
          %add3A_1279 = arith.constant 0 : i32
          %add3A_1280 = arith.addi %mul3A_546, %add3A_1279 : i32
          %get3A_1281 = arith.index_cast %add3A_1280 : i32 to index
          %get3A_1282 = arith.index_cast %add3A_1278 : i32 to index
          %get3A_1283 = tpu.vector_load %arg7[%get3A_1281, %get3A_1282] {strides = array<i32>} : memref<32x1024xf32, #tpu.memory_space<vmem>>, vector<1x16xf32>,
          %get3A_1284 = vector.shape_cast %get3A_1283 : vector<1x16xf32> to vector<16xf32>
          %add3A_1285 = arith.constant 1 : i32
          %add3A_1286 = arith.addi %mul3A_546, %add3A_1285 : i32
          %get3A_1287 = arith.index_cast %add3A_1286 : i32 to index
          %get3A_1288 = arith.index_cast %add3A_1278 : i32 to index
          %get3A_1289 = tpu.vector_load %arg7[%get3A_1287, %get3A_1288] {strides = array<i32>} : memref<32x1024xf32, #tpu.memory_space<vmem>>, vector<1x16xf32>,
          %get3A_1290 = vector.shape_cast %get3A_1289 : vector<1x16xf32> to vector<16xf32>
          %add3A_1291 = arith.constant 2 : i32
          %add3A_1292 = arith.addi %mul3A_546, %add3A_1291 : i32
          %get3A_1293 = arith.index_cast %add3A_1292 : i32 to index
          %get3A_1294 = arith.index_cast %add3A_1278 : i32 to index
          %get3A_1295 = tpu.vector_load %arg7[%get3A_1293, %get3A_1294] {strides = array<i32>} : memref<32x1024xf32, #tpu.memory_space<vmem>>, vector<1x16xf32>,
          %get3A_1296 = vector.shape_cast %get3A_1295 : vector<1x16xf32> to vector<16xf32>
          %add3A_1297 = arith.constant 3 : i32
          %add3A_1298 = arith.addi %mul3A_546, %add3A_1297 : i32
          %get3A_1299 = arith.index_cast %add3A_1298 : i32 to index
          %get3A_1300 = arith.index_cast %add3A_1278 : i32 to index
          %get3A_1301 = tpu.vector_load %arg7[%get3A_1299, %get3A_1300] {strides = array<i32>} : memref<32x1024xf32, #tpu.memory_space<vmem>>, vector<1x16xf32>,
          %get3A_1302 = vector.shape_cast %get3A_1301 : vector<1x16xf32> to vector<16xf32>
          %swap3A_1303 = arith.index_cast %get3A_553 : i32 to index
          %swap3A_1304 = arith.index_cast %add3A_1278 : i32 to index
          %swap3A_1305 = tpu.vector_load %arg12[%swap3A_1303, %swap3A_1304] {strides = array<i32>} : memref<16x1024xf32, #tpu.memory_space<vmem>>, vector<1x16xf32>,
          %swap3A_1306 = vector.shape_cast %swap3A_1305 : vector<1x16xf32> to vector<16xf32>
          %swap3A_1307 = vector.shape_cast %get3A_1284 : vector<16xf32> to vector<1x16xf32>
          tpu.vector_store %arg12[%swap3A_1303, %swap3A_1304], %swap3A_1307 {add = true, strides = array<i32>} : memref<16x1024xf32, #tpu.memory_space<vmem>>, vector<1x16xf32>,
          %swap3A_1308 = arith.index_cast %get3A_560 : i32 to index
          %swap3A_1309 = arith.index_cast %add3A_1278 : i32 to index
          %swap3A_1310 = tpu.vector_load %arg12[%swap3A_1308, %swap3A_1309] {strides = array<i32>} : memref<16x1024xf32, #tpu.memory_space<vmem>>, vector<1x16xf32>,
          %swap3A_1311 = vector.shape_cast %swap3A_1310 : vector<1x16xf32> to vector<16xf32>
          %swap3A_1312 = vector.shape_cast %get3A_1290 : vector<16xf32> to vector<1x16xf32>
          tpu.vector_store %arg12[%swap3A_1308, %swap3A_1309], %swap3A_1312 {add = true, strides = array<i32>} : memref<16x1024xf32, #tpu.memory_space<vmem>>, vector<1x16xf32>,
          %swap3A_1313 = arith.index_cast %get3A_567 : i32 to index
          %swap3A_1314 = arith.index_cast %add3A_1278 : i32 to index
          %swap3A_1315 = tpu.vector_load %arg12[%swap3A_1313, %swap3A_1314] {strides = array<i32>} : memref<16x1024xf32, #tpu.memory_space<vmem>>, vector<1x16xf32>,
          %swap3A_1316 = vector.shape_cast %swap3A_1315 : vector<1x16xf32> to vector<16xf32>
          %swap3A_1317 = vector.shape_cast %get3A_1296 : vector<16xf32> to vector<1x16xf32>
          tpu.vector_store %arg12[%swap3A_1313, %swap3A_1314], %swap3A_1317 {add = true, strides = array<i32>} : memref<16x1024xf32, #tpu.memory_space<vmem>>, vector<1x16xf32>,
          %swap3A_1318 = arith.index_cast %get3A_574 : i32 to index
          %swap3A_1319 = arith.index_cast %add3A_1278 : i32 to index
          %swap3A_1320 = tpu.vector_load %arg12[%swap3A_1318, %swap3A_1319] {strides = array<i32>} : memref<16x1024xf32, #tpu.memory_space<vmem>>, vector<1x16xf32>,
          %swap3A_1321 = vector.shape_cast %swap3A_1320 : vector<1x16xf32> to vector<16xf32>
          %swap3A_1322 = vector.shape_cast %get3A_1302 : vector<16xf32> to vector<1x16xf32>
          tpu.vector_store %arg12[%swap3A_1318, %swap3A_1319], %swap3A_1322 {add = true, strides = array<i32>} : memref<16x1024xf32, #tpu.memory_space<vmem>>, vector<1x16xf32>,
          %mul3A_1323 = arith.mulf %get3A_1284, %get3A_1284 : vector<16xf32>
          %add3A_1324 = arith.addf %add3A_1270, %mul3A_1323 : vector<16xf32>
          %mul3A_1325 = arith.mulf %get3A_1290, %get3A_1290 : vector<16xf32>
          %add3A_1326 = arith.addf %add3A_1272, %mul3A_1325 : vector<16xf32>
          %mul3A_1327 = arith.mulf %get3A_1296, %get3A_1296 : vector<16xf32>
          %add3A_1328 = arith.addf %add3A_1274, %mul3A_1327 : vector<16xf32>
          %mul3A_1329 = arith.mulf %get3A_1302, %get3A_1302 : vector<16xf32>
          %add3A_1330 = arith.addf %add3A_1276, %mul3A_1329 : vector<16xf32>
          %add3A_1331 = arith.constant 208 : i32
          %add3A_1332 = arith.addi %mul3A_628, %add3A_1331 : i32
          %add3A_1333 = arith.constant 0 : i32
          %add3A_1334 = arith.addi %mul3A_546, %add3A_1333 : i32
          %get3A_1335 = arith.index_cast %add3A_1334 : i32 to index
          %get3A_1336 = arith.index_cast %add3A_1332 : i32 to index
          %get3A_1337 = tpu.vector_load %arg7[%get3A_1335, %get3A_1336] {strides = array<i32>} : memref<32x1024xf32, #tpu.memory_space<vmem>>, vector<1x16xf32>,
          %get3A_1338 = vector.shape_cast %get3A_1337 : vector<1x16xf32> to vector<16xf32>
          %add3A_1339 = arith.constant 1 : i32
          %add3A_1340 = arith.addi %mul3A_546, %add3A_1339 : i32
          %get3A_1341 = arith.index_cast %add3A_1340 : i32 to index
          %get3A_1342 = arith.index_cast %add3A_1332 : i32 to index
          %get3A_1343 = tpu.vector_load %arg7[%get3A_1341, %get3A_1342] {strides = array<i32>} : memref<32x1024xf32, #tpu.memory_space<vmem>>, vector<1x16xf32>,
          %get3A_1344 = vector.shape_cast %get3A_1343 : vector<1x16xf32> to vector<16xf32>
          %add3A_1345 = arith.constant 2 : i32
          %add3A_1346 = arith.addi %mul3A_546, %add3A_1345 : i32
          %get3A_1347 = arith.index_cast %add3A_1346 : i32 to index
          %get3A_1348 = arith.index_cast %add3A_1332 : i32 to index
          %get3A_1349 = tpu.vector_load %arg7[%get3A_1347, %get3A_1348] {strides = array<i32>} : memref<32x1024xf32, #tpu.memory_space<vmem>>, vector<1x16xf32>,
          %get3A_1350 = vector.shape_cast %get3A_1349 : vector<1x16xf32> to vector<16xf32>
          %add3A_1351 = arith.constant 3 : i32
          %add3A_1352 = arith.addi %mul3A_546, %add3A_1351 : i32
          %get3A_1353 = arith.index_cast %add3A_1352 : i32 to index
          %get3A_1354 = arith.index_cast %add3A_1332 : i32 to index
          %get3A_1355 = tpu.vector_load %arg7[%get3A_1353, %get3A_1354] {strides = array<i32>} : memref<32x1024xf32, #tpu.memory_space<vmem>>, vector<1x16xf32>,
          %get3A_1356 = vector.shape_cast %get3A_1355 : vector<1x16xf32> to vector<16xf32>
          %swap3A_1357 = arith.index_cast %get3A_553 : i32 to index
          %swap3A_1358 = arith.index_cast %add3A_1332 : i32 to index
          %swap3A_1359 = tpu.vector_load %arg12[%swap3A_1357, %swap3A_1358] {strides = array<i32>} : memref<16x1024xf32, #tpu.memory_space<vmem>>, vector<1x16xf32>,
          %swap3A_1360 = vector.shape_cast %swap3A_1359 : vector<1x16xf32> to vector<16xf32>
          %swap3A_1361 = vector.shape_cast %get3A_1338 : vector<16xf32> to vector<1x16xf32>
          tpu.vector_store %arg12[%swap3A_1357, %swap3A_1358], %swap3A_1361 {add = true, strides = array<i32>} : memref<16x1024xf32, #tpu.memory_space<vmem>>, vector<1x16xf32>,
          %swap3A_1362 = arith.index_cast %get3A_560 : i32 to index
          %swap3A_1363 = arith.index_cast %add3A_1332 : i32 to index
          %swap3A_1364 = tpu.vector_load %arg12[%swap3A_1362, %swap3A_1363] {strides = array<i32>} : memref<16x1024xf32, #tpu.memory_space<vmem>>, vector<1x16xf32>,
          %swap3A_1365 = vector.shape_cast %swap3A_1364 : vector<1x16xf32> to vector<16xf32>
          %swap3A_1366 = vector.shape_cast %get3A_1344 : vector<16xf32> to vector<1x16xf32>
          tpu.vector_store %arg12[%swap3A_1362, %swap3A_1363], %swap3A_1366 {add = true, strides = array<i32>} : memref<16x1024xf32, #tpu.memory_space<vmem>>, vector<1x16xf32>,
          %swap3A_1367 = arith.index_cast %get3A_567 : i32 to index
          %swap3A_1368 = arith.index_cast %add3A_1332 : i32 to index
          %swap3A_1369 = tpu.vector_load %arg12[%swap3A_1367, %swap3A_1368] {strides = array<i32>} : memref<16x1024xf32, #tpu.memory_space<vmem>>, vector<1x16xf32>,
          %swap3A_1370 = vector.shape_cast %swap3A_1369 : vector<1x16xf32> to vector<16xf32>
          %swap3A_1371 = vector.shape_cast %get3A_1350 : vector<16xf32> to vector<1x16xf32>
          tpu.vector_store %arg12[%swap3A_1367, %swap3A_1368], %swap3A_1371 {add = true, strides = array<i32>} : memref<16x1024xf32, #tpu.memory_space<vmem>>, vector<1x16xf32>,
          %swap3A_1372 = arith.index_cast %get3A_574 : i32 to index
          %swap3A_1373 = arith.index_cast %add3A_1332 : i32 to index
          %swap3A_1374 = tpu.vector_load %arg12[%swap3A_1372, %swap3A_1373] {strides = array<i32>} : memref<16x1024xf32, #tpu.memory_space<vmem>>, vector<1x16xf32>,
          %swap3A_1375 = vector.shape_cast %swap3A_1374 : vector<1x16xf32> to vector<16xf32>
          %swap3A_1376 = vector.shape_cast %get3A_1356 : vector<16xf32> to vector<1x16xf32>
          tpu.vector_store %arg12[%swap3A_1372, %swap3A_1373], %swap3A_1376 {add = true, strides = array<i32>} : memref<16x1024xf32, #tpu.memory_space<vmem>>, vector<1x16xf32>,
          %mul3A_1377 = arith.mulf %get3A_1338, %get3A_1338 : vector<16xf32>
          %add3A_1378 = arith.addf %add3A_1324, %mul3A_1377 : vector<16xf32>
          %mul3A_1379 = arith.mulf %get3A_1344, %get3A_1344 : vector<16xf32>
          %add3A_1380 = arith.addf %add3A_1326, %mul3A_1379 : vector<16xf32>
          %mul3A_1381 = arith.mulf %get3A_1350, %get3A_1350 : vector<16xf32>
          %add3A_1382 = arith.addf %add3A_1328, %mul3A_1381 : vector<16xf32>
          %mul3A_1383 = arith.mulf %get3A_1356, %get3A_1356 : vector<16xf32>
          %add3A_1384 = arith.addf %add3A_1330, %mul3A_1383 : vector<16xf32>
          %add3A_1385 = arith.constant 224 : i32
          %add3A_1386 = arith.addi %mul3A_628, %add3A_1385 : i32
          %add3A_1387 = arith.constant 0 : i32
          %add3A_1388 = arith.addi %mul3A_546, %add3A_1387 : i32
          %get3A_1389 = arith.index_cast %add3A_1388 : i32 to index
          %get3A_1390 = arith.index_cast %add3A_1386 : i32 to index
          %get3A_1391 = tpu.vector_load %arg7[%get3A_1389, %get3A_1390] {strides = array<i32>} : memref<32x1024xf32, #tpu.memory_space<vmem>>, vector<1x16xf32>,
          %get3A_1392 = vector.shape_cast %get3A_1391 : vector<1x16xf32> to vector<16xf32>
          %add3A_1393 = arith.constant 1 : i32
          %add3A_1394 = arith.addi %mul3A_546, %add3A_1393 : i32
          %get3A_1395 = arith.index_cast %add3A_1394 : i32 to index
          %get3A_1396 = arith.index_cast %add3A_1386 : i32 to index
          %get3A_1397 = tpu.vector_load %arg7[%get3A_1395, %get3A_1396] {strides = array<i32>} : memref<32x1024xf32, #tpu.memory_space<vmem>>, vector<1x16xf32>,
          %get3A_1398 = vector.shape_cast %get3A_1397 : vector<1x16xf32> to vector<16xf32>
          %add3A_1399 = arith.constant 2 : i32
          %add3A_1400 = arith.addi %mul3A_546, %add3A_1399 : i32
          %get3A_1401 = arith.index_cast %add3A_1400 : i32 to index
          %get3A_1402 = arith.index_cast %add3A_1386 : i32 to index
          %get3A_1403 = tpu.vector_load %arg7[%get3A_1401, %get3A_1402] {strides = array<i32>} : memref<32x1024xf32, #tpu.memory_space<vmem>>, vector<1x16xf32>,
          %get3A_1404 = vector.shape_cast %get3A_1403 : vector<1x16xf32> to vector<16xf32>
          %add3A_1405 = arith.constant 3 : i32
          %add3A_1406 = arith.addi %mul3A_546, %add3A_1405 : i32
          %get3A_1407 = arith.index_cast %add3A_1406 : i32 to index
          %get3A_1408 = arith.index_cast %add3A_1386 : i32 to index
          %get3A_1409 = tpu.vector_load %arg7[%get3A_1407, %get3A_1408] {strides = array<i32>} : memref<32x1024xf32, #tpu.memory_space<vmem>>, vector<1x16xf32>,
          %get3A_1410 = vector.shape_cast %get3A_1409 : vector<1x16xf32> to vector<16xf32>
          %swap3A_1411 = arith.index_cast %get3A_553 : i32 to index
          %swap3A_1412 = arith.index_cast %add3A_1386 : i32 to index
          %swap3A_1413 = tpu.vector_load %arg12[%swap3A_1411, %swap3A_1412] {strides = array<i32>} : memref<16x1024xf32, #tpu.memory_space<vmem>>, vector<1x16xf32>,
          %swap3A_1414 = vector.shape_cast %swap3A_1413 : vector<1x16xf32> to vector<16xf32>
          %swap3A_1415 = vector.shape_cast %get3A_1392 : vector<16xf32> to vector<1x16xf32>
          tpu.vector_store %arg12[%swap3A_1411, %swap3A_1412], %swap3A_1415 {add = true, strides = array<i32>} : memref<16x1024xf32, #tpu.memory_space<vmem>>, vector<1x16xf32>,
          %swap3A_1416 = arith.index_cast %get3A_560 : i32 to index
          %swap3A_1417 = arith.index_cast %add3A_1386 : i32 to index
          %swap3A_1418 = tpu.vector_load %arg12[%swap3A_1416, %swap3A_1417] {strides = array<i32>} : memref<16x1024xf32, #tpu.memory_space<vmem>>, vector<1x16xf32>,
          %swap3A_1419 = vector.shape_cast %swap3A_1418 : vector<1x16xf32> to vector<16xf32>
          %swap3A_1420 = vector.shape_cast %get3A_1398 : vector<16xf32> to vector<1x16xf32>
          tpu.vector_store %arg12[%swap3A_1416, %swap3A_1417], %swap3A_1420 {add = true, strides = array<i32>} : memref<16x1024xf32, #tpu.memory_space<vmem>>, vector<1x16xf32>,
          %swap3A_1421 = arith.index_cast %get3A_567 : i32 to index
          %swap3A_1422 = arith.index_cast %add3A_1386 : i32 to index
          %swap3A_1423 = tpu.vector_load %arg12[%swap3A_1421, %swap3A_1422] {strides = array<i32>} : memref<16x1024xf32, #tpu.memory_space<vmem>>, vector<1x16xf32>,
          %swap3A_1424 = vector.shape_cast %swap3A_1423 : vector<1x16xf32> to vector<16xf32>
          %swap3A_1425 = vector.shape_cast %get3A_1404 : vector<16xf32> to vector<1x16xf32>
          tpu.vector_store %arg12[%swap3A_1421, %swap3A_1422], %swap3A_1425 {add = true, strides = array<i32>} : memref<16x1024xf32, #tpu.memory_space<vmem>>, vector<1x16xf32>,
          %swap3A_1426 = arith.index_cast %get3A_574 : i32 to index
          %swap3A_1427 = arith.index_cast %add3A_1386 : i32 to index
          %swap3A_1428 = tpu.vector_load %arg12[%swap3A_1426, %swap3A_1427] {strides = array<i32>} : memref<16x1024xf32, #tpu.memory_space<vmem>>, vector<1x16xf32>,
          %swap3A_1429 = vector.shape_cast %swap3A_1428 : vector<1x16xf32> to vector<16xf32>
          %swap3A_1430 = vector.shape_cast %get3A_1410 : vector<16xf32> to vector<1x16xf32>
          tpu.vector_store %arg12[%swap3A_1426, %swap3A_1427], %swap3A_1430 {add = true, strides = array<i32>} : memref<16x1024xf32, #tpu.memory_space<vmem>>, vector<1x16xf32>,
          %mul3A_1431 = arith.mulf %get3A_1392, %get3A_1392 : vector<16xf32>
          %add3A_1432 = arith.addf %add3A_1378, %mul3A_1431 : vector<16xf32>
          %mul3A_1433 = arith.mulf %get3A_1398, %get3A_1398 : vector<16xf32>
          %add3A_1434 = arith.addf %add3A_1380, %mul3A_1433 : vector<16xf32>
          %mul3A_1435 = arith.mulf %get3A_1404, %get3A_1404 : vector<16xf32>
          %add3A_1436 = arith.addf %add3A_1382, %mul3A_1435 : vector<16xf32>
          %mul3A_1437 = arith.mulf %get3A_1410, %get3A_1410 : vector<16xf32>
          %add3A_1438 = arith.addf %add3A_1384, %mul3A_1437 : vector<16xf32>
          %add3A_1439 = arith.constant 240 : i32
          %add3A_1440 = arith.addi %mul3A_628, %add3A_1439 : i32
          %add3A_1441 = arith.constant 0 : i32
          %add3A_1442 = arith.addi %mul3A_546, %add3A_1441 : i32
          %get3A_1443 = arith.index_cast %add3A_1442 : i32 to index
          %get3A_1444 = arith.index_cast %add3A_1440 : i32 to index
          %get3A_1445 = tpu.vector_load %arg7[%get3A_1443, %get3A_1444] {strides = array<i32>} : memref<32x1024xf32, #tpu.memory_space<vmem>>, vector<1x16xf32>,
          %get3A_1446 = vector.shape_cast %get3A_1445 : vector<1x16xf32> to vector<16xf32>
          %add3A_1447 = arith.constant 1 : i32
          %add3A_1448 = arith.addi %mul3A_546, %add3A_1447 : i32
          %get3A_1449 = arith.index_cast %add3A_1448 : i32 to index
          %get3A_1450 = arith.index_cast %add3A_1440 : i32 to index
          %get3A_1451 = tpu.vector_load %arg7[%get3A_1449, %get3A_1450] {strides = array<i32>} : memref<32x1024xf32, #tpu.memory_space<vmem>>, vector<1x16xf32>,
          %get3A_1452 = vector.shape_cast %get3A_1451 : vector<1x16xf32> to vector<16xf32>
          %add3A_1453 = arith.constant 2 : i32
          %add3A_1454 = arith.addi %mul3A_546, %add3A_1453 : i32
          %get3A_1455 = arith.index_cast %add3A_1454 : i32 to index
          %get3A_1456 = arith.index_cast %add3A_1440 : i32 to index
          %get3A_1457 = tpu.vector_load %arg7[%get3A_1455, %get3A_1456] {strides = array<i32>} : memref<32x1024xf32, #tpu.memory_space<vmem>>, vector<1x16xf32>,
          %get3A_1458 = vector.shape_cast %get3A_1457 : vector<1x16xf32> to vector<16xf32>
          %add3A_1459 = arith.constant 3 : i32
          %add3A_1460 = arith.addi %mul3A_546, %add3A_1459 : i32
          %get3A_1461 = arith.index_cast %add3A_1460 : i32 to index
          %get3A_1462 = arith.index_cast %add3A_1440 : i32 to index
          %get3A_1463 = tpu.vector_load %arg7[%get3A_1461, %get3A_1462] {strides = array<i32>} : memref<32x1024xf32, #tpu.memory_space<vmem>>, vector<1x16xf32>,
          %get3A_1464 = vector.shape_cast %get3A_1463 : vector<1x16xf32> to vector<16xf32>
          %swap3A_1465 = arith.index_cast %get3A_553 : i32 to index
          %swap3A_1466 = arith.index_cast %add3A_1440 : i32 to index
          %swap3A_1467 = tpu.vector_load %arg12[%swap3A_1465, %swap3A_1466] {strides = array<i32>} : memref<16x1024xf32, #tpu.memory_space<vmem>>, vector<1x16xf32>,
          %swap3A_1468 = vector.shape_cast %swap3A_1467 : vector<1x16xf32> to vector<16xf32>
          %swap3A_1469 = vector.shape_cast %get3A_1446 : vector<16xf32> to vector<1x16xf32>
          tpu.vector_store %arg12[%swap3A_1465, %swap3A_1466], %swap3A_1469 {add = true, strides = array<i32>} : memref<16x1024xf32, #tpu.memory_space<vmem>>, vector<1x16xf32>,
          %swap3A_1470 = arith.index_cast %get3A_560 : i32 to index
          %swap3A_1471 = arith.index_cast %add3A_1440 : i32 to index
          %swap3A_1472 = tpu.vector_load %arg12[%swap3A_1470, %swap3A_1471] {strides = array<i32>} : memref<16x1024xf32, #tpu.memory_space<vmem>>, vector<1x16xf32>,
          %swap3A_1473 = vector.shape_cast %swap3A_1472 : vector<1x16xf32> to vector<16xf32>
          %swap3A_1474 = vector.shape_cast %get3A_1452 : vector<16xf32> to vector<1x16xf32>
          tpu.vector_store %arg12[%swap3A_1470, %swap3A_1471], %swap3A_1474 {add = true, strides = array<i32>} : memref<16x1024xf32, #tpu.memory_space<vmem>>, vector<1x16xf32>,
          %swap3A_1475 = arith.index_cast %get3A_567 : i32 to index
          %swap3A_1476 = arith.index_cast %add3A_1440 : i32 to index
          %swap3A_1477 = tpu.vector_load %arg12[%swap3A_1475, %swap3A_1476] {strides = array<i32>} : memref<16x1024xf32, #tpu.memory_space<vmem>>, vector<1x16xf32>,
          %swap3A_1478 = vector.shape_cast %swap3A_1477 : vector<1x16xf32> to vector<16xf32>
          %swap3A_1479 = vector.shape_cast %get3A_1458 : vector<16xf32> to vector<1x16xf32>
          tpu.vector_store %arg12[%swap3A_1475, %swap3A_1476], %swap3A_1479 {add = true, strides = array<i32>} : memref<16x1024xf32, #tpu.memory_space<vmem>>, vector<1x16xf32>,
          %swap3A_1480 = arith.index_cast %get3A_574 : i32 to index
          %swap3A_1481 = arith.index_cast %add3A_1440 : i32 to index
          %swap3A_1482 = tpu.vector_load %arg12[%swap3A_1480, %swap3A_1481] {strides = array<i32>} : memref<16x1024xf32, #tpu.memory_space<vmem>>, vector<1x16xf32>,
          %swap3A_1483 = vector.shape_cast %swap3A_1482 : vector<1x16xf32> to vector<16xf32>
          %swap3A_1484 = vector.shape_cast %get3A_1464 : vector<16xf32> to vector<1x16xf32>
          tpu.vector_store %arg12[%swap3A_1480, %swap3A_1481], %swap3A_1484 {add = true, strides = array<i32>} : memref<16x1024xf32, #tpu.memory_space<vmem>>, vector<1x16xf32>,
          %mul3A_1485 = arith.mulf %get3A_1446, %get3A_1446 : vector<16xf32>
          %add3A_1486 = arith.addf %add3A_1432, %mul3A_1485 : vector<16xf32>
          %mul3A_1487 = arith.mulf %get3A_1452, %get3A_1452 : vector<16xf32>
          %add3A_1488 = arith.addf %add3A_1434, %mul3A_1487 : vector<16xf32>
          %mul3A_1489 = arith.mulf %get3A_1458, %get3A_1458 : vector<16xf32>
          %add3A_1490 = arith.addf %add3A_1436, %mul3A_1489 : vector<16xf32>
          %mul3A_1491 = arith.mulf %get3A_1464, %get3A_1464 : vector<16xf32>
          %add3A_1492 = arith.addf %add3A_1438, %mul3A_1491 : vector<16xf32>
          scf.yield %add3A_1486, %add3A_1488, %add3A_1490, %add3A_1492 : vector<16xf32>, vector<16xf32>, vector<16xf32>, vector<16xf32>
        }
        %scan3A_580 = arith.constant 4 : i32
        %swap3A_581 = arith.index_cast %get3A_553 : i32 to index
        %swap3A_582 = arith.constant 0 : index
        %swap3A_583 = tpu.vector_load %arg13[%swap3A_581, %swap3A_582] {strides = array<i32>} : memref<16x16xf32, #tpu.memory_space<vmem>>, vector<1x16xf32>,
        %swap3A_584 = vector.shape_cast %swap3A_583 : vector<1x16xf32> to vector<16xf32>
        %swap3A_585 = vector.shape_cast %scan3A_579#0 : vector<16xf32> to vector<1x16xf32>
        tpu.vector_store %arg13[%swap3A_581, %swap3A_582], %swap3A_585 {add = true, strides = array<i32>} : memref<16x16xf32, #tpu.memory_space<vmem>>, vector<1x16xf32>,
        %swap3A_586 = arith.index_cast %get3A_553 : i32 to index
        %swap3A_587 = arith.constant 0 : index
        %swap3A_588 = tpu.vector_load %arg14[%swap3A_586, %swap3A_587] {strides = array<i32>} : memref<16x16xf32, #tpu.memory_space<vmem>>, vector<1x16xf32>,
        %swap3A_589 = vector.shape_cast %swap3A_588 : vector<1x16xf32> to vector<16xf32>
        %swap3A_590 = vector.shape_cast %select_n3A : vector<16xf32> to vector<1x16xf32>
        tpu.vector_store %arg14[%swap3A_586, %swap3A_587], %swap3A_590 {add = true, strides = array<i32>} : memref<16x16xf32, #tpu.memory_space<vmem>>, vector<1x16xf32>,
        %swap3A_591 = arith.index_cast %get3A_560 : i32 to index
        %swap3A_592 = arith.constant 0 : index
        %swap3A_593 = tpu.vector_load %arg13[%swap3A_591, %swap3A_592] {strides = array<i32>} : memref<16x16xf32, #tpu.memory_space<vmem>>, vector<1x16xf32>,
        %swap3A_594 = vector.shape_cast %swap3A_593 : vector<1x16xf32> to vector<16xf32>
        %swap3A_595 = vector.shape_cast %scan3A_579#1 : vector<16xf32> to vector<1x16xf32>
        tpu.vector_store %arg13[%swap3A_591, %swap3A_592], %swap3A_595 {add = true, strides = array<i32>} : memref<16x16xf32, #tpu.memory_space<vmem>>, vector<1x16xf32>,
        %swap3A_596 = arith.index_cast %get3A_560 : i32 to index
        %swap3A_597 = arith.constant 0 : index
        %swap3A_598 = tpu.vector_load %arg14[%swap3A_596, %swap3A_597] {strides = array<i32>} : memref<16x16xf32, #tpu.memory_space<vmem>>, vector<1x16xf32>,
        %swap3A_599 = vector.shape_cast %swap3A_598 : vector<1x16xf32> to vector<16xf32>
        %swap3A_600 = vector.shape_cast %select_n3A : vector<16xf32> to vector<1x16xf32>
        tpu.vector_store %arg14[%swap3A_596, %swap3A_597], %swap3A_600 {add = true, strides = array<i32>} : memref<16x16xf32, #tpu.memory_space<vmem>>, vector<1x16xf32>,
        %swap3A_601 = arith.index_cast %get3A_567 : i32 to index
        %swap3A_602 = arith.constant 0 : index
        %swap3A_603 = tpu.vector_load %arg13[%swap3A_601, %swap3A_602] {strides = array<i32>} : memref<16x16xf32, #tpu.memory_space<vmem>>, vector<1x16xf32>,
        %swap3A_604 = vector.shape_cast %swap3A_603 : vector<1x16xf32> to vector<16xf32>
        %swap3A_605 = vector.shape_cast %scan3A_579#2 : vector<16xf32> to vector<1x16xf32>
        tpu.vector_store %arg13[%swap3A_601, %swap3A_602], %swap3A_605 {add = true, strides = array<i32>} : memref<16x16xf32, #tpu.memory_space<vmem>>, vector<1x16xf32>,
        %swap3A_606 = arith.index_cast %get3A_567 : i32 to index
        %swap3A_607 = arith.constant 0 : index
        %swap3A_608 = tpu.vector_load %arg14[%swap3A_606, %swap3A_607] {strides = array<i32>} : memref<16x16xf32, #tpu.memory_space<vmem>>, vector<1x16xf32>,
        %swap3A_609 = vector.shape_cast %swap3A_608 : vector<1x16xf32> to vector<16xf32>
        %swap3A_610 = vector.shape_cast %select_n3A : vector<16xf32> to vector<1x16xf32>
        tpu.vector_store %arg14[%swap3A_606, %swap3A_607], %swap3A_610 {add = true, strides = array<i32>} : memref<16x16xf32, #tpu.memory_space<vmem>>, vector<1x16xf32>,
        %swap3A_611 = arith.index_cast %get3A_574 : i32 to index
        %swap3A_612 = arith.constant 0 : index
        %swap3A_613 = tpu.vector_load %arg13[%swap3A_611, %swap3A_612] {strides = array<i32>} : memref<16x16xf32, #tpu.memory_space<vmem>>, vector<1x16xf32>,
        %swap3A_614 = vector.shape_cast %swap3A_613 : vector<1x16xf32> to vector<16xf32>
        %swap3A_615 = vector.shape_cast %scan3A_579#3 : vector<16xf32> to vector<1x16xf32>
        tpu.vector_store %arg13[%swap3A_611, %swap3A_612], %swap3A_615 {add = true, strides = array<i32>} : memref<16x16xf32, #tpu.memory_space<vmem>>, vector<1x16xf32>,
        %swap3A_616 = arith.index_cast %get3A_574 : i32 to index
        %swap3A_617 = arith.constant 0 : index
        %swap3A_618 = tpu.vector_load %arg14[%swap3A_616, %swap3A_617] {strides = array<i32>} : memref<16x16xf32, #tpu.memory_space<vmem>>, vector<1x16xf32>,
        %swap3A_619 = vector.shape_cast %swap3A_618 : vector<1x16xf32> to vector<16xf32>
        %swap3A_620 = vector.shape_cast %select_n3A : vector<16xf32> to vector<1x16xf32>
        tpu.vector_store %arg14[%swap3A_616, %swap3A_617], %swap3A_620 {add = true, strides = array<i32>} : memref<16x16xf32, #tpu.memory_space<vmem>>, vector<1x16xf32>,
        %scan3A_621 = arith.constant 0 : i32
        scf.yield %scan3A_621 : i32
      }
      %scan3A_518 = arith.constant 8 : i32
      %add3A_519 = arith.constant 2 : i32
      %add3A_520 = arith.addi %mul3A_496, %add3A_519 : i32
      %lt3A = arith.constant 8 : i32
      %lt3A_521 = arith.cmpi slt, %add3A_520, %lt3A : i32
      %convert_element_type3A_522 = arith.extui %lt3A_521 : i1 to i32
      %cond3A = arith.constant 0 : i32
      %cond3A_523 = arith.cmpi ne, %convert_element_type3A_522, %cond3A : i32
      scf.if %cond3A_523 {
        %add3A_543 = arith.constant 2 : i32
        %add3A_544 = arith.addi %mul3A_496, %add3A_543 : i32
        %mul3A_545 = arith.constant 32 : i32
        %mul3A_546 = arith.muli %add3A_544, %mul3A_545 : i32
        %add3A_547 = arith.addi %mul3A_2, %mul3A_546 : i32
        %dma_start3A_548 = arith.constant 0 : i32
        %dma_start3A_549 = tpu.memref_slice %arg2[%add3A_547, %dma_start3A_548] : memref<8192x1024xf32, #tpu.memory_space<hbm>> -> memref<32x1024xf32, #tpu.memory_space<hbm>>
        %dma_start3A_550 = arith.constant 0 : i32
        %dma_start3A_551 = tpu.memref_slice %arg2[%add3A_547, %dma_start3A_550] : memref<8192x1024xf32, #tpu.memory_space<hbm>> -> memref<32x1024xf32, #tpu.memory_space<hbm>>
        tpu.enqueue_dma source(%dma_start3A_551 : memref<32x1024xf32, #tpu.memory_space<hbm>>) target(%arg7 : memref<32x1024xf32, #tpu.memory_space<vmem>>) target_semaphore(%arg15 : memref<!tpu.dma_semaphore, #tpu.memory_space<semaphore_mem>>)
      } else {
      }
      %add3A_524 = arith.constant 1 : i32
      %add3A_525 = arith.addi %mul3A_496, %add3A_524 : i32
      %mul3A_526 = arith.constant 32 : i32
      %mul3A_527 = arith.muli %add3A_525, %mul3A_526 : i32
      %add3A_528 = arith.addi %mul3A_2, %mul3A_527 : i32
      %dma_wait3A_529 = arith.constant 0 : i32
      %dma_wait3A_530 = tpu.memref_slice %arg2[%add3A_528, %dma_wait3A_529] : memref<8192x1024xf32, #tpu.memory_space<hbm>> -> memref<32x1024xf32, #tpu.memory_space<hbm>>
      %dma_wait3A_531 = arith.constant 0 : i32
      %dma_wait3A_532 = tpu.memref_slice %arg2[%add3A_528, %dma_wait3A_531] : memref<8192x1024xf32, #tpu.memory_space<hbm>> -> memref<32x1024xf32, #tpu.memory_space<hbm>>
      tpu.wait_dma2 semaphore(%arg16 : memref<!tpu.dma_semaphore, #tpu.memory_space<semaphore_mem>>) src(%dma_wait3A_532 : memref<32x1024xf32, #tpu.memory_space<hbm>>) dst(%arg8 : memref<32x1024xf32, #tpu.memory_space<vmem>>)
      %add3A_533 = arith.constant 1 : i32
      %add3A_534 = arith.addi %mul3A_496, %add3A_533 : i32
      %scan3A_535 = arith.constant 0 : i32
      %scan3A_536 = arith.constant 0 : i32
      %scan3A_537 = arith.constant 8 : i32
      %scan3A_538 = arith.addi %scan3A_536, %scan3A_537 : i32
      %scan3A_539 = arith.constant 1 : i32
      %scan3A_540 = scf.for %scan3A_543 = %scan3A_536 to %scan3A_538 step %scan3A_539 iter_args(%scan3A_544 = %scan3A_535) -> (i32)  : i32 {
        %mul3A_545 = arith.constant 4 : i32
        %mul3A_546 = arith.muli %scan3A_543, %mul3A_545 : i32
        %mul3A_547 = arith.constant 32 : i32
        %mul3A_548 = arith.muli %add3A_534, %mul3A_547 : i32
        %add3A_549 = arith.addi %mul3A_548, %mul3A_546 : i32
        %add3A_550 = arith.constant 0 : i32
        %add3A_551 = arith.addi %add3A_549, %add3A_550 : i32
        %get3A_552 = arith.index_cast %add3A_551 : i32 to index
        %get3A_553 = memref.load %arg11[%get3A_552] : memref<256xi32, #tpu.memory_space<smem>>
        %mul3A_554 = arith.constant 32 : i32
        %mul3A_555 = arith.muli %add3A_534, %mul3A_554 : i32
        %add3A_556 = arith.addi %mul3A_555, %mul3A_546 : i32
        %add3A_557 = arith.constant 1 : i32
        %add3A_558 = arith.addi %add3A_556, %add3A_557 : i32
        %get3A_559 = arith.index_cast %add3A_558 : i32 to index
        %get3A_560 = memref.load %arg11[%get3A_559] : memref<256xi32, #tpu.memory_space<smem>>
        %mul3A_561 = arith.constant 32 : i32
        %mul3A_562 = arith.muli %add3A_534, %mul3A_561 : i32
        %add3A_563 = arith.addi %mul3A_562, %mul3A_546 : i32
        %add3A_564 = arith.constant 2 : i32
        %add3A_565 = arith.addi %add3A_563, %add3A_564 : i32
        %get3A_566 = arith.index_cast %add3A_565 : i32 to index
        %get3A_567 = memref.load %arg11[%get3A_566] : memref<256xi32, #tpu.memory_space<smem>>
        %mul3A_568 = arith.constant 32 : i32
        %mul3A_569 = arith.muli %add3A_534, %mul3A_568 : i32
        %add3A_570 = arith.addi %mul3A_569, %mul3A_546 : i32
        %add3A_571 = arith.constant 3 : i32
        %add3A_572 = arith.addi %add3A_570, %add3A_571 : i32
        %get3A_573 = arith.index_cast %add3A_572 : i32 to index
        %get3A_574 = memref.load %arg11[%get3A_573] : memref<256xi32, #tpu.memory_space<smem>>
        %scan3A_575 = arith.constant 0 : i32
        %scan3A_576 = arith.constant 4 : i32
        %scan3A_577 = arith.addi %scan3A_575, %scan3A_576 : i32
        %scan3A_578 = arith.constant 1 : i32
        %scan3A_579:4 = scf.for %scan3A_622 = %scan3A_575 to %scan3A_577 step %scan3A_578 iter_args(%scan3A_623 = %broadcast_in_dim3A_3, %scan3A_624 = %broadcast_in_dim3A_3, %scan3A_625 = %broadcast_in_dim3A_3, %scan3A_626 = %broadcast_in_dim3A_3) -> (vector<16xf32>, vector<16xf32>, vector<16xf32>, vector<16xf32>)  : i32 {
          %mul3A_627 = arith.constant 256 : i32
          %mul3A_628 = arith.muli %scan3A_622, %mul3A_627 : i32
          %add3A_629 = arith.constant 0 : i32
          %add3A_630 = arith.addi %mul3A_628, %add3A_629 : i32
          %add3A_631 = arith.constant 0 : i32
          %add3A_632 = arith.addi %mul3A_546, %add3A_631 : i32
          %get3A_633 = arith.index_cast %add3A_632 : i32 to index
          %get3A_634 = arith.index_cast %add3A_630 : i32 to index
          %get3A_635 = tpu.vector_load %arg8[%get3A_633, %get3A_634] {strides = array<i32>} : memref<32x1024xf32, #tpu.memory_space<vmem>>, vector<1x16xf32>,
          %get3A_636 = vector.shape_cast %get3A_635 : vector<1x16xf32> to vector<16xf32>
          %add3A_637 = arith.constant 1 : i32
          %add3A_638 = arith.addi %mul3A_546, %add3A_637 : i32
          %get3A_639 = arith.index_cast %add3A_638 : i32 to index
          %get3A_640 = arith.index_cast %add3A_630 : i32 to index
          %get3A_641 = tpu.vector_load %arg8[%get3A_639, %get3A_640] {strides = array<i32>} : memref<32x1024xf32, #tpu.memory_space<vmem>>, vector<1x16xf32>,
          %get3A_642 = vector.shape_cast %get3A_641 : vector<1x16xf32> to vector<16xf32>
          %add3A_643 = arith.constant 2 : i32
          %add3A_644 = arith.addi %mul3A_546, %add3A_643 : i32
          %get3A_645 = arith.index_cast %add3A_644 : i32 to index
          %get3A_646 = arith.index_cast %add3A_630 : i32 to index
          %get3A_647 = tpu.vector_load %arg8[%get3A_645, %get3A_646] {strides = array<i32>} : memref<32x1024xf32, #tpu.memory_space<vmem>>, vector<1x16xf32>,
          %get3A_648 = vector.shape_cast %get3A_647 : vector<1x16xf32> to vector<16xf32>
          %add3A_649 = arith.constant 3 : i32
          %add3A_650 = arith.addi %mul3A_546, %add3A_649 : i32
          %get3A_651 = arith.index_cast %add3A_650 : i32 to index
          %get3A_652 = arith.index_cast %add3A_630 : i32 to index
          %get3A_653 = tpu.vector_load %arg8[%get3A_651, %get3A_652] {strides = array<i32>} : memref<32x1024xf32, #tpu.memory_space<vmem>>, vector<1x16xf32>,
          %get3A_654 = vector.shape_cast %get3A_653 : vector<1x16xf32> to vector<16xf32>
          %swap3A_655 = arith.index_cast %get3A_553 : i32 to index
          %swap3A_656 = arith.index_cast %add3A_630 : i32 to index
          %swap3A_657 = tpu.vector_load %arg12[%swap3A_655, %swap3A_656] {strides = array<i32>} : memref<16x1024xf32, #tpu.memory_space<vmem>>, vector<1x16xf32>,
          %swap3A_658 = vector.shape_cast %swap3A_657 : vector<1x16xf32> to vector<16xf32>
          %swap3A_659 = vector.shape_cast %get3A_636 : vector<16xf32> to vector<1x16xf32>
          tpu.vector_store %arg12[%swap3A_655, %swap3A_656], %swap3A_659 {add = true, strides = array<i32>} : memref<16x1024xf32, #tpu.memory_space<vmem>>, vector<1x16xf32>,
          %swap3A_660 = arith.index_cast %get3A_560 : i32 to index
          %swap3A_661 = arith.index_cast %add3A_630 : i32 to index
          %swap3A_662 = tpu.vector_load %arg12[%swap3A_660, %swap3A_661] {strides = array<i32>} : memref<16x1024xf32, #tpu.memory_space<vmem>>, vector<1x16xf32>,
          %swap3A_663 = vector.shape_cast %swap3A_662 : vector<1x16xf32> to vector<16xf32>
          %swap3A_664 = vector.shape_cast %get3A_642 : vector<16xf32> to vector<1x16xf32>
          tpu.vector_store %arg12[%swap3A_660, %swap3A_661], %swap3A_664 {add = true, strides = array<i32>} : memref<16x1024xf32, #tpu.memory_space<vmem>>, vector<1x16xf32>,
          %swap3A_665 = arith.index_cast %get3A_567 : i32 to index
          %swap3A_666 = arith.index_cast %add3A_630 : i32 to index
          %swap3A_667 = tpu.vector_load %arg12[%swap3A_665, %swap3A_666] {strides = array<i32>} : memref<16x1024xf32, #tpu.memory_space<vmem>>, vector<1x16xf32>,
          %swap3A_668 = vector.shape_cast %swap3A_667 : vector<1x16xf32> to vector<16xf32>
          %swap3A_669 = vector.shape_cast %get3A_648 : vector<16xf32> to vector<1x16xf32>
          tpu.vector_store %arg12[%swap3A_665, %swap3A_666], %swap3A_669 {add = true, strides = array<i32>} : memref<16x1024xf32, #tpu.memory_space<vmem>>, vector<1x16xf32>,
          %swap3A_670 = arith.index_cast %get3A_574 : i32 to index
          %swap3A_671 = arith.index_cast %add3A_630 : i32 to index
          %swap3A_672 = tpu.vector_load %arg12[%swap3A_670, %swap3A_671] {strides = array<i32>} : memref<16x1024xf32, #tpu.memory_space<vmem>>, vector<1x16xf32>,
          %swap3A_673 = vector.shape_cast %swap3A_672 : vector<1x16xf32> to vector<16xf32>
          %swap3A_674 = vector.shape_cast %get3A_654 : vector<16xf32> to vector<1x16xf32>
          tpu.vector_store %arg12[%swap3A_670, %swap3A_671], %swap3A_674 {add = true, strides = array<i32>} : memref<16x1024xf32, #tpu.memory_space<vmem>>, vector<1x16xf32>,
          %mul3A_675 = arith.mulf %get3A_636, %get3A_636 : vector<16xf32>
          %add3A_676 = arith.addf %scan3A_623, %mul3A_675 : vector<16xf32>
          %mul3A_677 = arith.mulf %get3A_642, %get3A_642 : vector<16xf32>
          %add3A_678 = arith.addf %scan3A_624, %mul3A_677 : vector<16xf32>
          %mul3A_679 = arith.mulf %get3A_648, %get3A_648 : vector<16xf32>
          %add3A_680 = arith.addf %scan3A_625, %mul3A_679 : vector<16xf32>
          %mul3A_681 = arith.mulf %get3A_654, %get3A_654 : vector<16xf32>
          %add3A_682 = arith.addf %scan3A_626, %mul3A_681 : vector<16xf32>
          %add3A_683 = arith.constant 16 : i32
          %add3A_684 = arith.addi %mul3A_628, %add3A_683 : i32
          %add3A_685 = arith.constant 0 : i32
          %add3A_686 = arith.addi %mul3A_546, %add3A_685 : i32
          %get3A_687 = arith.index_cast %add3A_686 : i32 to index
          %get3A_688 = arith.index_cast %add3A_684 : i32 to index
          %get3A_689 = tpu.vector_load %arg8[%get3A_687, %get3A_688] {strides = array<i32>} : memref<32x1024xf32, #tpu.memory_space<vmem>>, vector<1x16xf32>,
          %get3A_690 = vector.shape_cast %get3A_689 : vector<1x16xf32> to vector<16xf32>
          %add3A_691 = arith.constant 1 : i32
          %add3A_692 = arith.addi %mul3A_546, %add3A_691 : i32
          %get3A_693 = arith.index_cast %add3A_692 : i32 to index
          %get3A_694 = arith.index_cast %add3A_684 : i32 to index
          %get3A_695 = tpu.vector_load %arg8[%get3A_693, %get3A_694] {strides = array<i32>} : memref<32x1024xf32, #tpu.memory_space<vmem>>, vector<1x16xf32>,
          %get3A_696 = vector.shape_cast %get3A_695 : vector<1x16xf32> to vector<16xf32>
          %add3A_697 = arith.constant 2 : i32
          %add3A_698 = arith.addi %mul3A_546, %add3A_697 : i32
          %get3A_699 = arith.index_cast %add3A_698 : i32 to index
          %get3A_700 = arith.index_cast %add3A_684 : i32 to index
          %get3A_701 = tpu.vector_load %arg8[%get3A_699, %get3A_700] {strides = array<i32>} : memref<32x1024xf32, #tpu.memory_space<vmem>>, vector<1x16xf32>,
          %get3A_702 = vector.shape_cast %get3A_701 : vector<1x16xf32> to vector<16xf32>
          %add3A_703 = arith.constant 3 : i32
          %add3A_704 = arith.addi %mul3A_546, %add3A_703 : i32
          %get3A_705 = arith.index_cast %add3A_704 : i32 to index
          %get3A_706 = arith.index_cast %add3A_684 : i32 to index
          %get3A_707 = tpu.vector_load %arg8[%get3A_705, %get3A_706] {strides = array<i32>} : memref<32x1024xf32, #tpu.memory_space<vmem>>, vector<1x16xf32>,
          %get3A_708 = vector.shape_cast %get3A_707 : vector<1x16xf32> to vector<16xf32>
          %swap3A_709 = arith.index_cast %get3A_553 : i32 to index
          %swap3A_710 = arith.index_cast %add3A_684 : i32 to index
          %swap3A_711 = tpu.vector_load %arg12[%swap3A_709, %swap3A_710] {strides = array<i32>} : memref<16x1024xf32, #tpu.memory_space<vmem>>, vector<1x16xf32>,
          %swap3A_712 = vector.shape_cast %swap3A_711 : vector<1x16xf32> to vector<16xf32>
          %swap3A_713 = vector.shape_cast %get3A_690 : vector<16xf32> to vector<1x16xf32>
          tpu.vector_store %arg12[%swap3A_709, %swap3A_710], %swap3A_713 {add = true, strides = array<i32>} : memref<16x1024xf32, #tpu.memory_space<vmem>>, vector<1x16xf32>,
          %swap3A_714 = arith.index_cast %get3A_560 : i32 to index
          %swap3A_715 = arith.index_cast %add3A_684 : i32 to index
          %swap3A_716 = tpu.vector_load %arg12[%swap3A_714, %swap3A_715] {strides = array<i32>} : memref<16x1024xf32, #tpu.memory_space<vmem>>, vector<1x16xf32>,
          %swap3A_717 = vector.shape_cast %swap3A_716 : vector<1x16xf32> to vector<16xf32>
          %swap3A_718 = vector.shape_cast %get3A_696 : vector<16xf32> to vector<1x16xf32>
          tpu.vector_store %arg12[%swap3A_714, %swap3A_715], %swap3A_718 {add = true, strides = array<i32>} : memref<16x1024xf32, #tpu.memory_space<vmem>>, vector<1x16xf32>,
          %swap3A_719 = arith.index_cast %get3A_567 : i32 to index
          %swap3A_720 = arith.index_cast %add3A_684 : i32 to index
          %swap3A_721 = tpu.vector_load %arg12[%swap3A_719, %swap3A_720] {strides = array<i32>} : memref<16x1024xf32, #tpu.memory_space<vmem>>, vector<1x16xf32>,
          %swap3A_722 = vector.shape_cast %swap3A_721 : vector<1x16xf32> to vector<16xf32>
          %swap3A_723 = vector.shape_cast %get3A_702 : vector<16xf32> to vector<1x16xf32>
          tpu.vector_store %arg12[%swap3A_719, %swap3A_720], %swap3A_723 {add = true, strides = array<i32>} : memref<16x1024xf32, #tpu.memory_space<vmem>>, vector<1x16xf32>,
          %swap3A_724 = arith.index_cast %get3A_574 : i32 to index
          %swap3A_725 = arith.index_cast %add3A_684 : i32 to index
          %swap3A_726 = tpu.vector_load %arg12[%swap3A_724, %swap3A_725] {strides = array<i32>} : memref<16x1024xf32, #tpu.memory_space<vmem>>, vector<1x16xf32>,
          %swap3A_727 = vector.shape_cast %swap3A_726 : vector<1x16xf32> to vector<16xf32>
          %swap3A_728 = vector.shape_cast %get3A_708 : vector<16xf32> to vector<1x16xf32>
          tpu.vector_store %arg12[%swap3A_724, %swap3A_725], %swap3A_728 {add = true, strides = array<i32>} : memref<16x1024xf32, #tpu.memory_space<vmem>>, vector<1x16xf32>,
          %mul3A_729 = arith.mulf %get3A_690, %get3A_690 : vector<16xf32>
          %add3A_730 = arith.addf %add3A_676, %mul3A_729 : vector<16xf32>
          %mul3A_731 = arith.mulf %get3A_696, %get3A_696 : vector<16xf32>
          %add3A_732 = arith.addf %add3A_678, %mul3A_731 : vector<16xf32>
          %mul3A_733 = arith.mulf %get3A_702, %get3A_702 : vector<16xf32>
          %add3A_734 = arith.addf %add3A_680, %mul3A_733 : vector<16xf32>
          %mul3A_735 = arith.mulf %get3A_708, %get3A_708 : vector<16xf32>
          %add3A_736 = arith.addf %add3A_682, %mul3A_735 : vector<16xf32>
          %add3A_737 = arith.constant 32 : i32
          %add3A_738 = arith.addi %mul3A_628, %add3A_737 : i32
          %add3A_739 = arith.constant 0 : i32
          %add3A_740 = arith.addi %mul3A_546, %add3A_739 : i32
          %get3A_741 = arith.index_cast %add3A_740 : i32 to index
          %get3A_742 = arith.index_cast %add3A_738 : i32 to index
          %get3A_743 = tpu.vector_load %arg8[%get3A_741, %get3A_742] {strides = array<i32>} : memref<32x1024xf32, #tpu.memory_space<vmem>>, vector<1x16xf32>,
          %get3A_744 = vector.shape_cast %get3A_743 : vector<1x16xf32> to vector<16xf32>
          %add3A_745 = arith.constant 1 : i32
          %add3A_746 = arith.addi %mul3A_546, %add3A_745 : i32
          %get3A_747 = arith.index_cast %add3A_746 : i32 to index
          %get3A_748 = arith.index_cast %add3A_738 : i32 to index
          %get3A_749 = tpu.vector_load %arg8[%get3A_747, %get3A_748] {strides = array<i32>} : memref<32x1024xf32, #tpu.memory_space<vmem>>, vector<1x16xf32>,
          %get3A_750 = vector.shape_cast %get3A_749 : vector<1x16xf32> to vector<16xf32>
          %add3A_751 = arith.constant 2 : i32
          %add3A_752 = arith.addi %mul3A_546, %add3A_751 : i32
          %get3A_753 = arith.index_cast %add3A_752 : i32 to index
          %get3A_754 = arith.index_cast %add3A_738 : i32 to index
          %get3A_755 = tpu.vector_load %arg8[%get3A_753, %get3A_754] {strides = array<i32>} : memref<32x1024xf32, #tpu.memory_space<vmem>>, vector<1x16xf32>,
          %get3A_756 = vector.shape_cast %get3A_755 : vector<1x16xf32> to vector<16xf32>
          %add3A_757 = arith.constant 3 : i32
          %add3A_758 = arith.addi %mul3A_546, %add3A_757 : i32
          %get3A_759 = arith.index_cast %add3A_758 : i32 to index
          %get3A_760 = arith.index_cast %add3A_738 : i32 to index
          %get3A_761 = tpu.vector_load %arg8[%get3A_759, %get3A_760] {strides = array<i32>} : memref<32x1024xf32, #tpu.memory_space<vmem>>, vector<1x16xf32>,
          %get3A_762 = vector.shape_cast %get3A_761 : vector<1x16xf32> to vector<16xf32>
          %swap3A_763 = arith.index_cast %get3A_553 : i32 to index
          %swap3A_764 = arith.index_cast %add3A_738 : i32 to index
          %swap3A_765 = tpu.vector_load %arg12[%swap3A_763, %swap3A_764] {strides = array<i32>} : memref<16x1024xf32, #tpu.memory_space<vmem>>, vector<1x16xf32>,
          %swap3A_766 = vector.shape_cast %swap3A_765 : vector<1x16xf32> to vector<16xf32>
          %swap3A_767 = vector.shape_cast %get3A_744 : vector<16xf32> to vector<1x16xf32>
          tpu.vector_store %arg12[%swap3A_763, %swap3A_764], %swap3A_767 {add = true, strides = array<i32>} : memref<16x1024xf32, #tpu.memory_space<vmem>>, vector<1x16xf32>,
          %swap3A_768 = arith.index_cast %get3A_560 : i32 to index
          %swap3A_769 = arith.index_cast %add3A_738 : i32 to index
          %swap3A_770 = tpu.vector_load %arg12[%swap3A_768, %swap3A_769] {strides = array<i32>} : memref<16x1024xf32, #tpu.memory_space<vmem>>, vector<1x16xf32>,
          %swap3A_771 = vector.shape_cast %swap3A_770 : vector<1x16xf32> to vector<16xf32>
          %swap3A_772 = vector.shape_cast %get3A_750 : vector<16xf32> to vector<1x16xf32>
          tpu.vector_store %arg12[%swap3A_768, %swap3A_769], %swap3A_772 {add = true, strides = array<i32>} : memref<16x1024xf32, #tpu.memory_space<vmem>>, vector<1x16xf32>,
          %swap3A_773 = arith.index_cast %get3A_567 : i32 to index
          %swap3A_774 = arith.index_cast %add3A_738 : i32 to index
          %swap3A_775 = tpu.vector_load %arg12[%swap3A_773, %swap3A_774] {strides = array<i32>} : memref<16x1024xf32, #tpu.memory_space<vmem>>, vector<1x16xf32>,
          %swap3A_776 = vector.shape_cast %swap3A_775 : vector<1x16xf32> to vector<16xf32>
          %swap3A_777 = vector.shape_cast %get3A_756 : vector<16xf32> to vector<1x16xf32>
          tpu.vector_store %arg12[%swap3A_773, %swap3A_774], %swap3A_777 {add = true, strides = array<i32>} : memref<16x1024xf32, #tpu.memory_space<vmem>>, vector<1x16xf32>,
          %swap3A_778 = arith.index_cast %get3A_574 : i32 to index
          %swap3A_779 = arith.index_cast %add3A_738 : i32 to index
          %swap3A_780 = tpu.vector_load %arg12[%swap3A_778, %swap3A_779] {strides = array<i32>} : memref<16x1024xf32, #tpu.memory_space<vmem>>, vector<1x16xf32>,
          %swap3A_781 = vector.shape_cast %swap3A_780 : vector<1x16xf32> to vector<16xf32>
          %swap3A_782 = vector.shape_cast %get3A_762 : vector<16xf32> to vector<1x16xf32>
          tpu.vector_store %arg12[%swap3A_778, %swap3A_779], %swap3A_782 {add = true, strides = array<i32>} : memref<16x1024xf32, #tpu.memory_space<vmem>>, vector<1x16xf32>,
          %mul3A_783 = arith.mulf %get3A_744, %get3A_744 : vector<16xf32>
          %add3A_784 = arith.addf %add3A_730, %mul3A_783 : vector<16xf32>
          %mul3A_785 = arith.mulf %get3A_750, %get3A_750 : vector<16xf32>
          %add3A_786 = arith.addf %add3A_732, %mul3A_785 : vector<16xf32>
          %mul3A_787 = arith.mulf %get3A_756, %get3A_756 : vector<16xf32>
          %add3A_788 = arith.addf %add3A_734, %mul3A_787 : vector<16xf32>
          %mul3A_789 = arith.mulf %get3A_762, %get3A_762 : vector<16xf32>
          %add3A_790 = arith.addf %add3A_736, %mul3A_789 : vector<16xf32>
          %add3A_791 = arith.constant 48 : i32
          %add3A_792 = arith.addi %mul3A_628, %add3A_791 : i32
          %add3A_793 = arith.constant 0 : i32
          %add3A_794 = arith.addi %mul3A_546, %add3A_793 : i32
          %get3A_795 = arith.index_cast %add3A_794 : i32 to index
          %get3A_796 = arith.index_cast %add3A_792 : i32 to index
          %get3A_797 = tpu.vector_load %arg8[%get3A_795, %get3A_796] {strides = array<i32>} : memref<32x1024xf32, #tpu.memory_space<vmem>>, vector<1x16xf32>,
          %get3A_798 = vector.shape_cast %get3A_797 : vector<1x16xf32> to vector<16xf32>
          %add3A_799 = arith.constant 1 : i32
          %add3A_800 = arith.addi %mul3A_546, %add3A_799 : i32
          %get3A_801 = arith.index_cast %add3A_800 : i32 to index
          %get3A_802 = arith.index_cast %add3A_792 : i32 to index
          %get3A_803 = tpu.vector_load %arg8[%get3A_801, %get3A_802] {strides = array<i32>} : memref<32x1024xf32, #tpu.memory_space<vmem>>, vector<1x16xf32>,
          %get3A_804 = vector.shape_cast %get3A_803 : vector<1x16xf32> to vector<16xf32>
          %add3A_805 = arith.constant 2 : i32
          %add3A_806 = arith.addi %mul3A_546, %add3A_805 : i32
          %get3A_807 = arith.index_cast %add3A_806 : i32 to index
          %get3A_808 = arith.index_cast %add3A_792 : i32 to index
          %get3A_809 = tpu.vector_load %arg8[%get3A_807, %get3A_808] {strides = array<i32>} : memref<32x1024xf32, #tpu.memory_space<vmem>>, vector<1x16xf32>,
          %get3A_810 = vector.shape_cast %get3A_809 : vector<1x16xf32> to vector<16xf32>
          %add3A_811 = arith.constant 3 : i32
          %add3A_812 = arith.addi %mul3A_546, %add3A_811 : i32
          %get3A_813 = arith.index_cast %add3A_812 : i32 to index
          %get3A_814 = arith.index_cast %add3A_792 : i32 to index
          %get3A_815 = tpu.vector_load %arg8[%get3A_813, %get3A_814] {strides = array<i32>} : memref<32x1024xf32, #tpu.memory_space<vmem>>, vector<1x16xf32>,
          %get3A_816 = vector.shape_cast %get3A_815 : vector<1x16xf32> to vector<16xf32>
          %swap3A_817 = arith.index_cast %get3A_553 : i32 to index
          %swap3A_818 = arith.index_cast %add3A_792 : i32 to index
          %swap3A_819 = tpu.vector_load %arg12[%swap3A_817, %swap3A_818] {strides = array<i32>} : memref<16x1024xf32, #tpu.memory_space<vmem>>, vector<1x16xf32>,
          %swap3A_820 = vector.shape_cast %swap3A_819 : vector<1x16xf32> to vector<16xf32>
          %swap3A_821 = vector.shape_cast %get3A_798 : vector<16xf32> to vector<1x16xf32>
          tpu.vector_store %arg12[%swap3A_817, %swap3A_818], %swap3A_821 {add = true, strides = array<i32>} : memref<16x1024xf32, #tpu.memory_space<vmem>>, vector<1x16xf32>,
          %swap3A_822 = arith.index_cast %get3A_560 : i32 to index
          %swap3A_823 = arith.index_cast %add3A_792 : i32 to index
          %swap3A_824 = tpu.vector_load %arg12[%swap3A_822, %swap3A_823] {strides = array<i32>} : memref<16x1024xf32, #tpu.memory_space<vmem>>, vector<1x16xf32>,
          %swap3A_825 = vector.shape_cast %swap3A_824 : vector<1x16xf32> to vector<16xf32>
          %swap3A_826 = vector.shape_cast %get3A_804 : vector<16xf32> to vector<1x16xf32>
          tpu.vector_store %arg12[%swap3A_822, %swap3A_823], %swap3A_826 {add = true, strides = array<i32>} : memref<16x1024xf32, #tpu.memory_space<vmem>>, vector<1x16xf32>,
          %swap3A_827 = arith.index_cast %get3A_567 : i32 to index
          %swap3A_828 = arith.index_cast %add3A_792 : i32 to index
          %swap3A_829 = tpu.vector_load %arg12[%swap3A_827, %swap3A_828] {strides = array<i32>} : memref<16x1024xf32, #tpu.memory_space<vmem>>, vector<1x16xf32>,
          %swap3A_830 = vector.shape_cast %swap3A_829 : vector<1x16xf32> to vector<16xf32>
          %swap3A_831 = vector.shape_cast %get3A_810 : vector<16xf32> to vector<1x16xf32>
          tpu.vector_store %arg12[%swap3A_827, %swap3A_828], %swap3A_831 {add = true, strides = array<i32>} : memref<16x1024xf32, #tpu.memory_space<vmem>>, vector<1x16xf32>,
          %swap3A_832 = arith.index_cast %get3A_574 : i32 to index
          %swap3A_833 = arith.index_cast %add3A_792 : i32 to index
          %swap3A_834 = tpu.vector_load %arg12[%swap3A_832, %swap3A_833] {strides = array<i32>} : memref<16x1024xf32, #tpu.memory_space<vmem>>, vector<1x16xf32>,
          %swap3A_835 = vector.shape_cast %swap3A_834 : vector<1x16xf32> to vector<16xf32>
          %swap3A_836 = vector.shape_cast %get3A_816 : vector<16xf32> to vector<1x16xf32>
          tpu.vector_store %arg12[%swap3A_832, %swap3A_833], %swap3A_836 {add = true, strides = array<i32>} : memref<16x1024xf32, #tpu.memory_space<vmem>>, vector<1x16xf32>,
          %mul3A_837 = arith.mulf %get3A_798, %get3A_798 : vector<16xf32>
          %add3A_838 = arith.addf %add3A_784, %mul3A_837 : vector<16xf32>
          %mul3A_839 = arith.mulf %get3A_804, %get3A_804 : vector<16xf32>
          %add3A_840 = arith.addf %add3A_786, %mul3A_839 : vector<16xf32>
          %mul3A_841 = arith.mulf %get3A_810, %get3A_810 : vector<16xf32>
          %add3A_842 = arith.addf %add3A_788, %mul3A_841 : vector<16xf32>
          %mul3A_843 = arith.mulf %get3A_816, %get3A_816 : vector<16xf32>
          %add3A_844 = arith.addf %add3A_790, %mul3A_843 : vector<16xf32>
          %add3A_845 = arith.constant 64 : i32
          %add3A_846 = arith.addi %mul3A_628, %add3A_845 : i32
          %add3A_847 = arith.constant 0 : i32
          %add3A_848 = arith.addi %mul3A_546, %add3A_847 : i32
          %get3A_849 = arith.index_cast %add3A_848 : i32 to index
          %get3A_850 = arith.index_cast %add3A_846 : i32 to index
          %get3A_851 = tpu.vector_load %arg8[%get3A_849, %get3A_850] {strides = array<i32>} : memref<32x1024xf32, #tpu.memory_space<vmem>>, vector<1x16xf32>,
          %get3A_852 = vector.shape_cast %get3A_851 : vector<1x16xf32> to vector<16xf32>
          %add3A_853 = arith.constant 1 : i32
          %add3A_854 = arith.addi %mul3A_546, %add3A_853 : i32
          %get3A_855 = arith.index_cast %add3A_854 : i32 to index
          %get3A_856 = arith.index_cast %add3A_846 : i32 to index
          %get3A_857 = tpu.vector_load %arg8[%get3A_855, %get3A_856] {strides = array<i32>} : memref<32x1024xf32, #tpu.memory_space<vmem>>, vector<1x16xf32>,
          %get3A_858 = vector.shape_cast %get3A_857 : vector<1x16xf32> to vector<16xf32>
          %add3A_859 = arith.constant 2 : i32
          %add3A_860 = arith.addi %mul3A_546, %add3A_859 : i32
          %get3A_861 = arith.index_cast %add3A_860 : i32 to index
          %get3A_862 = arith.index_cast %add3A_846 : i32 to index
          %get3A_863 = tpu.vector_load %arg8[%get3A_861, %get3A_862] {strides = array<i32>} : memref<32x1024xf32, #tpu.memory_space<vmem>>, vector<1x16xf32>,
          %get3A_864 = vector.shape_cast %get3A_863 : vector<1x16xf32> to vector<16xf32>
          %add3A_865 = arith.constant 3 : i32
          %add3A_866 = arith.addi %mul3A_546, %add3A_865 : i32
          %get3A_867 = arith.index_cast %add3A_866 : i32 to index
          %get3A_868 = arith.index_cast %add3A_846 : i32 to index
          %get3A_869 = tpu.vector_load %arg8[%get3A_867, %get3A_868] {strides = array<i32>} : memref<32x1024xf32, #tpu.memory_space<vmem>>, vector<1x16xf32>,
          %get3A_870 = vector.shape_cast %get3A_869 : vector<1x16xf32> to vector<16xf32>
          %swap3A_871 = arith.index_cast %get3A_553 : i32 to index
          %swap3A_872 = arith.index_cast %add3A_846 : i32 to index
          %swap3A_873 = tpu.vector_load %arg12[%swap3A_871, %swap3A_872] {strides = array<i32>} : memref<16x1024xf32, #tpu.memory_space<vmem>>, vector<1x16xf32>,
          %swap3A_874 = vector.shape_cast %swap3A_873 : vector<1x16xf32> to vector<16xf32>
          %swap3A_875 = vector.shape_cast %get3A_852 : vector<16xf32> to vector<1x16xf32>
          tpu.vector_store %arg12[%swap3A_871, %swap3A_872], %swap3A_875 {add = true, strides = array<i32>} : memref<16x1024xf32, #tpu.memory_space<vmem>>, vector<1x16xf32>,
          %swap3A_876 = arith.index_cast %get3A_560 : i32 to index
          %swap3A_877 = arith.index_cast %add3A_846 : i32 to index
          %swap3A_878 = tpu.vector_load %arg12[%swap3A_876, %swap3A_877] {strides = array<i32>} : memref<16x1024xf32, #tpu.memory_space<vmem>>, vector<1x16xf32>,
          %swap3A_879 = vector.shape_cast %swap3A_878 : vector<1x16xf32> to vector<16xf32>
          %swap3A_880 = vector.shape_cast %get3A_858 : vector<16xf32> to vector<1x16xf32>
          tpu.vector_store %arg12[%swap3A_876, %swap3A_877], %swap3A_880 {add = true, strides = array<i32>} : memref<16x1024xf32, #tpu.memory_space<vmem>>, vector<1x16xf32>,
          %swap3A_881 = arith.index_cast %get3A_567 : i32 to index
          %swap3A_882 = arith.index_cast %add3A_846 : i32 to index
          %swap3A_883 = tpu.vector_load %arg12[%swap3A_881, %swap3A_882] {strides = array<i32>} : memref<16x1024xf32, #tpu.memory_space<vmem>>, vector<1x16xf32>,
          %swap3A_884 = vector.shape_cast %swap3A_883 : vector<1x16xf32> to vector<16xf32>
          %swap3A_885 = vector.shape_cast %get3A_864 : vector<16xf32> to vector<1x16xf32>
          tpu.vector_store %arg12[%swap3A_881, %swap3A_882], %swap3A_885 {add = true, strides = array<i32>} : memref<16x1024xf32, #tpu.memory_space<vmem>>, vector<1x16xf32>,
          %swap3A_886 = arith.index_cast %get3A_574 : i32 to index
          %swap3A_887 = arith.index_cast %add3A_846 : i32 to index
          %swap3A_888 = tpu.vector_load %arg12[%swap3A_886, %swap3A_887] {strides = array<i32>} : memref<16x1024xf32, #tpu.memory_space<vmem>>, vector<1x16xf32>,
          %swap3A_889 = vector.shape_cast %swap3A_888 : vector<1x16xf32> to vector<16xf32>
          %swap3A_890 = vector.shape_cast %get3A_870 : vector<16xf32> to vector<1x16xf32>
          tpu.vector_store %arg12[%swap3A_886, %swap3A_887], %swap3A_890 {add = true, strides = array<i32>} : memref<16x1024xf32, #tpu.memory_space<vmem>>, vector<1x16xf32>,
          %mul3A_891 = arith.mulf %get3A_852, %get3A_852 : vector<16xf32>
          %add3A_892 = arith.addf %add3A_838, %mul3A_891 : vector<16xf32>
          %mul3A_893 = arith.mulf %get3A_858, %get3A_858 : vector<16xf32>
          %add3A_894 = arith.addf %add3A_840, %mul3A_893 : vector<16xf32>
          %mul3A_895 = arith.mulf %get3A_864, %get3A_864 : vector<16xf32>
          %add3A_896 = arith.addf %add3A_842, %mul3A_895 : vector<16xf32>
          %mul3A_897 = arith.mulf %get3A_870, %get3A_870 : vector<16xf32>
          %add3A_898 = arith.addf %add3A_844, %mul3A_897 : vector<16xf32>
          %add3A_899 = arith.constant 80 : i32
          %add3A_900 = arith.addi %mul3A_628, %add3A_899 : i32
          %add3A_901 = arith.constant 0 : i32
          %add3A_902 = arith.addi %mul3A_546, %add3A_901 : i32
          %get3A_903 = arith.index_cast %add3A_902 : i32 to index
          %get3A_904 = arith.index_cast %add3A_900 : i32 to index
          %get3A_905 = tpu.vector_load %arg8[%get3A_903, %get3A_904] {strides = array<i32>} : memref<32x1024xf32, #tpu.memory_space<vmem>>, vector<1x16xf32>,
          %get3A_906 = vector.shape_cast %get3A_905 : vector<1x16xf32> to vector<16xf32>
          %add3A_907 = arith.constant 1 : i32
          %add3A_908 = arith.addi %mul3A_546, %add3A_907 : i32
          %get3A_909 = arith.index_cast %add3A_908 : i32 to index
          %get3A_910 = arith.index_cast %add3A_900 : i32 to index
          %get3A_911 = tpu.vector_load %arg8[%get3A_909, %get3A_910] {strides = array<i32>} : memref<32x1024xf32, #tpu.memory_space<vmem>>, vector<1x16xf32>,
          %get3A_912 = vector.shape_cast %get3A_911 : vector<1x16xf32> to vector<16xf32>
          %add3A_913 = arith.constant 2 : i32
          %add3A_914 = arith.addi %mul3A_546, %add3A_913 : i32
          %get3A_915 = arith.index_cast %add3A_914 : i32 to index
          %get3A_916 = arith.index_cast %add3A_900 : i32 to index
          %get3A_917 = tpu.vector_load %arg8[%get3A_915, %get3A_916] {strides = array<i32>} : memref<32x1024xf32, #tpu.memory_space<vmem>>, vector<1x16xf32>,
          %get3A_918 = vector.shape_cast %get3A_917 : vector<1x16xf32> to vector<16xf32>
          %add3A_919 = arith.constant 3 : i32
          %add3A_920 = arith.addi %mul3A_546, %add3A_919 : i32
          %get3A_921 = arith.index_cast %add3A_920 : i32 to index
          %get3A_922 = arith.index_cast %add3A_900 : i32 to index
          %get3A_923 = tpu.vector_load %arg8[%get3A_921, %get3A_922] {strides = array<i32>} : memref<32x1024xf32, #tpu.memory_space<vmem>>, vector<1x16xf32>,
          %get3A_924 = vector.shape_cast %get3A_923 : vector<1x16xf32> to vector<16xf32>
          %swap3A_925 = arith.index_cast %get3A_553 : i32 to index
          %swap3A_926 = arith.index_cast %add3A_900 : i32 to index
          %swap3A_927 = tpu.vector_load %arg12[%swap3A_925, %swap3A_926] {strides = array<i32>} : memref<16x1024xf32, #tpu.memory_space<vmem>>, vector<1x16xf32>,
          %swap3A_928 = vector.shape_cast %swap3A_927 : vector<1x16xf32> to vector<16xf32>
          %swap3A_929 = vector.shape_cast %get3A_906 : vector<16xf32> to vector<1x16xf32>
          tpu.vector_store %arg12[%swap3A_925, %swap3A_926], %swap3A_929 {add = true, strides = array<i32>} : memref<16x1024xf32, #tpu.memory_space<vmem>>, vector<1x16xf32>,
          %swap3A_930 = arith.index_cast %get3A_560 : i32 to index
          %swap3A_931 = arith.index_cast %add3A_900 : i32 to index
          %swap3A_932 = tpu.vector_load %arg12[%swap3A_930, %swap3A_931] {strides = array<i32>} : memref<16x1024xf32, #tpu.memory_space<vmem>>, vector<1x16xf32>,
          %swap3A_933 = vector.shape_cast %swap3A_932 : vector<1x16xf32> to vector<16xf32>
          %swap3A_934 = vector.shape_cast %get3A_912 : vector<16xf32> to vector<1x16xf32>
          tpu.vector_store %arg12[%swap3A_930, %swap3A_931], %swap3A_934 {add = true, strides = array<i32>} : memref<16x1024xf32, #tpu.memory_space<vmem>>, vector<1x16xf32>,
          %swap3A_935 = arith.index_cast %get3A_567 : i32 to index
          %swap3A_936 = arith.index_cast %add3A_900 : i32 to index
          %swap3A_937 = tpu.vector_load %arg12[%swap3A_935, %swap3A_936] {strides = array<i32>} : memref<16x1024xf32, #tpu.memory_space<vmem>>, vector<1x16xf32>,
          %swap3A_938 = vector.shape_cast %swap3A_937 : vector<1x16xf32> to vector<16xf32>
          %swap3A_939 = vector.shape_cast %get3A_918 : vector<16xf32> to vector<1x16xf32>
          tpu.vector_store %arg12[%swap3A_935, %swap3A_936], %swap3A_939 {add = true, strides = array<i32>} : memref<16x1024xf32, #tpu.memory_space<vmem>>, vector<1x16xf32>,
          %swap3A_940 = arith.index_cast %get3A_574 : i32 to index
          %swap3A_941 = arith.index_cast %add3A_900 : i32 to index
          %swap3A_942 = tpu.vector_load %arg12[%swap3A_940, %swap3A_941] {strides = array<i32>} : memref<16x1024xf32, #tpu.memory_space<vmem>>, vector<1x16xf32>,
          %swap3A_943 = vector.shape_cast %swap3A_942 : vector<1x16xf32> to vector<16xf32>
          %swap3A_944 = vector.shape_cast %get3A_924 : vector<16xf32> to vector<1x16xf32>
          tpu.vector_store %arg12[%swap3A_940, %swap3A_941], %swap3A_944 {add = true, strides = array<i32>} : memref<16x1024xf32, #tpu.memory_space<vmem>>, vector<1x16xf32>,
          %mul3A_945 = arith.mulf %get3A_906, %get3A_906 : vector<16xf32>
          %add3A_946 = arith.addf %add3A_892, %mul3A_945 : vector<16xf32>
          %mul3A_947 = arith.mulf %get3A_912, %get3A_912 : vector<16xf32>
          %add3A_948 = arith.addf %add3A_894, %mul3A_947 : vector<16xf32>
          %mul3A_949 = arith.mulf %get3A_918, %get3A_918 : vector<16xf32>
          %add3A_950 = arith.addf %add3A_896, %mul3A_949 : vector<16xf32>
          %mul3A_951 = arith.mulf %get3A_924, %get3A_924 : vector<16xf32>
          %add3A_952 = arith.addf %add3A_898, %mul3A_951 : vector<16xf32>
          %add3A_953 = arith.constant 96 : i32
          %add3A_954 = arith.addi %mul3A_628, %add3A_953 : i32
          %add3A_955 = arith.constant 0 : i32
          %add3A_956 = arith.addi %mul3A_546, %add3A_955 : i32
          %get3A_957 = arith.index_cast %add3A_956 : i32 to index
          %get3A_958 = arith.index_cast %add3A_954 : i32 to index
          %get3A_959 = tpu.vector_load %arg8[%get3A_957, %get3A_958] {strides = array<i32>} : memref<32x1024xf32, #tpu.memory_space<vmem>>, vector<1x16xf32>,
          %get3A_960 = vector.shape_cast %get3A_959 : vector<1x16xf32> to vector<16xf32>
          %add3A_961 = arith.constant 1 : i32
          %add3A_962 = arith.addi %mul3A_546, %add3A_961 : i32
          %get3A_963 = arith.index_cast %add3A_962 : i32 to index
          %get3A_964 = arith.index_cast %add3A_954 : i32 to index
          %get3A_965 = tpu.vector_load %arg8[%get3A_963, %get3A_964] {strides = array<i32>} : memref<32x1024xf32, #tpu.memory_space<vmem>>, vector<1x16xf32>,
          %get3A_966 = vector.shape_cast %get3A_965 : vector<1x16xf32> to vector<16xf32>
          %add3A_967 = arith.constant 2 : i32
          %add3A_968 = arith.addi %mul3A_546, %add3A_967 : i32
          %get3A_969 = arith.index_cast %add3A_968 : i32 to index
          %get3A_970 = arith.index_cast %add3A_954 : i32 to index
          %get3A_971 = tpu.vector_load %arg8[%get3A_969, %get3A_970] {strides = array<i32>} : memref<32x1024xf32, #tpu.memory_space<vmem>>, vector<1x16xf32>,
          %get3A_972 = vector.shape_cast %get3A_971 : vector<1x16xf32> to vector<16xf32>
          %add3A_973 = arith.constant 3 : i32
          %add3A_974 = arith.addi %mul3A_546, %add3A_973 : i32
          %get3A_975 = arith.index_cast %add3A_974 : i32 to index
          %get3A_976 = arith.index_cast %add3A_954 : i32 to index
          %get3A_977 = tpu.vector_load %arg8[%get3A_975, %get3A_976] {strides = array<i32>} : memref<32x1024xf32, #tpu.memory_space<vmem>>, vector<1x16xf32>,
          %get3A_978 = vector.shape_cast %get3A_977 : vector<1x16xf32> to vector<16xf32>
          %swap3A_979 = arith.index_cast %get3A_553 : i32 to index
          %swap3A_980 = arith.index_cast %add3A_954 : i32 to index
          %swap3A_981 = tpu.vector_load %arg12[%swap3A_979, %swap3A_980] {strides = array<i32>} : memref<16x1024xf32, #tpu.memory_space<vmem>>, vector<1x16xf32>,
          %swap3A_982 = vector.shape_cast %swap3A_981 : vector<1x16xf32> to vector<16xf32>
          %swap3A_983 = vector.shape_cast %get3A_960 : vector<16xf32> to vector<1x16xf32>
          tpu.vector_store %arg12[%swap3A_979, %swap3A_980], %swap3A_983 {add = true, strides = array<i32>} : memref<16x1024xf32, #tpu.memory_space<vmem>>, vector<1x16xf32>,
          %swap3A_984 = arith.index_cast %get3A_560 : i32 to index
          %swap3A_985 = arith.index_cast %add3A_954 : i32 to index
          %swap3A_986 = tpu.vector_load %arg12[%swap3A_984, %swap3A_985] {strides = array<i32>} : memref<16x1024xf32, #tpu.memory_space<vmem>>, vector<1x16xf32>,
          %swap3A_987 = vector.shape_cast %swap3A_986 : vector<1x16xf32> to vector<16xf32>
          %swap3A_988 = vector.shape_cast %get3A_966 : vector<16xf32> to vector<1x16xf32>
          tpu.vector_store %arg12[%swap3A_984, %swap3A_985], %swap3A_988 {add = true, strides = array<i32>} : memref<16x1024xf32, #tpu.memory_space<vmem>>, vector<1x16xf32>,
          %swap3A_989 = arith.index_cast %get3A_567 : i32 to index
          %swap3A_990 = arith.index_cast %add3A_954 : i32 to index
          %swap3A_991 = tpu.vector_load %arg12[%swap3A_989, %swap3A_990] {strides = array<i32>} : memref<16x1024xf32, #tpu.memory_space<vmem>>, vector<1x16xf32>,
          %swap3A_992 = vector.shape_cast %swap3A_991 : vector<1x16xf32> to vector<16xf32>
          %swap3A_993 = vector.shape_cast %get3A_972 : vector<16xf32> to vector<1x16xf32>
          tpu.vector_store %arg12[%swap3A_989, %swap3A_990], %swap3A_993 {add = true, strides = array<i32>} : memref<16x1024xf32, #tpu.memory_space<vmem>>, vector<1x16xf32>,
          %swap3A_994 = arith.index_cast %get3A_574 : i32 to index
          %swap3A_995 = arith.index_cast %add3A_954 : i32 to index
          %swap3A_996 = tpu.vector_load %arg12[%swap3A_994, %swap3A_995] {strides = array<i32>} : memref<16x1024xf32, #tpu.memory_space<vmem>>, vector<1x16xf32>,
          %swap3A_997 = vector.shape_cast %swap3A_996 : vector<1x16xf32> to vector<16xf32>
          %swap3A_998 = vector.shape_cast %get3A_978 : vector<16xf32> to vector<1x16xf32>
          tpu.vector_store %arg12[%swap3A_994, %swap3A_995], %swap3A_998 {add = true, strides = array<i32>} : memref<16x1024xf32, #tpu.memory_space<vmem>>, vector<1x16xf32>,
          %mul3A_999 = arith.mulf %get3A_960, %get3A_960 : vector<16xf32>
          %add3A_1000 = arith.addf %add3A_946, %mul3A_999 : vector<16xf32>
          %mul3A_1001 = arith.mulf %get3A_966, %get3A_966 : vector<16xf32>
          %add3A_1002 = arith.addf %add3A_948, %mul3A_1001 : vector<16xf32>
          %mul3A_1003 = arith.mulf %get3A_972, %get3A_972 : vector<16xf32>
          %add3A_1004 = arith.addf %add3A_950, %mul3A_1003 : vector<16xf32>
          %mul3A_1005 = arith.mulf %get3A_978, %get3A_978 : vector<16xf32>
          %add3A_1006 = arith.addf %add3A_952, %mul3A_1005 : vector<16xf32>
          %add3A_1007 = arith.constant 112 : i32
          %add3A_1008 = arith.addi %mul3A_628, %add3A_1007 : i32
          %add3A_1009 = arith.constant 0 : i32
          %add3A_1010 = arith.addi %mul3A_546, %add3A_1009 : i32
          %get3A_1011 = arith.index_cast %add3A_1010 : i32 to index
          %get3A_1012 = arith.index_cast %add3A_1008 : i32 to index
          %get3A_1013 = tpu.vector_load %arg8[%get3A_1011, %get3A_1012] {strides = array<i32>} : memref<32x1024xf32, #tpu.memory_space<vmem>>, vector<1x16xf32>,
          %get3A_1014 = vector.shape_cast %get3A_1013 : vector<1x16xf32> to vector<16xf32>
          %add3A_1015 = arith.constant 1 : i32
          %add3A_1016 = arith.addi %mul3A_546, %add3A_1015 : i32
          %get3A_1017 = arith.index_cast %add3A_1016 : i32 to index
          %get3A_1018 = arith.index_cast %add3A_1008 : i32 to index
          %get3A_1019 = tpu.vector_load %arg8[%get3A_1017, %get3A_1018] {strides = array<i32>} : memref<32x1024xf32, #tpu.memory_space<vmem>>, vector<1x16xf32>,
          %get3A_1020 = vector.shape_cast %get3A_1019 : vector<1x16xf32> to vector<16xf32>
          %add3A_1021 = arith.constant 2 : i32
          %add3A_1022 = arith.addi %mul3A_546, %add3A_1021 : i32
          %get3A_1023 = arith.index_cast %add3A_1022 : i32 to index
          %get3A_1024 = arith.index_cast %add3A_1008 : i32 to index
          %get3A_1025 = tpu.vector_load %arg8[%get3A_1023, %get3A_1024] {strides = array<i32>} : memref<32x1024xf32, #tpu.memory_space<vmem>>, vector<1x16xf32>,
          %get3A_1026 = vector.shape_cast %get3A_1025 : vector<1x16xf32> to vector<16xf32>
          %add3A_1027 = arith.constant 3 : i32
          %add3A_1028 = arith.addi %mul3A_546, %add3A_1027 : i32
          %get3A_1029 = arith.index_cast %add3A_1028 : i32 to index
          %get3A_1030 = arith.index_cast %add3A_1008 : i32 to index
          %get3A_1031 = tpu.vector_load %arg8[%get3A_1029, %get3A_1030] {strides = array<i32>} : memref<32x1024xf32, #tpu.memory_space<vmem>>, vector<1x16xf32>,
          %get3A_1032 = vector.shape_cast %get3A_1031 : vector<1x16xf32> to vector<16xf32>
          %swap3A_1033 = arith.index_cast %get3A_553 : i32 to index
          %swap3A_1034 = arith.index_cast %add3A_1008 : i32 to index
          %swap3A_1035 = tpu.vector_load %arg12[%swap3A_1033, %swap3A_1034] {strides = array<i32>} : memref<16x1024xf32, #tpu.memory_space<vmem>>, vector<1x16xf32>,
          %swap3A_1036 = vector.shape_cast %swap3A_1035 : vector<1x16xf32> to vector<16xf32>
          %swap3A_1037 = vector.shape_cast %get3A_1014 : vector<16xf32> to vector<1x16xf32>
          tpu.vector_store %arg12[%swap3A_1033, %swap3A_1034], %swap3A_1037 {add = true, strides = array<i32>} : memref<16x1024xf32, #tpu.memory_space<vmem>>, vector<1x16xf32>,
          %swap3A_1038 = arith.index_cast %get3A_560 : i32 to index
          %swap3A_1039 = arith.index_cast %add3A_1008 : i32 to index
          %swap3A_1040 = tpu.vector_load %arg12[%swap3A_1038, %swap3A_1039] {strides = array<i32>} : memref<16x1024xf32, #tpu.memory_space<vmem>>, vector<1x16xf32>,
          %swap3A_1041 = vector.shape_cast %swap3A_1040 : vector<1x16xf32> to vector<16xf32>
          %swap3A_1042 = vector.shape_cast %get3A_1020 : vector<16xf32> to vector<1x16xf32>
          tpu.vector_store %arg12[%swap3A_1038, %swap3A_1039], %swap3A_1042 {add = true, strides = array<i32>} : memref<16x1024xf32, #tpu.memory_space<vmem>>, vector<1x16xf32>,
          %swap3A_1043 = arith.index_cast %get3A_567 : i32 to index
          %swap3A_1044 = arith.index_cast %add3A_1008 : i32 to index
          %swap3A_1045 = tpu.vector_load %arg12[%swap3A_1043, %swap3A_1044] {strides = array<i32>} : memref<16x1024xf32, #tpu.memory_space<vmem>>, vector<1x16xf32>,
          %swap3A_1046 = vector.shape_cast %swap3A_1045 : vector<1x16xf32> to vector<16xf32>
          %swap3A_1047 = vector.shape_cast %get3A_1026 : vector<16xf32> to vector<1x16xf32>
          tpu.vector_store %arg12[%swap3A_1043, %swap3A_1044], %swap3A_1047 {add = true, strides = array<i32>} : memref<16x1024xf32, #tpu.memory_space<vmem>>, vector<1x16xf32>,
          %swap3A_1048 = arith.index_cast %get3A_574 : i32 to index
          %swap3A_1049 = arith.index_cast %add3A_1008 : i32 to index
          %swap3A_1050 = tpu.vector_load %arg12[%swap3A_1048, %swap3A_1049] {strides = array<i32>} : memref<16x1024xf32, #tpu.memory_space<vmem>>, vector<1x16xf32>,
          %swap3A_1051 = vector.shape_cast %swap3A_1050 : vector<1x16xf32> to vector<16xf32>
          %swap3A_1052 = vector.shape_cast %get3A_1032 : vector<16xf32> to vector<1x16xf32>
          tpu.vector_store %arg12[%swap3A_1048, %swap3A_1049], %swap3A_1052 {add = true, strides = array<i32>} : memref<16x1024xf32, #tpu.memory_space<vmem>>, vector<1x16xf32>,
          %mul3A_1053 = arith.mulf %get3A_1014, %get3A_1014 : vector<16xf32>
          %add3A_1054 = arith.addf %add3A_1000, %mul3A_1053 : vector<16xf32>
          %mul3A_1055 = arith.mulf %get3A_1020, %get3A_1020 : vector<16xf32>
          %add3A_1056 = arith.addf %add3A_1002, %mul3A_1055 : vector<16xf32>
          %mul3A_1057 = arith.mulf %get3A_1026, %get3A_1026 : vector<16xf32>
          %add3A_1058 = arith.addf %add3A_1004, %mul3A_1057 : vector<16xf32>
          %mul3A_1059 = arith.mulf %get3A_1032, %get3A_1032 : vector<16xf32>
          %add3A_1060 = arith.addf %add3A_1006, %mul3A_1059 : vector<16xf32>
          %add3A_1061 = arith.constant 128 : i32
          %add3A_1062 = arith.addi %mul3A_628, %add3A_1061 : i32
          %add3A_1063 = arith.constant 0 : i32
          %add3A_1064 = arith.addi %mul3A_546, %add3A_1063 : i32
          %get3A_1065 = arith.index_cast %add3A_1064 : i32 to index
          %get3A_1066 = arith.index_cast %add3A_1062 : i32 to index
          %get3A_1067 = tpu.vector_load %arg8[%get3A_1065, %get3A_1066] {strides = array<i32>} : memref<32x1024xf32, #tpu.memory_space<vmem>>, vector<1x16xf32>,
          %get3A_1068 = vector.shape_cast %get3A_1067 : vector<1x16xf32> to vector<16xf32>
          %add3A_1069 = arith.constant 1 : i32
          %add3A_1070 = arith.addi %mul3A_546, %add3A_1069 : i32
          %get3A_1071 = arith.index_cast %add3A_1070 : i32 to index
          %get3A_1072 = arith.index_cast %add3A_1062 : i32 to index
          %get3A_1073 = tpu.vector_load %arg8[%get3A_1071, %get3A_1072] {strides = array<i32>} : memref<32x1024xf32, #tpu.memory_space<vmem>>, vector<1x16xf32>,
          %get3A_1074 = vector.shape_cast %get3A_1073 : vector<1x16xf32> to vector<16xf32>
          %add3A_1075 = arith.constant 2 : i32
          %add3A_1076 = arith.addi %mul3A_546, %add3A_1075 : i32
          %get3A_1077 = arith.index_cast %add3A_1076 : i32 to index
          %get3A_1078 = arith.index_cast %add3A_1062 : i32 to index
          %get3A_1079 = tpu.vector_load %arg8[%get3A_1077, %get3A_1078] {strides = array<i32>} : memref<32x1024xf32, #tpu.memory_space<vmem>>, vector<1x16xf32>,
          %get3A_1080 = vector.shape_cast %get3A_1079 : vector<1x16xf32> to vector<16xf32>
          %add3A_1081 = arith.constant 3 : i32
          %add3A_1082 = arith.addi %mul3A_546, %add3A_1081 : i32
          %get3A_1083 = arith.index_cast %add3A_1082 : i32 to index
          %get3A_1084 = arith.index_cast %add3A_1062 : i32 to index
          %get3A_1085 = tpu.vector_load %arg8[%get3A_1083, %get3A_1084] {strides = array<i32>} : memref<32x1024xf32, #tpu.memory_space<vmem>>, vector<1x16xf32>,
          %get3A_1086 = vector.shape_cast %get3A_1085 : vector<1x16xf32> to vector<16xf32>
          %swap3A_1087 = arith.index_cast %get3A_553 : i32 to index
          %swap3A_1088 = arith.index_cast %add3A_1062 : i32 to index
          %swap3A_1089 = tpu.vector_load %arg12[%swap3A_1087, %swap3A_1088] {strides = array<i32>} : memref<16x1024xf32, #tpu.memory_space<vmem>>, vector<1x16xf32>,
          %swap3A_1090 = vector.shape_cast %swap3A_1089 : vector<1x16xf32> to vector<16xf32>
          %swap3A_1091 = vector.shape_cast %get3A_1068 : vector<16xf32> to vector<1x16xf32>
          tpu.vector_store %arg12[%swap3A_1087, %swap3A_1088], %swap3A_1091 {add = true, strides = array<i32>} : memref<16x1024xf32, #tpu.memory_space<vmem>>, vector<1x16xf32>,
          %swap3A_1092 = arith.index_cast %get3A_560 : i32 to index
          %swap3A_1093 = arith.index_cast %add3A_1062 : i32 to index
          %swap3A_1094 = tpu.vector_load %arg12[%swap3A_1092, %swap3A_1093] {strides = array<i32>} : memref<16x1024xf32, #tpu.memory_space<vmem>>, vector<1x16xf32>,
          %swap3A_1095 = vector.shape_cast %swap3A_1094 : vector<1x16xf32> to vector<16xf32>
          %swap3A_1096 = vector.shape_cast %get3A_1074 : vector<16xf32> to vector<1x16xf32>
          tpu.vector_store %arg12[%swap3A_1092, %swap3A_1093], %swap3A_1096 {add = true, strides = array<i32>} : memref<16x1024xf32, #tpu.memory_space<vmem>>, vector<1x16xf32>,
          %swap3A_1097 = arith.index_cast %get3A_567 : i32 to index
          %swap3A_1098 = arith.index_cast %add3A_1062 : i32 to index
          %swap3A_1099 = tpu.vector_load %arg12[%swap3A_1097, %swap3A_1098] {strides = array<i32>} : memref<16x1024xf32, #tpu.memory_space<vmem>>, vector<1x16xf32>,
          %swap3A_1100 = vector.shape_cast %swap3A_1099 : vector<1x16xf32> to vector<16xf32>
          %swap3A_1101 = vector.shape_cast %get3A_1080 : vector<16xf32> to vector<1x16xf32>
          tpu.vector_store %arg12[%swap3A_1097, %swap3A_1098], %swap3A_1101 {add = true, strides = array<i32>} : memref<16x1024xf32, #tpu.memory_space<vmem>>, vector<1x16xf32>,
          %swap3A_1102 = arith.index_cast %get3A_574 : i32 to index
          %swap3A_1103 = arith.index_cast %add3A_1062 : i32 to index
          %swap3A_1104 = tpu.vector_load %arg12[%swap3A_1102, %swap3A_1103] {strides = array<i32>} : memref<16x1024xf32, #tpu.memory_space<vmem>>, vector<1x16xf32>,
          %swap3A_1105 = vector.shape_cast %swap3A_1104 : vector<1x16xf32> to vector<16xf32>
          %swap3A_1106 = vector.shape_cast %get3A_1086 : vector<16xf32> to vector<1x16xf32>
          tpu.vector_store %arg12[%swap3A_1102, %swap3A_1103], %swap3A_1106 {add = true, strides = array<i32>} : memref<16x1024xf32, #tpu.memory_space<vmem>>, vector<1x16xf32>,
          %mul3A_1107 = arith.mulf %get3A_1068, %get3A_1068 : vector<16xf32>
          %add3A_1108 = arith.addf %add3A_1054, %mul3A_1107 : vector<16xf32>
          %mul3A_1109 = arith.mulf %get3A_1074, %get3A_1074 : vector<16xf32>
          %add3A_1110 = arith.addf %add3A_1056, %mul3A_1109 : vector<16xf32>
          %mul3A_1111 = arith.mulf %get3A_1080, %get3A_1080 : vector<16xf32>
          %add3A_1112 = arith.addf %add3A_1058, %mul3A_1111 : vector<16xf32>
          %mul3A_1113 = arith.mulf %get3A_1086, %get3A_1086 : vector<16xf32>
          %add3A_1114 = arith.addf %add3A_1060, %mul3A_1113 : vector<16xf32>
          %add3A_1115 = arith.constant 144 : i32
          %add3A_1116 = arith.addi %mul3A_628, %add3A_1115 : i32
          %add3A_1117 = arith.constant 0 : i32
          %add3A_1118 = arith.addi %mul3A_546, %add3A_1117 : i32
          %get3A_1119 = arith.index_cast %add3A_1118 : i32 to index
          %get3A_1120 = arith.index_cast %add3A_1116 : i32 to index
          %get3A_1121 = tpu.vector_load %arg8[%get3A_1119, %get3A_1120] {strides = array<i32>} : memref<32x1024xf32, #tpu.memory_space<vmem>>, vector<1x16xf32>,
          %get3A_1122 = vector.shape_cast %get3A_1121 : vector<1x16xf32> to vector<16xf32>
          %add3A_1123 = arith.constant 1 : i32
          %add3A_1124 = arith.addi %mul3A_546, %add3A_1123 : i32
          %get3A_1125 = arith.index_cast %add3A_1124 : i32 to index
          %get3A_1126 = arith.index_cast %add3A_1116 : i32 to index
          %get3A_1127 = tpu.vector_load %arg8[%get3A_1125, %get3A_1126] {strides = array<i32>} : memref<32x1024xf32, #tpu.memory_space<vmem>>, vector<1x16xf32>,
          %get3A_1128 = vector.shape_cast %get3A_1127 : vector<1x16xf32> to vector<16xf32>
          %add3A_1129 = arith.constant 2 : i32
          %add3A_1130 = arith.addi %mul3A_546, %add3A_1129 : i32
          %get3A_1131 = arith.index_cast %add3A_1130 : i32 to index
          %get3A_1132 = arith.index_cast %add3A_1116 : i32 to index
          %get3A_1133 = tpu.vector_load %arg8[%get3A_1131, %get3A_1132] {strides = array<i32>} : memref<32x1024xf32, #tpu.memory_space<vmem>>, vector<1x16xf32>,
          %get3A_1134 = vector.shape_cast %get3A_1133 : vector<1x16xf32> to vector<16xf32>
          %add3A_1135 = arith.constant 3 : i32
          %add3A_1136 = arith.addi %mul3A_546, %add3A_1135 : i32
          %get3A_1137 = arith.index_cast %add3A_1136 : i32 to index
          %get3A_1138 = arith.index_cast %add3A_1116 : i32 to index
          %get3A_1139 = tpu.vector_load %arg8[%get3A_1137, %get3A_1138] {strides = array<i32>} : memref<32x1024xf32, #tpu.memory_space<vmem>>, vector<1x16xf32>,
          %get3A_1140 = vector.shape_cast %get3A_1139 : vector<1x16xf32> to vector<16xf32>
          %swap3A_1141 = arith.index_cast %get3A_553 : i32 to index
          %swap3A_1142 = arith.index_cast %add3A_1116 : i32 to index
          %swap3A_1143 = tpu.vector_load %arg12[%swap3A_1141, %swap3A_1142] {strides = array<i32>} : memref<16x1024xf32, #tpu.memory_space<vmem>>, vector<1x16xf32>,
          %swap3A_1144 = vector.shape_cast %swap3A_1143 : vector<1x16xf32> to vector<16xf32>
          %swap3A_1145 = vector.shape_cast %get3A_1122 : vector<16xf32> to vector<1x16xf32>
          tpu.vector_store %arg12[%swap3A_1141, %swap3A_1142], %swap3A_1145 {add = true, strides = array<i32>} : memref<16x1024xf32, #tpu.memory_space<vmem>>, vector<1x16xf32>,
          %swap3A_1146 = arith.index_cast %get3A_560 : i32 to index
          %swap3A_1147 = arith.index_cast %add3A_1116 : i32 to index
          %swap3A_1148 = tpu.vector_load %arg12[%swap3A_1146, %swap3A_1147] {strides = array<i32>} : memref<16x1024xf32, #tpu.memory_space<vmem>>, vector<1x16xf32>,
          %swap3A_1149 = vector.shape_cast %swap3A_1148 : vector<1x16xf32> to vector<16xf32>
          %swap3A_1150 = vector.shape_cast %get3A_1128 : vector<16xf32> to vector<1x16xf32>
          tpu.vector_store %arg12[%swap3A_1146, %swap3A_1147], %swap3A_1150 {add = true, strides = array<i32>} : memref<16x1024xf32, #tpu.memory_space<vmem>>, vector<1x16xf32>,
          %swap3A_1151 = arith.index_cast %get3A_567 : i32 to index
          %swap3A_1152 = arith.index_cast %add3A_1116 : i32 to index
          %swap3A_1153 = tpu.vector_load %arg12[%swap3A_1151, %swap3A_1152] {strides = array<i32>} : memref<16x1024xf32, #tpu.memory_space<vmem>>, vector<1x16xf32>,
          %swap3A_1154 = vector.shape_cast %swap3A_1153 : vector<1x16xf32> to vector<16xf32>
          %swap3A_1155 = vector.shape_cast %get3A_1134 : vector<16xf32> to vector<1x16xf32>
          tpu.vector_store %arg12[%swap3A_1151, %swap3A_1152], %swap3A_1155 {add = true, strides = array<i32>} : memref<16x1024xf32, #tpu.memory_space<vmem>>, vector<1x16xf32>,
          %swap3A_1156 = arith.index_cast %get3A_574 : i32 to index
          %swap3A_1157 = arith.index_cast %add3A_1116 : i32 to index
          %swap3A_1158 = tpu.vector_load %arg12[%swap3A_1156, %swap3A_1157] {strides = array<i32>} : memref<16x1024xf32, #tpu.memory_space<vmem>>, vector<1x16xf32>,
          %swap3A_1159 = vector.shape_cast %swap3A_1158 : vector<1x16xf32> to vector<16xf32>
          %swap3A_1160 = vector.shape_cast %get3A_1140 : vector<16xf32> to vector<1x16xf32>
          tpu.vector_store %arg12[%swap3A_1156, %swap3A_1157], %swap3A_1160 {add = true, strides = array<i32>} : memref<16x1024xf32, #tpu.memory_space<vmem>>, vector<1x16xf32>,
          %mul3A_1161 = arith.mulf %get3A_1122, %get3A_1122 : vector<16xf32>
          %add3A_1162 = arith.addf %add3A_1108, %mul3A_1161 : vector<16xf32>
          %mul3A_1163 = arith.mulf %get3A_1128, %get3A_1128 : vector<16xf32>
          %add3A_1164 = arith.addf %add3A_1110, %mul3A_1163 : vector<16xf32>
          %mul3A_1165 = arith.mulf %get3A_1134, %get3A_1134 : vector<16xf32>
          %add3A_1166 = arith.addf %add3A_1112, %mul3A_1165 : vector<16xf32>
          %mul3A_1167 = arith.mulf %get3A_1140, %get3A_1140 : vector<16xf32>
          %add3A_1168 = arith.addf %add3A_1114, %mul3A_1167 : vector<16xf32>
          %add3A_1169 = arith.constant 160 : i32
          %add3A_1170 = arith.addi %mul3A_628, %add3A_1169 : i32
          %add3A_1171 = arith.constant 0 : i32
          %add3A_1172 = arith.addi %mul3A_546, %add3A_1171 : i32
          %get3A_1173 = arith.index_cast %add3A_1172 : i32 to index
          %get3A_1174 = arith.index_cast %add3A_1170 : i32 to index
          %get3A_1175 = tpu.vector_load %arg8[%get3A_1173, %get3A_1174] {strides = array<i32>} : memref<32x1024xf32, #tpu.memory_space<vmem>>, vector<1x16xf32>,
          %get3A_1176 = vector.shape_cast %get3A_1175 : vector<1x16xf32> to vector<16xf32>
          %add3A_1177 = arith.constant 1 : i32
          %add3A_1178 = arith.addi %mul3A_546, %add3A_1177 : i32
          %get3A_1179 = arith.index_cast %add3A_1178 : i32 to index
          %get3A_1180 = arith.index_cast %add3A_1170 : i32 to index
          %get3A_1181 = tpu.vector_load %arg8[%get3A_1179, %get3A_1180] {strides = array<i32>} : memref<32x1024xf32, #tpu.memory_space<vmem>>, vector<1x16xf32>,
          %get3A_1182 = vector.shape_cast %get3A_1181 : vector<1x16xf32> to vector<16xf32>
          %add3A_1183 = arith.constant 2 : i32
          %add3A_1184 = arith.addi %mul3A_546, %add3A_1183 : i32
          %get3A_1185 = arith.index_cast %add3A_1184 : i32 to index
          %get3A_1186 = arith.index_cast %add3A_1170 : i32 to index
          %get3A_1187 = tpu.vector_load %arg8[%get3A_1185, %get3A_1186] {strides = array<i32>} : memref<32x1024xf32, #tpu.memory_space<vmem>>, vector<1x16xf32>,
          %get3A_1188 = vector.shape_cast %get3A_1187 : vector<1x16xf32> to vector<16xf32>
          %add3A_1189 = arith.constant 3 : i32
          %add3A_1190 = arith.addi %mul3A_546, %add3A_1189 : i32
          %get3A_1191 = arith.index_cast %add3A_1190 : i32 to index
          %get3A_1192 = arith.index_cast %add3A_1170 : i32 to index
          %get3A_1193 = tpu.vector_load %arg8[%get3A_1191, %get3A_1192] {strides = array<i32>} : memref<32x1024xf32, #tpu.memory_space<vmem>>, vector<1x16xf32>,
          %get3A_1194 = vector.shape_cast %get3A_1193 : vector<1x16xf32> to vector<16xf32>
          %swap3A_1195 = arith.index_cast %get3A_553 : i32 to index
          %swap3A_1196 = arith.index_cast %add3A_1170 : i32 to index
          %swap3A_1197 = tpu.vector_load %arg12[%swap3A_1195, %swap3A_1196] {strides = array<i32>} : memref<16x1024xf32, #tpu.memory_space<vmem>>, vector<1x16xf32>,
          %swap3A_1198 = vector.shape_cast %swap3A_1197 : vector<1x16xf32> to vector<16xf32>
          %swap3A_1199 = vector.shape_cast %get3A_1176 : vector<16xf32> to vector<1x16xf32>
          tpu.vector_store %arg12[%swap3A_1195, %swap3A_1196], %swap3A_1199 {add = true, strides = array<i32>} : memref<16x1024xf32, #tpu.memory_space<vmem>>, vector<1x16xf32>,
          %swap3A_1200 = arith.index_cast %get3A_560 : i32 to index
          %swap3A_1201 = arith.index_cast %add3A_1170 : i32 to index
          %swap3A_1202 = tpu.vector_load %arg12[%swap3A_1200, %swap3A_1201] {strides = array<i32>} : memref<16x1024xf32, #tpu.memory_space<vmem>>, vector<1x16xf32>,
          %swap3A_1203 = vector.shape_cast %swap3A_1202 : vector<1x16xf32> to vector<16xf32>
          %swap3A_1204 = vector.shape_cast %get3A_1182 : vector<16xf32> to vector<1x16xf32>
          tpu.vector_store %arg12[%swap3A_1200, %swap3A_1201], %swap3A_1204 {add = true, strides = array<i32>} : memref<16x1024xf32, #tpu.memory_space<vmem>>, vector<1x16xf32>,
          %swap3A_1205 = arith.index_cast %get3A_567 : i32 to index
          %swap3A_1206 = arith.index_cast %add3A_1170 : i32 to index
          %swap3A_1207 = tpu.vector_load %arg12[%swap3A_1205, %swap3A_1206] {strides = array<i32>} : memref<16x1024xf32, #tpu.memory_space<vmem>>, vector<1x16xf32>,
          %swap3A_1208 = vector.shape_cast %swap3A_1207 : vector<1x16xf32> to vector<16xf32>
          %swap3A_1209 = vector.shape_cast %get3A_1188 : vector<16xf32> to vector<1x16xf32>
          tpu.vector_store %arg12[%swap3A_1205, %swap3A_1206], %swap3A_1209 {add = true, strides = array<i32>} : memref<16x1024xf32, #tpu.memory_space<vmem>>, vector<1x16xf32>,
          %swap3A_1210 = arith.index_cast %get3A_574 : i32 to index
          %swap3A_1211 = arith.index_cast %add3A_1170 : i32 to index
          %swap3A_1212 = tpu.vector_load %arg12[%swap3A_1210, %swap3A_1211] {strides = array<i32>} : memref<16x1024xf32, #tpu.memory_space<vmem>>, vector<1x16xf32>,
          %swap3A_1213 = vector.shape_cast %swap3A_1212 : vector<1x16xf32> to vector<16xf32>
          %swap3A_1214 = vector.shape_cast %get3A_1194 : vector<16xf32> to vector<1x16xf32>
          tpu.vector_store %arg12[%swap3A_1210, %swap3A_1211], %swap3A_1214 {add = true, strides = array<i32>} : memref<16x1024xf32, #tpu.memory_space<vmem>>, vector<1x16xf32>,
          %mul3A_1215 = arith.mulf %get3A_1176, %get3A_1176 : vector<16xf32>
          %add3A_1216 = arith.addf %add3A_1162, %mul3A_1215 : vector<16xf32>
          %mul3A_1217 = arith.mulf %get3A_1182, %get3A_1182 : vector<16xf32>
          %add3A_1218 = arith.addf %add3A_1164, %mul3A_1217 : vector<16xf32>
          %mul3A_1219 = arith.mulf %get3A_1188, %get3A_1188 : vector<16xf32>
          %add3A_1220 = arith.addf %add3A_1166, %mul3A_1219 : vector<16xf32>
          %mul3A_1221 = arith.mulf %get3A_1194, %get3A_1194 : vector<16xf32>
          %add3A_1222 = arith.addf %add3A_1168, %mul3A_1221 : vector<16xf32>
          %add3A_1223 = arith.constant 176 : i32
          %add3A_1224 = arith.addi %mul3A_628, %add3A_1223 : i32
          %add3A_1225 = arith.constant 0 : i32
          %add3A_1226 = arith.addi %mul3A_546, %add3A_1225 : i32
          %get3A_1227 = arith.index_cast %add3A_1226 : i32 to index
          %get3A_1228 = arith.index_cast %add3A_1224 : i32 to index
          %get3A_1229 = tpu.vector_load %arg8[%get3A_1227, %get3A_1228] {strides = array<i32>} : memref<32x1024xf32, #tpu.memory_space<vmem>>, vector<1x16xf32>,
          %get3A_1230 = vector.shape_cast %get3A_1229 : vector<1x16xf32> to vector<16xf32>
          %add3A_1231 = arith.constant 1 : i32
          %add3A_1232 = arith.addi %mul3A_546, %add3A_1231 : i32
          %get3A_1233 = arith.index_cast %add3A_1232 : i32 to index
          %get3A_1234 = arith.index_cast %add3A_1224 : i32 to index
          %get3A_1235 = tpu.vector_load %arg8[%get3A_1233, %get3A_1234] {strides = array<i32>} : memref<32x1024xf32, #tpu.memory_space<vmem>>, vector<1x16xf32>,
          %get3A_1236 = vector.shape_cast %get3A_1235 : vector<1x16xf32> to vector<16xf32>
          %add3A_1237 = arith.constant 2 : i32
          %add3A_1238 = arith.addi %mul3A_546, %add3A_1237 : i32
          %get3A_1239 = arith.index_cast %add3A_1238 : i32 to index
          %get3A_1240 = arith.index_cast %add3A_1224 : i32 to index
          %get3A_1241 = tpu.vector_load %arg8[%get3A_1239, %get3A_1240] {strides = array<i32>} : memref<32x1024xf32, #tpu.memory_space<vmem>>, vector<1x16xf32>,
          %get3A_1242 = vector.shape_cast %get3A_1241 : vector<1x16xf32> to vector<16xf32>
          %add3A_1243 = arith.constant 3 : i32
          %add3A_1244 = arith.addi %mul3A_546, %add3A_1243 : i32
          %get3A_1245 = arith.index_cast %add3A_1244 : i32 to index
          %get3A_1246 = arith.index_cast %add3A_1224 : i32 to index
          %get3A_1247 = tpu.vector_load %arg8[%get3A_1245, %get3A_1246] {strides = array<i32>} : memref<32x1024xf32, #tpu.memory_space<vmem>>, vector<1x16xf32>,
          %get3A_1248 = vector.shape_cast %get3A_1247 : vector<1x16xf32> to vector<16xf32>
          %swap3A_1249 = arith.index_cast %get3A_553 : i32 to index
          %swap3A_1250 = arith.index_cast %add3A_1224 : i32 to index
          %swap3A_1251 = tpu.vector_load %arg12[%swap3A_1249, %swap3A_1250] {strides = array<i32>} : memref<16x1024xf32, #tpu.memory_space<vmem>>, vector<1x16xf32>,
          %swap3A_1252 = vector.shape_cast %swap3A_1251 : vector<1x16xf32> to vector<16xf32>
          %swap3A_1253 = vector.shape_cast %get3A_1230 : vector<16xf32> to vector<1x16xf32>
          tpu.vector_store %arg12[%swap3A_1249, %swap3A_1250], %swap3A_1253 {add = true, strides = array<i32>} : memref<16x1024xf32, #tpu.memory_space<vmem>>, vector<1x16xf32>,
          %swap3A_1254 = arith.index_cast %get3A_560 : i32 to index
          %swap3A_1255 = arith.index_cast %add3A_1224 : i32 to index
          %swap3A_1256 = tpu.vector_load %arg12[%swap3A_1254, %swap3A_1255] {strides = array<i32>} : memref<16x1024xf32, #tpu.memory_space<vmem>>, vector<1x16xf32>,
          %swap3A_1257 = vector.shape_cast %swap3A_1256 : vector<1x16xf32> to vector<16xf32>
          %swap3A_1258 = vector.shape_cast %get3A_1236 : vector<16xf32> to vector<1x16xf32>
          tpu.vector_store %arg12[%swap3A_1254, %swap3A_1255], %swap3A_1258 {add = true, strides = array<i32>} : memref<16x1024xf32, #tpu.memory_space<vmem>>, vector<1x16xf32>,
          %swap3A_1259 = arith.index_cast %get3A_567 : i32 to index
          %swap3A_1260 = arith.index_cast %add3A_1224 : i32 to index
          %swap3A_1261 = tpu.vector_load %arg12[%swap3A_1259, %swap3A_1260] {strides = array<i32>} : memref<16x1024xf32, #tpu.memory_space<vmem>>, vector<1x16xf32>,
          %swap3A_1262 = vector.shape_cast %swap3A_1261 : vector<1x16xf32> to vector<16xf32>
          %swap3A_1263 = vector.shape_cast %get3A_1242 : vector<16xf32> to vector<1x16xf32>
          tpu.vector_store %arg12[%swap3A_1259, %swap3A_1260], %swap3A_1263 {add = true, strides = array<i32>} : memref<16x1024xf32, #tpu.memory_space<vmem>>, vector<1x16xf32>,
          %swap3A_1264 = arith.index_cast %get3A_574 : i32 to index
          %swap3A_1265 = arith.index_cast %add3A_1224 : i32 to index
          %swap3A_1266 = tpu.vector_load %arg12[%swap3A_1264, %swap3A_1265] {strides = array<i32>} : memref<16x1024xf32, #tpu.memory_space<vmem>>, vector<1x16xf32>,
          %swap3A_1267 = vector.shape_cast %swap3A_1266 : vector<1x16xf32> to vector<16xf32>
          %swap3A_1268 = vector.shape_cast %get3A_1248 : vector<16xf32> to vector<1x16xf32>
          tpu.vector_store %arg12[%swap3A_1264, %swap3A_1265], %swap3A_1268 {add = true, strides = array<i32>} : memref<16x1024xf32, #tpu.memory_space<vmem>>, vector<1x16xf32>,
          %mul3A_1269 = arith.mulf %get3A_1230, %get3A_1230 : vector<16xf32>
          %add3A_1270 = arith.addf %add3A_1216, %mul3A_1269 : vector<16xf32>
          %mul3A_1271 = arith.mulf %get3A_1236, %get3A_1236 : vector<16xf32>
          %add3A_1272 = arith.addf %add3A_1218, %mul3A_1271 : vector<16xf32>
          %mul3A_1273 = arith.mulf %get3A_1242, %get3A_1242 : vector<16xf32>
          %add3A_1274 = arith.addf %add3A_1220, %mul3A_1273 : vector<16xf32>
          %mul3A_1275 = arith.mulf %get3A_1248, %get3A_1248 : vector<16xf32>
          %add3A_1276 = arith.addf %add3A_1222, %mul3A_1275 : vector<16xf32>
          %add3A_1277 = arith.constant 192 : i32
          %add3A_1278 = arith.addi %mul3A_628, %add3A_1277 : i32
          %add3A_1279 = arith.constant 0 : i32
          %add3A_1280 = arith.addi %mul3A_546, %add3A_1279 : i32
          %get3A_1281 = arith.index_cast %add3A_1280 : i32 to index
          %get3A_1282 = arith.index_cast %add3A_1278 : i32 to index
          %get3A_1283 = tpu.vector_load %arg8[%get3A_1281, %get3A_1282] {strides = array<i32>} : memref<32x1024xf32, #tpu.memory_space<vmem>>, vector<1x16xf32>,
          %get3A_1284 = vector.shape_cast %get3A_1283 : vector<1x16xf32> to vector<16xf32>
          %add3A_1285 = arith.constant 1 : i32
          %add3A_1286 = arith.addi %mul3A_546, %add3A_1285 : i32
          %get3A_1287 = arith.index_cast %add3A_1286 : i32 to index
          %get3A_1288 = arith.index_cast %add3A_1278 : i32 to index
          %get3A_1289 = tpu.vector_load %arg8[%get3A_1287, %get3A_1288] {strides = array<i32>} : memref<32x1024xf32, #tpu.memory_space<vmem>>, vector<1x16xf32>,
          %get3A_1290 = vector.shape_cast %get3A_1289 : vector<1x16xf32> to vector<16xf32>
          %add3A_1291 = arith.constant 2 : i32
          %add3A_1292 = arith.addi %mul3A_546, %add3A_1291 : i32
          %get3A_1293 = arith.index_cast %add3A_1292 : i32 to index
          %get3A_1294 = arith.index_cast %add3A_1278 : i32 to index
          %get3A_1295 = tpu.vector_load %arg8[%get3A_1293, %get3A_1294] {strides = array<i32>} : memref<32x1024xf32, #tpu.memory_space<vmem>>, vector<1x16xf32>,
          %get3A_1296 = vector.shape_cast %get3A_1295 : vector<1x16xf32> to vector<16xf32>
          %add3A_1297 = arith.constant 3 : i32
          %add3A_1298 = arith.addi %mul3A_546, %add3A_1297 : i32
          %get3A_1299 = arith.index_cast %add3A_1298 : i32 to index
          %get3A_1300 = arith.index_cast %add3A_1278 : i32 to index
          %get3A_1301 = tpu.vector_load %arg8[%get3A_1299, %get3A_1300] {strides = array<i32>} : memref<32x1024xf32, #tpu.memory_space<vmem>>, vector<1x16xf32>,
          %get3A_1302 = vector.shape_cast %get3A_1301 : vector<1x16xf32> to vector<16xf32>
          %swap3A_1303 = arith.index_cast %get3A_553 : i32 to index
          %swap3A_1304 = arith.index_cast %add3A_1278 : i32 to index
          %swap3A_1305 = tpu.vector_load %arg12[%swap3A_1303, %swap3A_1304] {strides = array<i32>} : memref<16x1024xf32, #tpu.memory_space<vmem>>, vector<1x16xf32>,
          %swap3A_1306 = vector.shape_cast %swap3A_1305 : vector<1x16xf32> to vector<16xf32>
          %swap3A_1307 = vector.shape_cast %get3A_1284 : vector<16xf32> to vector<1x16xf32>
          tpu.vector_store %arg12[%swap3A_1303, %swap3A_1304], %swap3A_1307 {add = true, strides = array<i32>} : memref<16x1024xf32, #tpu.memory_space<vmem>>, vector<1x16xf32>,
          %swap3A_1308 = arith.index_cast %get3A_560 : i32 to index
          %swap3A_1309 = arith.index_cast %add3A_1278 : i32 to index
          %swap3A_1310 = tpu.vector_load %arg12[%swap3A_1308, %swap3A_1309] {strides = array<i32>} : memref<16x1024xf32, #tpu.memory_space<vmem>>, vector<1x16xf32>,
          %swap3A_1311 = vector.shape_cast %swap3A_1310 : vector<1x16xf32> to vector<16xf32>
          %swap3A_1312 = vector.shape_cast %get3A_1290 : vector<16xf32> to vector<1x16xf32>
          tpu.vector_store %arg12[%swap3A_1308, %swap3A_1309], %swap3A_1312 {add = true, strides = array<i32>} : memref<16x1024xf32, #tpu.memory_space<vmem>>, vector<1x16xf32>,
          %swap3A_1313 = arith.index_cast %get3A_567 : i32 to index
          %swap3A_1314 = arith.index_cast %add3A_1278 : i32 to index
          %swap3A_1315 = tpu.vector_load %arg12[%swap3A_1313, %swap3A_1314] {strides = array<i32>} : memref<16x1024xf32, #tpu.memory_space<vmem>>, vector<1x16xf32>,
          %swap3A_1316 = vector.shape_cast %swap3A_1315 : vector<1x16xf32> to vector<16xf32>
          %swap3A_1317 = vector.shape_cast %get3A_1296 : vector<16xf32> to vector<1x16xf32>
          tpu.vector_store %arg12[%swap3A_1313, %swap3A_1314], %swap3A_1317 {add = true, strides = array<i32>} : memref<16x1024xf32, #tpu.memory_space<vmem>>, vector<1x16xf32>,
          %swap3A_1318 = arith.index_cast %get3A_574 : i32 to index
          %swap3A_1319 = arith.index_cast %add3A_1278 : i32 to index
          %swap3A_1320 = tpu.vector_load %arg12[%swap3A_1318, %swap3A_1319] {strides = array<i32>} : memref<16x1024xf32, #tpu.memory_space<vmem>>, vector<1x16xf32>,
          %swap3A_1321 = vector.shape_cast %swap3A_1320 : vector<1x16xf32> to vector<16xf32>
          %swap3A_1322 = vector.shape_cast %get3A_1302 : vector<16xf32> to vector<1x16xf32>
          tpu.vector_store %arg12[%swap3A_1318, %swap3A_1319], %swap3A_1322 {add = true, strides = array<i32>} : memref<16x1024xf32, #tpu.memory_space<vmem>>, vector<1x16xf32>,
          %mul3A_1323 = arith.mulf %get3A_1284, %get3A_1284 : vector<16xf32>
          %add3A_1324 = arith.addf %add3A_1270, %mul3A_1323 : vector<16xf32>
          %mul3A_1325 = arith.mulf %get3A_1290, %get3A_1290 : vector<16xf32>
          %add3A_1326 = arith.addf %add3A_1272, %mul3A_1325 : vector<16xf32>
          %mul3A_1327 = arith.mulf %get3A_1296, %get3A_1296 : vector<16xf32>
          %add3A_1328 = arith.addf %add3A_1274, %mul3A_1327 : vector<16xf32>
          %mul3A_1329 = arith.mulf %get3A_1302, %get3A_1302 : vector<16xf32>
          %add3A_1330 = arith.addf %add3A_1276, %mul3A_1329 : vector<16xf32>
          %add3A_1331 = arith.constant 208 : i32
          %add3A_1332 = arith.addi %mul3A_628, %add3A_1331 : i32
          %add3A_1333 = arith.constant 0 : i32
          %add3A_1334 = arith.addi %mul3A_546, %add3A_1333 : i32
          %get3A_1335 = arith.index_cast %add3A_1334 : i32 to index
          %get3A_1336 = arith.index_cast %add3A_1332 : i32 to index
          %get3A_1337 = tpu.vector_load %arg8[%get3A_1335, %get3A_1336] {strides = array<i32>} : memref<32x1024xf32, #tpu.memory_space<vmem>>, vector<1x16xf32>,
          %get3A_1338 = vector.shape_cast %get3A_1337 : vector<1x16xf32> to vector<16xf32>
          %add3A_1339 = arith.constant 1 : i32
          %add3A_1340 = arith.addi %mul3A_546, %add3A_1339 : i32
          %get3A_1341 = arith.index_cast %add3A_1340 : i32 to index
          %get3A_1342 = arith.index_cast %add3A_1332 : i32 to index
          %get3A_1343 = tpu.vector_load %arg8[%get3A_1341, %get3A_1342] {strides = array<i32>} : memref<32x1024xf32, #tpu.memory_space<vmem>>, vector<1x16xf32>,
          %get3A_1344 = vector.shape_cast %get3A_1343 : vector<1x16xf32> to vector<16xf32>
          %add3A_1345 = arith.constant 2 : i32
          %add3A_1346 = arith.addi %mul3A_546, %add3A_1345 : i32
          %get3A_1347 = arith.index_cast %add3A_1346 : i32 to index
          %get3A_1348 = arith.index_cast %add3A_1332 : i32 to index
          %get3A_1349 = tpu.vector_load %arg8[%get3A_1347, %get3A_1348] {strides = array<i32>} : memref<32x1024xf32, #tpu.memory_space<vmem>>, vector<1x16xf32>,
          %get3A_1350 = vector.shape_cast %get3A_1349 : vector<1x16xf32> to vector<16xf32>
          %add3A_1351 = arith.constant 3 : i32
          %add3A_1352 = arith.addi %mul3A_546, %add3A_1351 : i32
          %get3A_1353 = arith.index_cast %add3A_1352 : i32 to index
          %get3A_1354 = arith.index_cast %add3A_1332 : i32 to index
          %get3A_1355 = tpu.vector_load %arg8[%get3A_1353, %get3A_1354] {strides = array<i32>} : memref<32x1024xf32, #tpu.memory_space<vmem>>, vector<1x16xf32>,
          %get3A_1356 = vector.shape_cast %get3A_1355 : vector<1x16xf32> to vector<16xf32>
          %swap3A_1357 = arith.index_cast %get3A_553 : i32 to index
          %swap3A_1358 = arith.index_cast %add3A_1332 : i32 to index
          %swap3A_1359 = tpu.vector_load %arg12[%swap3A_1357, %swap3A_1358] {strides = array<i32>} : memref<16x1024xf32, #tpu.memory_space<vmem>>, vector<1x16xf32>,
          %swap3A_1360 = vector.shape_cast %swap3A_1359 : vector<1x16xf32> to vector<16xf32>
          %swap3A_1361 = vector.shape_cast %get3A_1338 : vector<16xf32> to vector<1x16xf32>
          tpu.vector_store %arg12[%swap3A_1357, %swap3A_1358], %swap3A_1361 {add = true, strides = array<i32>} : memref<16x1024xf32, #tpu.memory_space<vmem>>, vector<1x16xf32>,
          %swap3A_1362 = arith.index_cast %get3A_560 : i32 to index
          %swap3A_1363 = arith.index_cast %add3A_1332 : i32 to index
          %swap3A_1364 = tpu.vector_load %arg12[%swap3A_1362, %swap3A_1363] {strides = array<i32>} : memref<16x1024xf32, #tpu.memory_space<vmem>>, vector<1x16xf32>,
          %swap3A_1365 = vector.shape_cast %swap3A_1364 : vector<1x16xf32> to vector<16xf32>
          %swap3A_1366 = vector.shape_cast %get3A_1344 : vector<16xf32> to vector<1x16xf32>
          tpu.vector_store %arg12[%swap3A_1362, %swap3A_1363], %swap3A_1366 {add = true, strides = array<i32>} : memref<16x1024xf32, #tpu.memory_space<vmem>>, vector<1x16xf32>,
          %swap3A_1367 = arith.index_cast %get3A_567 : i32 to index
          %swap3A_1368 = arith.index_cast %add3A_1332 : i32 to index
          %swap3A_1369 = tpu.vector_load %arg12[%swap3A_1367, %swap3A_1368] {strides = array<i32>} : memref<16x1024xf32, #tpu.memory_space<vmem>>, vector<1x16xf32>,
          %swap3A_1370 = vector.shape_cast %swap3A_1369 : vector<1x16xf32> to vector<16xf32>
          %swap3A_1371 = vector.shape_cast %get3A_1350 : vector<16xf32> to vector<1x16xf32>
          tpu.vector_store %arg12[%swap3A_1367, %swap3A_1368], %swap3A_1371 {add = true, strides = array<i32>} : memref<16x1024xf32, #tpu.memory_space<vmem>>, vector<1x16xf32>,
          %swap3A_1372 = arith.index_cast %get3A_574 : i32 to index
          %swap3A_1373 = arith.index_cast %add3A_1332 : i32 to index
          %swap3A_1374 = tpu.vector_load %arg12[%swap3A_1372, %swap3A_1373] {strides = array<i32>} : memref<16x1024xf32, #tpu.memory_space<vmem>>, vector<1x16xf32>,
          %swap3A_1375 = vector.shape_cast %swap3A_1374 : vector<1x16xf32> to vector<16xf32>
          %swap3A_1376 = vector.shape_cast %get3A_1356 : vector<16xf32> to vector<1x16xf32>
          tpu.vector_store %arg12[%swap3A_1372, %swap3A_1373], %swap3A_1376 {add = true, strides = array<i32>} : memref<16x1024xf32, #tpu.memory_space<vmem>>, vector<1x16xf32>,
          %mul3A_1377 = arith.mulf %get3A_1338, %get3A_1338 : vector<16xf32>
          %add3A_1378 = arith.addf %add3A_1324, %mul3A_1377 : vector<16xf32>
          %mul3A_1379 = arith.mulf %get3A_1344, %get3A_1344 : vector<16xf32>
          %add3A_1380 = arith.addf %add3A_1326, %mul3A_1379 : vector<16xf32>
          %mul3A_1381 = arith.mulf %get3A_1350, %get3A_1350 : vector<16xf32>
          %add3A_1382 = arith.addf %add3A_1328, %mul3A_1381 : vector<16xf32>
          %mul3A_1383 = arith.mulf %get3A_1356, %get3A_1356 : vector<16xf32>
          %add3A_1384 = arith.addf %add3A_1330, %mul3A_1383 : vector<16xf32>
          %add3A_1385 = arith.constant 224 : i32
          %add3A_1386 = arith.addi %mul3A_628, %add3A_1385 : i32
          %add3A_1387 = arith.constant 0 : i32
          %add3A_1388 = arith.addi %mul3A_546, %add3A_1387 : i32
          %get3A_1389 = arith.index_cast %add3A_1388 : i32 to index
          %get3A_1390 = arith.index_cast %add3A_1386 : i32 to index
          %get3A_1391 = tpu.vector_load %arg8[%get3A_1389, %get3A_1390] {strides = array<i32>} : memref<32x1024xf32, #tpu.memory_space<vmem>>, vector<1x16xf32>,
          %get3A_1392 = vector.shape_cast %get3A_1391 : vector<1x16xf32> to vector<16xf32>
          %add3A_1393 = arith.constant 1 : i32
          %add3A_1394 = arith.addi %mul3A_546, %add3A_1393 : i32
          %get3A_1395 = arith.index_cast %add3A_1394 : i32 to index
          %get3A_1396 = arith.index_cast %add3A_1386 : i32 to index
          %get3A_1397 = tpu.vector_load %arg8[%get3A_1395, %get3A_1396] {strides = array<i32>} : memref<32x1024xf32, #tpu.memory_space<vmem>>, vector<1x16xf32>,
          %get3A_1398 = vector.shape_cast %get3A_1397 : vector<1x16xf32> to vector<16xf32>
          %add3A_1399 = arith.constant 2 : i32
          %add3A_1400 = arith.addi %mul3A_546, %add3A_1399 : i32
          %get3A_1401 = arith.index_cast %add3A_1400 : i32 to index
          %get3A_1402 = arith.index_cast %add3A_1386 : i32 to index
          %get3A_1403 = tpu.vector_load %arg8[%get3A_1401, %get3A_1402] {strides = array<i32>} : memref<32x1024xf32, #tpu.memory_space<vmem>>, vector<1x16xf32>,
          %get3A_1404 = vector.shape_cast %get3A_1403 : vector<1x16xf32> to vector<16xf32>
          %add3A_1405 = arith.constant 3 : i32
          %add3A_1406 = arith.addi %mul3A_546, %add3A_1405 : i32
          %get3A_1407 = arith.index_cast %add3A_1406 : i32 to index
          %get3A_1408 = arith.index_cast %add3A_1386 : i32 to index
          %get3A_1409 = tpu.vector_load %arg8[%get3A_1407, %get3A_1408] {strides = array<i32>} : memref<32x1024xf32, #tpu.memory_space<vmem>>, vector<1x16xf32>,
          %get3A_1410 = vector.shape_cast %get3A_1409 : vector<1x16xf32> to vector<16xf32>
          %swap3A_1411 = arith.index_cast %get3A_553 : i32 to index
          %swap3A_1412 = arith.index_cast %add3A_1386 : i32 to index
          %swap3A_1413 = tpu.vector_load %arg12[%swap3A_1411, %swap3A_1412] {strides = array<i32>} : memref<16x1024xf32, #tpu.memory_space<vmem>>, vector<1x16xf32>,
          %swap3A_1414 = vector.shape_cast %swap3A_1413 : vector<1x16xf32> to vector<16xf32>
          %swap3A_1415 = vector.shape_cast %get3A_1392 : vector<16xf32> to vector<1x16xf32>
          tpu.vector_store %arg12[%swap3A_1411, %swap3A_1412], %swap3A_1415 {add = true, strides = array<i32>} : memref<16x1024xf32, #tpu.memory_space<vmem>>, vector<1x16xf32>,
          %swap3A_1416 = arith.index_cast %get3A_560 : i32 to index
          %swap3A_1417 = arith.index_cast %add3A_1386 : i32 to index
          %swap3A_1418 = tpu.vector_load %arg12[%swap3A_1416, %swap3A_1417] {strides = array<i32>} : memref<16x1024xf32, #tpu.memory_space<vmem>>, vector<1x16xf32>,
          %swap3A_1419 = vector.shape_cast %swap3A_1418 : vector<1x16xf32> to vector<16xf32>
          %swap3A_1420 = vector.shape_cast %get3A_1398 : vector<16xf32> to vector<1x16xf32>
          tpu.vector_store %arg12[%swap3A_1416, %swap3A_1417], %swap3A_1420 {add = true, strides = array<i32>} : memref<16x1024xf32, #tpu.memory_space<vmem>>, vector<1x16xf32>,
          %swap3A_1421 = arith.index_cast %get3A_567 : i32 to index
          %swap3A_1422 = arith.index_cast %add3A_1386 : i32 to index
          %swap3A_1423 = tpu.vector_load %arg12[%swap3A_1421, %swap3A_1422] {strides = array<i32>} : memref<16x1024xf32, #tpu.memory_space<vmem>>, vector<1x16xf32>,
          %swap3A_1424 = vector.shape_cast %swap3A_1423 : vector<1x16xf32> to vector<16xf32>
          %swap3A_1425 = vector.shape_cast %get3A_1404 : vector<16xf32> to vector<1x16xf32>
          tpu.vector_store %arg12[%swap3A_1421, %swap3A_1422], %swap3A_1425 {add = true, strides = array<i32>} : memref<16x1024xf32, #tpu.memory_space<vmem>>, vector<1x16xf32>,
          %swap3A_1426 = arith.index_cast %get3A_574 : i32 to index
          %swap3A_1427 = arith.index_cast %add3A_1386 : i32 to index
          %swap3A_1428 = tpu.vector_load %arg12[%swap3A_1426, %swap3A_1427] {strides = array<i32>} : memref<16x1024xf32, #tpu.memory_space<vmem>>, vector<1x16xf32>,
          %swap3A_1429 = vector.shape_cast %swap3A_1428 : vector<1x16xf32> to vector<16xf32>
          %swap3A_1430 = vector.shape_cast %get3A_1410 : vector<16xf32> to vector<1x16xf32>
          tpu.vector_store %arg12[%swap3A_1426, %swap3A_1427], %swap3A_1430 {add = true, strides = array<i32>} : memref<16x1024xf32, #tpu.memory_space<vmem>>, vector<1x16xf32>,
          %mul3A_1431 = arith.mulf %get3A_1392, %get3A_1392 : vector<16xf32>
          %add3A_1432 = arith.addf %add3A_1378, %mul3A_1431 : vector<16xf32>
          %mul3A_1433 = arith.mulf %get3A_1398, %get3A_1398 : vector<16xf32>
          %add3A_1434 = arith.addf %add3A_1380, %mul3A_1433 : vector<16xf32>
          %mul3A_1435 = arith.mulf %get3A_1404, %get3A_1404 : vector<16xf32>
          %add3A_1436 = arith.addf %add3A_1382, %mul3A_1435 : vector<16xf32>
          %mul3A_1437 = arith.mulf %get3A_1410, %get3A_1410 : vector<16xf32>
          %add3A_1438 = arith.addf %add3A_1384, %mul3A_1437 : vector<16xf32>
          %add3A_1439 = arith.constant 240 : i32
          %add3A_1440 = arith.addi %mul3A_628, %add3A_1439 : i32
          %add3A_1441 = arith.constant 0 : i32
          %add3A_1442 = arith.addi %mul3A_546, %add3A_1441 : i32
          %get3A_1443 = arith.index_cast %add3A_1442 : i32 to index
          %get3A_1444 = arith.index_cast %add3A_1440 : i32 to index
          %get3A_1445 = tpu.vector_load %arg8[%get3A_1443, %get3A_1444] {strides = array<i32>} : memref<32x1024xf32, #tpu.memory_space<vmem>>, vector<1x16xf32>,
          %get3A_1446 = vector.shape_cast %get3A_1445 : vector<1x16xf32> to vector<16xf32>
          %add3A_1447 = arith.constant 1 : i32
          %add3A_1448 = arith.addi %mul3A_546, %add3A_1447 : i32
          %get3A_1449 = arith.index_cast %add3A_1448 : i32 to index
          %get3A_1450 = arith.index_cast %add3A_1440 : i32 to index
          %get3A_1451 = tpu.vector_load %arg8[%get3A_1449, %get3A_1450] {strides = array<i32>} : memref<32x1024xf32, #tpu.memory_space<vmem>>, vector<1x16xf32>,
          %get3A_1452 = vector.shape_cast %get3A_1451 : vector<1x16xf32> to vector<16xf32>
          %add3A_1453 = arith.constant 2 : i32
          %add3A_1454 = arith.addi %mul3A_546, %add3A_1453 : i32
          %get3A_1455 = arith.index_cast %add3A_1454 : i32 to index
          %get3A_1456 = arith.index_cast %add3A_1440 : i32 to index
          %get3A_1457 = tpu.vector_load %arg8[%get3A_1455, %get3A_1456] {strides = array<i32>} : memref<32x1024xf32, #tpu.memory_space<vmem>>, vector<1x16xf32>,
          %get3A_1458 = vector.shape_cast %get3A_1457 : vector<1x16xf32> to vector<16xf32>
          %add3A_1459 = arith.constant 3 : i32
          %add3A_1460 = arith.addi %mul3A_546, %add3A_1459 : i32
          %get3A_1461 = arith.index_cast %add3A_1460 : i32 to index
          %get3A_1462 = arith.index_cast %add3A_1440 : i32 to index
          %get3A_1463 = tpu.vector_load %arg8[%get3A_1461, %get3A_1462] {strides = array<i32>} : memref<32x1024xf32, #tpu.memory_space<vmem>>, vector<1x16xf32>,
          %get3A_1464 = vector.shape_cast %get3A_1463 : vector<1x16xf32> to vector<16xf32>
          %swap3A_1465 = arith.index_cast %get3A_553 : i32 to index
          %swap3A_1466 = arith.index_cast %add3A_1440 : i32 to index
          %swap3A_1467 = tpu.vector_load %arg12[%swap3A_1465, %swap3A_1466] {strides = array<i32>} : memref<16x1024xf32, #tpu.memory_space<vmem>>, vector<1x16xf32>,
          %swap3A_1468 = vector.shape_cast %swap3A_1467 : vector<1x16xf32> to vector<16xf32>
          %swap3A_1469 = vector.shape_cast %get3A_1446 : vector<16xf32> to vector<1x16xf32>
          tpu.vector_store %arg12[%swap3A_1465, %swap3A_1466], %swap3A_1469 {add = true, strides = array<i32>} : memref<16x1024xf32, #tpu.memory_space<vmem>>, vector<1x16xf32>,
          %swap3A_1470 = arith.index_cast %get3A_560 : i32 to index
          %swap3A_1471 = arith.index_cast %add3A_1440 : i32 to index
          %swap3A_1472 = tpu.vector_load %arg12[%swap3A_1470, %swap3A_1471] {strides = array<i32>} : memref<16x1024xf32, #tpu.memory_space<vmem>>, vector<1x16xf32>,
          %swap3A_1473 = vector.shape_cast %swap3A_1472 : vector<1x16xf32> to vector<16xf32>
          %swap3A_1474 = vector.shape_cast %get3A_1452 : vector<16xf32> to vector<1x16xf32>
          tpu.vector_store %arg12[%swap3A_1470, %swap3A_1471], %swap3A_1474 {add = true, strides = array<i32>} : memref<16x1024xf32, #tpu.memory_space<vmem>>, vector<1x16xf32>,
          %swap3A_1475 = arith.index_cast %get3A_567 : i32 to index
          %swap3A_1476 = arith.index_cast %add3A_1440 : i32 to index
          %swap3A_1477 = tpu.vector_load %arg12[%swap3A_1475, %swap3A_1476] {strides = array<i32>} : memref<16x1024xf32, #tpu.memory_space<vmem>>, vector<1x16xf32>,
          %swap3A_1478 = vector.shape_cast %swap3A_1477 : vector<1x16xf32> to vector<16xf32>
          %swap3A_1479 = vector.shape_cast %get3A_1458 : vector<16xf32> to vector<1x16xf32>
          tpu.vector_store %arg12[%swap3A_1475, %swap3A_1476], %swap3A_1479 {add = true, strides = array<i32>} : memref<16x1024xf32, #tpu.memory_space<vmem>>, vector<1x16xf32>,
          %swap3A_1480 = arith.index_cast %get3A_574 : i32 to index
          %swap3A_1481 = arith.index_cast %add3A_1440 : i32 to index
          %swap3A_1482 = tpu.vector_load %arg12[%swap3A_1480, %swap3A_1481] {strides = array<i32>} : memref<16x1024xf32, #tpu.memory_space<vmem>>, vector<1x16xf32>,
          %swap3A_1483 = vector.shape_cast %swap3A_1482 : vector<1x16xf32> to vector<16xf32>
          %swap3A_1484 = vector.shape_cast %get3A_1464 : vector<16xf32> to vector<1x16xf32>
          tpu.vector_store %arg12[%swap3A_1480, %swap3A_1481], %swap3A_1484 {add = true, strides = array<i32>} : memref<16x1024xf32, #tpu.memory_space<vmem>>, vector<1x16xf32>,
          %mul3A_1485 = arith.mulf %get3A_1446, %get3A_1446 : vector<16xf32>
          %add3A_1486 = arith.addf %add3A_1432, %mul3A_1485 : vector<16xf32>
          %mul3A_1487 = arith.mulf %get3A_1452, %get3A_1452 : vector<16xf32>
          %add3A_1488 = arith.addf %add3A_1434, %mul3A_1487 : vector<16xf32>
          %mul3A_1489 = arith.mulf %get3A_1458, %get3A_1458 : vector<16xf32>
          %add3A_1490 = arith.addf %add3A_1436, %mul3A_1489 : vector<16xf32>
          %mul3A_1491 = arith.mulf %get3A_1464, %get3A_1464 : vector<16xf32>
          %add3A_1492 = arith.addf %add3A_1438, %mul3A_1491 : vector<16xf32>
          scf.yield %add3A_1486, %add3A_1488, %add3A_1490, %add3A_1492 : vector<16xf32>, vector<16xf32>, vector<16xf32>, vector<16xf32>
        }
        %scan3A_580 = arith.constant 4 : i32
        %swap3A_581 = arith.index_cast %get3A_553 : i32 to index
        %swap3A_582 = arith.constant 0 : index
        %swap3A_583 = tpu.vector_load %arg13[%swap3A_581, %swap3A_582] {strides = array<i32>} : memref<16x16xf32, #tpu.memory_space<vmem>>, vector<1x16xf32>,
        %swap3A_584 = vector.shape_cast %swap3A_583 : vector<1x16xf32> to vector<16xf32>
        %swap3A_585 = vector.shape_cast %scan3A_579#0 : vector<16xf32> to vector<1x16xf32>
        tpu.vector_store %arg13[%swap3A_581, %swap3A_582], %swap3A_585 {add = true, strides = array<i32>} : memref<16x16xf32, #tpu.memory_space<vmem>>, vector<1x16xf32>,
        %swap3A_586 = arith.index_cast %get3A_553 : i32 to index
        %swap3A_587 = arith.constant 0 : index
        %swap3A_588 = tpu.vector_load %arg14[%swap3A_586, %swap3A_587] {strides = array<i32>} : memref<16x16xf32, #tpu.memory_space<vmem>>, vector<1x16xf32>,
        %swap3A_589 = vector.shape_cast %swap3A_588 : vector<1x16xf32> to vector<16xf32>
        %swap3A_590 = vector.shape_cast %select_n3A : vector<16xf32> to vector<1x16xf32>
        tpu.vector_store %arg14[%swap3A_586, %swap3A_587], %swap3A_590 {add = true, strides = array<i32>} : memref<16x16xf32, #tpu.memory_space<vmem>>, vector<1x16xf32>,
        %swap3A_591 = arith.index_cast %get3A_560 : i32 to index
        %swap3A_592 = arith.constant 0 : index
        %swap3A_593 = tpu.vector_load %arg13[%swap3A_591, %swap3A_592] {strides = array<i32>} : memref<16x16xf32, #tpu.memory_space<vmem>>, vector<1x16xf32>,
        %swap3A_594 = vector.shape_cast %swap3A_593 : vector<1x16xf32> to vector<16xf32>
        %swap3A_595 = vector.shape_cast %scan3A_579#1 : vector<16xf32> to vector<1x16xf32>
        tpu.vector_store %arg13[%swap3A_591, %swap3A_592], %swap3A_595 {add = true, strides = array<i32>} : memref<16x16xf32, #tpu.memory_space<vmem>>, vector<1x16xf32>,
        %swap3A_596 = arith.index_cast %get3A_560 : i32 to index
        %swap3A_597 = arith.constant 0 : index
        %swap3A_598 = tpu.vector_load %arg14[%swap3A_596, %swap3A_597] {strides = array<i32>} : memref<16x16xf32, #tpu.memory_space<vmem>>, vector<1x16xf32>,
        %swap3A_599 = vector.shape_cast %swap3A_598 : vector<1x16xf32> to vector<16xf32>
        %swap3A_600 = vector.shape_cast %select_n3A : vector<16xf32> to vector<1x16xf32>
        tpu.vector_store %arg14[%swap3A_596, %swap3A_597], %swap3A_600 {add = true, strides = array<i32>} : memref<16x16xf32, #tpu.memory_space<vmem>>, vector<1x16xf32>,
        %swap3A_601 = arith.index_cast %get3A_567 : i32 to index
        %swap3A_602 = arith.constant 0 : index
        %swap3A_603 = tpu.vector_load %arg13[%swap3A_601, %swap3A_602] {strides = array<i32>} : memref<16x16xf32, #tpu.memory_space<vmem>>, vector<1x16xf32>,
        %swap3A_604 = vector.shape_cast %swap3A_603 : vector<1x16xf32> to vector<16xf32>
        %swap3A_605 = vector.shape_cast %scan3A_579#2 : vector<16xf32> to vector<1x16xf32>
        tpu.vector_store %arg13[%swap3A_601, %swap3A_602], %swap3A_605 {add = true, strides = array<i32>} : memref<16x16xf32, #tpu.memory_space<vmem>>, vector<1x16xf32>,
        %swap3A_606 = arith.index_cast %get3A_567 : i32 to index
        %swap3A_607 = arith.constant 0 : index
        %swap3A_608 = tpu.vector_load %arg14[%swap3A_606, %swap3A_607] {strides = array<i32>} : memref<16x16xf32, #tpu.memory_space<vmem>>, vector<1x16xf32>,
        %swap3A_609 = vector.shape_cast %swap3A_608 : vector<1x16xf32> to vector<16xf32>
        %swap3A_610 = vector.shape_cast %select_n3A : vector<16xf32> to vector<1x16xf32>
        tpu.vector_store %arg14[%swap3A_606, %swap3A_607], %swap3A_610 {add = true, strides = array<i32>} : memref<16x16xf32, #tpu.memory_space<vmem>>, vector<1x16xf32>,
        %swap3A_611 = arith.index_cast %get3A_574 : i32 to index
        %swap3A_612 = arith.constant 0 : index
        %swap3A_613 = tpu.vector_load %arg13[%swap3A_611, %swap3A_612] {strides = array<i32>} : memref<16x16xf32, #tpu.memory_space<vmem>>, vector<1x16xf32>,
        %swap3A_614 = vector.shape_cast %swap3A_613 : vector<1x16xf32> to vector<16xf32>
        %swap3A_615 = vector.shape_cast %scan3A_579#3 : vector<16xf32> to vector<1x16xf32>
        tpu.vector_store %arg13[%swap3A_611, %swap3A_612], %swap3A_615 {add = true, strides = array<i32>} : memref<16x16xf32, #tpu.memory_space<vmem>>, vector<1x16xf32>,
        %swap3A_616 = arith.index_cast %get3A_574 : i32 to index
        %swap3A_617 = arith.constant 0 : index
        %swap3A_618 = tpu.vector_load %arg14[%swap3A_616, %swap3A_617] {strides = array<i32>} : memref<16x16xf32, #tpu.memory_space<vmem>>, vector<1x16xf32>,
        %swap3A_619 = vector.shape_cast %swap3A_618 : vector<1x16xf32> to vector<16xf32>
        %swap3A_620 = vector.shape_cast %select_n3A : vector<16xf32> to vector<1x16xf32>
        tpu.vector_store %arg14[%swap3A_616, %swap3A_617], %swap3A_620 {add = true, strides = array<i32>} : memref<16x16xf32, #tpu.memory_space<vmem>>, vector<1x16xf32>,
        %scan3A_621 = arith.constant 0 : i32
        scf.yield %scan3A_621 : i32
      }
      %scan3A_541 = arith.constant 8 : i32
      %scan3A_542 = arith.constant 0 : i32
      scf.yield %scan3A_542 : i32
    }
    %scan3A_492 = arith.constant 4 : i32
    "tpu.region"() ({
      %run_scoped3A = tpu.sem_alloc : memref<!tpu.dma_semaphore, #tpu.memory_space<semaphore_mem>>
      %dma_start3A_493 = arith.constant 0 : i32
      %dma_start3A_494 = arith.constant 0 : i32
      %dma_start3A_495 = tpu.memref_slice %arg4[%add3A, %dma_start3A_493, %dma_start3A_494] : memref<32x16x1024xf32, #tpu.memory_space<hbm>> -> memref<1x16x1024xf32, #tpu.memory_space<hbm>>
      %dma_start3A_496 = tpu.memref_squeeze %dma_start3A_495 : memref<1x16x1024xf32, #tpu.memory_space<hbm>> -> memref<16x1024xf32, #tpu.memory_space<hbm>>
      %dma_start3A_497 = arith.constant 0 : i32
      %dma_start3A_498 = arith.constant 0 : i32
      %dma_start3A_499 = tpu.memref_slice %arg4[%add3A, %dma_start3A_497, %dma_start3A_498] : memref<32x16x1024xf32, #tpu.memory_space<hbm>> -> memref<1x16x1024xf32, #tpu.memory_space<hbm>>
      %dma_start3A_500 = tpu.memref_squeeze %dma_start3A_499 : memref<1x16x1024xf32, #tpu.memory_space<hbm>> -> memref<16x1024xf32, #tpu.memory_space<hbm>>
      tpu.enqueue_dma source(%arg12 : memref<16x1024xf32, #tpu.memory_space<vmem>>) target(%dma_start3A_500 : memref<16x1024xf32, #tpu.memory_space<hbm>>) target_semaphore(%run_scoped3A : memref<!tpu.dma_semaphore, #tpu.memory_space<semaphore_mem>>)
      %dma_wait3A = arith.constant 0 : i32
      %dma_wait3A_501 = arith.constant 0 : i32
      %dma_wait3A_502 = tpu.memref_slice %arg4[%add3A, %dma_wait3A, %dma_wait3A_501] : memref<32x16x1024xf32, #tpu.memory_space<hbm>> -> memref<1x16x1024xf32, #tpu.memory_space<hbm>>
      %dma_wait3A_503 = tpu.memref_squeeze %dma_wait3A_502 : memref<1x16x1024xf32, #tpu.memory_space<hbm>> -> memref<16x1024xf32, #tpu.memory_space<hbm>>
      %dma_wait3A_504 = arith.constant 0 : i32
      %dma_wait3A_505 = arith.constant 0 : i32
      %dma_wait3A_506 = tpu.memref_slice %arg4[%add3A, %dma_wait3A_504, %dma_wait3A_505] : memref<32x16x1024xf32, #tpu.memory_space<hbm>> -> memref<1x16x1024xf32, #tpu.memory_space<hbm>>
      %dma_wait3A_507 = tpu.memref_squeeze %dma_wait3A_506 : memref<1x16x1024xf32, #tpu.memory_space<hbm>> -> memref<16x1024xf32, #tpu.memory_space<hbm>>
      tpu.wait_dma2 semaphore(%run_scoped3A : memref<!tpu.dma_semaphore, #tpu.memory_space<semaphore_mem>>) src(%arg12 : memref<16x1024xf32, #tpu.memory_space<vmem>>) dst(%dma_wait3A_507 : memref<16x1024xf32, #tpu.memory_space<hbm>>)
      tpu.yield
    }) : () -> ()
    "tpu.region"() ({
      %run_scoped3A = tpu.sem_alloc : memref<!tpu.dma_semaphore, #tpu.memory_space<semaphore_mem>>
      %dma_start3A_493 = arith.constant 0 : i32
      %dma_start3A_494 = arith.constant 0 : i32
      %dma_start3A_495 = tpu.memref_slice %arg5[%add3A, %dma_start3A_493, %dma_start3A_494] : memref<32x16x16xf32, #tpu.memory_space<hbm>> -> memref<1x16x16xf32, #tpu.memory_space<hbm>>
      %dma_start3A_496 = tpu.memref_squeeze %dma_start3A_495 : memref<1x16x16xf32, #tpu.memory_space<hbm>> -> memref<16x16xf32, #tpu.memory_space<hbm>>
      %dma_start3A_497 = arith.constant 0 : i32
      %dma_start3A_498 = arith.constant 0 : i32
      %dma_start3A_499 = tpu.memref_slice %arg5[%add3A, %dma_start3A_497, %dma_start3A_498] : memref<32x16x16xf32, #tpu.memory_space<hbm>> -> memref<1x16x16xf32, #tpu.memory_space<hbm>>
      %dma_start3A_500 = tpu.memref_squeeze %dma_start3A_499 : memref<1x16x16xf32, #tpu.memory_space<hbm>> -> memref<16x16xf32, #tpu.memory_space<hbm>>
      tpu.enqueue_dma source(%arg13 : memref<16x16xf32, #tpu.memory_space<vmem>>) target(%dma_start3A_500 : memref<16x16xf32, #tpu.memory_space<hbm>>) target_semaphore(%run_scoped3A : memref<!tpu.dma_semaphore, #tpu.memory_space<semaphore_mem>>)
      %dma_wait3A = arith.constant 0 : i32
      %dma_wait3A_501 = arith.constant 0 : i32
      %dma_wait3A_502 = tpu.memref_slice %arg5[%add3A, %dma_wait3A, %dma_wait3A_501] : memref<32x16x16xf32, #tpu.memory_space<hbm>> -> memref<1x16x16xf32, #tpu.memory_space<hbm>>
      %dma_wait3A_503 = tpu.memref_squeeze %dma_wait3A_502 : memref<1x16x16xf32, #tpu.memory_space<hbm>> -> memref<16x16xf32, #tpu.memory_space<hbm>>
      %dma_wait3A_504 = arith.constant 0 : i32
      %dma_wait3A_505 = arith.constant 0 : i32
      %dma_wait3A_506 = tpu.memref_slice %arg5[%add3A, %dma_wait3A_504, %dma_wait3A_505] : memref<32x16x16xf32, #tpu.memory_space<hbm>> -> memref<1x16x16xf32, #tpu.memory_space<hbm>>
      %dma_wait3A_507 = tpu.memref_squeeze %dma_wait3A_506 : memref<1x16x16xf32, #tpu.memory_space<hbm>> -> memref<16x16xf32, #tpu.memory_space<hbm>>
      tpu.wait_dma2 semaphore(%run_scoped3A : memref<!tpu.dma_semaphore, #tpu.memory_space<semaphore_mem>>) src(%arg13 : memref<16x16xf32, #tpu.memory_space<vmem>>) dst(%dma_wait3A_507 : memref<16x16xf32, #tpu.memory_space<hbm>>)
      tpu.yield
    }) : () -> ()
    "tpu.region"() ({
      %run_scoped3A = tpu.sem_alloc : memref<!tpu.dma_semaphore, #tpu.memory_space<semaphore_mem>>
      %dma_start3A_493 = arith.constant 0 : i32
      %dma_start3A_494 = arith.constant 0 : i32
      %dma_start3A_495 = tpu.memref_slice %arg6[%add3A, %dma_start3A_493, %dma_start3A_494] : memref<32x16x16xf32, #tpu.memory_space<hbm>> -> memref<1x16x16xf32, #tpu.memory_space<hbm>>
      %dma_start3A_496 = tpu.memref_squeeze %dma_start3A_495 : memref<1x16x16xf32, #tpu.memory_space<hbm>> -> memref<16x16xf32, #tpu.memory_space<hbm>>
      %dma_start3A_497 = arith.constant 0 : i32
      %dma_start3A_498 = arith.constant 0 : i32
      %dma_start3A_499 = tpu.memref_slice %arg6[%add3A, %dma_start3A_497, %dma_start3A_498] : memref<32x16x16xf32, #tpu.memory_space<hbm>> -> memref<1x16x16xf32, #tpu.memory_space<hbm>>
      %dma_start3A_500 = tpu.memref_squeeze %dma_start3A_499 : memref<1x16x16xf32, #tpu.memory_space<hbm>> -> memref<16x16xf32, #tpu.memory_space<hbm>>
      tpu.enqueue_dma source(%arg14 : memref<16x16xf32, #tpu.memory_space<vmem>>) target(%dma_start3A_500 : memref<16x16xf32, #tpu.memory_space<hbm>>) target_semaphore(%run_scoped3A : memref<!tpu.dma_semaphore, #tpu.memory_space<semaphore_mem>>)
      %dma_wait3A = arith.constant 0 : i32
      %dma_wait3A_501 = arith.constant 0 : i32
      %dma_wait3A_502 = tpu.memref_slice %arg6[%add3A, %dma_wait3A, %dma_wait3A_501] : memref<32x16x16xf32, #tpu.memory_space<hbm>> -> memref<1x16x16xf32, #tpu.memory_space<hbm>>
      %dma_wait3A_503 = tpu.memref_squeeze %dma_wait3A_502 : memref<1x16x16xf32, #tpu.memory_space<hbm>> -> memref<16x16xf32, #tpu.memory_space<hbm>>
      %dma_wait3A_504 = arith.constant 0 : i32
      %dma_wait3A_505 = arith.constant 0 : i32
      %dma_wait3A_506 = tpu.memref_slice %arg6[%add3A, %dma_wait3A_504, %dma_wait3A_505] : memref<32x16x16xf32, #tpu.memory_space<hbm>> -> memref<1x16x16xf32, #tpu.memory_space<hbm>>
      %dma_wait3A_507 = tpu.memref_squeeze %dma_wait3A_506 : memref<1x16x16xf32, #tpu.memory_space<hbm>> -> memref<16x16xf32, #tpu.memory_space<hbm>>
      tpu.wait_dma2 semaphore(%run_scoped3A : memref<!tpu.dma_semaphore, #tpu.memory_space<semaphore_mem>>) src(%arg14 : memref<16x16xf32, #tpu.memory_space<vmem>>) dst(%dma_wait3A_507 : memref<16x16xf32, #tpu.memory_space<hbm>>)
      tpu.yield
    }) : () -> ()
    return
  }
}

module attributes {stable_mosaic.version = 14 : i64} {
  func.func @_combine_body(%arg0: memref<32x16x1024xf32, #tpu.memory_space<vmem>>, %arg1: memref<32x16x16xf32, #tpu.memory_space<vmem>>, %arg2: memref<32x16x16xf32, #tpu.memory_space<vmem>>, %arg3: memref<16x16xf32, #tpu.memory_space<vmem>>, %arg4: memref<16x1xf32, #tpu.memory_space<vmem>>, %arg5: memref<1x1xf32, #tpu.memory_space<smem>>) attributes {dimension_semantics = [], scalar_prefetch = 0 : i64, scratch_operands = 0 : i64, tpu.core_type = #tpu.core_type<tc>} {
    %get3A = arith.constant 0 : index
    %get3A_0 = arith.constant 0 : index
    %get3A_1 = arith.constant 0 : index
    %get3A_2 = vector.load %arg0[%get3A, %get3A_0, %get3A_1] : memref<32x16x1024xf32, #tpu.memory_space<vmem>>, vector<1x16x1024xf32>
    %get3A_3 = vector.shape_cast %get3A_2 : vector<1x16x1024xf32> to vector<16x1024xf32>
    %get3A_4 = arith.constant 0 : index
    %get3A_5 = arith.constant 0 : index
    %get3A_6 = arith.constant 0 : index
    %get3A_7 = vector.load %arg1[%get3A_4, %get3A_5, %get3A_6] : memref<32x16x16xf32, #tpu.memory_space<vmem>>, vector<1x16x16xf32>
    %get3A_8 = vector.shape_cast %get3A_7 : vector<1x16x16xf32> to vector<16x16xf32>
    %get3A_9 = arith.constant 0 : index
    %get3A_10 = arith.constant 0 : index
    %get3A_11 = arith.constant 0 : index
    %get3A_12 = vector.load %arg2[%get3A_9, %get3A_10, %get3A_11] : memref<32x16x16xf32, #tpu.memory_space<vmem>>, vector<1x16x16xf32>
    %get3A_13 = vector.shape_cast %get3A_12 : vector<1x16x16xf32> to vector<16x16xf32>
    %get3A_14 = arith.constant 1 : index
    %get3A_15 = arith.constant 0 : index
    %get3A_16 = arith.constant 0 : index
    %get3A_17 = vector.load %arg0[%get3A_14, %get3A_15, %get3A_16] : memref<32x16x1024xf32, #tpu.memory_space<vmem>>, vector<1x16x1024xf32>
    %get3A_18 = vector.shape_cast %get3A_17 : vector<1x16x1024xf32> to vector<16x1024xf32>
    %add3A = arith.addf %get3A_3, %get3A_18 : vector<16x1024xf32>
    %get3A_19 = arith.constant 1 : index
    %get3A_20 = arith.constant 0 : index
    %get3A_21 = arith.constant 0 : index
    %get3A_22 = vector.load %arg1[%get3A_19, %get3A_20, %get3A_21] : memref<32x16x16xf32, #tpu.memory_space<vmem>>, vector<1x16x16xf32>
    %get3A_23 = vector.shape_cast %get3A_22 : vector<1x16x16xf32> to vector<16x16xf32>
    %add3A_24 = arith.addf %get3A_8, %get3A_23 : vector<16x16xf32>
    %get3A_25 = arith.constant 1 : index
    %get3A_26 = arith.constant 0 : index
    %get3A_27 = arith.constant 0 : index
    %get3A_28 = vector.load %arg2[%get3A_25, %get3A_26, %get3A_27] : memref<32x16x16xf32, #tpu.memory_space<vmem>>, vector<1x16x16xf32>
    %get3A_29 = vector.shape_cast %get3A_28 : vector<1x16x16xf32> to vector<16x16xf32>
    %add3A_30 = arith.addf %get3A_13, %get3A_29 : vector<16x16xf32>
    %get3A_31 = arith.constant 2 : index
    %get3A_32 = arith.constant 0 : index
    %get3A_33 = arith.constant 0 : index
    %get3A_34 = vector.load %arg0[%get3A_31, %get3A_32, %get3A_33] : memref<32x16x1024xf32, #tpu.memory_space<vmem>>, vector<1x16x1024xf32>
    %get3A_35 = vector.shape_cast %get3A_34 : vector<1x16x1024xf32> to vector<16x1024xf32>
    %add3A_36 = arith.addf %add3A, %get3A_35 : vector<16x1024xf32>
    %get3A_37 = arith.constant 2 : index
    %get3A_38 = arith.constant 0 : index
    %get3A_39 = arith.constant 0 : index
    %get3A_40 = vector.load %arg1[%get3A_37, %get3A_38, %get3A_39] : memref<32x16x16xf32, #tpu.memory_space<vmem>>, vector<1x16x16xf32>
    %get3A_41 = vector.shape_cast %get3A_40 : vector<1x16x16xf32> to vector<16x16xf32>
    %add3A_42 = arith.addf %add3A_24, %get3A_41 : vector<16x16xf32>
    %get3A_43 = arith.constant 2 : index
    %get3A_44 = arith.constant 0 : index
    %get3A_45 = arith.constant 0 : index
    %get3A_46 = vector.load %arg2[%get3A_43, %get3A_44, %get3A_45] : memref<32x16x16xf32, #tpu.memory_space<vmem>>, vector<1x16x16xf32>
    %get3A_47 = vector.shape_cast %get3A_46 : vector<1x16x16xf32> to vector<16x16xf32>
    %add3A_48 = arith.addf %add3A_30, %get3A_47 : vector<16x16xf32>
    %get3A_49 = arith.constant 3 : index
    %get3A_50 = arith.constant 0 : index
    %get3A_51 = arith.constant 0 : index
    %get3A_52 = vector.load %arg0[%get3A_49, %get3A_50, %get3A_51] : memref<32x16x1024xf32, #tpu.memory_space<vmem>>, vector<1x16x1024xf32>
    %get3A_53 = vector.shape_cast %get3A_52 : vector<1x16x1024xf32> to vector<16x1024xf32>
    %add3A_54 = arith.addf %add3A_36, %get3A_53 : vector<16x1024xf32>
    %get3A_55 = arith.constant 3 : index
    %get3A_56 = arith.constant 0 : index
    %get3A_57 = arith.constant 0 : index
    %get3A_58 = vector.load %arg1[%get3A_55, %get3A_56, %get3A_57] : memref<32x16x16xf32, #tpu.memory_space<vmem>>, vector<1x16x16xf32>
    %get3A_59 = vector.shape_cast %get3A_58 : vector<1x16x16xf32> to vector<16x16xf32>
    %add3A_60 = arith.addf %add3A_42, %get3A_59 : vector<16x16xf32>
    %get3A_61 = arith.constant 3 : index
    %get3A_62 = arith.constant 0 : index
    %get3A_63 = arith.constant 0 : index
    %get3A_64 = vector.load %arg2[%get3A_61, %get3A_62, %get3A_63] : memref<32x16x16xf32, #tpu.memory_space<vmem>>, vector<1x16x16xf32>
    %get3A_65 = vector.shape_cast %get3A_64 : vector<1x16x16xf32> to vector<16x16xf32>
    %add3A_66 = arith.addf %add3A_48, %get3A_65 : vector<16x16xf32>
    %get3A_67 = arith.constant 4 : index
    %get3A_68 = arith.constant 0 : index
    %get3A_69 = arith.constant 0 : index
    %get3A_70 = vector.load %arg0[%get3A_67, %get3A_68, %get3A_69] : memref<32x16x1024xf32, #tpu.memory_space<vmem>>, vector<1x16x1024xf32>
    %get3A_71 = vector.shape_cast %get3A_70 : vector<1x16x1024xf32> to vector<16x1024xf32>
    %add3A_72 = arith.addf %add3A_54, %get3A_71 : vector<16x1024xf32>
    %get3A_73 = arith.constant 4 : index
    %get3A_74 = arith.constant 0 : index
    %get3A_75 = arith.constant 0 : index
    %get3A_76 = vector.load %arg1[%get3A_73, %get3A_74, %get3A_75] : memref<32x16x16xf32, #tpu.memory_space<vmem>>, vector<1x16x16xf32>
    %get3A_77 = vector.shape_cast %get3A_76 : vector<1x16x16xf32> to vector<16x16xf32>
    %add3A_78 = arith.addf %add3A_60, %get3A_77 : vector<16x16xf32>
    %get3A_79 = arith.constant 4 : index
    %get3A_80 = arith.constant 0 : index
    %get3A_81 = arith.constant 0 : index
    %get3A_82 = vector.load %arg2[%get3A_79, %get3A_80, %get3A_81] : memref<32x16x16xf32, #tpu.memory_space<vmem>>, vector<1x16x16xf32>
    %get3A_83 = vector.shape_cast %get3A_82 : vector<1x16x16xf32> to vector<16x16xf32>
    %add3A_84 = arith.addf %add3A_66, %get3A_83 : vector<16x16xf32>
    %get3A_85 = arith.constant 5 : index
    %get3A_86 = arith.constant 0 : index
    %get3A_87 = arith.constant 0 : index
    %get3A_88 = vector.load %arg0[%get3A_85, %get3A_86, %get3A_87] : memref<32x16x1024xf32, #tpu.memory_space<vmem>>, vector<1x16x1024xf32>
    %get3A_89 = vector.shape_cast %get3A_88 : vector<1x16x1024xf32> to vector<16x1024xf32>
    %add3A_90 = arith.addf %add3A_72, %get3A_89 : vector<16x1024xf32>
    %get3A_91 = arith.constant 5 : index
    %get3A_92 = arith.constant 0 : index
    %get3A_93 = arith.constant 0 : index
    %get3A_94 = vector.load %arg1[%get3A_91, %get3A_92, %get3A_93] : memref<32x16x16xf32, #tpu.memory_space<vmem>>, vector<1x16x16xf32>
    %get3A_95 = vector.shape_cast %get3A_94 : vector<1x16x16xf32> to vector<16x16xf32>
    %add3A_96 = arith.addf %add3A_78, %get3A_95 : vector<16x16xf32>
    %get3A_97 = arith.constant 5 : index
    %get3A_98 = arith.constant 0 : index
    %get3A_99 = arith.constant 0 : index
    %get3A_100 = vector.load %arg2[%get3A_97, %get3A_98, %get3A_99] : memref<32x16x16xf32, #tpu.memory_space<vmem>>, vector<1x16x16xf32>
    %get3A_101 = vector.shape_cast %get3A_100 : vector<1x16x16xf32> to vector<16x16xf32>
    %add3A_102 = arith.addf %add3A_84, %get3A_101 : vector<16x16xf32>
    %get3A_103 = arith.constant 6 : index
    %get3A_104 = arith.constant 0 : index
    %get3A_105 = arith.constant 0 : index
    %get3A_106 = vector.load %arg0[%get3A_103, %get3A_104, %get3A_105] : memref<32x16x1024xf32, #tpu.memory_space<vmem>>, vector<1x16x1024xf32>
    %get3A_107 = vector.shape_cast %get3A_106 : vector<1x16x1024xf32> to vector<16x1024xf32>
    %add3A_108 = arith.addf %add3A_90, %get3A_107 : vector<16x1024xf32>
    %get3A_109 = arith.constant 6 : index
    %get3A_110 = arith.constant 0 : index
    %get3A_111 = arith.constant 0 : index
    %get3A_112 = vector.load %arg1[%get3A_109, %get3A_110, %get3A_111] : memref<32x16x16xf32, #tpu.memory_space<vmem>>, vector<1x16x16xf32>
    %get3A_113 = vector.shape_cast %get3A_112 : vector<1x16x16xf32> to vector<16x16xf32>
    %add3A_114 = arith.addf %add3A_96, %get3A_113 : vector<16x16xf32>
    %get3A_115 = arith.constant 6 : index
    %get3A_116 = arith.constant 0 : index
    %get3A_117 = arith.constant 0 : index
    %get3A_118 = vector.load %arg2[%get3A_115, %get3A_116, %get3A_117] : memref<32x16x16xf32, #tpu.memory_space<vmem>>, vector<1x16x16xf32>
    %get3A_119 = vector.shape_cast %get3A_118 : vector<1x16x16xf32> to vector<16x16xf32>
    %add3A_120 = arith.addf %add3A_102, %get3A_119 : vector<16x16xf32>
    %get3A_121 = arith.constant 7 : index
    %get3A_122 = arith.constant 0 : index
    %get3A_123 = arith.constant 0 : index
    %get3A_124 = vector.load %arg0[%get3A_121, %get3A_122, %get3A_123] : memref<32x16x1024xf32, #tpu.memory_space<vmem>>, vector<1x16x1024xf32>
    %get3A_125 = vector.shape_cast %get3A_124 : vector<1x16x1024xf32> to vector<16x1024xf32>
    %add3A_126 = arith.addf %add3A_108, %get3A_125 : vector<16x1024xf32>
    %get3A_127 = arith.constant 7 : index
    %get3A_128 = arith.constant 0 : index
    %get3A_129 = arith.constant 0 : index
    %get3A_130 = vector.load %arg1[%get3A_127, %get3A_128, %get3A_129] : memref<32x16x16xf32, #tpu.memory_space<vmem>>, vector<1x16x16xf32>
    %get3A_131 = vector.shape_cast %get3A_130 : vector<1x16x16xf32> to vector<16x16xf32>
    %add3A_132 = arith.addf %add3A_114, %get3A_131 : vector<16x16xf32>
    %get3A_133 = arith.constant 7 : index
    %get3A_134 = arith.constant 0 : index
    %get3A_135 = arith.constant 0 : index
    %get3A_136 = vector.load %arg2[%get3A_133, %get3A_134, %get3A_135] : memref<32x16x16xf32, #tpu.memory_space<vmem>>, vector<1x16x16xf32>
    %get3A_137 = vector.shape_cast %get3A_136 : vector<1x16x16xf32> to vector<16x16xf32>
    %add3A_138 = arith.addf %add3A_120, %get3A_137 : vector<16x16xf32>
    %get3A_139 = arith.constant 8 : index
    %get3A_140 = arith.constant 0 : index
    %get3A_141 = arith.constant 0 : index
    %get3A_142 = vector.load %arg0[%get3A_139, %get3A_140, %get3A_141] : memref<32x16x1024xf32, #tpu.memory_space<vmem>>, vector<1x16x1024xf32>
    %get3A_143 = vector.shape_cast %get3A_142 : vector<1x16x1024xf32> to vector<16x1024xf32>
    %add3A_144 = arith.addf %add3A_126, %get3A_143 : vector<16x1024xf32>
    %get3A_145 = arith.constant 8 : index
    %get3A_146 = arith.constant 0 : index
    %get3A_147 = arith.constant 0 : index
    %get3A_148 = vector.load %arg1[%get3A_145, %get3A_146, %get3A_147] : memref<32x16x16xf32, #tpu.memory_space<vmem>>, vector<1x16x16xf32>
    %get3A_149 = vector.shape_cast %get3A_148 : vector<1x16x16xf32> to vector<16x16xf32>
    %add3A_150 = arith.addf %add3A_132, %get3A_149 : vector<16x16xf32>
    %get3A_151 = arith.constant 8 : index
    %get3A_152 = arith.constant 0 : index
    %get3A_153 = arith.constant 0 : index
    %get3A_154 = vector.load %arg2[%get3A_151, %get3A_152, %get3A_153] : memref<32x16x16xf32, #tpu.memory_space<vmem>>, vector<1x16x16xf32>
    %get3A_155 = vector.shape_cast %get3A_154 : vector<1x16x16xf32> to vector<16x16xf32>
    %add3A_156 = arith.addf %add3A_138, %get3A_155 : vector<16x16xf32>
    %get3A_157 = arith.constant 9 : index
    %get3A_158 = arith.constant 0 : index
    %get3A_159 = arith.constant 0 : index
    %get3A_160 = vector.load %arg0[%get3A_157, %get3A_158, %get3A_159] : memref<32x16x1024xf32, #tpu.memory_space<vmem>>, vector<1x16x1024xf32>
    %get3A_161 = vector.shape_cast %get3A_160 : vector<1x16x1024xf32> to vector<16x1024xf32>
    %add3A_162 = arith.addf %add3A_144, %get3A_161 : vector<16x1024xf32>
    %get3A_163 = arith.constant 9 : index
    %get3A_164 = arith.constant 0 : index
    %get3A_165 = arith.constant 0 : index
    %get3A_166 = vector.load %arg1[%get3A_163, %get3A_164, %get3A_165] : memref<32x16x16xf32, #tpu.memory_space<vmem>>, vector<1x16x16xf32>
    %get3A_167 = vector.shape_cast %get3A_166 : vector<1x16x16xf32> to vector<16x16xf32>
    %add3A_168 = arith.addf %add3A_150, %get3A_167 : vector<16x16xf32>
    %get3A_169 = arith.constant 9 : index
    %get3A_170 = arith.constant 0 : index
    %get3A_171 = arith.constant 0 : index
    %get3A_172 = vector.load %arg2[%get3A_169, %get3A_170, %get3A_171] : memref<32x16x16xf32, #tpu.memory_space<vmem>>, vector<1x16x16xf32>
    %get3A_173 = vector.shape_cast %get3A_172 : vector<1x16x16xf32> to vector<16x16xf32>
    %add3A_174 = arith.addf %add3A_156, %get3A_173 : vector<16x16xf32>
    %get3A_175 = arith.constant 10 : index
    %get3A_176 = arith.constant 0 : index
    %get3A_177 = arith.constant 0 : index
    %get3A_178 = vector.load %arg0[%get3A_175, %get3A_176, %get3A_177] : memref<32x16x1024xf32, #tpu.memory_space<vmem>>, vector<1x16x1024xf32>
    %get3A_179 = vector.shape_cast %get3A_178 : vector<1x16x1024xf32> to vector<16x1024xf32>
    %add3A_180 = arith.addf %add3A_162, %get3A_179 : vector<16x1024xf32>
    %get3A_181 = arith.constant 10 : index
    %get3A_182 = arith.constant 0 : index
    %get3A_183 = arith.constant 0 : index
    %get3A_184 = vector.load %arg1[%get3A_181, %get3A_182, %get3A_183] : memref<32x16x16xf32, #tpu.memory_space<vmem>>, vector<1x16x16xf32>
    %get3A_185 = vector.shape_cast %get3A_184 : vector<1x16x16xf32> to vector<16x16xf32>
    %add3A_186 = arith.addf %add3A_168, %get3A_185 : vector<16x16xf32>
    %get3A_187 = arith.constant 10 : index
    %get3A_188 = arith.constant 0 : index
    %get3A_189 = arith.constant 0 : index
    %get3A_190 = vector.load %arg2[%get3A_187, %get3A_188, %get3A_189] : memref<32x16x16xf32, #tpu.memory_space<vmem>>, vector<1x16x16xf32>
    %get3A_191 = vector.shape_cast %get3A_190 : vector<1x16x16xf32> to vector<16x16xf32>
    %add3A_192 = arith.addf %add3A_174, %get3A_191 : vector<16x16xf32>
    %get3A_193 = arith.constant 11 : index
    %get3A_194 = arith.constant 0 : index
    %get3A_195 = arith.constant 0 : index
    %get3A_196 = vector.load %arg0[%get3A_193, %get3A_194, %get3A_195] : memref<32x16x1024xf32, #tpu.memory_space<vmem>>, vector<1x16x1024xf32>
    %get3A_197 = vector.shape_cast %get3A_196 : vector<1x16x1024xf32> to vector<16x1024xf32>
    %add3A_198 = arith.addf %add3A_180, %get3A_197 : vector<16x1024xf32>
    %get3A_199 = arith.constant 11 : index
    %get3A_200 = arith.constant 0 : index
    %get3A_201 = arith.constant 0 : index
    %get3A_202 = vector.load %arg1[%get3A_199, %get3A_200, %get3A_201] : memref<32x16x16xf32, #tpu.memory_space<vmem>>, vector<1x16x16xf32>
    %get3A_203 = vector.shape_cast %get3A_202 : vector<1x16x16xf32> to vector<16x16xf32>
    %add3A_204 = arith.addf %add3A_186, %get3A_203 : vector<16x16xf32>
    %get3A_205 = arith.constant 11 : index
    %get3A_206 = arith.constant 0 : index
    %get3A_207 = arith.constant 0 : index
    %get3A_208 = vector.load %arg2[%get3A_205, %get3A_206, %get3A_207] : memref<32x16x16xf32, #tpu.memory_space<vmem>>, vector<1x16x16xf32>
    %get3A_209 = vector.shape_cast %get3A_208 : vector<1x16x16xf32> to vector<16x16xf32>
    %add3A_210 = arith.addf %add3A_192, %get3A_209 : vector<16x16xf32>
    %get3A_211 = arith.constant 12 : index
    %get3A_212 = arith.constant 0 : index
    %get3A_213 = arith.constant 0 : index
    %get3A_214 = vector.load %arg0[%get3A_211, %get3A_212, %get3A_213] : memref<32x16x1024xf32, #tpu.memory_space<vmem>>, vector<1x16x1024xf32>
    %get3A_215 = vector.shape_cast %get3A_214 : vector<1x16x1024xf32> to vector<16x1024xf32>
    %add3A_216 = arith.addf %add3A_198, %get3A_215 : vector<16x1024xf32>
    %get3A_217 = arith.constant 12 : index
    %get3A_218 = arith.constant 0 : index
    %get3A_219 = arith.constant 0 : index
    %get3A_220 = vector.load %arg1[%get3A_217, %get3A_218, %get3A_219] : memref<32x16x16xf32, #tpu.memory_space<vmem>>, vector<1x16x16xf32>
    %get3A_221 = vector.shape_cast %get3A_220 : vector<1x16x16xf32> to vector<16x16xf32>
    %add3A_222 = arith.addf %add3A_204, %get3A_221 : vector<16x16xf32>
    %get3A_223 = arith.constant 12 : index
    %get3A_224 = arith.constant 0 : index
    %get3A_225 = arith.constant 0 : index
    %get3A_226 = vector.load %arg2[%get3A_223, %get3A_224, %get3A_225] : memref<32x16x16xf32, #tpu.memory_space<vmem>>, vector<1x16x16xf32>
    %get3A_227 = vector.shape_cast %get3A_226 : vector<1x16x16xf32> to vector<16x16xf32>
    %add3A_228 = arith.addf %add3A_210, %get3A_227 : vector<16x16xf32>
    %get3A_229 = arith.constant 13 : index
    %get3A_230 = arith.constant 0 : index
    %get3A_231 = arith.constant 0 : index
    %get3A_232 = vector.load %arg0[%get3A_229, %get3A_230, %get3A_231] : memref<32x16x1024xf32, #tpu.memory_space<vmem>>, vector<1x16x1024xf32>
    %get3A_233 = vector.shape_cast %get3A_232 : vector<1x16x1024xf32> to vector<16x1024xf32>
    %add3A_234 = arith.addf %add3A_216, %get3A_233 : vector<16x1024xf32>
    %get3A_235 = arith.constant 13 : index
    %get3A_236 = arith.constant 0 : index
    %get3A_237 = arith.constant 0 : index
    %get3A_238 = vector.load %arg1[%get3A_235, %get3A_236, %get3A_237] : memref<32x16x16xf32, #tpu.memory_space<vmem>>, vector<1x16x16xf32>
    %get3A_239 = vector.shape_cast %get3A_238 : vector<1x16x16xf32> to vector<16x16xf32>
    %add3A_240 = arith.addf %add3A_222, %get3A_239 : vector<16x16xf32>
    %get3A_241 = arith.constant 13 : index
    %get3A_242 = arith.constant 0 : index
    %get3A_243 = arith.constant 0 : index
    %get3A_244 = vector.load %arg2[%get3A_241, %get3A_242, %get3A_243] : memref<32x16x16xf32, #tpu.memory_space<vmem>>, vector<1x16x16xf32>
    %get3A_245 = vector.shape_cast %get3A_244 : vector<1x16x16xf32> to vector<16x16xf32>
    %add3A_246 = arith.addf %add3A_228, %get3A_245 : vector<16x16xf32>
    %get3A_247 = arith.constant 14 : index
    %get3A_248 = arith.constant 0 : index
    %get3A_249 = arith.constant 0 : index
    %get3A_250 = vector.load %arg0[%get3A_247, %get3A_248, %get3A_249] : memref<32x16x1024xf32, #tpu.memory_space<vmem>>, vector<1x16x1024xf32>
    %get3A_251 = vector.shape_cast %get3A_250 : vector<1x16x1024xf32> to vector<16x1024xf32>
    %add3A_252 = arith.addf %add3A_234, %get3A_251 : vector<16x1024xf32>
    %get3A_253 = arith.constant 14 : index
    %get3A_254 = arith.constant 0 : index
    %get3A_255 = arith.constant 0 : index
    %get3A_256 = vector.load %arg1[%get3A_253, %get3A_254, %get3A_255] : memref<32x16x16xf32, #tpu.memory_space<vmem>>, vector<1x16x16xf32>
    %get3A_257 = vector.shape_cast %get3A_256 : vector<1x16x16xf32> to vector<16x16xf32>
    %add3A_258 = arith.addf %add3A_240, %get3A_257 : vector<16x16xf32>
    %get3A_259 = arith.constant 14 : index
    %get3A_260 = arith.constant 0 : index
    %get3A_261 = arith.constant 0 : index
    %get3A_262 = vector.load %arg2[%get3A_259, %get3A_260, %get3A_261] : memref<32x16x16xf32, #tpu.memory_space<vmem>>, vector<1x16x16xf32>
    %get3A_263 = vector.shape_cast %get3A_262 : vector<1x16x16xf32> to vector<16x16xf32>
    %add3A_264 = arith.addf %add3A_246, %get3A_263 : vector<16x16xf32>
    %get3A_265 = arith.constant 15 : index
    %get3A_266 = arith.constant 0 : index
    %get3A_267 = arith.constant 0 : index
    %get3A_268 = vector.load %arg0[%get3A_265, %get3A_266, %get3A_267] : memref<32x16x1024xf32, #tpu.memory_space<vmem>>, vector<1x16x1024xf32>
    %get3A_269 = vector.shape_cast %get3A_268 : vector<1x16x1024xf32> to vector<16x1024xf32>
    %add3A_270 = arith.addf %add3A_252, %get3A_269 : vector<16x1024xf32>
    %get3A_271 = arith.constant 15 : index
    %get3A_272 = arith.constant 0 : index
    %get3A_273 = arith.constant 0 : index
    %get3A_274 = vector.load %arg1[%get3A_271, %get3A_272, %get3A_273] : memref<32x16x16xf32, #tpu.memory_space<vmem>>, vector<1x16x16xf32>
    %get3A_275 = vector.shape_cast %get3A_274 : vector<1x16x16xf32> to vector<16x16xf32>
    %add3A_276 = arith.addf %add3A_258, %get3A_275 : vector<16x16xf32>
    %get3A_277 = arith.constant 15 : index
    %get3A_278 = arith.constant 0 : index
    %get3A_279 = arith.constant 0 : index
    %get3A_280 = vector.load %arg2[%get3A_277, %get3A_278, %get3A_279] : memref<32x16x16xf32, #tpu.memory_space<vmem>>, vector<1x16x16xf32>
    %get3A_281 = vector.shape_cast %get3A_280 : vector<1x16x16xf32> to vector<16x16xf32>
    %add3A_282 = arith.addf %add3A_264, %get3A_281 : vector<16x16xf32>
    %get3A_283 = arith.constant 16 : index
    %get3A_284 = arith.constant 0 : index
    %get3A_285 = arith.constant 0 : index
    %get3A_286 = vector.load %arg0[%get3A_283, %get3A_284, %get3A_285] : memref<32x16x1024xf32, #tpu.memory_space<vmem>>, vector<1x16x1024xf32>
    %get3A_287 = vector.shape_cast %get3A_286 : vector<1x16x1024xf32> to vector<16x1024xf32>
    %add3A_288 = arith.addf %add3A_270, %get3A_287 : vector<16x1024xf32>
    %get3A_289 = arith.constant 16 : index
    %get3A_290 = arith.constant 0 : index
    %get3A_291 = arith.constant 0 : index
    %get3A_292 = vector.load %arg1[%get3A_289, %get3A_290, %get3A_291] : memref<32x16x16xf32, #tpu.memory_space<vmem>>, vector<1x16x16xf32>
    %get3A_293 = vector.shape_cast %get3A_292 : vector<1x16x16xf32> to vector<16x16xf32>
    %add3A_294 = arith.addf %add3A_276, %get3A_293 : vector<16x16xf32>
    %get3A_295 = arith.constant 16 : index
    %get3A_296 = arith.constant 0 : index
    %get3A_297 = arith.constant 0 : index
    %get3A_298 = vector.load %arg2[%get3A_295, %get3A_296, %get3A_297] : memref<32x16x16xf32, #tpu.memory_space<vmem>>, vector<1x16x16xf32>
    %get3A_299 = vector.shape_cast %get3A_298 : vector<1x16x16xf32> to vector<16x16xf32>
    %add3A_300 = arith.addf %add3A_282, %get3A_299 : vector<16x16xf32>
    %get3A_301 = arith.constant 17 : index
    %get3A_302 = arith.constant 0 : index
    %get3A_303 = arith.constant 0 : index
    %get3A_304 = vector.load %arg0[%get3A_301, %get3A_302, %get3A_303] : memref<32x16x1024xf32, #tpu.memory_space<vmem>>, vector<1x16x1024xf32>
    %get3A_305 = vector.shape_cast %get3A_304 : vector<1x16x1024xf32> to vector<16x1024xf32>
    %add3A_306 = arith.addf %add3A_288, %get3A_305 : vector<16x1024xf32>
    %get3A_307 = arith.constant 17 : index
    %get3A_308 = arith.constant 0 : index
    %get3A_309 = arith.constant 0 : index
    %get3A_310 = vector.load %arg1[%get3A_307, %get3A_308, %get3A_309] : memref<32x16x16xf32, #tpu.memory_space<vmem>>, vector<1x16x16xf32>
    %get3A_311 = vector.shape_cast %get3A_310 : vector<1x16x16xf32> to vector<16x16xf32>
    %add3A_312 = arith.addf %add3A_294, %get3A_311 : vector<16x16xf32>
    %get3A_313 = arith.constant 17 : index
    %get3A_314 = arith.constant 0 : index
    %get3A_315 = arith.constant 0 : index
    %get3A_316 = vector.load %arg2[%get3A_313, %get3A_314, %get3A_315] : memref<32x16x16xf32, #tpu.memory_space<vmem>>, vector<1x16x16xf32>
    %get3A_317 = vector.shape_cast %get3A_316 : vector<1x16x16xf32> to vector<16x16xf32>
    %add3A_318 = arith.addf %add3A_300, %get3A_317 : vector<16x16xf32>
    %get3A_319 = arith.constant 18 : index
    %get3A_320 = arith.constant 0 : index
    %get3A_321 = arith.constant 0 : index
    %get3A_322 = vector.load %arg0[%get3A_319, %get3A_320, %get3A_321] : memref<32x16x1024xf32, #tpu.memory_space<vmem>>, vector<1x16x1024xf32>
    %get3A_323 = vector.shape_cast %get3A_322 : vector<1x16x1024xf32> to vector<16x1024xf32>
    %add3A_324 = arith.addf %add3A_306, %get3A_323 : vector<16x1024xf32>
    %get3A_325 = arith.constant 18 : index
    %get3A_326 = arith.constant 0 : index
    %get3A_327 = arith.constant 0 : index
    %get3A_328 = vector.load %arg1[%get3A_325, %get3A_326, %get3A_327] : memref<32x16x16xf32, #tpu.memory_space<vmem>>, vector<1x16x16xf32>
    %get3A_329 = vector.shape_cast %get3A_328 : vector<1x16x16xf32> to vector<16x16xf32>
    %add3A_330 = arith.addf %add3A_312, %get3A_329 : vector<16x16xf32>
    %get3A_331 = arith.constant 18 : index
    %get3A_332 = arith.constant 0 : index
    %get3A_333 = arith.constant 0 : index
    %get3A_334 = vector.load %arg2[%get3A_331, %get3A_332, %get3A_333] : memref<32x16x16xf32, #tpu.memory_space<vmem>>, vector<1x16x16xf32>
    %get3A_335 = vector.shape_cast %get3A_334 : vector<1x16x16xf32> to vector<16x16xf32>
    %add3A_336 = arith.addf %add3A_318, %get3A_335 : vector<16x16xf32>
    %get3A_337 = arith.constant 19 : index
    %get3A_338 = arith.constant 0 : index
    %get3A_339 = arith.constant 0 : index
    %get3A_340 = vector.load %arg0[%get3A_337, %get3A_338, %get3A_339] : memref<32x16x1024xf32, #tpu.memory_space<vmem>>, vector<1x16x1024xf32>
    %get3A_341 = vector.shape_cast %get3A_340 : vector<1x16x1024xf32> to vector<16x1024xf32>
    %add3A_342 = arith.addf %add3A_324, %get3A_341 : vector<16x1024xf32>
    %get3A_343 = arith.constant 19 : index
    %get3A_344 = arith.constant 0 : index
    %get3A_345 = arith.constant 0 : index
    %get3A_346 = vector.load %arg1[%get3A_343, %get3A_344, %get3A_345] : memref<32x16x16xf32, #tpu.memory_space<vmem>>, vector<1x16x16xf32>
    %get3A_347 = vector.shape_cast %get3A_346 : vector<1x16x16xf32> to vector<16x16xf32>
    %add3A_348 = arith.addf %add3A_330, %get3A_347 : vector<16x16xf32>
    %get3A_349 = arith.constant 19 : index
    %get3A_350 = arith.constant 0 : index
    %get3A_351 = arith.constant 0 : index
    %get3A_352 = vector.load %arg2[%get3A_349, %get3A_350, %get3A_351] : memref<32x16x16xf32, #tpu.memory_space<vmem>>, vector<1x16x16xf32>
    %get3A_353 = vector.shape_cast %get3A_352 : vector<1x16x16xf32> to vector<16x16xf32>
    %add3A_354 = arith.addf %add3A_336, %get3A_353 : vector<16x16xf32>
    %get3A_355 = arith.constant 20 : index
    %get3A_356 = arith.constant 0 : index
    %get3A_357 = arith.constant 0 : index
    %get3A_358 = vector.load %arg0[%get3A_355, %get3A_356, %get3A_357] : memref<32x16x1024xf32, #tpu.memory_space<vmem>>, vector<1x16x1024xf32>
    %get3A_359 = vector.shape_cast %get3A_358 : vector<1x16x1024xf32> to vector<16x1024xf32>
    %add3A_360 = arith.addf %add3A_342, %get3A_359 : vector<16x1024xf32>
    %get3A_361 = arith.constant 20 : index
    %get3A_362 = arith.constant 0 : index
    %get3A_363 = arith.constant 0 : index
    %get3A_364 = vector.load %arg1[%get3A_361, %get3A_362, %get3A_363] : memref<32x16x16xf32, #tpu.memory_space<vmem>>, vector<1x16x16xf32>
    %get3A_365 = vector.shape_cast %get3A_364 : vector<1x16x16xf32> to vector<16x16xf32>
    %add3A_366 = arith.addf %add3A_348, %get3A_365 : vector<16x16xf32>
    %get3A_367 = arith.constant 20 : index
    %get3A_368 = arith.constant 0 : index
    %get3A_369 = arith.constant 0 : index
    %get3A_370 = vector.load %arg2[%get3A_367, %get3A_368, %get3A_369] : memref<32x16x16xf32, #tpu.memory_space<vmem>>, vector<1x16x16xf32>
    %get3A_371 = vector.shape_cast %get3A_370 : vector<1x16x16xf32> to vector<16x16xf32>
    %add3A_372 = arith.addf %add3A_354, %get3A_371 : vector<16x16xf32>
    %get3A_373 = arith.constant 21 : index
    %get3A_374 = arith.constant 0 : index
    %get3A_375 = arith.constant 0 : index
    %get3A_376 = vector.load %arg0[%get3A_373, %get3A_374, %get3A_375] : memref<32x16x1024xf32, #tpu.memory_space<vmem>>, vector<1x16x1024xf32>
    %get3A_377 = vector.shape_cast %get3A_376 : vector<1x16x1024xf32> to vector<16x1024xf32>
    %add3A_378 = arith.addf %add3A_360, %get3A_377 : vector<16x1024xf32>
    %get3A_379 = arith.constant 21 : index
    %get3A_380 = arith.constant 0 : index
    %get3A_381 = arith.constant 0 : index
    %get3A_382 = vector.load %arg1[%get3A_379, %get3A_380, %get3A_381] : memref<32x16x16xf32, #tpu.memory_space<vmem>>, vector<1x16x16xf32>
    %get3A_383 = vector.shape_cast %get3A_382 : vector<1x16x16xf32> to vector<16x16xf32>
    %add3A_384 = arith.addf %add3A_366, %get3A_383 : vector<16x16xf32>
    %get3A_385 = arith.constant 21 : index
    %get3A_386 = arith.constant 0 : index
    %get3A_387 = arith.constant 0 : index
    %get3A_388 = vector.load %arg2[%get3A_385, %get3A_386, %get3A_387] : memref<32x16x16xf32, #tpu.memory_space<vmem>>, vector<1x16x16xf32>
    %get3A_389 = vector.shape_cast %get3A_388 : vector<1x16x16xf32> to vector<16x16xf32>
    %add3A_390 = arith.addf %add3A_372, %get3A_389 : vector<16x16xf32>
    %get3A_391 = arith.constant 22 : index
    %get3A_392 = arith.constant 0 : index
    %get3A_393 = arith.constant 0 : index
    %get3A_394 = vector.load %arg0[%get3A_391, %get3A_392, %get3A_393] : memref<32x16x1024xf32, #tpu.memory_space<vmem>>, vector<1x16x1024xf32>
    %get3A_395 = vector.shape_cast %get3A_394 : vector<1x16x1024xf32> to vector<16x1024xf32>
    %add3A_396 = arith.addf %add3A_378, %get3A_395 : vector<16x1024xf32>
    %get3A_397 = arith.constant 22 : index
    %get3A_398 = arith.constant 0 : index
    %get3A_399 = arith.constant 0 : index
    %get3A_400 = vector.load %arg1[%get3A_397, %get3A_398, %get3A_399] : memref<32x16x16xf32, #tpu.memory_space<vmem>>, vector<1x16x16xf32>
    %get3A_401 = vector.shape_cast %get3A_400 : vector<1x16x16xf32> to vector<16x16xf32>
    %add3A_402 = arith.addf %add3A_384, %get3A_401 : vector<16x16xf32>
    %get3A_403 = arith.constant 22 : index
    %get3A_404 = arith.constant 0 : index
    %get3A_405 = arith.constant 0 : index
    %get3A_406 = vector.load %arg2[%get3A_403, %get3A_404, %get3A_405] : memref<32x16x16xf32, #tpu.memory_space<vmem>>, vector<1x16x16xf32>
    %get3A_407 = vector.shape_cast %get3A_406 : vector<1x16x16xf32> to vector<16x16xf32>
    %add3A_408 = arith.addf %add3A_390, %get3A_407 : vector<16x16xf32>
    %get3A_409 = arith.constant 23 : index
    %get3A_410 = arith.constant 0 : index
    %get3A_411 = arith.constant 0 : index
    %get3A_412 = vector.load %arg0[%get3A_409, %get3A_410, %get3A_411] : memref<32x16x1024xf32, #tpu.memory_space<vmem>>, vector<1x16x1024xf32>
    %get3A_413 = vector.shape_cast %get3A_412 : vector<1x16x1024xf32> to vector<16x1024xf32>
    %add3A_414 = arith.addf %add3A_396, %get3A_413 : vector<16x1024xf32>
    %get3A_415 = arith.constant 23 : index
    %get3A_416 = arith.constant 0 : index
    %get3A_417 = arith.constant 0 : index
    %get3A_418 = vector.load %arg1[%get3A_415, %get3A_416, %get3A_417] : memref<32x16x16xf32, #tpu.memory_space<vmem>>, vector<1x16x16xf32>
    %get3A_419 = vector.shape_cast %get3A_418 : vector<1x16x16xf32> to vector<16x16xf32>
    %add3A_420 = arith.addf %add3A_402, %get3A_419 : vector<16x16xf32>
    %get3A_421 = arith.constant 23 : index
    %get3A_422 = arith.constant 0 : index
    %get3A_423 = arith.constant 0 : index
    %get3A_424 = vector.load %arg2[%get3A_421, %get3A_422, %get3A_423] : memref<32x16x16xf32, #tpu.memory_space<vmem>>, vector<1x16x16xf32>
    %get3A_425 = vector.shape_cast %get3A_424 : vector<1x16x16xf32> to vector<16x16xf32>
    %add3A_426 = arith.addf %add3A_408, %get3A_425 : vector<16x16xf32>
    %get3A_427 = arith.constant 24 : index
    %get3A_428 = arith.constant 0 : index
    %get3A_429 = arith.constant 0 : index
    %get3A_430 = vector.load %arg0[%get3A_427, %get3A_428, %get3A_429] : memref<32x16x1024xf32, #tpu.memory_space<vmem>>, vector<1x16x1024xf32>
    %get3A_431 = vector.shape_cast %get3A_430 : vector<1x16x1024xf32> to vector<16x1024xf32>
    %add3A_432 = arith.addf %add3A_414, %get3A_431 : vector<16x1024xf32>
    %get3A_433 = arith.constant 24 : index
    %get3A_434 = arith.constant 0 : index
    %get3A_435 = arith.constant 0 : index
    %get3A_436 = vector.load %arg1[%get3A_433, %get3A_434, %get3A_435] : memref<32x16x16xf32, #tpu.memory_space<vmem>>, vector<1x16x16xf32>
    %get3A_437 = vector.shape_cast %get3A_436 : vector<1x16x16xf32> to vector<16x16xf32>
    %add3A_438 = arith.addf %add3A_420, %get3A_437 : vector<16x16xf32>
    %get3A_439 = arith.constant 24 : index
    %get3A_440 = arith.constant 0 : index
    %get3A_441 = arith.constant 0 : index
    %get3A_442 = vector.load %arg2[%get3A_439, %get3A_440, %get3A_441] : memref<32x16x16xf32, #tpu.memory_space<vmem>>, vector<1x16x16xf32>
    %get3A_443 = vector.shape_cast %get3A_442 : vector<1x16x16xf32> to vector<16x16xf32>
    %add3A_444 = arith.addf %add3A_426, %get3A_443 : vector<16x16xf32>
    %get3A_445 = arith.constant 25 : index
    %get3A_446 = arith.constant 0 : index
    %get3A_447 = arith.constant 0 : index
    %get3A_448 = vector.load %arg0[%get3A_445, %get3A_446, %get3A_447] : memref<32x16x1024xf32, #tpu.memory_space<vmem>>, vector<1x16x1024xf32>
    %get3A_449 = vector.shape_cast %get3A_448 : vector<1x16x1024xf32> to vector<16x1024xf32>
    %add3A_450 = arith.addf %add3A_432, %get3A_449 : vector<16x1024xf32>
    %get3A_451 = arith.constant 25 : index
    %get3A_452 = arith.constant 0 : index
    %get3A_453 = arith.constant 0 : index
    %get3A_454 = vector.load %arg1[%get3A_451, %get3A_452, %get3A_453] : memref<32x16x16xf32, #tpu.memory_space<vmem>>, vector<1x16x16xf32>
    %get3A_455 = vector.shape_cast %get3A_454 : vector<1x16x16xf32> to vector<16x16xf32>
    %add3A_456 = arith.addf %add3A_438, %get3A_455 : vector<16x16xf32>
    %get3A_457 = arith.constant 25 : index
    %get3A_458 = arith.constant 0 : index
    %get3A_459 = arith.constant 0 : index
    %get3A_460 = vector.load %arg2[%get3A_457, %get3A_458, %get3A_459] : memref<32x16x16xf32, #tpu.memory_space<vmem>>, vector<1x16x16xf32>
    %get3A_461 = vector.shape_cast %get3A_460 : vector<1x16x16xf32> to vector<16x16xf32>
    %add3A_462 = arith.addf %add3A_444, %get3A_461 : vector<16x16xf32>
    %get3A_463 = arith.constant 26 : index
    %get3A_464 = arith.constant 0 : index
    %get3A_465 = arith.constant 0 : index
    %get3A_466 = vector.load %arg0[%get3A_463, %get3A_464, %get3A_465] : memref<32x16x1024xf32, #tpu.memory_space<vmem>>, vector<1x16x1024xf32>
    %get3A_467 = vector.shape_cast %get3A_466 : vector<1x16x1024xf32> to vector<16x1024xf32>
    %add3A_468 = arith.addf %add3A_450, %get3A_467 : vector<16x1024xf32>
    %get3A_469 = arith.constant 26 : index
    %get3A_470 = arith.constant 0 : index
    %get3A_471 = arith.constant 0 : index
    %get3A_472 = vector.load %arg1[%get3A_469, %get3A_470, %get3A_471] : memref<32x16x16xf32, #tpu.memory_space<vmem>>, vector<1x16x16xf32>
    %get3A_473 = vector.shape_cast %get3A_472 : vector<1x16x16xf32> to vector<16x16xf32>
    %add3A_474 = arith.addf %add3A_456, %get3A_473 : vector<16x16xf32>
    %get3A_475 = arith.constant 26 : index
    %get3A_476 = arith.constant 0 : index
    %get3A_477 = arith.constant 0 : index
    %get3A_478 = vector.load %arg2[%get3A_475, %get3A_476, %get3A_477] : memref<32x16x16xf32, #tpu.memory_space<vmem>>, vector<1x16x16xf32>
    %get3A_479 = vector.shape_cast %get3A_478 : vector<1x16x16xf32> to vector<16x16xf32>
    %add3A_480 = arith.addf %add3A_462, %get3A_479 : vector<16x16xf32>
    %get3A_481 = arith.constant 27 : index
    %get3A_482 = arith.constant 0 : index
    %get3A_483 = arith.constant 0 : index
    %get3A_484 = vector.load %arg0[%get3A_481, %get3A_482, %get3A_483] : memref<32x16x1024xf32, #tpu.memory_space<vmem>>, vector<1x16x1024xf32>
    %get3A_485 = vector.shape_cast %get3A_484 : vector<1x16x1024xf32> to vector<16x1024xf32>
    %add3A_486 = arith.addf %add3A_468, %get3A_485 : vector<16x1024xf32>
    %get3A_487 = arith.constant 27 : index
    %get3A_488 = arith.constant 0 : index
    %get3A_489 = arith.constant 0 : index
    %get3A_490 = vector.load %arg1[%get3A_487, %get3A_488, %get3A_489] : memref<32x16x16xf32, #tpu.memory_space<vmem>>, vector<1x16x16xf32>
    %get3A_491 = vector.shape_cast %get3A_490 : vector<1x16x16xf32> to vector<16x16xf32>
    %add3A_492 = arith.addf %add3A_474, %get3A_491 : vector<16x16xf32>
    %get3A_493 = arith.constant 27 : index
    %get3A_494 = arith.constant 0 : index
    %get3A_495 = arith.constant 0 : index
    %get3A_496 = vector.load %arg2[%get3A_493, %get3A_494, %get3A_495] : memref<32x16x16xf32, #tpu.memory_space<vmem>>, vector<1x16x16xf32>
    %get3A_497 = vector.shape_cast %get3A_496 : vector<1x16x16xf32> to vector<16x16xf32>
    %add3A_498 = arith.addf %add3A_480, %get3A_497 : vector<16x16xf32>
    %get3A_499 = arith.constant 28 : index
    %get3A_500 = arith.constant 0 : index
    %get3A_501 = arith.constant 0 : index
    %get3A_502 = vector.load %arg0[%get3A_499, %get3A_500, %get3A_501] : memref<32x16x1024xf32, #tpu.memory_space<vmem>>, vector<1x16x1024xf32>
    %get3A_503 = vector.shape_cast %get3A_502 : vector<1x16x1024xf32> to vector<16x1024xf32>
    %add3A_504 = arith.addf %add3A_486, %get3A_503 : vector<16x1024xf32>
    %get3A_505 = arith.constant 28 : index
    %get3A_506 = arith.constant 0 : index
    %get3A_507 = arith.constant 0 : index
    %get3A_508 = vector.load %arg1[%get3A_505, %get3A_506, %get3A_507] : memref<32x16x16xf32, #tpu.memory_space<vmem>>, vector<1x16x16xf32>
    %get3A_509 = vector.shape_cast %get3A_508 : vector<1x16x16xf32> to vector<16x16xf32>
    %add3A_510 = arith.addf %add3A_492, %get3A_509 : vector<16x16xf32>
    %get3A_511 = arith.constant 28 : index
    %get3A_512 = arith.constant 0 : index
    %get3A_513 = arith.constant 0 : index
    %get3A_514 = vector.load %arg2[%get3A_511, %get3A_512, %get3A_513] : memref<32x16x16xf32, #tpu.memory_space<vmem>>, vector<1x16x16xf32>
    %get3A_515 = vector.shape_cast %get3A_514 : vector<1x16x16xf32> to vector<16x16xf32>
    %add3A_516 = arith.addf %add3A_498, %get3A_515 : vector<16x16xf32>
    %get3A_517 = arith.constant 29 : index
    %get3A_518 = arith.constant 0 : index
    %get3A_519 = arith.constant 0 : index
    %get3A_520 = vector.load %arg0[%get3A_517, %get3A_518, %get3A_519] : memref<32x16x1024xf32, #tpu.memory_space<vmem>>, vector<1x16x1024xf32>
    %get3A_521 = vector.shape_cast %get3A_520 : vector<1x16x1024xf32> to vector<16x1024xf32>
    %add3A_522 = arith.addf %add3A_504, %get3A_521 : vector<16x1024xf32>
    %get3A_523 = arith.constant 29 : index
    %get3A_524 = arith.constant 0 : index
    %get3A_525 = arith.constant 0 : index
    %get3A_526 = vector.load %arg1[%get3A_523, %get3A_524, %get3A_525] : memref<32x16x16xf32, #tpu.memory_space<vmem>>, vector<1x16x16xf32>
    %get3A_527 = vector.shape_cast %get3A_526 : vector<1x16x16xf32> to vector<16x16xf32>
    %add3A_528 = arith.addf %add3A_510, %get3A_527 : vector<16x16xf32>
    %get3A_529 = arith.constant 29 : index
    %get3A_530 = arith.constant 0 : index
    %get3A_531 = arith.constant 0 : index
    %get3A_532 = vector.load %arg2[%get3A_529, %get3A_530, %get3A_531] : memref<32x16x16xf32, #tpu.memory_space<vmem>>, vector<1x16x16xf32>
    %get3A_533 = vector.shape_cast %get3A_532 : vector<1x16x16xf32> to vector<16x16xf32>
    %add3A_534 = arith.addf %add3A_516, %get3A_533 : vector<16x16xf32>
    %get3A_535 = arith.constant 30 : index
    %get3A_536 = arith.constant 0 : index
    %get3A_537 = arith.constant 0 : index
    %get3A_538 = vector.load %arg0[%get3A_535, %get3A_536, %get3A_537] : memref<32x16x1024xf32, #tpu.memory_space<vmem>>, vector<1x16x1024xf32>
    %get3A_539 = vector.shape_cast %get3A_538 : vector<1x16x1024xf32> to vector<16x1024xf32>
    %add3A_540 = arith.addf %add3A_522, %get3A_539 : vector<16x1024xf32>
    %get3A_541 = arith.constant 30 : index
    %get3A_542 = arith.constant 0 : index
    %get3A_543 = arith.constant 0 : index
    %get3A_544 = vector.load %arg1[%get3A_541, %get3A_542, %get3A_543] : memref<32x16x16xf32, #tpu.memory_space<vmem>>, vector<1x16x16xf32>
    %get3A_545 = vector.shape_cast %get3A_544 : vector<1x16x16xf32> to vector<16x16xf32>
    %add3A_546 = arith.addf %add3A_528, %get3A_545 : vector<16x16xf32>
    %get3A_547 = arith.constant 30 : index
    %get3A_548 = arith.constant 0 : index
    %get3A_549 = arith.constant 0 : index
    %get3A_550 = vector.load %arg2[%get3A_547, %get3A_548, %get3A_549] : memref<32x16x16xf32, #tpu.memory_space<vmem>>, vector<1x16x16xf32>
    %get3A_551 = vector.shape_cast %get3A_550 : vector<1x16x16xf32> to vector<16x16xf32>
    %add3A_552 = arith.addf %add3A_534, %get3A_551 : vector<16x16xf32>
    %get3A_553 = arith.constant 31 : index
    %get3A_554 = arith.constant 0 : index
    %get3A_555 = arith.constant 0 : index
    %get3A_556 = vector.load %arg0[%get3A_553, %get3A_554, %get3A_555] : memref<32x16x1024xf32, #tpu.memory_space<vmem>>, vector<1x16x1024xf32>
    %get3A_557 = vector.shape_cast %get3A_556 : vector<1x16x1024xf32> to vector<16x1024xf32>
    %add3A_558 = arith.addf %add3A_540, %get3A_557 : vector<16x1024xf32>
    %get3A_559 = arith.constant 31 : index
    %get3A_560 = arith.constant 0 : index
    %get3A_561 = arith.constant 0 : index
    %get3A_562 = vector.load %arg1[%get3A_559, %get3A_560, %get3A_561] : memref<32x16x16xf32, #tpu.memory_space<vmem>>, vector<1x16x16xf32>
    %get3A_563 = vector.shape_cast %get3A_562 : vector<1x16x16xf32> to vector<16x16xf32>
    %add3A_564 = arith.addf %add3A_546, %get3A_563 : vector<16x16xf32>
    %get3A_565 = arith.constant 31 : index
    %get3A_566 = arith.constant 0 : index
    %get3A_567 = arith.constant 0 : index
    %get3A_568 = vector.load %arg2[%get3A_565, %get3A_566, %get3A_567] : memref<32x16x16xf32, #tpu.memory_space<vmem>>, vector<1x16x16xf32>
    %get3A_569 = vector.shape_cast %get3A_568 : vector<1x16x16xf32> to vector<16x16xf32>
    %add3A_570 = arith.addf %add3A_552, %get3A_569 : vector<16x16xf32>
    %reduce_sum3A = arith.constant dense<0.000000e+00> : vector<16xf32>
    %reduce_sum3A_571 = vector.multi_reduction <add>, %add3A_564, %reduce_sum3A [1] : vector<16x16xf32> to vector<16xf32>
    %broadcast_in_dim3A = vector.shape_cast %reduce_sum3A_571 : vector<16xf32> to vector<16x1xf32>
    %slice3A = vector.extract_strided_slice %add3A_570 {offsets = [0, 0], sizes = [16, 1], strides = [1, 1]} : vector<16x16xf32> to vector<16x1xf32>
    %get3A_572 = arith.constant 0 : index
    %get3A_573 = arith.constant 0 : index
    %get3A_574 = vector.load %arg3[%get3A_572, %get3A_573] : memref<16x16xf32, #tpu.memory_space<vmem>>, vector<16x16xf32>
    %dot_general3A = arith.constant dense<0.000000e+00> : vector<16x1024xf32>
    %dot_general3A_575 = tpu.matmul %get3A_574, %add3A_558, %dot_general3A {dimension_numbers = #tpu.dot_dimension_numbers<[1], [0], [0], [1], [0, 0, 1, 1], [], []>, transpose_lhs_hint = false} : vector<16x16xf32>, vector<16x1024xf32>, vector<16x1024xf32> -> vector<16x1024xf32>
    %dot_general3A_576 = arith.constant dense<0.000000e+00> : vector<16x1xf32>
    %dot_general3A_577 = tpu.matmul %get3A_574, %broadcast_in_dim3A, %dot_general3A_576 {dimension_numbers = #tpu.dot_dimension_numbers<[1], [0], [0], [1], [0, 0, 1, 1], [], []>, transpose_lhs_hint = false} : vector<16x16xf32>, vector<16x1xf32>, vector<16x1xf32> -> vector<16x1xf32>
    %dot_general3A_578 = arith.constant dense<0.000000e+00> : vector<16x1xf32>
    %dot_general3A_579 = tpu.matmul %get3A_574, %slice3A, %dot_general3A_578 {dimension_numbers = #tpu.dot_dimension_numbers<[1], [0], [0], [1], [0, 0, 1, 1], [], []>, transpose_lhs_hint = false} : vector<16x16xf32>, vector<16x1xf32>, vector<16x1xf32> -> vector<16x1xf32>
    %max3A = arith.constant 1.000000e+00 : f32
    %max3A_580 = vector.broadcast %max3A : f32 to vector<16x1xf32>
    %max3A_581 = arith.maximumf %dot_general3A_579, %max3A_580 : vector<16x1xf32>
    %mul3A = arith.mulf %dot_general3A_575, %dot_general3A_575 : vector<16x1024xf32>
    %reduce_sum3A_582 = arith.constant dense<0.000000e+00> : vector<16xf32>
    %reduce_sum3A_583 = vector.multi_reduction <add>, %mul3A, %reduce_sum3A_582 [1] : vector<16x1024xf32> to vector<16xf32>
    %broadcast_in_dim3A_584 = vector.shape_cast %reduce_sum3A_583 : vector<16xf32> to vector<16x1xf32>
    %div3A = arith.divf %dot_general3A_577, %max3A_581 : vector<16x1xf32>
    %mul3A_585 = arith.mulf %max3A_581, %max3A_581 : vector<16x1xf32>
    %div3A_586 = arith.divf %broadcast_in_dim3A_584, %mul3A_585 : vector<16x1xf32>
    %sub3A = arith.subf %div3A, %div3A_586 : vector<16x1xf32>
    %get3A_587 = arith.constant 0 : index
    %get3A_588 = arith.constant 0 : index
    %get3A_589 = vector.load %arg4[%get3A_587, %get3A_588] : memref<16x1xf32, #tpu.memory_space<vmem>>, vector<16x1xf32>
    %mul3A_590 = arith.mulf %sub3A, %get3A_589 : vector<16x1xf32>
    %reduce_sum3A_591 = vector.shape_cast %mul3A_590 : vector<16x1xf32> to vector<1x16x1xf32>
    %reduce_sum3A_592 = arith.constant dense<0.000000e+00> : vector<1xf32>
    %reduce_sum3A_593 = vector.multi_reduction <add>, %reduce_sum3A_591, %reduce_sum3A_592 [1, 2] : vector<1x16x1xf32> to vector<1xf32>
    %reduce_sum3A_594 = vector.shape_cast %reduce_sum3A_593 : vector<1xf32> to vector<1x1x1xf32>
    %reduce_sum3A_595 = vector.extract %reduce_sum3A_594[0, 0, 0] : f32 from vector<1x1x1xf32>
    %swap3A = arith.constant 0 : index
    %swap3A_596 = arith.constant 0 : index
    %swap3A_597 = memref.load %arg5[%swap3A, %swap3A_596] : memref<1x1xf32, #tpu.memory_space<smem>>
    memref.store %reduce_sum3A_595, %arg5[%swap3A, %swap3A_596] : memref<1x1xf32, #tpu.memory_space<smem>>
    return
  }
}

</mosaic_0001>

<sc_bundles>
// kernel: kernel.4.cloned.1.call-start
scs
__scs_entry_jumppad:
0x0: {  	(pc) =	sbr.rel $0x88, $3  }
0x1: {  	(tag) =	ssettag $0x0;
	lr =	simm.s32 $0x1  }
0x2: {  	[smem:$0x3F9F] =	sst lr;
	_ =	strace $0xD0000000  }
0x3: {  	_ = 	snop  }
0x4: {  	_ = 	snop  }
0x5: {  	_ = 	snop  }
0x6: {  	_ = 	snop  }
0x7: {  	_ = 	snop  }
__scs_overlays_trampoline_lowered:
0x8: {  	[smem:$0x3FAE] =	sst s0  }
0x9: {  	[smem:$0x3FAF] =	sst s1  }
0xa: {  	[smem:$0x3FB0] =	sst s2  }
0xb: {  	[smem:$0x3FB1] =	sst s3  }
0xc: {  	[smem:$0x3FB2] =	sst s4  }
0xd: {  	[smem:$0x3FB3] =	sst s5  }
0xe: {  	[smem:$0x3FB4] =	sst s6  }
0xf: {  	[smem:$0x3FB5] =	sst s7  }
0x10: {  	[smem:$0x3FB6] =	sst s8  }
0x11: {  	[smem:$0x3FB7] =	sst s9;
	s0 =	simm.s32 @!p0 $0x0  }
0x12: {  	s1 =	sld [smem:$0x3F9D];
	s0 =	simm.s32 @p0 $0x1  }
0x13: {  	[smem:$0x3FB8] =	sst s0;
	s0 =	simm.s32 @!p1 $0x0  }
0x14: {  	s2 =	sld [smem:$0x3F9C];
	s0 =	simm.s32 @p1 $0x1  }
0x15: {  	[smem:$0x3FB9] =	sst s0;
	s0 =	simm.s32 @!p2 $0x0  }
0x16: {  	s3 =	sld [smem:$0x3FDB];
	s0 =	simm.s32 @p2 $0x1  }
0x17: {  	s4 =	simm.s32 $0x1BF5;
	[smem:$0x3FBB] =	sst s0  }
0x18: {  	s0 =	sld [smem:$0x3F9E];
	_ =	swait.ge [sflag:s4], $0x0  }
0x19: {  	s7 =	sld [smem:$0x3F9F]  }
0x1a: {  	s8 =	sadd.s32 $0xFFFFE003, lr  }
0x1b: {  	s9 =	sadd.s32 $0xFFFFFEF7, lr;
	s5 =	simm.s32 $0xFFFFFFFF;
	p2 =	slt.u32 s8, $0xFFFFF086  }
0x1c: {  	p1 =	slt.u32 s9, $0xF7A;
	s5 =	simm.s32 @!p2 $0x0  }
0x1d: {  	s5 =	simm.s32 @p1 $0x1;
	p0 =	seq.s32 s7, s2  }
0x1e: {  	s7 =	smul.u32 @!p0 $0xF7A, s2;
	p2 =	seq.s32 @!p0 s5, $0x0  }
0x1f: {  	s9 =	smul.u32 $0xF7A, s1;
	s8 =	simm.s32 @!p0 $0x1BF5;
	p2 =	por !p2, p0  }
0x20: {  	[sflag:s8] =	ssyncset.s32 @!p0 $0xFFFFF086;
	s6 =	sadd.s32 @!p0 s3, s7;
	s7 =	simm.s32 @!p0 $0x108  }
0x21: {  	s3 =	sadd.s32 s3, s9;
	s6 =	sadd.s32 @!p0 $0x88, s6;
	s7 =	simm.s32 @p2 $0x1082  }
0x22: {  	[simem:s7], [sflag:s8] =	dma.local @!p0 [hbm:s6], $0xF7A  }
0x23: {  	s9 =	sor.u32 $0xD0000000, s2;
	s6 =	simm.s32 $0x108;
	_ =	swait.ge @!p0 [sflag:s8], $0x0  }
0x24: {  	s3 =	sadd.s32 $0x88, s3;
	s6 =	simm.s32 @!p1 $0x1082;
	[sflag:s4] =	ssyncset.s32 $0xFFFFF086  }
0x25: {  	[simem:s6], [sflag:s4] =	dma.local [hbm:s3], $0xF7A  }
0x26: {  	[smem:$0x3F9F] =	sst s1;
	(tag) =	ssettag s2;
	_ =	strace s9  }
0x27: {  	s1 =	sld [smem:$0x3FAF]  }
0x28: {  	s2 =	sld [smem:$0x3FB0]  }
0x29: {  	s4 =	sld [smem:$0x3FB2]  }
0x2a: {  	p0 =	seq.s32 s5, $0x0;
	s5 =	sld [smem:$0x3FB3]  }
0x2b: {  	s6 =	sld [smem:$0x3FB4]  }
0x2c: {  	s7 =	sld [smem:$0x3FB5]  }
0x2d: {  	s3 =	simm.s32 $0x108;
	s8 =	sld [smem:$0x3FB6]  }
0x2e: {  	s3 =	simm.s32 @!p0 $0x1082;
	s9 =	sld [smem:$0x3FB7]  }
0x2f: {  	lr =	sadd.s32 s0, s3;
	s0 =	sld [smem:$0x3FAE]  }
0x30: {  	s3 =	sld [smem:$0x3FB1]  }
0x31: {  	[smem:$0x3FBA] =	sst s10  }
0x32: {  	s10 =	sld [smem:$0x3FB8];
	_ =	sdelay $0x3  }
0x33: {  	p0 =	seq.s32 s10, $0x1;
	s10 =	sld [smem:$0x3FBA];
	_ =	sdelay $0x3  }
0x34: {  	[smem:$0x3FBA] =	sst s10  }
0x35: {  	s10 =	sld [smem:$0x3FB9];
	_ =	sdelay $0x3  }
0x36: {  	p1 =	seq.s32 s10, $0x1;
	s10 =	sld [smem:$0x3FBA];
	_ =	sdelay $0x3  }
0x37: {  	[smem:$0x3FBA] =	sst s10  }
0x38: {  	s10 =	sld [smem:$0x3FBB]  }
0x39: {  	_ = 	snop;
	(pc) =	sbr.ind lr, $3  }
0x3a: {  	_ = 	snop  }
0x3b: {  	_ = 	snop  }
0x3c: {  	p2 =	seq.s32 s10, $0x1;
	s10 =	sld [smem:$0x3FBA]  }
0x3d: {  	_ =	shalt  }
0x3e: {  	_ =	shalt  }
0x3f: {  	_ =	shalt  }
0x40: {  	_ =	shalt  }
0x41: {  	_ =	shalt  }
0x42: {  	_ =	shalt  }
0x43: {  	_ =	shalt  }
0x44: {  	_ =	shalt  }
0x45: {  	_ =	shalt  }
0x46: {  	_ =	shalt  }
0x47: {  	_ =	shalt  }
0x48: {  	_ =	shalt  }
0x49: {  	_ =	shalt  }
0x4a: {  	_ =	shalt  }
0x4b: {  	_ =	shalt  }
0x4c: {  	_ =	shalt  }
0x4d: {  	_ =	shalt  }
0x4e: {  	_ =	shalt  }
0x4f: {  	_ =	shalt  }
0x50: {  	_ =	shalt  }
0x51: {  	_ =	shalt  }
0x52: {  	_ =	shalt  }
0x53: {  	_ =	shalt  }
0x54: {  	_ =	shalt  }
0x55: {  	_ =	shalt  }
0x56: {  	_ =	shalt  }
0x57: {  	_ =	shalt  }
0x58: {  	_ =	shalt  }
0x59: {  	_ =	shalt  }
0x5a: {  	_ =	shalt  }
0x5b: {  	_ =	shalt  }
0x5c: {  	_ =	shalt  }
0x5d: {  	_ =	shalt  }
0x5e: {  	_ =	shalt  }
0x5f: {  	_ =	shalt  }
0x60: {  	_ =	shalt  }
0x61: {  	_ =	shalt  }
0x62: {  	_ =	shalt  }
0x63: {  	_ =	shalt  }
0x64: {  	_ =	shalt  }
0x65: {  	_ =	shalt  }
0x66: {  	_ =	shalt  }
0x67: {  	_ =	shalt  }
0x68: {  	_ =	shalt  }
0x69: {  	_ =	shalt  }
0x6a: {  	_ =	shalt  }
0x6b: {  	_ =	shalt  }
0x6c: {  	_ =	shalt  }
0x6d: {  	_ =	shalt  }
0x6e: {  	_ =	shalt  }
0x6f: {  	_ =	shalt  }
0x70: {  	_ =	shalt  }
0x71: {  	_ =	shalt  }
0x72: {  	_ =	shalt  }
0x73: {  	_ =	shalt  }
0x74: {  	_ =	shalt  }
0x75: {  	_ =	shalt  }
0x76: {  	_ =	shalt  }
0x77: {  	_ =	shalt  }
0x78: {  	_ =	shalt  }
0x79: {  	_ =	shalt  }
0x7a: {  	_ =	shalt  }
0x7b: {  	_ =	shalt  }
0x7c: {  	_ =	shalt  }
0x7d: {  	_ =	shalt  }
0x7e: {  	_ =	shalt  }
0x7f: {  	_ =	shalt  }
0x80: {  	_ =	shalt  }
0x81: {  	_ =	shalt  }
0x82: {  	_ =	shalt  }
0x83: {  	_ =	shalt  }
0x84: {  	_ =	shalt  }
0x85: {  	_ =	shalt  }
0x86: {  	_ =	shalt  }
0x87: {  	_ =	shalt  }
.Lfunc_end0:
.L_simem_size_0:
called_computation_lowered:
.L_overlay_start_0:
0x88: {  	s2 =	sld [smem:$0x3FD9]  }
0x89: {  	s3 =	sld [smem:$0x3FFE];
	_ =	sdelay $0x1  }
0x8a: {  	s1 =	srdreg.scid  }
0x8b: {  	s0 =	sand.u32 $0x1, s1  }
0x8c: {  	s17 =	sshll.u32 s0, $0xA;
	s2 =	sadd.s32 s3, s2  }
0x8d: {  	s2 =	sadd.s32 s2, s17  }
0x8e: {  	[smem:$0x3FC6] =	sst s2  }
0x8f: {  	_ = 	snop  }
0x90: {  	s2 =	sld [smem:$0x3FC9]  }
0x91: {  	s18 =	sld [smem:$0x3FC8];
	(tm) =	ssettm $0x1  }
0x92: {  	s4 =	sld [smem:$0x3FFB];
	_ =	sdelay $0x3  }
0x93: {  	_ =	strace s4  }
0x94: {  	s4 =	sld [smem:$0x3FFC];
	_ =	sdelay $0x3  }
0x95: {  	_ =	strace s4  }
0x96: {  	s4 =	sld [smem:$0x3FFD];
	_ =	sdelay $0x3  }
0x97: {  	_ =	strace s4  }
0x98: {  	_ =	strace $0x8FFFFFFF  }
0x99: {  	s19 =	sld [smem:$0x3FDB];
	_ =	sdelay $0x1  }
0x9a: {  	s5 =	simm.s32 $_scs_section_size  }
0x9b: {  	s6 =	simm.s32 $_size__tile_overlayer_lowered;
	s7 =	simm.s32 $_tile_overlayer_lowered  }
0x9c: {  	s22 =	simm.s32 $0x1BFF;
	s21 =	sshll.u32 s7, $0x1;
	s4 =	sadd.s32 s5, s19  }
0x9d: {  	s8 =	simm.s32 $0x0;
	s20 =	sshll.u32 s6, $0x1;
	s6 =	sadd.s32 s21, s4  }
0x9e: {  	[timem:s8], [sflag:s22] =	dma.local [hbm:s6], s20  }
0x9f: {  	_ =	swait.ge [sflag:s22], s20  }
0xa0: {  	s5 =	ssub.s32 $0x0, s20;
	[sflag:s22] =	ssyncset.done $0x0  }
0xa1: {  	[sflag:s22] =	ssyncadd.s32 s5;
	_ =	sdelay $0x1  }
0xa2: {  	s23 =	simm.s32 $0x1B8B  }
0xa3: {  	_ =	swait.ge [sflag:s23], $0x1  }
0xa4: {  	[sflag:s23] =	ssyncset.done $0x0  }
0xa5: {  	s25 =	simm.s32 $0x1B8E;
	s24 =	sld [smem:$0x3FFE];
	[sflag:s23] =	ssyncadd.s32 $0xFFFFFFFF  }
0xa6: {  	s26 =	simm.s32 $execute0_lowered;
	[smem:$0x3FD2] =	sst s25  }
0xa7: {  	s6 =	sshll.u32 s26, $0x1;
	_ =	strace $0x80000046;
	[dreg:$0x1] =	wrdreg $0xFFFFFFFF  }
0xa8: {  	s28 =	simm.s32 $_size_execute0_lowered;
	s4 =	sadd.s32 s4, s6;
	[dreg:$0x0] =	wrdreg $0x0  }
0xa9: {  	s6 =	sshll.u32 s28, $0x1;
	[dreg:$0x2] =	wrdreg s4  }
0xaa: {  	[dreg:$0x3] =	wrdreg s6  }
0xab: {  	[dreg:$0x4] =	wrdreg $0xC0  }
0xac: {  	_ =	task [dreg:s8], $0x5FFFF  }
0xad: {  	[dreg:$0x1] =	wrdreg $0xFFFFFFFF  }
0xae: {  	[dreg:$0x0] =	wrdreg $0x60  }
0xaf: {  	[dreg:$0x2] =	wrdreg s2  }
0xb0: {  	[dreg:$0x3] =	wrdreg s18  }
0xb1: {  	[dreg:$0x4] =	wrdreg s24  }
0xb2: {  	[dreg:$0x5] =	wrdreg $0x9  }
0xb3: {  	_ =	task.clear_ibuf [dreg:s8], $0x6FFFF;
	_ =	strace $0x90000046  }
0xb4: {  	s29 =	simm.s32 $0x9;
	_ =	strace $0x80000048  }
0xb5: {  	_ =	swait.ge [sflag:s29], $0x1  }
0xb6: {  	[sflag:s29] =	ssyncadd.s32 $0xFFFFFFFF  }
0xb7: {  	_ =	strace $0x90000048  }
0xb8: {  	_ =	sfence  }
0xb9: {  	s30 =	sld [smem:$0x0];
	_ =	sdelay $0x2  }
0xba: {  	s31 =	sshll.u32 s1, $0xD;
	s1 =	sshrl.u32 s1, $0x2  }
0xbb: {  	s3 =	sand.u32 $0x4000, s31;
	s1 =	sadd.s32 s1, s30  }
0xbc: {  	s0 =	sor.u32 s3, s0;
	s1 =	sshll.u32 s1, $0x11  }
0xbd: {  	s0 =	sor.u32 s1, s0  }
0xbe: {  	s0 =	sadd.s32 $0x8F2B, s0  }
0xbf: {  	[sflag:s0] =	ssyncadd.remote.s32 $0x1  }
0xc0: {  	_ =	sfence.sel $0xFFFF  }
0xc1: {  	[dreg:$0x0] =	wrdreg $0xFFFFFFFF;
	(pc) =	sbr.abs _section_cstart, $3  }
0xc2: {  	[dreg:$0x1] =	wrdreg $0xFFFFFFFF  }
0xc3: {  	_ =	task.clear_ibuf [dreg:s8], $0x2FFFF;
	_ =	strace $0x9FFFFFFF  }
0xc4: {  	(tm) =	ssettm $0x7FFFFFFF  }
0xc5: {  	_ =	shalt  }
tec
execute0_lowered:
.L_overlay_start_1:
0x0: {  	(tag) =	ssettag $0x1  }
0x1: {  	s0 =	rddreg [dreg:$0x0]  }
0x2: {  	s1 =	rddreg [dreg:$0x1]  }
0x3: {  	s3 =	rddreg [dreg:$0x2]  }
0x4: {  	s2 =	srdreg.scid;
	s6 =	stileid.u32  }
0x5: {  	s11 =	simm.s32 $0x3;
	s12 =	simm.s32 $0x8000;
	s13 =	simm.s32 $0x1  }
0x6: {  	s14 =	simm.s32 $0x2;
	s18 =	simm.s32 $0x0;
	s4 =	sand.u32 $0x1, s2  }
0x7: {  	s19 =	simm.s32 $0x0;
	s2 =	simm.s32 $0x0;
	s5 =	sshll.u32 s4, $0x4  }
0x8: {  	[smem:$0x7FF] =	sst s2;
	s4 =	ssub.s32 $0x2, s4;
	s5 =	sor.u32 s6, s5  }
0x9: {  	_ =	strace $0x80000047;
	s28 =	sshrl.u32 s4, $0x1;
	s6 =	sshll.u32 s5, $0xB  }
0xa: {  	s7 =	sshll.u32 s5, $0x8;
	s29 =	sshll.u32 s5, $0xF;
	s4 =	ssub.s32 s4, s28  }
0xb: {  	s5 =	sshll.u32 s5, $0x5;
	s6 =	sadd.s32 s6, s3;
	s8 =	sadd.s32 s7, s3  }
0xc: {  	s3 =	sadd.s32 s0, s29;
	s30 =	sadd.s32 s1, s5;
	s9 =	smax.u32 s4, $0x1  }
0xd: {  	[dreg:$0x4] =	wrdreg s30;
	s5 =	sadd.s32 $0x2000, s3;
	s31 =	sadd.s32 $0x1200, s6  }
0xe: {  	v0 =	vimm.f32 $0.0e+00;
	vm0 =	vcmask $0x300;
	s7 =	sadd.s32 $0x11200, s8;
	s8 =	sadd.s32 $0x13200, s8;
	[dreg:$0x5] =	wrdreg s31  }
.LBB2_1:
0xf: {  	s0 =	sand.u32 $0x70, s2;
	s1 =	sand.u32 $0x1C00, s2  }
0x10: {  	s0 =	sor.u32 s0, s1  }
0x11: {  	[tilespmem:s0+$0x10300] =	vst v0  }
0x12: {  	[tilespmem:s0+$0x10380] =	vst v0  }
0x13: {  	[tilespmem:s0+$0x10400] =	vst v0  }
0x14: {  	[tilespmem:s0+$0x10480] =	vst v0  }
0x15: {  	[tilespmem:s0+$0x10500] =	vst v0  }
0x16: {  	s6 =	sor.u32 s2, s2;
	s4 =	simm.s32 $0x0;
	s1 =	simm.s32 $0x10;
	[tilespmem:s0+$0x10580] =	vst v0  }
.LBB2_2:
0x17: {  	p0 =	sne.s32 s1, $0x3F0;
	[tilespmem:s0+$0x10280] =	vst v0;
	s6 =	sor.u32 $0x380, s6  }
0x18: {  	[tilespmem:s6+$0x10280] =	vst v0  }
0x19: {  	[tilespmem:s0+$0x12280] =	vst v0  }
0x1a: {  	[tilespmem:s0+$0x12300] =	vst v0  }
0x1b: {  	[tilespmem:s0+$0x12380] =	vst v0  }
0x1c: {  	[tilespmem:s0+$0x12400] =	vst v0  }
0x1d: {  	[tilespmem:s0+$0x12480] =	vst v0  }
0x1e: {  	s4 =	sadd.s32 $0x80, s4;
	[tilespmem:s0+$0x12500] =	vst v0  }
0x1f: {  	s6 =	sand.u32 $0x70, s1;
	s10 =	sand.u32 $0x1C00, s4;
	[tilespmem:s0+$0x12580] =	vst v0  }
0x20: {  	[tilespmem:s0+$0x12600] =	vst v0;
	s0 =	sor.u32 s6, s10  }
0x21: {  	[tilespmem:s0+$0x10300] =	vst v0  }
.Ltmp0:
0x22: {  	[tilespmem:s0+$0x10380] =	vst v0;
	(pc) =	sbr.rel @p0 .LBB2_2-.Ltmp0, $4  }
0x23: {  	[tilespmem:s0+$0x10400] =	vst v0  }
0x24: {  	[tilespmem:s0+$0x10480] =	vst v0  }
0x25: {  	[tilespmem:s0+$0x10500] =	vst v0  }
0x26: {  	s6 =	sor.u32 s4, s1;
	s1 =	sadd.s32 $0x10, s1;
	[tilespmem:s0+$0x10580] =	vst v0  }
0x27: {  	[tilespmem:s0+$0x10280] =	vst v0;
	s1 =	sor.u32 $0x380, s6  }
0x28: {  	[tilespmem:s1+$0x10280] =	vst v0  }
0x29: {  	[tilespmem:s0+$0x12280] =	vst v0  }
0x2a: {  	[tilespmem:s0+$0x12300] =	vst v0  }
0x2b: {  	[tilespmem:s0+$0x12380] =	vst v0  }
0x2c: {  	[tilespmem:s0+$0x12400] =	vst v0  }
0x2d: {  	[tilespmem:s0+$0x12480] =	vst v0  }
0x2e: {  	[tilespmem:s0+$0x12500] =	vst v0  }
0x2f: {  	[tilespmem:s0+$0x12580] =	vst v0  }
0x30: {  	[tilespmem:s0+$0x12600] =	vst v0  }
0x31: {  	[tilespmem:$0x14280] =	vst v0  }
0x32: {  	[tilespmem:$0x14A80] =	vst v0  }
0x33: {  	[tilespmem:$0x14300] =	vst v0  }
0x34: {  	[tilespmem:$0x14B00] =	vst v0  }
0x35: {  	[tilespmem:$0x14380] =	vst v0  }
0x36: {  	[tilespmem:$0x14B80] =	vst v0  }
0x37: {  	[tilespmem:$0x14400] =	vst v0  }
0x38: {  	[tilespmem:$0x14C00] =	vst v0  }
0x39: {  	[tilespmem:$0x14480] =	vst v0  }
0x3a: {  	[tilespmem:$0x14C80] =	vst v0  }
0x3b: {  	[tilespmem:$0x14500] =	vst v0  }
0x3c: {  	[tilespmem:$0x14D00] =	vst v0  }
0x3d: {  	[tilespmem:$0x14580] =	vst v0  }
0x3e: {  	[tilespmem:$0x14D80] =	vst v0  }
0x3f: {  	[tilespmem:$0x14600] =	vst v0  }
0x40: {  	[tilespmem:$0x14E00] =	vst v0  }
0x41: {  	[tilespmem:$0x14680] =	vst v0  }
0x42: {  	[tilespmem:$0x14E80] =	vst v0  }
0x43: {  	[tilespmem:$0x14700] =	vst v0  }
0x44: {  	[tilespmem:$0x14F00] =	vst v0  }
0x45: {  	[tilespmem:$0x14780] =	vst v0  }
0x46: {  	[tilespmem:$0x14F80] =	vst v0  }
0x47: {  	[tilespmem:$0x14800] =	vst v0  }
0x48: {  	[tilespmem:$0x15000] =	vst v0  }
0x49: {  	[tilespmem:$0x14880] =	vst v0  }
0x4a: {  	[tilespmem:$0x15080] =	vst v0  }
0x4b: {  	[tilespmem:$0x14900] =	vst v0  }
0x4c: {  	[tilespmem:$0x15100] =	vst v0  }
0x4d: {  	[tilespmem:$0x14980] =	vst v0  }
0x4e: {  	[tilespmem:$0x15180] =	vst v0  }
0x4f: {  	[tilespmem:$0x14A00] =	vst v0  }
0x50: {  	s30 =	simm.s32 $0x0;
	s31 =	rddreg [dreg:$0x4];
	s4 =	simm.s32 $0x10000;
	[tilespmem:$0x15200] =	vst v0  }
0x51: {  	[tilespmem:s4], [sflag:$0x3] =	stream.linear.gather [hbm4b:s31+s30], $0x100, $0x38;
	[tilespmem:$0x15280] =	vst v63  }
0x52: {  	_ =	swait.ge [sflag:s11], $0x100  }
0x53: {  	[sflag:s11] =	ssyncset.done $0x0  }
0x54: {  	[sflag:s11] =	ssyncadd.s32 $0xFFFFFF00  }
0x55: {  	v1 =	vld [tilespmem:$0x10000]  }
0x56: {  	v2 =	vld [tilespmem:$0x10010]  }
0x57: {  	v3 =	vld [tilespmem:$0x10020]  }
0x58: {  	v4 =	vld [tilespmem:$0x10030]  }
0x59: {  	v5 =	vld [tilespmem:$0x10040]  }
0x5a: {  	v6 =	vld [tilespmem:$0x10050]  }
0x5b: {  	v7 =	vld [tilespmem:$0x10060]  }
0x5c: {  	v8 =	vld [tilespmem:$0x10070]  }
0x5d: {  	v9 =	vld [tilespmem:$0x10080]  }
0x5e: {  	v10 =	vld [tilespmem:$0x10090]  }
0x5f: {  	v11 =	vld [tilespmem:$0x100A0]  }
0x60: {  	v12 =	vld [tilespmem:$0x100B0]  }
0x61: {  	v13 =	vld [tilespmem:$0x100C0]  }
0x62: {  	v48 =	vld [tilespmem:$0x100D0];
	v1 =	vmul.f32 $1.600000000e+01, v1;
	v2 =	vmul.f32 $1.600000000e+01, v2  }
0x63: {  	v49 =	vld [tilespmem:$0x100E0];
	v3 =	vmul.f32 $1.600000000e+01, v3;
	v4 =	vmul.f32 $1.600000000e+01, v4  }
0x64: {  	v51 =	vld [tilespmem:$0x100F0];
	v5 =	vmul.f32 $1.600000000e+01, v5;
	v6 =	vmul.f32 $1.600000000e+01, v6  }
0x65: {  	v7 =	vmul.f32 $1.600000000e+01, v7;
	v8 =	vmul.f32 $1.600000000e+01, v8  }
0x66: {  	v9 =	vmul.f32 $1.600000000e+01, v9;
	v10 =	vmul.f32 $1.600000000e+01, v10  }
0x67: {  	v11 =	vmul.f32 $1.600000000e+01, v11;
	v12 =	vmul.f32 $1.600000000e+01, v12  }
0x68: {  	v52 =	vmul.f32 $1.600000000e+01, v13;
	v57 =	vmul.f32 $1.600000000e+01, v48  }
0x69: {  	v58 =	vmul.f32 $1.600000000e+01, v49;
	v60 =	vmul.f32 $1.600000000e+01, v51  }
0x6a: {  	v1 =	vtrunc.f32 v1;
	v2 =	vtrunc.f32 v2  }
0x6b: {  	v3 =	vtrunc.f32 v3;
	v4 =	vtrunc.f32 v4  }
0x6c: {  	v5 =	vtrunc.f32 v5;
	v6 =	vtrunc.f32 v6  }
0x6d: {  	v7 =	vtrunc.f32 v7;
	v8 =	vtrunc.f32 v8  }
0x6e: {  	v9 =	vtrunc.f32 v9;
	v10 =	vtrunc.f32 v10  }
0x6f: {  	v11 =	vtrunc.f32 v11;
	v12 =	vtrunc.f32 v12  }
0x70: {  	v56 =	vtrunc.f32 v52;
	v59 =	vtrunc.f32 v57  }
0x71: {  	v61 =	vtrunc.f32 v60;
	v1 =	vcvt.f32.s32 v1  }
0x72: {  	v2 =	vcvt.f32.s32 v2;
	v3 =	vcvt.f32.s32 v3  }
0x73: {  	v4 =	vcvt.f32.s32 v4;
	v5 =	vcvt.f32.s32 v5  }
0x74: {  	v6 =	vcvt.f32.s32 v6;
	v7 =	vcvt.f32.s32 v7  }
0x75: {  	v8 =	vcvt.f32.s32 v8;
	v9 =	vcvt.f32.s32 v9  }
0x76: {  	v10 =	vcvt.f32.s32 v10;
	v11 =	vcvt.f32.s32 v11  }
0x77: {  	v47 =	vcvt.f32.s32 v12;
	vm1 =	vgt.s32 v1, $0x0;
	vm2 =	vgt.s32 v4, $0x0  }
0x78: {  	v1 =	vnsel vm1, $0x0, v1;
	vm1 =	vgt.s32 v2, $0x0;
	v4 =	vnsel vm2, $0x0, v4  }
0x79: {  	v2 =	vnsel vm1, $0x0, v2;
	vm1 =	vgt.s32 v3, $0x0;
	v1 =	vmin.u32 v1, $0xF  }
0x7a: {  	v3 =	vnsel vm1, $0x0, v3;
	vm1 =	vgt.s32 v5, $0x0;
	v2 =	vmin.u32 v2, $0xF  }
0x7b: {  	v5 =	vnsel vm1, $0x0, v5;
	vm1 =	vgt.s32 v6, $0x0;
	[tilespmem:$0x10110] =	vst v2;
	v2 =	vmin.u32 v3, $0xF  }
0x7c: {  	v6 =	vnsel vm1, $0x0, v6;
	vm1 =	vgt.s32 v7, $0x0;
	[tilespmem:$0x10120] =	vst v2;
	v2 =	vmin.u32 v4, $0xF  }
0x7d: {  	[tilespmem:$0x10100] =	vst v1;
	v5 =	vmin.u32 v5, $0xF;
	v7 =	vnsel vm1, $0x0, v7;
	vm1 =	vgt.s32 v8, $0x0  }
0x7e: {  	[tilespmem:$0x10130] =	vst v2;
	v53 =	vmin.u32 v6, $0xF;
	v8 =	vnsel vm1, $0x0, v8;
	vm1 =	vgt.s32 v9, $0x0  }
0x7f: {  	[tilespmem:$0x10140] =	vst v5;
	v5 =	vcvt.f32.s32 v56;
	v1 =	vnsel vm1, $0x0, v9;
	vm1 =	vgt.s32 v10, $0x0  }
0x80: {  	v54 =	vmin.u32 v7, $0xF;
	[tilespmem:$0x10150] =	vst v53;
	v3 =	vnsel vm1, $0x0, v10;
	vm1 =	vgt.s32 v11, $0x0  }
0x81: {  	v55 =	vmin.u32 v8, $0xF;
	[tilespmem:$0x10160] =	vst v54;
	v50 =	vnsel vm1, $0x0, v11;
	vm1 =	vgt.s32 v47, $0x0  }
0x82: {  	v6 =	vtrunc.f32 v58;
	v1 =	vmin.u32 v1, $0xF;
	[tilespmem:$0x10170] =	vst v55;
	v2 =	vnsel vm1, $0x0, v47  }
0x83: {  	v3 =	vmin.u32 v3, $0xF;
	[tilespmem:$0x10180] =	vst v1;
	v1 =	vmin.u32 v2, $0xF;
	v2 =	vcvt.f32.s32 v59  }
0x84: {  	v4 =	vmin.u32 v50, $0xF;
	[tilespmem:$0x10190] =	vst v3;
	vm1 =	vgt.s32 v5, $0x0;
	v3 =	vcvt.f32.s32 v6  }
0x85: {  	v63 =	vcvt.f32.s32 v61;
	[tilespmem:$0x101A0] =	vst v4;
	v62 =	vnsel vm1, $0x0, v5;
	vm1 =	vgt.s32 v2, $0x0  }
0x86: {  	[tilespmem:$0x101B0] =	vst v1;
	v1 =	vmin.u32 v62, $0xF;
	v2 =	vnsel vm1, $0x0, v2;
	vm1 =	vgt.s32 v3, $0x0  }
0x87: {  	[tilespmem:$0x101C0] =	vst v1;
	v1 =	vmin.u32 v2, $0xF;
	v2 =	vnsel vm1, $0x0, v3;
	vm1 =	vgt.s32 v63, $0x0  }
0x88: {  	[tilespmem:$0x101D0] =	vst v1;
	v1 =	vnsel vm1, $0x0, v63;
	v2 =	vmin.u32 v2, $0xF  }
0x89: {  	[tilespmem:$0x101E0] =	vst v2;
	v1 =	vmin.u32 v1, $0xF  }
0x8a: {  	s1 =	simm.s32 $0x0;
	[tilespmem:$0x101F0] =	vst v1  }
0x8b: {  	v1 =	vld [tilespmem:s1+$0x10100]  }
0x8c: {  	s0 =	simm.s32 $0x1  }
0x8d: {  	v2 =	vld [tilespmem:s0+$0x10100];
	_ =	sdelay $0x2  }
0x8e: {  	(v2sf) =	vpush v1, $0x0;
	_ =	sdelay $0x1  }
0x8f: {  	(v2sf) =	vpush v2, $0x0;
	_ =	sdelay $0x3  }
0x90: {  	s4 =	simm.s32 $0x2  }
0x91: {  	v1 =	vld [tilespmem:s4+$0x10100];
	_ =	sdelay $0x3  }
0x92: {  	s6 =	simm.s32 $0xC  }
.LBB2_4:
0x93: {  	s10 =	sshra.s32 s6, $0x2;
	p0 =	sne.s32 s6, $0x3FC;
	s6 =	sadd.s32 $0x4, s6;
	(v2sf) =	vpush v1, $0x0  }
.Ltmp1:
0x94: {  	v1 =	vld [tilespmem:s10+$0x10100];
	(pc) =	sbr.rel @p0 .LBB2_4-.Ltmp1, $4  }
0x95: {  	_ = 	snop  }
0x96: {  	s15 =	spop (v2sf)  }
0x97: {  	[smem:s1] =	sst s15;
	s1 =	smov.u32 s0;
	s0 =	smov.u32 s4  }
0x98: {  	s4 =	smov.u32 s10  }
0x99: {  	(v2sf) =	vpush v1, $0x0;
	_ =	sdelay $0xb  }
0x9a: {  	s6 =	spop (v2sf)  }
0x9b: {  	[tilespmem:s19], [sflag:$0x1] =	stream.linear.gather [hbm4b:s3+s19], $0x8000, $0x38;
	[tilespmem:$0x15280] =	vst v63  }
0x9c: {  	[smem:s1] =	sst s6;
	s30 =	spop (v2sf)  }
0x9d: {  	[smem:s0] =	sst s30;
	s31 =	spop (v2sf)  }
0x9e: {  	s20 =	simm.s32 $0x0;
	[smem:s4] =	sst s31  }
.LBB2_6:
0x9f: {  	s22 =	sshll.u32 s20, $0x6  }
0xa0: {  	s21 =	sor.u32 $0x20, s22  }
0xa1: {  	s0 =	sshll.u32 s21, $0x7  }
0xa2: {  	s0 =	sadd.s32 s0, s3  }
0xa3: {  	[tilespmem:s12], [sflag:$0x2] =	stream.linear.gather [hbm4b:s0+s19], $0x8000, $0x38;
	[tilespmem:$0x15280] =	vst v63  }
0xa4: {  	_ =	swait.ge [sflag:s13], $0x8000  }
0xa5: {  	p0 =	por $0x0, $0x0;
	[sflag:s13] =	ssyncset.done $0x0  }
0xa6: {  	s23 =	simm.s32 $0x0;
	s24 =	simm.s32 $0x0;
	[sflag:s13] =	ssyncadd.s32 $0xFFFF8000  }
.LBB2_7:
0xa7: {  	s0 =	simm.s32 $0x1  }
0xa8: {  	s1 =	sshll.u32 s23, $0x2;
	s0 =	simm.s32 @!p0 $0x0  }
0xa9: {  	s1 =	sand.u32 $0xFFFF8000, s1;
	s0 =	sshll.u32 s0, $0xB  }
0xaa: {  	s4 =	sshll.u32 s24, $0x2;
	s0 =	sor.u32 s0, s1  }
0xab: {  	s15 =	sand.u32 $0x3FFFFFFC, s4;
	s0 =	sshrl.u32 s0, $0x2  }
0xac: {  	s4 =	sld [smem:s22+s15];
	s1 =	sadd.s32 s15, s22;
	s0 =	sor.u32 $0x400, s0  }
0xad: {  	s16 =	sld [smem:s1+$0x1];
	v1 =	vmov s0  }
0xae: {  	s10 =	sld [smem:s1+$0x2]  }
0xaf: {  	s1 =	sld [smem:s1+$0x3];
	s6 =	sshll.u32 s4, $0xA;
	s25 =	sshll.u32 s4, $0x7  }
0xb0: {  	s4 =	simm.s32 $0x0;
	s17 =	sand.u32 $0xFFFFE000, s6;
	s26 =	sand.u32 $0x380, s25  }
0xb1: {  	s6 =	sor.u32 s26, s17;
	s15 =	sshll.u32 s16, $0xA;
	s26 =	sshll.u32 s16, $0x7  }
0xb2: {  	s17 =	sshll.u32 s10, $0xA;
	s28 =	sshll.u32 s10, $0x7;
	s29 =	sshll.u32 s1, $0x7;
	v4 =	vld.idx.msk [tilespmem:v1+s4+$0xFFFFFC00 ss:$0x1], $0xffff  }
0xb3: {  	s30 =	sadd.s32 $0x10280, s6;
	s15 =	sand.u32 $0xFFFFE000, s15;
	s16 =	sand.u32 $0x380, s26;
	v5 =	vld.idx.msk [tilespmem:v1+s4+$0xFFFFFC80 ss:$0x1], $0xffff  }
0xb4: {  	s6 =	sand.u32 $0xFFFFE000, s17;
	s10 =	sand.u32 $0x380, s28;
	s0 =	sor.u32 s16, s15;
	v6 =	vld.idx.msk [tilespmem:v1+s4+$0xFFFFFD00 ss:$0x1], $0xffff  }
0xb5: {  	s17 =	sand.u32 $0x380, s29;
	s15 =	sshll.u32 s1, $0xA;
	s31 =	sadd.s32 $0x10280, s0;
	v7 =	vld.idx.msk [tilespmem:v1+s4+$0xFFFFFD80 ss:$0x1], $0xffff  }
0xb6: {  	s0 =	sor.u32 s10, s6;
	s16 =	sand.u32 $0xFFFFE000, s15;
	s6 =	sadd.s32 $0x0, s30  }
0xb7: {  	s0 =	sadd.s32 $0x10280, s0;
	s1 =	sor.u32 s17, s16;
	s10 =	sadd.s32 $0x0, s31;
	[tilespmem:s6+$0x0] =	vst.add.f32.msk $0xffff, v4  }
0xb8: {  	s1 =	sadd.s32 $0x10280, s1;
	s15 =	sadd.s32 $0x0, s0;
	[tilespmem:s10+$0x0] =	vst.add.f32.msk $0xffff, v5  }
0xb9: {  	s16 =	sadd.s32 $0x0, s1;
	[tilespmem:s15+$0x0] =	vst.add.f32.msk $0xffff, v6  }
0xba: {  	[tilespmem:s16+$0x0] =	vst.add.f32.msk $0xffff, v7  }
0xbb: {  	v8 =	vld.idx.msk [tilespmem:v1+s4+$0xFFFFFC10 ss:$0x1], $0xffff  }
0xbc: {  	v9 =	vld.idx.msk [tilespmem:v1+s4+$0xFFFFFC90 ss:$0x1], $0xffff  }
0xbd: {  	v10 =	vld.idx.msk [tilespmem:v1+s4+$0xFFFFFD10 ss:$0x1], $0xffff  }
0xbe: {  	v11 =	vld.idx.msk [tilespmem:v1+s4+$0xFFFFFD90 ss:$0x1], $0xffff;
	_ =	sdelay $0x1  }
0xbf: {  	[tilespmem:s6+$0x10] =	vst.add.f32.msk $0xffff, v8  }
0xc0: {  	[tilespmem:s10+$0x10] =	vst.add.f32.msk $0xffff, v9  }
0xc1: {  	[tilespmem:s15+$0x10] =	vst.add.f32.msk $0xffff, v10  }
0xc2: {  	[tilespmem:s16+$0x10] =	vst.add.f32.msk $0xffff, v11  }
0xc3: {  	v12 =	vld.idx.msk [tilespmem:v1+s4+$0xFFFFFC20 ss:$0x1], $0xffff  }
0xc4: {  	v13 =	vld.idx.msk [tilespmem:v1+s4+$0xFFFFFCA0 ss:$0x1], $0xffff  }
0xc5: {  	v14 =	vld.idx.msk [tilespmem:v1+s4+$0xFFFFFD20 ss:$0x1], $0xffff  }
0xc6: {  	v15 =	vld.idx.msk [tilespmem:v1+s4+$0xFFFFFDA0 ss:$0x1], $0xffff;
	_ =	sdelay $0x1  }
0xc7: {  	[tilespmem:s6+$0x20] =	vst.add.f32.msk $0xffff, v12  }
0xc8: {  	[tilespmem:s10+$0x20] =	vst.add.f32.msk $0xffff, v13  }
0xc9: {  	[tilespmem:s15+$0x20] =	vst.add.f32.msk $0xffff, v14  }
0xca: {  	[tilespmem:s16+$0x20] =	vst.add.f32.msk $0xffff, v15  }
0xcb: {  	v16 =	vld.idx.msk [tilespmem:v1+s4+$0xFFFFFC30 ss:$0x1], $0xffff  }
0xcc: {  	v17 =	vld.idx.msk [tilespmem:v1+s4+$0xFFFFFCB0 ss:$0x1], $0xffff  }
0xcd: {  	v18 =	vld.idx.msk [tilespmem:v1+s4+$0xFFFFFD30 ss:$0x1], $0xffff  }
0xce: {  	v19 =	vld.idx.msk [tilespmem:v1+s4+$0xFFFFFDB0 ss:$0x1], $0xffff;
	_ =	sdelay $0x1  }
0xcf: {  	[tilespmem:s6+$0x30] =	vst.add.f32.msk $0xffff, v16  }
0xd0: {  	[tilespmem:s10+$0x30] =	vst.add.f32.msk $0xffff, v17  }
0xd1: {  	[tilespmem:s15+$0x30] =	vst.add.f32.msk $0xffff, v18  }
0xd2: {  	[tilespmem:s16+$0x30] =	vst.add.f32.msk $0xffff, v19  }
0xd3: {  	v20 =	vld.idx.msk [tilespmem:v1+s4+$0xFFFFFC40 ss:$0x1], $0xffff  }
0xd4: {  	v21 =	vld.idx.msk [tilespmem:v1+s4+$0xFFFFFCC0 ss:$0x1], $0xffff  }
0xd5: {  	v2 =	vld.idx.msk [tilespmem:v1+s4+$0xFFFFFD40 ss:$0x1], $0xffff  }
0xd6: {  	v22 =	vld.idx.msk [tilespmem:v1+s4+$0xFFFFFDC0 ss:$0x1], $0xffff;
	_ =	sdelay $0x1  }
0xd7: {  	[tilespmem:s6+$0x40] =	vst.add.f32.msk $0xffff, v20  }
0xd8: {  	[tilespmem:s10+$0x40] =	vst.add.f32.msk $0xffff, v21  }
0xd9: {  	[tilespmem:s15+$0x40] =	vst.add.f32.msk $0xffff, v2  }
0xda: {  	[tilespmem:s16+$0x40] =	vst.add.f32.msk $0xffff, v22  }
0xdb: {  	v3 =	vld.idx.msk [tilespmem:v1+s4+$0xFFFFFC50 ss:$0x1], $0xffff  }
0xdc: {  	v23 =	vld.idx.msk [tilespmem:v1+s4+$0xFFFFFCD0 ss:$0x1], $0xffff  }
0xdd: {  	v24 =	vld.idx.msk [tilespmem:v1+s4+$0xFFFFFD50 ss:$0x1], $0xffff  }
0xde: {  	v25 =	vld.idx.msk [tilespmem:v1+s4+$0xFFFFFDD0 ss:$0x1], $0xffff;
	_ =	sdelay $0x1  }
0xdf: {  	[tilespmem:s6+$0x50] =	vst.add.f32.msk $0xffff, v3  }
0xe0: {  	[tilespmem:s10+$0x50] =	vst.add.f32.msk $0xffff, v23  }
0xe1: {  	[tilespmem:s15+$0x50] =	vst.add.f32.msk $0xffff, v24  }
0xe2: {  	[tilespmem:s16+$0x50] =	vst.add.f32.msk $0xffff, v25  }
0xe3: {  	v26 =	vld.idx.msk [tilespmem:v1+s4+$0xFFFFFC60 ss:$0x1], $0xffff  }
0xe4: {  	v27 =	vld.idx.msk [tilespmem:v1+s4+$0xFFFFFCE0 ss:$0x1], $0xffff  }
0xe5: {  	v28 =	vld.idx.msk [tilespmem:v1+s4+$0xFFFFFD60 ss:$0x1], $0xffff  }
0xe6: {  	v29 =	vld.idx.msk [tilespmem:v1+s4+$0xFFFFFDE0 ss:$0x1], $0xffff;
	_ =	sdelay $0x1  }
0xe7: {  	[tilespmem:s6+$0x60] =	vst.add.f32.msk $0xffff, v26  }
0xe8: {  	[tilespmem:s10+$0x60] =	vst.add.f32.msk $0xffff, v27  }
0xe9: {  	[tilespmem:s15+$0x60] =	vst.add.f32.msk $0xffff, v28  }
0xea: {  	[tilespmem:s16+$0x60] =	vst.add.f32.msk $0xffff, v29  }
0xeb: {  	v30 =	vld.idx.msk [tilespmem:v1+s4+$0xFFFFFC70 ss:$0x1], $0xffff  }
0xec: {  	v31 =	vld.idx.msk [tilespmem:v1+s4+$0xFFFFFCF0 ss:$0x1], $0xffff  }
0xed: {  	v32 =	vld.idx.msk [tilespmem:v1+s4+$0xFFFFFD70 ss:$0x1], $0xffff  }
0xee: {  	v33 =	vld.idx.msk [tilespmem:v1+s4+$0xFFFFFDF0 ss:$0x1], $0xffff;
	_ =	sdelay $0x1  }
0xef: {  	[tilespmem:s6+$0x70] =	vst.add.f32.msk $0xffff, v30  }
0xf0: {  	[tilespmem:s10+$0x70] =	vst.add.f32.msk $0xffff, v31  }
0xf1: {  	[tilespmem:s15+$0x70] =	vst.add.f32.msk $0xffff, v32  }
0xf2: {  	[tilespmem:s16+$0x70] =	vst.add.f32.msk $0xffff, v33  }
0xf3: {  	v34 =	vld.idx.msk [tilespmem:v1+s4+$0x0 ss:$0x1], $0xffff  }
0xf4: {  	v35 =	vld.idx.msk [tilespmem:v1+s4+$0x80 ss:$0x1], $0xffff  }
0xf5: {  	v36 =	vld.idx.msk [tilespmem:v1+s4+$0x100 ss:$0x1], $0xffff  }
0xf6: {  	v37 =	vld.idx.msk [tilespmem:v1+s4+$0x180 ss:$0x1], $0xffff;
	_ =	sdelay $0x1  }
0xf7: {  	[tilespmem:s6+$0x400] =	vst.add.f32.msk $0xffff, v34  }
0xf8: {  	[tilespmem:s10+$0x400] =	vst.add.f32.msk $0xffff, v35  }
0xf9: {  	[tilespmem:s15+$0x400] =	vst.add.f32.msk $0xffff, v36  }
0xfa: {  	[tilespmem:s16+$0x400] =	vst.add.f32.msk $0xffff, v37  }
0xfb: {  	v38 =	vld.idx.msk [tilespmem:v1+s4+$0x10 ss:$0x1], $0xffff  }
0xfc: {  	v39 =	vld.idx.msk [tilespmem:v1+s4+$0x90 ss:$0x1], $0xffff  }
0xfd: {  	v40 =	vld.idx.msk [tilespmem:v1+s4+$0x110 ss:$0x1], $0xffff  }
0xfe: {  	v41 =	vld.idx.msk [tilespmem:v1+s4+$0x190 ss:$0x1], $0xffff;
	_ =	sdelay $0x1  }
0xff: {  	[tilespmem:s6+$0x410] =	vst.add.f32.msk $0xffff, v38  }
0x100: {  	[tilespmem:s10+$0x410] =	vst.add.f32.msk $0xffff, v39  }
0x101: {  	[tilespmem:s15+$0x410] =	vst.add.f32.msk $0xffff, v40  }
0x102: {  	[tilespmem:s16+$0x410] =	vst.add.f32.msk $0xffff, v41  }
0x103: {  	v42 =	vld.idx.msk [tilespmem:v1+s4+$0x20 ss:$0x1], $0xffff  }
0x104: {  	v43 =	vld.idx.msk [tilespmem:v1+s4+$0xA0 ss:$0x1], $0xffff  }
0x105: {  	v44 =	vld.idx.msk [tilespmem:v1+s4+$0x120 ss:$0x1], $0xffff  }
0x106: {  	v45 =	vld.idx.msk [tilespmem:v1+s4+$0x1A0 ss:$0x1], $0xffff;
	_ =	sdelay $0x1  }
0x107: {  	[tilespmem:s6+$0x420] =	vst.add.f32.msk $0xffff, v42  }
0x108: {  	[tilespmem:s10+$0x420] =	vst.add.f32.msk $0xffff, v43  }
0x109: {  	[tilespmem:s15+$0x420] =	vst.add.f32.msk $0xffff, v44  }
0x10a: {  	[tilespmem:s16+$0x420] =	vst.add.f32.msk $0xffff, v45  }
0x10b: {  	v46 =	vld.idx.msk [tilespmem:v1+s4+$0x30 ss:$0x1], $0xffff  }
0x10c: {  	v4 =	vmul.f32 v4, v4;
	v47 =	vld.idx.msk [tilespmem:v1+s4+$0xB0 ss:$0x1], $0xffff  }
0x10d: {  	v50 =	vimm.f32 $0.0e+00;
	v5 =	vmul.f32 v5, v5;
	v48 =	vld.idx.msk [tilespmem:v1+s4+$0x130 ss:$0x1], $0xffff  }
0x10e: {  	v6 =	vmul.f32 v6, v6;
	v4 =	vadd.f32 v4, v50;
	v7 =	vmul.f32 v7, v7;
	v49 =	vld.idx.msk [tilespmem:v1+s4+$0x1B0 ss:$0x1], $0xffff  }
0x10f: {  	v5 =	vadd.f32 v5, v50;
	v8 =	vmul.f32 v8, v8;
	v9 =	vmul.f32 v9, v9  }
0x110: {  	v6 =	vadd.f32 v6, v50;
	v7 =	vadd.f32 v7, v50;
	v10 =	vmul.f32 v10, v10;
	[tilespmem:s6+$0x430] =	vst.add.f32.msk $0xffff, v46  }
0x111: {  	v4 =	vadd.f32 v8, v4;
	v11 =	vmul.f32 v11, v11;
	v5 =	vadd.f32 v9, v5;
	[tilespmem:s10+$0x430] =	vst.add.f32.msk $0xffff, v47  }
0x112: {  	v6 =	vadd.f32 v10, v6;
	v12 =	vmul.f32 v12, v12;
	v13 =	vmul.f32 v13, v13;
	[tilespmem:s15+$0x430] =	vst.add.f32.msk $0xffff, v48  }
0x113: {  	v7 =	vadd.f32 v11, v7;
	v14 =	vmul.f32 v14, v14;
	v15 =	vmul.f32 v15, v15;
	[tilespmem:s16+$0x430] =	vst.add.f32.msk $0xffff, v49  }
0x114: {  	v4 =	vadd.f32 v12, v4;
	v5 =	vadd.f32 v13, v5;
	v16 =	vmul.f32 v16, v16;
	v51 =	vld.idx.msk [tilespmem:v1+s4+$0x40 ss:$0x1], $0xffff  }
0x115: {  	v6 =	vadd.f32 v14, v6;
	v7 =	vadd.f32 v15, v7;
	v17 =	vmul.f32 v17, v17;
	v52 =	vld.idx.msk [tilespmem:v1+s4+$0xC0 ss:$0x1], $0xffff  }
0x116: {  	v18 =	vmul.f32 v18, v18;
	v4 =	vadd.f32 v16, v4;
	v19 =	vmul.f32 v19, v19;
	v53 =	vld.idx.msk [tilespmem:v1+s4+$0x140 ss:$0x1], $0xffff  }
0x117: {  	v5 =	vadd.f32 v17, v5;
	v20 =	vmul.f32 v20, v20;
	v21 =	vmul.f32 v21, v21;
	v9 =	vld.idx.msk [tilespmem:v1+s4+$0x1C0 ss:$0x1], $0xffff  }
0x118: {  	v6 =	vadd.f32 v18, v6;
	v7 =	vadd.f32 v19, v7;
	v22 =	vmul.f32 v22, v22  }
0x119: {  	v2 =	vmul.f32 v2, v2;
	v4 =	vadd.f32 v20, v4;
	v5 =	vadd.f32 v21, v5;
	[tilespmem:s6+$0x440] =	vst.add.f32.msk $0xffff, v51  }
0x11a: {  	v7 =	vadd.f32 v22, v7;
	v3 =	vmul.f32 v3, v3;
	v25 =	vmul.f32 v25, v25;
	[tilespmem:s10+$0x440] =	vst.add.f32.msk $0xffff, v52  }
0x11b: {  	v2 =	vadd.f32 v2, v6;
	v23 =	vmul.f32 v23, v23;
	v24 =	vmul.f32 v24, v24;
	[tilespmem:s15+$0x440] =	vst.add.f32.msk $0xffff, v53  }
0x11c: {  	v6 =	vadd.f32 v25, v7;
	v26 =	vmul.f32 v26, v26;
	v29 =	vmul.f32 v29, v29;
	[tilespmem:s16+$0x440] =	vst.add.f32.msk $0xffff, v9  }
0x11d: {  	v3 =	vadd.f32 v3, v4;
	v27 =	vmul.f32 v27, v27;
	v28 =	vmul.f32 v28, v28;
	v63 =	vld.idx.msk [tilespmem:v1+s4+$0x50 ss:$0x1], $0xffff  }
0x11e: {  	v4 =	vadd.f32 v29, v6;
	v6 =	vmul.f32 v33, v33;
	v8 =	vmul.f32 v41, v41;
	v41 =	vld.idx.msk [tilespmem:v1+s4+$0xD0 ss:$0x1], $0xffff  }
0x11f: {  	v5 =	vadd.f32 v23, v5;
	v11 =	vmul.f32 v40, v40;
	v40 =	vmul.f32 v44, v44;
	v44 =	vld.idx.msk [tilespmem:v1+s4+$0x150 ss:$0x1], $0xffff  }
0x120: {  	v2 =	vadd.f32 v24, v2;
	v10 =	vmul.f32 v42, v42;
	v42 =	vmul.f32 v46, v46;
	v46 =	vld.idx.msk [tilespmem:v1+s4+$0x1D0 ss:$0x1], $0xffff  }
0x121: {  	v3 =	vadd.f32 v26, v3;
	v5 =	vadd.f32 v27, v5;
	v31 =	vmul.f32 v31, v31  }
0x122: {  	v2 =	vadd.f32 v28, v2;
	v32 =	vmul.f32 v32, v32;
	v4 =	vadd.f32 v6, v4;
	[tilespmem:s6+$0x450] =	vst.add.f32.msk $0xffff, v63  }
0x123: {  	v5 =	vadd.f32 v31, v5;
	v34 =	vmul.f32 v34, v34;
	v35 =	vmul.f32 v35, v35;
	[tilespmem:s10+$0x450] =	vst.add.f32.msk $0xffff, v41  }
0x124: {  	v2 =	vadd.f32 v32, v2;
	v7 =	vmul.f32 v48, v48;
	v48 =	vmul.f32 v30, v30;
	[tilespmem:s15+$0x450] =	vst.add.f32.msk $0xffff, v44  }
0x125: {  	v36 =	vmul.f32 v36, v36;
	v37 =	vmul.f32 v37, v37;
	v5 =	vadd.f32 v35, v5;
	[tilespmem:s16+$0x450] =	vst.add.f32.msk $0xffff, v46  }
0x126: {  	v39 =	vmul.f32 v39, v39;
	v3 =	vadd.f32 v48, v3;
	v50 =	vmul.f32 v51, v51;
	v51 =	vld.idx.msk [tilespmem:v1+s4+$0x60 ss:$0x1], $0xffff  }
0x127: {  	v2 =	vadd.f32 v36, v2;
	v4 =	vadd.f32 v37, v4;
	v38 =	vmul.f32 v38, v38;
	v54 =	vld.idx.msk [tilespmem:v1+s4+$0xE0 ss:$0x1], $0xffff  }
0x128: {  	v5 =	vadd.f32 v39, v5;
	v57 =	vmul.f32 v43, v43;
	v3 =	vadd.f32 v34, v3;
	v56 =	vld.idx.msk [tilespmem:v1+s4+$0x160 ss:$0x1], $0xffff  }
0x129: {  	v4 =	vadd.f32 v8, v4;
	v2 =	vadd.f32 v11, v2;
	v8 =	vmul.f32 v45, v45;
	v58 =	vld.idx.msk [tilespmem:v1+s4+$0x1E0 ss:$0x1], $0xffff  }
0x12a: {  	v5 =	vadd.f32 v57, v5;
	v47 =	vmul.f32 v47, v47;
	v3 =	vadd.f32 v38, v3  }
0x12b: {  	v4 =	vadd.f32 v8, v4;
	v2 =	vadd.f32 v40, v2;
	v8 =	vmul.f32 v49, v49;
	[tilespmem:s6+$0x460] =	vst.add.f32.msk $0xffff, v51  }
0x12c: {  	v5 =	vadd.f32 v47, v5;
	v6 =	vmul.f32 v52, v52;
	v3 =	vadd.f32 v10, v3;
	[tilespmem:s10+$0x460] =	vst.add.f32.msk $0xffff, v54  }
0x12d: {  	v8 =	vadd.f32 v8, v4;
	v2 =	vadd.f32 v7, v2;
	v9 =	vmul.f32 v9, v9;
	[tilespmem:s15+$0x460] =	vst.add.f32.msk $0xffff, v56  }
0x12e: {  	v55 =	vmul.f32 v53, v53;
	v5 =	vadd.f32 v6, v5;
	v6 =	vadd.f32 v42, v3;
	[tilespmem:s16+$0x460] =	vst.add.f32.msk $0xffff, v58  }
0x12f: {  	v7 =	vadd.f32 v9, v8;
	v10 =	vmul.f32 v41, v41;
	v8 =	vmul.f32 v46, v46;
	v4 =	vld.idx.msk [tilespmem:v1+s4+$0x1F0 ss:$0x1], $0xffff  }
0x130: {  	v2 =	vadd.f32 v55, v2;
	v6 =	vadd.f32 v50, v6;
	v11 =	vmul.f32 v63, v63;
	v3 =	vld.idx.msk [tilespmem:v1+s4+$0xF0 ss:$0x1], $0xffff  }
0x131: {  	v59 =	vmul.f32 v44, v44;
	v5 =	vadd.f32 v10, v5;
	v7 =	vadd.f32 v8, v7;
	v10 =	vld.idx.msk [tilespmem:v1+s4+$0x70 ss:$0x1], $0xffff  }
0x132: {  	v11 =	vadd.f32 v11, v6;
	v8 =	vmul.f32 v58, v58;
	v60 =	vmul.f32 v54, v54;
	v6 =	vld.idx.msk [tilespmem:v1+s4+$0x170 ss:$0x1], $0xffff  }
0x133: {  	v2 =	vadd.f32 v59, v2;
	v9 =	vmul.f32 v51, v51;
	v61 =	vmul.f32 v56, v56  }
0x134: {  	v62 =	vadd.f32 v8, v7;
	v5 =	vadd.f32 v60, v5;
	v63 =	vmul.f32 v4, v4  }
0x135: {  	v9 =	vadd.f32 v9, v11;
	v7 =	vadd.f32 v61, v2  }
0x136: {  	s17 =	simm.s32 $0x2000;
	v8 =	vmul.f32 v3, v3;
	[tilespmem:s6+$0x470] =	vst.add.f32.msk $0xffff, v10;
	v10 =	vmul.f32 v10, v10;
	v2 =	vadd.f32 v63, v62  }
.LBB2_8:
0x137: {  	p1 =	sne.s32 s17, $0x6000;
	[tilespmem:s10+$0x470] =	vst.add.f32.msk $0xffff, v3;
	v11 =	vmul.f32 v6, v6;
	s4 =	smov.u32 s17;
	s17 =	sadd.s32 $0x2000, s17  }
0x138: {  	[tilespmem:s15+$0x470] =	vst.add.f32.msk $0xffff, v6;
	v3 =	vadd.f32 v10, v9  }
0x139: {  	v5 =	vadd.f32 v8, v5;
	s6 =	sshra.s32 s4, $0x2;
	[tilespmem:s16+$0x470] =	vst.add.f32.msk $0xffff, v4;
	v4 =	vadd.f32 v11, v7  }
0x13a: {  	v6 =	vld.idx.msk [tilespmem:v1+s6+$0xFFFFFC00 ss:$0x1], $0xffff  }
0x13b: {  	v7 =	vld.idx.msk [tilespmem:v1+s6+$0xFFFFFC80 ss:$0x1], $0xffff  }
0x13c: {  	v8 =	vld.idx.msk [tilespmem:v1+s6+$0xFFFFFD00 ss:$0x1], $0xffff  }
0x13d: {  	v9 =	vld.idx.msk [tilespmem:v1+s6+$0xFFFFFD80 ss:$0x1], $0xffff;
	_ =	sdelay $0x1  }
0x13e: {  	s4 =	sadd.s32 s6, s30  }
0x13f: {  	s10 =	sadd.s32 s6, s31;
	[tilespmem:s4+$0x0] =	vst.add.f32.msk $0xffff, v6;
	v6 =	vmul.f32 v6, v6  }
0x140: {  	s15 =	sadd.s32 s6, s0;
	v11 =	vmul.f32 v7, v7;
	[tilespmem:s10+$0x0] =	vst.add.f32.msk $0xffff, v7  }
0x141: {  	s16 =	sadd.s32 s6, s1;
	[tilespmem:s15+$0x0] =	vst.add.f32.msk $0xffff, v8;
	v8 =	vmul.f32 v8, v8  }
0x142: {  	v7 =	vmul.f32 v9, v9;
	[tilespmem:s16+$0x0] =	vst.add.f32.msk $0xffff, v9  }
0x143: {  	v9 =	vld.idx.msk [tilespmem:v1+s6+$0xFFFFFC10 ss:$0x1], $0xffff  }
0x144: {  	v10 =	vld.idx.msk [tilespmem:v1+s6+$0xFFFFFC90 ss:$0x1], $0xffff  }
0x145: {  	v12 =	vld.idx.msk [tilespmem:v1+s6+$0xFFFFFD10 ss:$0x1], $0xffff  }
0x146: {  	v13 =	vld.idx.msk [tilespmem:v1+s6+$0xFFFFFD90 ss:$0x1], $0xffff;
	_ =	sdelay $0x2  }
0x147: {  	[tilespmem:s4+$0x10] =	vst.add.f32.msk $0xffff, v9;
	v9 =	vmul.f32 v9, v9  }
0x148: {  	v16 =	vmul.f32 v10, v10;
	[tilespmem:s10+$0x10] =	vst.add.f32.msk $0xffff, v10  }
0x149: {  	[tilespmem:s15+$0x10] =	vst.add.f32.msk $0xffff, v12;
	v12 =	vmul.f32 v12, v12  }
0x14a: {  	v10 =	vmul.f32 v13, v13;
	[tilespmem:s16+$0x10] =	vst.add.f32.msk $0xffff, v13  }
0x14b: {  	v13 =	vld.idx.msk [tilespmem:v1+s6+$0xFFFFFC20 ss:$0x1], $0xffff  }
0x14c: {  	v14 =	vld.idx.msk [tilespmem:v1+s6+$0xFFFFFCA0 ss:$0x1], $0xffff  }
0x14d: {  	v15 =	vld.idx.msk [tilespmem:v1+s6+$0xFFFFFD20 ss:$0x1], $0xffff  }
0x14e: {  	v17 =	vld.idx.msk [tilespmem:v1+s6+$0xFFFFFDA0 ss:$0x1], $0xffff;
	_ =	sdelay $0x2  }
0x14f: {  	[tilespmem:s4+$0x20] =	vst.add.f32.msk $0xffff, v13;
	v13 =	vmul.f32 v13, v13  }
0x150: {  	v20 =	vmul.f32 v14, v14;
	[tilespmem:s10+$0x20] =	vst.add.f32.msk $0xffff, v14  }
0x151: {  	[tilespmem:s15+$0x20] =	vst.add.f32.msk $0xffff, v15;
	v15 =	vmul.f32 v15, v15  }
0x152: {  	v14 =	vmul.f32 v17, v17;
	[tilespmem:s16+$0x20] =	vst.add.f32.msk $0xffff, v17  }
0x153: {  	v17 =	vld.idx.msk [tilespmem:v1+s6+$0xFFFFFC30 ss:$0x1], $0xffff  }
0x154: {  	v18 =	vld.idx.msk [tilespmem:v1+s6+$0xFFFFFCB0 ss:$0x1], $0xffff  }
0x155: {  	v19 =	vld.idx.msk [tilespmem:v1+s6+$0xFFFFFD30 ss:$0x1], $0xffff  }
0x156: {  	v21 =	vld.idx.msk [tilespmem:v1+s6+$0xFFFFFDB0 ss:$0x1], $0xffff;
	_ =	sdelay $0x2  }
0x157: {  	[tilespmem:s4+$0x30] =	vst.add.f32.msk $0xffff, v17;
	v17 =	vmul.f32 v17, v17  }
0x158: {  	v25 =	vmul.f32 v18, v18;
	[tilespmem:s10+$0x30] =	vst.add.f32.msk $0xffff, v18  }
0x159: {  	[tilespmem:s15+$0x30] =	vst.add.f32.msk $0xffff, v19;
	v19 =	vmul.f32 v19, v19  }
0x15a: {  	v18 =	vmul.f32 v21, v21;
	[tilespmem:s16+$0x30] =	vst.add.f32.msk $0xffff, v21  }
0x15b: {  	v22 =	vld.idx.msk [tilespmem:v1+s6+$0xFFFFFC40 ss:$0x1], $0xffff  }
0x15c: {  	v23 =	vld.idx.msk [tilespmem:v1+s6+$0xFFFFFCC0 ss:$0x1], $0xffff  }
0x15d: {  	v21 =	vld.idx.msk [tilespmem:v1+s6+$0xFFFFFD40 ss:$0x1], $0xffff  }
0x15e: {  	v24 =	vld.idx.msk [tilespmem:v1+s6+$0xFFFFFDC0 ss:$0x1], $0xffff;
	_ =	sdelay $0x2  }
0x15f: {  	[tilespmem:s4+$0x40] =	vst.add.f32.msk $0xffff, v22;
	v22 =	vmul.f32 v22, v22  }
0x160: {  	v30 =	vmul.f32 v23, v23;
	[tilespmem:s10+$0x40] =	vst.add.f32.msk $0xffff, v23  }
0x161: {  	[tilespmem:s15+$0x40] =	vst.add.f32.msk $0xffff, v21  }
0x162: {  	v23 =	vmul.f32 v24, v24;
	[tilespmem:s16+$0x40] =	vst.add.f32.msk $0xffff, v24  }
0x163: {  	v24 =	vld.idx.msk [tilespmem:v1+s6+$0xFFFFFC50 ss:$0x1], $0xffff  }
0x164: {  	v26 =	vld.idx.msk [tilespmem:v1+s6+$0xFFFFFCD0 ss:$0x1], $0xffff  }
0x165: {  	v27 =	vld.idx.msk [tilespmem:v1+s6+$0xFFFFFD50 ss:$0x1], $0xffff  }
0x166: {  	v28 =	vld.idx.msk [tilespmem:v1+s6+$0xFFFFFDD0 ss:$0x1], $0xffff;
	_ =	sdelay $0x2  }
0x167: {  	[tilespmem:s4+$0x50] =	vst.add.f32.msk $0xffff, v24  }
0x168: {  	v35 =	vmul.f32 v26, v26;
	[tilespmem:s10+$0x50] =	vst.add.f32.msk $0xffff, v26  }
0x169: {  	[tilespmem:s15+$0x50] =	vst.add.f32.msk $0xffff, v27;
	v27 =	vmul.f32 v27, v27  }
0x16a: {  	v26 =	vmul.f32 v28, v28;
	[tilespmem:s16+$0x50] =	vst.add.f32.msk $0xffff, v28  }
0x16b: {  	v28 =	vld.idx.msk [tilespmem:v1+s6+$0xFFFFFC60 ss:$0x1], $0xffff  }
0x16c: {  	v29 =	vld.idx.msk [tilespmem:v1+s6+$0xFFFFFCE0 ss:$0x1], $0xffff  }
0x16d: {  	v32 =	vld.idx.msk [tilespmem:v1+s6+$0xFFFFFD60 ss:$0x1], $0xffff  }
0x16e: {  	v33 =	vld.idx.msk [tilespmem:v1+s6+$0xFFFFFDE0 ss:$0x1], $0xffff;
	_ =	sdelay $0x2  }
0x16f: {  	v31 =	vmul.f32 v28, v28;
	[tilespmem:s4+$0x60] =	vst.add.f32.msk $0xffff, v28  }
0x170: {  	v38 =	vmul.f32 v29, v29;
	[tilespmem:s10+$0x60] =	vst.add.f32.msk $0xffff, v29  }
0x171: {  	v28 =	vmul.f32 v32, v32;
	[tilespmem:s15+$0x60] =	vst.add.f32.msk $0xffff, v32  }
0x172: {  	v29 =	vmul.f32 v33, v33;
	[tilespmem:s16+$0x60] =	vst.add.f32.msk $0xffff, v33  }
0x173: {  	v33 =	vld.idx.msk [tilespmem:v1+s6+$0xFFFFFC70 ss:$0x1], $0xffff  }
0x174: {  	v34 =	vld.idx.msk [tilespmem:v1+s6+$0xFFFFFCF0 ss:$0x1], $0xffff  }
0x175: {  	v36 =	vld.idx.msk [tilespmem:v1+s6+$0xFFFFFD70 ss:$0x1], $0xffff  }
0x176: {  	v32 =	vld.idx.msk [tilespmem:v1+s6+$0xFFFFFDF0 ss:$0x1], $0xffff;
	_ =	sdelay $0x2  }
0x177: {  	[tilespmem:s4+$0x70] =	vst.add.f32.msk $0xffff, v33  }
0x178: {  	v42 =	vmul.f32 v34, v34;
	[tilespmem:s10+$0x70] =	vst.add.f32.msk $0xffff, v34  }
0x179: {  	v34 =	vmul.f32 v36, v36;
	[tilespmem:s15+$0x70] =	vst.add.f32.msk $0xffff, v36  }
0x17a: {  	[tilespmem:s16+$0x70] =	vst.add.f32.msk $0xffff, v32  }
0x17b: {  	v36 =	vld.idx.msk [tilespmem:v1+s6+$0x0 ss:$0x1], $0xffff  }
0x17c: {  	v37 =	vld.idx.msk [tilespmem:v1+s6+$0x80 ss:$0x1], $0xffff  }
0x17d: {  	v39 =	vld.idx.msk [tilespmem:v1+s6+$0x100 ss:$0x1], $0xffff  }
0x17e: {  	v40 =	vld.idx.msk [tilespmem:v1+s6+$0x180 ss:$0x1], $0xffff;
	_ =	sdelay $0x2  }
0x17f: {  	[tilespmem:s4+$0x400] =	vst.add.f32.msk $0xffff, v36;
	v36 =	vmul.f32 v36, v36  }
0x180: {  	v47 =	vmul.f32 v37, v37;
	[tilespmem:s10+$0x400] =	vst.add.f32.msk $0xffff, v37  }
0x181: {  	v37 =	vmul.f32 v39, v39;
	[tilespmem:s15+$0x400] =	vst.add.f32.msk $0xffff, v39  }
0x182: {  	v39 =	vmul.f32 v40, v40;
	[tilespmem:s16+$0x400] =	vst.add.f32.msk $0xffff, v40  }
0x183: {  	v40 =	vld.idx.msk [tilespmem:v1+s6+$0x10 ss:$0x1], $0xffff  }
0x184: {  	v43 =	vld.idx.msk [tilespmem:v1+s6+$0x90 ss:$0x1], $0xffff  }
0x185: {  	v44 =	vld.idx.msk [tilespmem:v1+s6+$0x110 ss:$0x1], $0xffff  }
0x186: {  	v45 =	vld.idx.msk [tilespmem:v1+s6+$0x190 ss:$0x1], $0xffff;
	_ =	sdelay $0x2  }
0x187: {  	v41 =	vmul.f32 v40, v40;
	[tilespmem:s4+$0x410] =	vst.add.f32.msk $0xffff, v40  }
0x188: {  	v50 =	vmul.f32 v43, v43;
	[tilespmem:s10+$0x410] =	vst.add.f32.msk $0xffff, v43  }
0x189: {  	v40 =	vmul.f32 v44, v44;
	[tilespmem:s15+$0x410] =	vst.add.f32.msk $0xffff, v44  }
0x18a: {  	[tilespmem:s16+$0x410] =	vst.add.f32.msk $0xffff, v45;
	v45 =	vmul.f32 v45, v45  }
0x18b: {  	v43 =	vld.idx.msk [tilespmem:v1+s6+$0x20 ss:$0x1], $0xffff  }
0x18c: {  	v51 =	vld.idx.msk [tilespmem:v1+s6+$0xA0 ss:$0x1], $0xffff  }
0x18d: {  	v44 =	vld.idx.msk [tilespmem:v1+s6+$0x120 ss:$0x1], $0xffff  }
0x18e: {  	v46 =	vld.idx.msk [tilespmem:v1+s6+$0x1A0 ss:$0x1], $0xffff;
	_ =	sdelay $0x2  }
0x18f: {  	[tilespmem:s4+$0x420] =	vst.add.f32.msk $0xffff, v43;
	v43 =	vmul.f32 v43, v43  }
0x190: {  	[tilespmem:s10+$0x420] =	vst.add.f32.msk $0xffff, v51  }
0x191: {  	[tilespmem:s15+$0x420] =	vst.add.f32.msk $0xffff, v44;
	v44 =	vmul.f32 v44, v44  }
0x192: {  	[tilespmem:s16+$0x420] =	vst.add.f32.msk $0xffff, v46  }
0x193: {  	v48 =	vld.idx.msk [tilespmem:v1+s6+$0x30 ss:$0x1], $0xffff  }
0x194: {  	v49 =	vld.idx.msk [tilespmem:v1+s6+$0xB0 ss:$0x1], $0xffff  }
0x195: {  	v52 =	vld.idx.msk [tilespmem:v1+s6+$0x130 ss:$0x1], $0xffff  }
0x196: {  	v53 =	vld.idx.msk [tilespmem:v1+s6+$0x1B0 ss:$0x1], $0xffff;
	_ =	sdelay $0x2  }
0x197: {  	[tilespmem:s4+$0x430] =	vst.add.f32.msk $0xffff, v48;
	v48 =	vmul.f32 v48, v48  }
0x198: {  	v54 =	vmul.f32 v49, v49;
	[tilespmem:s10+$0x430] =	vst.add.f32.msk $0xffff, v49  }
0x199: {  	v49 =	vmul.f32 v52, v52;
	[tilespmem:s15+$0x430] =	vst.add.f32.msk $0xffff, v52  }
0x19a: {  	[tilespmem:s16+$0x430] =	vst.add.f32.msk $0xffff, v53  }
0x19b: {  	v52 =	vld.idx.msk [tilespmem:v1+s6+$0x40 ss:$0x1], $0xffff  }
0x19c: {  	v5 =	vadd.f32 v11, v5;
	v11 =	vld.idx.msk [tilespmem:v1+s6+$0xC0 ss:$0x1], $0xffff  }
0x19d: {  	v55 =	vld.idx.msk [tilespmem:v1+s6+$0x140 ss:$0x1], $0xffff  }
0x19e: {  	v5 =	vadd.f32 v16, v5;
	v16 =	vld.idx.msk [tilespmem:v1+s6+$0x1C0 ss:$0x1], $0xffff;
	_ =	sdelay $0x1  }
0x19f: {  	v5 =	vadd.f32 v20, v5  }
0x1a0: {  	v3 =	vadd.f32 v6, v3;
	v6 =	vmul.f32 v52, v52;
	[tilespmem:s4+$0x440] =	vst.add.f32.msk $0xffff, v52  }
0x1a1: {  	v4 =	vadd.f32 v8, v4;
	v5 =	vadd.f32 v25, v5;
	v8 =	vmul.f32 v11, v11;
	[tilespmem:s10+$0x440] =	vst.add.f32.msk $0xffff, v11  }
0x1a2: {  	v2 =	vadd.f32 v7, v2;
	v3 =	vadd.f32 v9, v3;
	v7 =	vmul.f32 v55, v55;
	[tilespmem:s15+$0x440] =	vst.add.f32.msk $0xffff, v55  }
0x1a3: {  	v4 =	vadd.f32 v12, v4;
	v5 =	vadd.f32 v30, v5;
	v9 =	vmul.f32 v16, v16;
	[tilespmem:s16+$0x440] =	vst.add.f32.msk $0xffff, v16  }
0x1a4: {  	v2 =	vadd.f32 v10, v2;
	v3 =	vadd.f32 v13, v3;
	v10 =	vld.idx.msk [tilespmem:v1+s6+$0x50 ss:$0x1], $0xffff  }
0x1a5: {  	v4 =	vadd.f32 v15, v4;
	v5 =	vadd.f32 v35, v5;
	v11 =	vld.idx.msk [tilespmem:v1+s6+$0xD0 ss:$0x1], $0xffff  }
0x1a6: {  	v2 =	vadd.f32 v14, v2;
	v3 =	vadd.f32 v17, v3;
	v12 =	vld.idx.msk [tilespmem:v1+s6+$0x150 ss:$0x1], $0xffff  }
0x1a7: {  	v4 =	vadd.f32 v19, v4;
	v13 =	vmul.f32 v21, v21;
	v5 =	vadd.f32 v38, v5;
	v14 =	vld.idx.msk [tilespmem:v1+s6+$0x1D0 ss:$0x1], $0xffff  }
0x1a8: {  	v2 =	vadd.f32 v18, v2;
	v3 =	vadd.f32 v22, v3;
	v15 =	vmul.f32 v24, v24  }
0x1a9: {  	v4 =	vadd.f32 v13, v4;
	v5 =	vadd.f32 v42, v5  }
0x1aa: {  	v2 =	vadd.f32 v23, v2;
	v3 =	vadd.f32 v15, v3;
	[tilespmem:s4+$0x450] =	vst.add.f32.msk $0xffff, v10;
	v10 =	vmul.f32 v10, v10  }
0x1ab: {  	v4 =	vadd.f32 v27, v4;
	v5 =	vadd.f32 v47, v5;
	[tilespmem:s10+$0x450] =	vst.add.f32.msk $0xffff, v11;
	v11 =	vmul.f32 v11, v11  }
0x1ac: {  	v2 =	vadd.f32 v26, v2;
	v3 =	vadd.f32 v31, v3;
	[tilespmem:s15+$0x450] =	vst.add.f32.msk $0xffff, v12;
	v12 =	vmul.f32 v12, v12  }
0x1ad: {  	v13 =	vmul.f32 v33, v33;
	v5 =	vadd.f32 v50, v5;
	v15 =	vmul.f32 v51, v51;
	[tilespmem:s16+$0x450] =	vst.add.f32.msk $0xffff, v14  }
0x1ae: {  	v4 =	vadd.f32 v28, v4;
	v2 =	vadd.f32 v29, v2;
	v16 =	vmul.f32 v32, v32;
	v17 =	vld.idx.msk [tilespmem:v1+s6+$0x60 ss:$0x1], $0xffff  }
0x1af: {  	v3 =	vadd.f32 v13, v3;
	v5 =	vadd.f32 v15, v5;
	v13 =	vld.idx.msk [tilespmem:v1+s6+$0xE0 ss:$0x1], $0xffff  }
0x1b0: {  	v4 =	vadd.f32 v34, v4;
	v2 =	vadd.f32 v16, v2;
	v15 =	vld.idx.msk [tilespmem:v1+s6+$0x160 ss:$0x1], $0xffff  }
0x1b1: {  	v3 =	vadd.f32 v36, v3;
	v5 =	vadd.f32 v54, v5;
	v16 =	vld.idx.msk [tilespmem:v1+s6+$0x1E0 ss:$0x1], $0xffff  }
0x1b2: {  	v4 =	vadd.f32 v37, v4;
	v2 =	vadd.f32 v39, v2  }
0x1b3: {  	v3 =	vadd.f32 v41, v3;
	v5 =	vadd.f32 v8, v5  }
0x1b4: {  	v8 =	vmul.f32 v46, v46;
	v2 =	vadd.f32 v45, v2;
	[tilespmem:s4+$0x460] =	vst.add.f32.msk $0xffff, v17;
	v17 =	vmul.f32 v17, v17  }
0x1b5: {  	v4 =	vadd.f32 v40, v4;
	v5 =	vadd.f32 v11, v5;
	v11 =	vmul.f32 v13, v13;
	[tilespmem:s10+$0x460] =	vst.add.f32.msk $0xffff, v13  }
0x1b6: {  	v2 =	vadd.f32 v8, v2;
	v8 =	vmul.f32 v53, v53;
	v13 =	vmul.f32 v15, v15;
	[tilespmem:s15+$0x460] =	vst.add.f32.msk $0xffff, v15  }
0x1b7: {  	v3 =	vadd.f32 v43, v3;
	v5 =	vadd.f32 v11, v5;
	[tilespmem:s16+$0x460] =	vst.add.f32.msk $0xffff, v16  }
0x1b8: {  	v2 =	vadd.f32 v8, v2;
	v11 =	vadd.f32 v44, v4;
	v4 =	vld.idx.msk [tilespmem:v1+s6+$0x1F0 ss:$0x1], $0xffff  }
0x1b9: {  	v8 =	vadd.f32 v48, v3;
	v3 =	vld.idx.msk [tilespmem:v1+s6+$0xF0 ss:$0x1], $0xffff  }
0x1ba: {  	v2 =	vadd.f32 v9, v2;
	v9 =	vmul.f32 v14, v14;
	v11 =	vadd.f32 v49, v11;
	v14 =	vld.idx.msk [tilespmem:v1+s6+$0x70 ss:$0x1], $0xffff  }
0x1bb: {  	v8 =	vadd.f32 v6, v8;
	v6 =	vld.idx.msk [tilespmem:v1+s6+$0x170 ss:$0x1], $0xffff  }
.Ltmp2:
0x1bc: {  	v2 =	vadd.f32 v9, v2;
	v9 =	vmul.f32 v16, v16;
	v7 =	vadd.f32 v7, v11;
	(pc) =	sbr.rel @p1 .LBB2_8-.Ltmp2, $4  }
0x1bd: {  	v8 =	vadd.f32 v10, v8  }
0x1be: {  	v2 =	vadd.f32 v9, v2;
	v7 =	vadd.f32 v12, v7;
	v11 =	vmul.f32 v4, v4  }
0x1bf: {  	v9 =	vadd.f32 v17, v8;
	v8 =	vmul.f32 v3, v3  }
0x1c0: {  	v7 =	vadd.f32 v13, v7;
	v10 =	vmul.f32 v14, v14;
	v2 =	vadd.f32 v11, v2;
	[tilespmem:s4+$0x470] =	vst.add.f32.msk $0xffff, v14  }
0x1c1: {  	[tilespmem:s10+$0x470] =	vst.add.f32.msk $0xffff, v3  }
0x1c2: {  	[tilespmem:s15+$0x470] =	vst.add.f32.msk $0xffff, v6;
	v1 =	vadd.f32 v10, v9  }
0x1c3: {  	[tilespmem:s16+$0x470] =	vst.add.f32.msk $0xffff, v4  }
0x1c4: {  	v3 =	vmul.f32 v6, v6;
	v63 =	vadd.f32 v8, v5;
	[tilespmem:s25+$0x14280] =	vst.add.f32.msk $0xffff, v1;
	v1 =	vsel vm0, $0x3F800000, v0  }
0x1c5: {  	s24 =	sadd.s32 $0x1, s24;
	[tilespmem:s25+$0x14A80] =	vst.add.f32.msk $0xffff, v1  }
0x1c6: {  	p1 =	sne.s32 s24, $0x8;
	v3 =	vadd.f32 v3, v7;
	[tilespmem:s26+$0x14280] =	vst.add.f32.msk $0xffff, v63  }
.Ltmp3:
0x1c7: {  	[tilespmem:s26+$0x14A80] =	vst.add.f32.msk $0xffff, v1;
	(pc) =	sbr.rel @p1 .LBB2_7-.Ltmp3, $4  }
0x1c8: {  	[tilespmem:s28+$0x14280] =	vst.add.f32.msk $0xffff, v3  }
0x1c9: {  	[tilespmem:s28+$0x14A80] =	vst.add.f32.msk $0xffff, v1  }
0x1ca: {  	[tilespmem:s29+$0x14280] =	vst.add.f32.msk $0xffff, v2  }
0x1cb: {  	s23 =	sadd.s32 $0x1000, s23;
	p0 =	por !p0, !p0;
	[tilespmem:s29+$0x14A80] =	vst.add.f32.msk $0xffff, v1  }
0x1cc: {  	p0 =	seq.s32 s20, $0x3  }
0x1cd: {  	s0 =	sshll.u32 @!p0 s20, $0xD  }
0x1ce: {  	s1 =	simm.s32 @!p0 $0x0;
	s0 =	sadd.s32 @!p0 s0, s5  }
0x1cf: {  	[tilespmem:s1], [sflag:$0x1] =	stream.linear.gather @!p0 [hbm4b:s0+s1], $0x8000, $0x38;
	[tilespmem:$0x15280] =	vst v63  }
0x1d0: {  	_ =	swait.ge [sflag:s14], $0x8000  }
0x1d1: {  	s22 =	simm.s32 $0x0;
	[sflag:s14] =	ssyncset.done $0x0  }
0x1d2: {  	s23 =	simm.s32 $0x0;
	p0 =	por $0x0, $0x0;
	[sflag:s14] =	ssyncadd.s32 $0xFFFF8000  }
.LBB2_11:
0x1d3: {  	s0 =	simm.s32 $0x1  }
0x1d4: {  	s1 =	sshll.u32 s22, $0x2;
	s0 =	simm.s32 @!p0 $0x0  }
0x1d5: {  	s1 =	sand.u32 $0xFFFF8000, s1;
	s0 =	sshll.u32 s0, $0xB  }
0x1d6: {  	s4 =	sshll.u32 s23, $0x2;
	s0 =	sor.u32 s0, s1  }
0x1d7: {  	s26 =	sand.u32 $0x3FFFFFFC, s4;
	s0 =	sshrl.u32 s0, $0x2  }
0x1d8: {  	s4 =	sld [smem:s21+s26];
	s1 =	sadd.s32 s26, s21;
	s0 =	sadd.s32 $0x8400, s0  }
0x1d9: {  	s31 =	sld [smem:s1+$0x1];
	v2 =	vmov s0  }
0x1da: {  	s10 =	sld [smem:s1+$0x2]  }
0x1db: {  	s1 =	sld [smem:s1+$0x3];
	s6 =	sshll.u32 s4, $0xA;
	s24 =	sshll.u32 s4, $0x7  }
0x1dc: {  	s4 =	simm.s32 $0x0;
	s15 =	sand.u32 $0xFFFFE000, s6;
	s16 =	sand.u32 $0x380, s24  }
0x1dd: {  	s6 =	sor.u32 s16, s15;
	s15 =	sshll.u32 s31, $0xA;
	s25 =	sshll.u32 s31, $0x7  }
0x1de: {  	s31 =	sshll.u32 s10, $0xA;
	s28 =	sshll.u32 s1, $0x7;
	s29 =	sadd.s32 $0x10280, s6;
	v5 =	vld.idx.msk [tilespmem:v2+s4+$0xFFFFFC00 ss:$0x1], $0xffff  }
0x1df: {  	s17 =	sand.u32 $0xFFFFE000, s15;
	s26 =	sand.u32 $0x380, s25;
	s6 =	sand.u32 $0xFFFFE000, s31;
	v6 =	vld.idx.msk [tilespmem:v2+s4+$0xFFFFFC80 ss:$0x1], $0xffff  }
0x1e0: {  	s15 =	sshll.u32 s1, $0xA;
	s0 =	sor.u32 s26, s17;
	s26 =	sshll.u32 s10, $0x7;
	v7 =	vld.idx.msk [tilespmem:v2+s4+$0xFFFFFD00 ss:$0x1], $0xffff  }
0x1e1: {  	s16 =	sand.u32 $0xFFFFE000, s15;
	s17 =	sand.u32 $0x380, s28;
	s10 =	sand.u32 $0x380, s26;
	v8 =	vld.idx.msk [tilespmem:v2+s4+$0xFFFFFD80 ss:$0x1], $0xffff  }
0x1e2: {  	s31 =	sadd.s32 $0x0, s29;
	s30 =	sadd.s32 $0x10280, s0;
	s0 =	sor.u32 s10, s6  }
0x1e3: {  	s1 =	sor.u32 s17, s16;
	s10 =	sadd.s32 $0x0, s30;
	s0 =	sadd.s32 $0x10280, s0;
	[tilespmem:s31+$0x0] =	vst.add.f32.msk $0xffff, v5  }
0x1e4: {  	s1 =	sadd.s32 $0x10280, s1;
	s15 =	sadd.s32 $0x0, s0;
	[tilespmem:s10+$0x0] =	vst.add.f32.msk $0xffff, v6  }
0x1e5: {  	s16 =	sadd.s32 $0x0, s1;
	[tilespmem:s15+$0x0] =	vst.add.f32.msk $0xffff, v7  }
0x1e6: {  	[tilespmem:s16+$0x0] =	vst.add.f32.msk $0xffff, v8  }
0x1e7: {  	v9 =	vld.idx.msk [tilespmem:v2+s4+$0xFFFFFC10 ss:$0x1], $0xffff  }
0x1e8: {  	v10 =	vld.idx.msk [tilespmem:v2+s4+$0xFFFFFC90 ss:$0x1], $0xffff  }
0x1e9: {  	v11 =	vld.idx.msk [tilespmem:v2+s4+$0xFFFFFD10 ss:$0x1], $0xffff  }
0x1ea: {  	v12 =	vld.idx.msk [tilespmem:v2+s4+$0xFFFFFD90 ss:$0x1], $0xffff;
	_ =	sdelay $0x1  }
0x1eb: {  	[tilespmem:s31+$0x10] =	vst.add.f32.msk $0xffff, v9  }
0x1ec: {  	[tilespmem:s10+$0x10] =	vst.add.f32.msk $0xffff, v10  }
0x1ed: {  	[tilespmem:s15+$0x10] =	vst.add.f32.msk $0xffff, v11  }
0x1ee: {  	[tilespmem:s16+$0x10] =	vst.add.f32.msk $0xffff, v12  }
0x1ef: {  	v13 =	vld.idx.msk [tilespmem:v2+s4+$0xFFFFFC20 ss:$0x1], $0xffff  }
0x1f0: {  	v14 =	vld.idx.msk [tilespmem:v2+s4+$0xFFFFFCA0 ss:$0x1], $0xffff  }
0x1f1: {  	v15 =	vld.idx.msk [tilespmem:v2+s4+$0xFFFFFD20 ss:$0x1], $0xffff  }
0x1f2: {  	v16 =	vld.idx.msk [tilespmem:v2+s4+$0xFFFFFDA0 ss:$0x1], $0xffff;
	_ =	sdelay $0x1  }
0x1f3: {  	[tilespmem:s31+$0x20] =	vst.add.f32.msk $0xffff, v13  }
0x1f4: {  	[tilespmem:s10+$0x20] =	vst.add.f32.msk $0xffff, v14  }
0x1f5: {  	[tilespmem:s15+$0x20] =	vst.add.f32.msk $0xffff, v15  }
0x1f6: {  	[tilespmem:s16+$0x20] =	vst.add.f32.msk $0xffff, v16  }
0x1f7: {  	v17 =	vld.idx.msk [tilespmem:v2+s4+$0xFFFFFC30 ss:$0x1], $0xffff  }
0x1f8: {  	v18 =	vld.idx.msk [tilespmem:v2+s4+$0xFFFFFCB0 ss:$0x1], $0xffff  }
0x1f9: {  	v19 =	vld.idx.msk [tilespmem:v2+s4+$0xFFFFFD30 ss:$0x1], $0xffff  }
0x1fa: {  	v20 =	vld.idx.msk [tilespmem:v2+s4+$0xFFFFFDB0 ss:$0x1], $0xffff;
	_ =	sdelay $0x1  }
0x1fb: {  	[tilespmem:s31+$0x30] =	vst.add.f32.msk $0xffff, v17  }
0x1fc: {  	[tilespmem:s10+$0x30] =	vst.add.f32.msk $0xffff, v18  }
0x1fd: {  	[tilespmem:s15+$0x30] =	vst.add.f32.msk $0xffff, v19  }
0x1fe: {  	[tilespmem:s16+$0x30] =	vst.add.f32.msk $0xffff, v20  }
0x1ff: {  	v21 =	vld.idx.msk [tilespmem:v2+s4+$0xFFFFFC40 ss:$0x1], $0xffff  }
0x200: {  	v22 =	vld.idx.msk [tilespmem:v2+s4+$0xFFFFFCC0 ss:$0x1], $0xffff  }
0x201: {  	v3 =	vld.idx.msk [tilespmem:v2+s4+$0xFFFFFD40 ss:$0x1], $0xffff  }
0x202: {  	v23 =	vld.idx.msk [tilespmem:v2+s4+$0xFFFFFDC0 ss:$0x1], $0xffff;
	_ =	sdelay $0x1  }
0x203: {  	[tilespmem:s31+$0x40] =	vst.add.f32.msk $0xffff, v21  }
0x204: {  	[tilespmem:s10+$0x40] =	vst.add.f32.msk $0xffff, v22  }
0x205: {  	[tilespmem:s15+$0x40] =	vst.add.f32.msk $0xffff, v3  }
0x206: {  	[tilespmem:s16+$0x40] =	vst.add.f32.msk $0xffff, v23  }
0x207: {  	v4 =	vld.idx.msk [tilespmem:v2+s4+$0xFFFFFC50 ss:$0x1], $0xffff  }
0x208: {  	v24 =	vld.idx.msk [tilespmem:v2+s4+$0xFFFFFCD0 ss:$0x1], $0xffff  }
0x209: {  	v25 =	vld.idx.msk [tilespmem:v2+s4+$0xFFFFFD50 ss:$0x1], $0xffff  }
0x20a: {  	v26 =	vld.idx.msk [tilespmem:v2+s4+$0xFFFFFDD0 ss:$0x1], $0xffff;
	_ =	sdelay $0x1  }
0x20b: {  	[tilespmem:s31+$0x50] =	vst.add.f32.msk $0xffff, v4  }
0x20c: {  	[tilespmem:s10+$0x50] =	vst.add.f32.msk $0xffff, v24  }
0x20d: {  	[tilespmem:s15+$0x50] =	vst.add.f32.msk $0xffff, v25  }
0x20e: {  	[tilespmem:s16+$0x50] =	vst.add.f32.msk $0xffff, v26  }
0x20f: {  	v27 =	vld.idx.msk [tilespmem:v2+s4+$0xFFFFFC60 ss:$0x1], $0xffff  }
0x210: {  	v28 =	vld.idx.msk [tilespmem:v2+s4+$0xFFFFFCE0 ss:$0x1], $0xffff  }
0x211: {  	v29 =	vld.idx.msk [tilespmem:v2+s4+$0xFFFFFD60 ss:$0x1], $0xffff  }
0x212: {  	v30 =	vld.idx.msk [tilespmem:v2+s4+$0xFFFFFDE0 ss:$0x1], $0xffff;
	_ =	sdelay $0x1  }
0x213: {  	[tilespmem:s31+$0x60] =	vst.add.f32.msk $0xffff, v27  }
0x214: {  	[tilespmem:s10+$0x60] =	vst.add.f32.msk $0xffff, v28  }
0x215: {  	[tilespmem:s15+$0x60] =	vst.add.f32.msk $0xffff, v29  }
0x216: {  	[tilespmem:s16+$0x60] =	vst.add.f32.msk $0xffff, v30  }
0x217: {  	v31 =	vld.idx.msk [tilespmem:v2+s4+$0xFFFFFC70 ss:$0x1], $0xffff  }
0x218: {  	v32 =	vld.idx.msk [tilespmem:v2+s4+$0xFFFFFCF0 ss:$0x1], $0xffff  }
0x219: {  	v33 =	vld.idx.msk [tilespmem:v2+s4+$0xFFFFFD70 ss:$0x1], $0xffff  }
0x21a: {  	v34 =	vld.idx.msk [tilespmem:v2+s4+$0xFFFFFDF0 ss:$0x1], $0xffff;
	_ =	sdelay $0x1  }
0x21b: {  	[tilespmem:s31+$0x70] =	vst.add.f32.msk $0xffff, v31  }
0x21c: {  	[tilespmem:s10+$0x70] =	vst.add.f32.msk $0xffff, v32  }
0x21d: {  	[tilespmem:s15+$0x70] =	vst.add.f32.msk $0xffff, v33  }
0x21e: {  	[tilespmem:s16+$0x70] =	vst.add.f32.msk $0xffff, v34  }
0x21f: {  	v35 =	vld.idx.msk [tilespmem:v2+s4+$0x0 ss:$0x1], $0xffff  }
0x220: {  	v36 =	vld.idx.msk [tilespmem:v2+s4+$0x80 ss:$0x1], $0xffff  }
0x221: {  	v37 =	vld.idx.msk [tilespmem:v2+s4+$0x100 ss:$0x1], $0xffff  }
0x222: {  	v38 =	vld.idx.msk [tilespmem:v2+s4+$0x180 ss:$0x1], $0xffff;
	_ =	sdelay $0x1  }
0x223: {  	[tilespmem:s31+$0x400] =	vst.add.f32.msk $0xffff, v35  }
0x224: {  	[tilespmem:s10+$0x400] =	vst.add.f32.msk $0xffff, v36  }
0x225: {  	[tilespmem:s15+$0x400] =	vst.add.f32.msk $0xffff, v37  }
0x226: {  	[tilespmem:s16+$0x400] =	vst.add.f32.msk $0xffff, v38  }
0x227: {  	v39 =	vld.idx.msk [tilespmem:v2+s4+$0x10 ss:$0x1], $0xffff  }
0x228: {  	v40 =	vld.idx.msk [tilespmem:v2+s4+$0x90 ss:$0x1], $0xffff  }
0x229: {  	v41 =	vld.idx.msk [tilespmem:v2+s4+$0x110 ss:$0x1], $0xffff  }
0x22a: {  	v42 =	vld.idx.msk [tilespmem:v2+s4+$0x190 ss:$0x1], $0xffff;
	_ =	sdelay $0x1  }
0x22b: {  	[tilespmem:s31+$0x410] =	vst.add.f32.msk $0xffff, v39  }
0x22c: {  	[tilespmem:s10+$0x410] =	vst.add.f32.msk $0xffff, v40  }
0x22d: {  	[tilespmem:s15+$0x410] =	vst.add.f32.msk $0xffff, v41  }
0x22e: {  	[tilespmem:s16+$0x410] =	vst.add.f32.msk $0xffff, v42  }
0x22f: {  	v43 =	vld.idx.msk [tilespmem:v2+s4+$0x20 ss:$0x1], $0xffff  }
0x230: {  	v44 =	vld.idx.msk [tilespmem:v2+s4+$0xA0 ss:$0x1], $0xffff  }
0x231: {  	v45 =	vld.idx.msk [tilespmem:v2+s4+$0x120 ss:$0x1], $0xffff  }
0x232: {  	v46 =	vld.idx.msk [tilespmem:v2+s4+$0x1A0 ss:$0x1], $0xffff;
	_ =	sdelay $0x1  }
0x233: {  	[tilespmem:s31+$0x420] =	vst.add.f32.msk $0xffff, v43  }
0x234: {  	[tilespmem:s10+$0x420] =	vst.add.f32.msk $0xffff, v44  }
0x235: {  	[tilespmem:s15+$0x420] =	vst.add.f32.msk $0xffff, v45  }
0x236: {  	[tilespmem:s16+$0x420] =	vst.add.f32.msk $0xffff, v46  }
0x237: {  	v47 =	vld.idx.msk [tilespmem:v2+s4+$0x30 ss:$0x1], $0xffff  }
0x238: {  	v5 =	vmul.f32 v5, v5;
	v6 =	vmul.f32 v6, v6;
	v48 =	vld.idx.msk [tilespmem:v2+s4+$0xB0 ss:$0x1], $0xffff  }
0x239: {  	v51 =	vimm.f32 $0.0e+00;
	v7 =	vmul.f32 v7, v7;
	v49 =	vld.idx.msk [tilespmem:v2+s4+$0x130 ss:$0x1], $0xffff  }
0x23a: {  	v5 =	vadd.f32 v5, v51;
	v8 =	vmul.f32 v8, v8;
	v6 =	vadd.f32 v6, v51;
	v50 =	vld.idx.msk [tilespmem:v2+s4+$0x1B0 ss:$0x1], $0xffff  }
0x23b: {  	v7 =	vadd.f32 v7, v51;
	v9 =	vmul.f32 v9, v9;
	v10 =	vmul.f32 v10, v10  }
0x23c: {  	v8 =	vadd.f32 v8, v51;
	v11 =	vmul.f32 v11, v11;
	v12 =	vmul.f32 v12, v12;
	[tilespmem:s31+$0x430] =	vst.add.f32.msk $0xffff, v47  }
0x23d: {  	v5 =	vadd.f32 v9, v5;
	v6 =	vadd.f32 v10, v6;
	v13 =	vmul.f32 v13, v13;
	[tilespmem:s10+$0x430] =	vst.add.f32.msk $0xffff, v48  }
0x23e: {  	v7 =	vadd.f32 v11, v7;
	v8 =	vadd.f32 v12, v8;
	v14 =	vmul.f32 v14, v14;
	[tilespmem:s15+$0x430] =	vst.add.f32.msk $0xffff, v49  }
0x23f: {  	v15 =	vmul.f32 v15, v15;
	v5 =	vadd.f32 v13, v5;
	v16 =	vmul.f32 v16, v16;
	[tilespmem:s16+$0x430] =	vst.add.f32.msk $0xffff, v50  }
0x240: {  	v6 =	vadd.f32 v14, v6;
	v17 =	vmul.f32 v17, v17;
	v18 =	vmul.f32 v18, v18;
	v52 =	vld.idx.msk [tilespmem:v2+s4+$0x40 ss:$0x1], $0xffff  }
0x241: {  	v7 =	vadd.f32 v15, v7;
	v8 =	vadd.f32 v16, v8;
	v19 =	vmul.f32 v19, v19;
	v53 =	vld.idx.msk [tilespmem:v2+s4+$0xC0 ss:$0x1], $0xffff  }
0x242: {  	v5 =	vadd.f32 v17, v5;
	v20 =	vmul.f32 v20, v20;
	v6 =	vadd.f32 v18, v6;
	v54 =	vld.idx.msk [tilespmem:v2+s4+$0x140 ss:$0x1], $0xffff  }
0x243: {  	v7 =	vadd.f32 v19, v7;
	v21 =	vmul.f32 v21, v21;
	v22 =	vmul.f32 v22, v22;
	v10 =	vld.idx.msk [tilespmem:v2+s4+$0x1C0 ss:$0x1], $0xffff  }
0x244: {  	v8 =	vadd.f32 v20, v8;
	v3 =	vmul.f32 v3, v3;
	v23 =	vmul.f32 v23, v23  }
0x245: {  	v5 =	vadd.f32 v21, v5;
	v6 =	vadd.f32 v22, v6;
	v4 =	vmul.f32 v4, v4;
	[tilespmem:s31+$0x440] =	vst.add.f32.msk $0xffff, v52  }
0x246: {  	v3 =	vadd.f32 v3, v7;
	v8 =	vadd.f32 v23, v8;
	v24 =	vmul.f32 v24, v24;
	[tilespmem:s10+$0x440] =	vst.add.f32.msk $0xffff, v53  }
0x247: {  	v25 =	vmul.f32 v25, v25;
	v4 =	vadd.f32 v4, v5;
	v26 =	vmul.f32 v26, v26;
	[tilespmem:s15+$0x440] =	vst.add.f32.msk $0xffff, v54  }
0x248: {  	v6 =	vadd.f32 v24, v6;
	v27 =	vmul.f32 v27, v27;
	v28 =	vmul.f32 v28, v28;
	[tilespmem:s16+$0x440] =	vst.add.f32.msk $0xffff, v10  }
0x249: {  	v3 =	vadd.f32 v25, v3;
	v29 =	vmul.f32 v29, v29;
	v30 =	vmul.f32 v30, v30;
	v63 =	vld.idx.msk [tilespmem:v2+s4+$0x50 ss:$0x1], $0xffff  }
0x24a: {  	v7 =	vadd.f32 v26, v8;
	v32 =	vmul.f32 v32, v32;
	v9 =	vmul.f32 v42, v42;
	v42 =	vld.idx.msk [tilespmem:v2+s4+$0xD0 ss:$0x1], $0xffff  }
0x24b: {  	v4 =	vadd.f32 v27, v4;
	v62 =	vmul.f32 v41, v41;
	v41 =	vmul.f32 v45, v45;
	v45 =	vld.idx.msk [tilespmem:v2+s4+$0x150 ss:$0x1], $0xffff  }
0x24c: {  	v6 =	vadd.f32 v28, v6;
	v11 =	vmul.f32 v43, v43;
	v43 =	vmul.f32 v47, v47;
	v47 =	vld.idx.msk [tilespmem:v2+s4+$0x1D0 ss:$0x1], $0xffff  }
0x24d: {  	v3 =	vadd.f32 v29, v3;
	v5 =	vadd.f32 v30, v7;
	v33 =	vmul.f32 v33, v33  }
0x24e: {  	v7 =	vmul.f32 v34, v34;
	v6 =	vadd.f32 v32, v6;
	v35 =	vmul.f32 v35, v35;
	[tilespmem:s31+$0x450] =	vst.add.f32.msk $0xffff, v63  }
0x24f: {  	v3 =	vadd.f32 v33, v3;
	v36 =	vmul.f32 v36, v36;
	v37 =	vmul.f32 v37, v37;
	[tilespmem:s10+$0x450] =	vst.add.f32.msk $0xffff, v42  }
0x250: {  	v5 =	vadd.f32 v7, v5;
	v8 =	vmul.f32 v49, v49;
	v49 =	vmul.f32 v31, v31;
	[tilespmem:s15+$0x450] =	vst.add.f32.msk $0xffff, v45  }
0x251: {  	v38 =	vmul.f32 v38, v38;
	v6 =	vadd.f32 v36, v6;
	v3 =	vadd.f32 v37, v3;
	[tilespmem:s16+$0x450] =	vst.add.f32.msk $0xffff, v47  }
0x252: {  	v40 =	vmul.f32 v40, v40;
	v4 =	vadd.f32 v49, v4;
	v51 =	vmul.f32 v52, v52;
	v52 =	vld.idx.msk [tilespmem:v2+s4+$0x60 ss:$0x1], $0xffff  }
0x253: {  	v5 =	vadd.f32 v38, v5;
	v39 =	vmul.f32 v39, v39;
	v7 =	vmul.f32 v53, v53;
	v53 =	vld.idx.msk [tilespmem:v2+s4+$0xE0 ss:$0x1], $0xffff  }
0x254: {  	v6 =	vadd.f32 v40, v6;
	v56 =	vmul.f32 v44, v44;
	v4 =	vadd.f32 v35, v4;
	v55 =	vld.idx.msk [tilespmem:v2+s4+$0x160 ss:$0x1], $0xffff  }
0x255: {  	v5 =	vadd.f32 v9, v5;
	v3 =	vadd.f32 v62, v3;
	v9 =	vmul.f32 v46, v46;
	v57 =	vld.idx.msk [tilespmem:v2+s4+$0x1E0 ss:$0x1], $0xffff  }
0x256: {  	v6 =	vadd.f32 v56, v6;
	v48 =	vmul.f32 v48, v48;
	v4 =	vadd.f32 v39, v4  }
0x257: {  	v5 =	vadd.f32 v9, v5;
	v3 =	vadd.f32 v41, v3;
	v9 =	vmul.f32 v50, v50;
	[tilespmem:s31+$0x460] =	vst.add.f32.msk $0xffff, v52  }
0x258: {  	v6 =	vadd.f32 v48, v6;
	v4 =	vadd.f32 v11, v4;
	[tilespmem:s10+$0x460] =	vst.add.f32.msk $0xffff, v53  }
0x259: {  	v9 =	vadd.f32 v9, v5;
	v3 =	vadd.f32 v8, v3;
	v10 =	vmul.f32 v10, v10;
	[tilespmem:s15+$0x460] =	vst.add.f32.msk $0xffff, v55  }
0x25a: {  	v54 =	vmul.f32 v54, v54;
	v6 =	vadd.f32 v7, v6;
	v7 =	vadd.f32 v43, v4;
	[tilespmem:s16+$0x460] =	vst.add.f32.msk $0xffff, v57  }
0x25b: {  	v8 =	vadd.f32 v10, v9;
	v11 =	vmul.f32 v42, v42;
	v9 =	vmul.f32 v47, v47;
	v5 =	vld.idx.msk [tilespmem:v2+s4+$0x1F0 ss:$0x1], $0xffff  }
0x25c: {  	v3 =	vadd.f32 v54, v3;
	v7 =	vadd.f32 v51, v7;
	v58 =	vmul.f32 v63, v63;
	v4 =	vld.idx.msk [tilespmem:v2+s4+$0xF0 ss:$0x1], $0xffff  }
0x25d: {  	v59 =	vmul.f32 v45, v45;
	v6 =	vadd.f32 v11, v6;
	v8 =	vadd.f32 v9, v8;
	v11 =	vld.idx.msk [tilespmem:v2+s4+$0x70 ss:$0x1], $0xffff  }
0x25e: {  	v12 =	vadd.f32 v58, v7;
	v9 =	vmul.f32 v57, v57;
	v60 =	vmul.f32 v53, v53;
	v7 =	vld.idx.msk [tilespmem:v2+s4+$0x170 ss:$0x1], $0xffff  }
0x25f: {  	v3 =	vadd.f32 v59, v3;
	v10 =	vmul.f32 v52, v52;
	v61 =	vmul.f32 v55, v55  }
0x260: {  	v62 =	vadd.f32 v9, v8;
	v6 =	vadd.f32 v60, v6;
	v63 =	vmul.f32 v5, v5  }
0x261: {  	v10 =	vadd.f32 v10, v12;
	v9 =	vadd.f32 v61, v3  }
0x262: {  	s17 =	simm.s32 $0x2000;
	v8 =	vmul.f32 v4, v4;
	[tilespmem:s31+$0x470] =	vst.add.f32.msk $0xffff, v11;
	v11 =	vmul.f32 v11, v11;
	v3 =	vadd.f32 v63, v62  }
.LBB2_12:
0x263: {  	p1 =	sne.s32 s17, $0x6000;
	[tilespmem:s10+$0x470] =	vst.add.f32.msk $0xffff, v4;
	v12 =	vmul.f32 v7, v7;
	s4 =	smov.u32 s17;
	s17 =	sadd.s32 $0x2000, s17  }
0x264: {  	[tilespmem:s15+$0x470] =	vst.add.f32.msk $0xffff, v7;
	v4 =	vadd.f32 v11, v10  }
0x265: {  	v6 =	vadd.f32 v8, v6;
	s6 =	sshra.s32 s4, $0x2;
	[tilespmem:s16+$0x470] =	vst.add.f32.msk $0xffff, v5;
	v5 =	vadd.f32 v12, v9  }
0x266: {  	v7 =	vld.idx.msk [tilespmem:v2+s6+$0xFFFFFC00 ss:$0x1], $0xffff  }
0x267: {  	v8 =	vld.idx.msk [tilespmem:v2+s6+$0xFFFFFC80 ss:$0x1], $0xffff  }
0x268: {  	v9 =	vld.idx.msk [tilespmem:v2+s6+$0xFFFFFD00 ss:$0x1], $0xffff  }
0x269: {  	v10 =	vld.idx.msk [tilespmem:v2+s6+$0xFFFFFD80 ss:$0x1], $0xffff;
	_ =	sdelay $0x1  }
0x26a: {  	s4 =	sadd.s32 s6, s29  }
0x26b: {  	s10 =	sadd.s32 s6, s30;
	[tilespmem:s4+$0x0] =	vst.add.f32.msk $0xffff, v7;
	v7 =	vmul.f32 v7, v7  }
0x26c: {  	s15 =	sadd.s32 s6, s0;
	v12 =	vmul.f32 v8, v8;
	[tilespmem:s10+$0x0] =	vst.add.f32.msk $0xffff, v8  }
0x26d: {  	s16 =	sadd.s32 s6, s1;
	[tilespmem:s15+$0x0] =	vst.add.f32.msk $0xffff, v9;
	v9 =	vmul.f32 v9, v9  }
0x26e: {  	v8 =	vmul.f32 v10, v10;
	[tilespmem:s16+$0x0] =	vst.add.f32.msk $0xffff, v10  }
0x26f: {  	v10 =	vld.idx.msk [tilespmem:v2+s6+$0xFFFFFC10 ss:$0x1], $0xffff  }
0x270: {  	v11 =	vld.idx.msk [tilespmem:v2+s6+$0xFFFFFC90 ss:$0x1], $0xffff  }
0x271: {  	v13 =	vld.idx.msk [tilespmem:v2+s6+$0xFFFFFD10 ss:$0x1], $0xffff  }
0x272: {  	v14 =	vld.idx.msk [tilespmem:v2+s6+$0xFFFFFD90 ss:$0x1], $0xffff;
	_ =	sdelay $0x2  }
0x273: {  	[tilespmem:s4+$0x10] =	vst.add.f32.msk $0xffff, v10;
	v10 =	vmul.f32 v10, v10  }
0x274: {  	v17 =	vmul.f32 v11, v11;
	[tilespmem:s10+$0x10] =	vst.add.f32.msk $0xffff, v11  }
0x275: {  	[tilespmem:s15+$0x10] =	vst.add.f32.msk $0xffff, v13;
	v13 =	vmul.f32 v13, v13  }
0x276: {  	v11 =	vmul.f32 v14, v14;
	[tilespmem:s16+$0x10] =	vst.add.f32.msk $0xffff, v14  }
0x277: {  	v14 =	vld.idx.msk [tilespmem:v2+s6+$0xFFFFFC20 ss:$0x1], $0xffff  }
0x278: {  	v15 =	vld.idx.msk [tilespmem:v2+s6+$0xFFFFFCA0 ss:$0x1], $0xffff  }
0x279: {  	v16 =	vld.idx.msk [tilespmem:v2+s6+$0xFFFFFD20 ss:$0x1], $0xffff  }
0x27a: {  	v18 =	vld.idx.msk [tilespmem:v2+s6+$0xFFFFFDA0 ss:$0x1], $0xffff;
	_ =	sdelay $0x2  }
0x27b: {  	[tilespmem:s4+$0x20] =	vst.add.f32.msk $0xffff, v14;
	v14 =	vmul.f32 v14, v14  }
0x27c: {  	v21 =	vmul.f32 v15, v15;
	[tilespmem:s10+$0x20] =	vst.add.f32.msk $0xffff, v15  }
0x27d: {  	[tilespmem:s15+$0x20] =	vst.add.f32.msk $0xffff, v16;
	v16 =	vmul.f32 v16, v16  }
0x27e: {  	v15 =	vmul.f32 v18, v18;
	[tilespmem:s16+$0x20] =	vst.add.f32.msk $0xffff, v18  }
0x27f: {  	v18 =	vld.idx.msk [tilespmem:v2+s6+$0xFFFFFC30 ss:$0x1], $0xffff  }
0x280: {  	v19 =	vld.idx.msk [tilespmem:v2+s6+$0xFFFFFCB0 ss:$0x1], $0xffff  }
0x281: {  	v20 =	vld.idx.msk [tilespmem:v2+s6+$0xFFFFFD30 ss:$0x1], $0xffff  }
0x282: {  	v22 =	vld.idx.msk [tilespmem:v2+s6+$0xFFFFFDB0 ss:$0x1], $0xffff;
	_ =	sdelay $0x2  }
0x283: {  	[tilespmem:s4+$0x30] =	vst.add.f32.msk $0xffff, v18;
	v18 =	vmul.f32 v18, v18  }
0x284: {  	v26 =	vmul.f32 v19, v19;
	[tilespmem:s10+$0x30] =	vst.add.f32.msk $0xffff, v19  }
0x285: {  	[tilespmem:s15+$0x30] =	vst.add.f32.msk $0xffff, v20;
	v20 =	vmul.f32 v20, v20  }
0x286: {  	v19 =	vmul.f32 v22, v22;
	[tilespmem:s16+$0x30] =	vst.add.f32.msk $0xffff, v22  }
0x287: {  	v23 =	vld.idx.msk [tilespmem:v2+s6+$0xFFFFFC40 ss:$0x1], $0xffff  }
0x288: {  	v24 =	vld.idx.msk [tilespmem:v2+s6+$0xFFFFFCC0 ss:$0x1], $0xffff  }
0x289: {  	v22 =	vld.idx.msk [tilespmem:v2+s6+$0xFFFFFD40 ss:$0x1], $0xffff  }
0x28a: {  	v25 =	vld.idx.msk [tilespmem:v2+s6+$0xFFFFFDC0 ss:$0x1], $0xffff;
	_ =	sdelay $0x2  }
0x28b: {  	[tilespmem:s4+$0x40] =	vst.add.f32.msk $0xffff, v23;
	v23 =	vmul.f32 v23, v23  }
0x28c: {  	v31 =	vmul.f32 v24, v24;
	[tilespmem:s10+$0x40] =	vst.add.f32.msk $0xffff, v24  }
0x28d: {  	[tilespmem:s15+$0x40] =	vst.add.f32.msk $0xffff, v22  }
0x28e: {  	v24 =	vmul.f32 v25, v25;
	[tilespmem:s16+$0x40] =	vst.add.f32.msk $0xffff, v25  }
0x28f: {  	v25 =	vld.idx.msk [tilespmem:v2+s6+$0xFFFFFC50 ss:$0x1], $0xffff  }
0x290: {  	v27 =	vld.idx.msk [tilespmem:v2+s6+$0xFFFFFCD0 ss:$0x1], $0xffff  }
0x291: {  	v28 =	vld.idx.msk [tilespmem:v2+s6+$0xFFFFFD50 ss:$0x1], $0xffff  }
0x292: {  	v29 =	vld.idx.msk [tilespmem:v2+s6+$0xFFFFFDD0 ss:$0x1], $0xffff;
	_ =	sdelay $0x2  }
0x293: {  	[tilespmem:s4+$0x50] =	vst.add.f32.msk $0xffff, v25  }
0x294: {  	v36 =	vmul.f32 v27, v27;
	[tilespmem:s10+$0x50] =	vst.add.f32.msk $0xffff, v27  }
0x295: {  	[tilespmem:s15+$0x50] =	vst.add.f32.msk $0xffff, v28;
	v28 =	vmul.f32 v28, v28  }
0x296: {  	v27 =	vmul.f32 v29, v29;
	[tilespmem:s16+$0x50] =	vst.add.f32.msk $0xffff, v29  }
0x297: {  	v29 =	vld.idx.msk [tilespmem:v2+s6+$0xFFFFFC60 ss:$0x1], $0xffff  }
0x298: {  	v30 =	vld.idx.msk [tilespmem:v2+s6+$0xFFFFFCE0 ss:$0x1], $0xffff  }
0x299: {  	v33 =	vld.idx.msk [tilespmem:v2+s6+$0xFFFFFD60 ss:$0x1], $0xffff  }
0x29a: {  	v34 =	vld.idx.msk [tilespmem:v2+s6+$0xFFFFFDE0 ss:$0x1], $0xffff;
	_ =	sdelay $0x2  }
0x29b: {  	v32 =	vmul.f32 v29, v29;
	[tilespmem:s4+$0x60] =	vst.add.f32.msk $0xffff, v29  }
0x29c: {  	v39 =	vmul.f32 v30, v30;
	[tilespmem:s10+$0x60] =	vst.add.f32.msk $0xffff, v30  }
0x29d: {  	v29 =	vmul.f32 v33, v33;
	[tilespmem:s15+$0x60] =	vst.add.f32.msk $0xffff, v33  }
0x29e: {  	v30 =	vmul.f32 v34, v34;
	[tilespmem:s16+$0x60] =	vst.add.f32.msk $0xffff, v34  }
0x29f: {  	v34 =	vld.idx.msk [tilespmem:v2+s6+$0xFFFFFC70 ss:$0x1], $0xffff  }
0x2a0: {  	v35 =	vld.idx.msk [tilespmem:v2+s6+$0xFFFFFCF0 ss:$0x1], $0xffff  }
0x2a1: {  	v37 =	vld.idx.msk [tilespmem:v2+s6+$0xFFFFFD70 ss:$0x1], $0xffff  }
0x2a2: {  	v33 =	vld.idx.msk [tilespmem:v2+s6+$0xFFFFFDF0 ss:$0x1], $0xffff;
	_ =	sdelay $0x2  }
0x2a3: {  	[tilespmem:s4+$0x70] =	vst.add.f32.msk $0xffff, v34  }
0x2a4: {  	v43 =	vmul.f32 v35, v35;
	[tilespmem:s10+$0x70] =	vst.add.f32.msk $0xffff, v35  }
0x2a5: {  	v35 =	vmul.f32 v37, v37;
	[tilespmem:s15+$0x70] =	vst.add.f32.msk $0xffff, v37  }
0x2a6: {  	[tilespmem:s16+$0x70] =	vst.add.f32.msk $0xffff, v33  }
0x2a7: {  	v37 =	vld.idx.msk [tilespmem:v2+s6+$0x0 ss:$0x1], $0xffff  }
0x2a8: {  	v38 =	vld.idx.msk [tilespmem:v2+s6+$0x80 ss:$0x1], $0xffff  }
0x2a9: {  	v40 =	vld.idx.msk [tilespmem:v2+s6+$0x100 ss:$0x1], $0xffff  }
0x2aa: {  	v41 =	vld.idx.msk [tilespmem:v2+s6+$0x180 ss:$0x1], $0xffff;
	_ =	sdelay $0x2  }
0x2ab: {  	[tilespmem:s4+$0x400] =	vst.add.f32.msk $0xffff, v37;
	v37 =	vmul.f32 v37, v37  }
0x2ac: {  	v48 =	vmul.f32 v38, v38;
	[tilespmem:s10+$0x400] =	vst.add.f32.msk $0xffff, v38  }
0x2ad: {  	v38 =	vmul.f32 v40, v40;
	[tilespmem:s15+$0x400] =	vst.add.f32.msk $0xffff, v40  }
0x2ae: {  	v40 =	vmul.f32 v41, v41;
	[tilespmem:s16+$0x400] =	vst.add.f32.msk $0xffff, v41  }
0x2af: {  	v41 =	vld.idx.msk [tilespmem:v2+s6+$0x10 ss:$0x1], $0xffff  }
0x2b0: {  	v44 =	vld.idx.msk [tilespmem:v2+s6+$0x90 ss:$0x1], $0xffff  }
0x2b1: {  	v45 =	vld.idx.msk [tilespmem:v2+s6+$0x110 ss:$0x1], $0xffff  }
0x2b2: {  	v46 =	vld.idx.msk [tilespmem:v2+s6+$0x190 ss:$0x1], $0xffff;
	_ =	sdelay $0x2  }
0x2b3: {  	v42 =	vmul.f32 v41, v41;
	[tilespmem:s4+$0x410] =	vst.add.f32.msk $0xffff, v41  }
0x2b4: {  	v51 =	vmul.f32 v44, v44;
	[tilespmem:s10+$0x410] =	vst.add.f32.msk $0xffff, v44  }
0x2b5: {  	v41 =	vmul.f32 v45, v45;
	[tilespmem:s15+$0x410] =	vst.add.f32.msk $0xffff, v45  }
0x2b6: {  	[tilespmem:s16+$0x410] =	vst.add.f32.msk $0xffff, v46;
	v46 =	vmul.f32 v46, v46  }
0x2b7: {  	v44 =	vld.idx.msk [tilespmem:v2+s6+$0x20 ss:$0x1], $0xffff  }
0x2b8: {  	v52 =	vld.idx.msk [tilespmem:v2+s6+$0xA0 ss:$0x1], $0xffff  }
0x2b9: {  	v45 =	vld.idx.msk [tilespmem:v2+s6+$0x120 ss:$0x1], $0xffff  }
0x2ba: {  	v47 =	vld.idx.msk [tilespmem:v2+s6+$0x1A0 ss:$0x1], $0xffff;
	_ =	sdelay $0x2  }
0x2bb: {  	[tilespmem:s4+$0x420] =	vst.add.f32.msk $0xffff, v44;
	v44 =	vmul.f32 v44, v44  }
0x2bc: {  	[tilespmem:s10+$0x420] =	vst.add.f32.msk $0xffff, v52  }
0x2bd: {  	[tilespmem:s15+$0x420] =	vst.add.f32.msk $0xffff, v45;
	v45 =	vmul.f32 v45, v45  }
0x2be: {  	[tilespmem:s16+$0x420] =	vst.add.f32.msk $0xffff, v47  }
0x2bf: {  	v49 =	vld.idx.msk [tilespmem:v2+s6+$0x30 ss:$0x1], $0xffff  }
0x2c0: {  	v50 =	vld.idx.msk [tilespmem:v2+s6+$0xB0 ss:$0x1], $0xffff  }
0x2c1: {  	v53 =	vld.idx.msk [tilespmem:v2+s6+$0x130 ss:$0x1], $0xffff  }
0x2c2: {  	v54 =	vld.idx.msk [tilespmem:v2+s6+$0x1B0 ss:$0x1], $0xffff;
	_ =	sdelay $0x2  }
0x2c3: {  	[tilespmem:s4+$0x430] =	vst.add.f32.msk $0xffff, v49;
	v49 =	vmul.f32 v49, v49  }
0x2c4: {  	v55 =	vmul.f32 v50, v50;
	[tilespmem:s10+$0x430] =	vst.add.f32.msk $0xffff, v50  }
0x2c5: {  	v50 =	vmul.f32 v53, v53;
	[tilespmem:s15+$0x430] =	vst.add.f32.msk $0xffff, v53  }
0x2c6: {  	[tilespmem:s16+$0x430] =	vst.add.f32.msk $0xffff, v54  }
0x2c7: {  	v53 =	vld.idx.msk [tilespmem:v2+s6+$0x40 ss:$0x1], $0xffff  }
0x2c8: {  	v6 =	vadd.f32 v12, v6;
	v12 =	vld.idx.msk [tilespmem:v2+s6+$0xC0 ss:$0x1], $0xffff  }
0x2c9: {  	v56 =	vld.idx.msk [tilespmem:v2+s6+$0x140 ss:$0x1], $0xffff  }
0x2ca: {  	v6 =	vadd.f32 v17, v6;
	v17 =	vld.idx.msk [tilespmem:v2+s6+$0x1C0 ss:$0x1], $0xffff;
	_ =	sdelay $0x1  }
0x2cb: {  	v6 =	vadd.f32 v21, v6  }
0x2cc: {  	v4 =	vadd.f32 v7, v4;
	v7 =	vmul.f32 v53, v53;
	[tilespmem:s4+$0x440] =	vst.add.f32.msk $0xffff, v53  }
0x2cd: {  	v5 =	vadd.f32 v9, v5;
	v6 =	vadd.f32 v26, v6;
	v9 =	vmul.f32 v12, v12;
	[tilespmem:s10+$0x440] =	vst.add.f32.msk $0xffff, v12  }
0x2ce: {  	v3 =	vadd.f32 v8, v3;
	v4 =	vadd.f32 v10, v4;
	v8 =	vmul.f32 v56, v56;
	[tilespmem:s15+$0x440] =	vst.add.f32.msk $0xffff, v56  }
0x2cf: {  	v5 =	vadd.f32 v13, v5;
	v6 =	vadd.f32 v31, v6;
	v10 =	vmul.f32 v17, v17;
	[tilespmem:s16+$0x440] =	vst.add.f32.msk $0xffff, v17  }
0x2d0: {  	v3 =	vadd.f32 v11, v3;
	v4 =	vadd.f32 v14, v4;
	v11 =	vld.idx.msk [tilespmem:v2+s6+$0x50 ss:$0x1], $0xffff  }
0x2d1: {  	v5 =	vadd.f32 v16, v5;
	v6 =	vadd.f32 v36, v6;
	v12 =	vld.idx.msk [tilespmem:v2+s6+$0xD0 ss:$0x1], $0xffff  }
0x2d2: {  	v3 =	vadd.f32 v15, v3;
	v4 =	vadd.f32 v18, v4;
	v13 =	vld.idx.msk [tilespmem:v2+s6+$0x150 ss:$0x1], $0xffff  }
0x2d3: {  	v5 =	vadd.f32 v20, v5;
	v14 =	vmul.f32 v22, v22;
	v6 =	vadd.f32 v39, v6;
	v15 =	vld.idx.msk [tilespmem:v2+s6+$0x1D0 ss:$0x1], $0xffff  }
0x2d4: {  	v3 =	vadd.f32 v19, v3;
	v4 =	vadd.f32 v23, v4;
	v16 =	vmul.f32 v25, v25  }
0x2d5: {  	v5 =	vadd.f32 v14, v5;
	v6 =	vadd.f32 v43, v6  }
0x2d6: {  	v3 =	vadd.f32 v24, v3;
	v4 =	vadd.f32 v16, v4;
	[tilespmem:s4+$0x450] =	vst.add.f32.msk $0xffff, v11;
	v11 =	vmul.f32 v11, v11  }
0x2d7: {  	v5 =	vadd.f32 v28, v5;
	v6 =	vadd.f32 v48, v6;
	[tilespmem:s10+$0x450] =	vst.add.f32.msk $0xffff, v12;
	v12 =	vmul.f32 v12, v12  }
0x2d8: {  	v3 =	vadd.f32 v27, v3;
	v4 =	vadd.f32 v32, v4;
	[tilespmem:s15+$0x450] =	vst.add.f32.msk $0xffff, v13;
	v13 =	vmul.f32 v13, v13  }
0x2d9: {  	v14 =	vmul.f32 v34, v34;
	v6 =	vadd.f32 v51, v6;
	v16 =	vmul.f32 v52, v52;
	[tilespmem:s16+$0x450] =	vst.add.f32.msk $0xffff, v15  }
0x2da: {  	v5 =	vadd.f32 v29, v5;
	v3 =	vadd.f32 v30, v3;
	v17 =	vmul.f32 v33, v33;
	v18 =	vld.idx.msk [tilespmem:v2+s6+$0x60 ss:$0x1], $0xffff  }
0x2db: {  	v4 =	vadd.f32 v14, v4;
	v6 =	vadd.f32 v16, v6;
	v14 =	vld.idx.msk [tilespmem:v2+s6+$0xE0 ss:$0x1], $0xffff  }
0x2dc: {  	v5 =	vadd.f32 v35, v5;
	v3 =	vadd.f32 v17, v3;
	v16 =	vld.idx.msk [tilespmem:v2+s6+$0x160 ss:$0x1], $0xffff  }
0x2dd: {  	v4 =	vadd.f32 v37, v4;
	v6 =	vadd.f32 v55, v6;
	v17 =	vld.idx.msk [tilespmem:v2+s6+$0x1E0 ss:$0x1], $0xffff  }
0x2de: {  	v5 =	vadd.f32 v38, v5;
	v3 =	vadd.f32 v40, v3  }
0x2df: {  	v4 =	vadd.f32 v42, v4;
	v6 =	vadd.f32 v9, v6  }
0x2e0: {  	v9 =	vmul.f32 v47, v47;
	v3 =	vadd.f32 v46, v3;
	[tilespmem:s4+$0x460] =	vst.add.f32.msk $0xffff, v18;
	v18 =	vmul.f32 v18, v18  }
0x2e1: {  	v5 =	vadd.f32 v41, v5;
	v6 =	vadd.f32 v12, v6;
	v12 =	vmul.f32 v14, v14;
	[tilespmem:s10+$0x460] =	vst.add.f32.msk $0xffff, v14  }
0x2e2: {  	v3 =	vadd.f32 v9, v3;
	v9 =	vmul.f32 v54, v54;
	v14 =	vmul.f32 v16, v16;
	[tilespmem:s15+$0x460] =	vst.add.f32.msk $0xffff, v16  }
0x2e3: {  	v4 =	vadd.f32 v44, v4;
	v6 =	vadd.f32 v12, v6;
	[tilespmem:s16+$0x460] =	vst.add.f32.msk $0xffff, v17  }
0x2e4: {  	v3 =	vadd.f32 v9, v3;
	v12 =	vadd.f32 v45, v5;
	v5 =	vld.idx.msk [tilespmem:v2+s6+$0x1F0 ss:$0x1], $0xffff  }
0x2e5: {  	v9 =	vadd.f32 v49, v4;
	v4 =	vld.idx.msk [tilespmem:v2+s6+$0xF0 ss:$0x1], $0xffff  }
0x2e6: {  	v3 =	vadd.f32 v10, v3;
	v10 =	vmul.f32 v15, v15;
	v12 =	vadd.f32 v50, v12;
	v15 =	vld.idx.msk [tilespmem:v2+s6+$0x70 ss:$0x1], $0xffff  }
0x2e7: {  	v9 =	vadd.f32 v7, v9;
	v7 =	vld.idx.msk [tilespmem:v2+s6+$0x170 ss:$0x1], $0xffff  }
.Ltmp4:
0x2e8: {  	v3 =	vadd.f32 v10, v3;
	v10 =	vmul.f32 v17, v17;
	v8 =	vadd.f32 v8, v12;
	(pc) =	sbr.rel @p1 .LBB2_12-.Ltmp4, $4  }
0x2e9: {  	v9 =	vadd.f32 v11, v9  }
0x2ea: {  	v3 =	vadd.f32 v10, v3;
	v11 =	vadd.f32 v13, v8;
	v12 =	vmul.f32 v5, v5  }
0x2eb: {  	v10 =	vadd.f32 v18, v9;
	v8 =	vmul.f32 v4, v4  }
0x2ec: {  	v9 =	vadd.f32 v14, v11;
	v11 =	vmul.f32 v15, v15;
	v3 =	vadd.f32 v12, v3;
	[tilespmem:s4+$0x470] =	vst.add.f32.msk $0xffff, v15  }
0x2ed: {  	[tilespmem:s10+$0x470] =	vst.add.f32.msk $0xffff, v4  }
0x2ee: {  	[tilespmem:s15+$0x470] =	vst.add.f32.msk $0xffff, v7;
	v2 =	vadd.f32 v11, v10  }
0x2ef: {  	[tilespmem:s16+$0x470] =	vst.add.f32.msk $0xffff, v5  }
0x2f0: {  	v62 =	vmul.f32 v7, v7;
	v63 =	vadd.f32 v8, v6;
	[tilespmem:s24+$0x14280] =	vst.add.f32.msk $0xffff, v2  }
0x2f1: {  	s23 =	sadd.s32 $0x1, s23;
	[tilespmem:s24+$0x14A80] =	vst.add.f32.msk $0xffff, v1  }
0x2f2: {  	p1 =	sne.s32 s23, $0x8;
	v2 =	vadd.f32 v62, v9;
	[tilespmem:s25+$0x14280] =	vst.add.f32.msk $0xffff, v63  }
.Ltmp5:
0x2f3: {  	[tilespmem:s25+$0x14A80] =	vst.add.f32.msk $0xffff, v1;
	(pc) =	sbr.rel @p1 .LBB2_11-.Ltmp5, $4  }
0x2f4: {  	[tilespmem:s26+$0x14280] =	vst.add.f32.msk $0xffff, v2  }
0x2f5: {  	[tilespmem:s26+$0x14A80] =	vst.add.f32.msk $0xffff, v1  }
0x2f6: {  	[tilespmem:s28+$0x14280] =	vst.add.f32.msk $0xffff, v3  }
0x2f7: {  	s22 =	sadd.s32 $0x1000, s22;
	p0 =	por !p0, !p0;
	[tilespmem:s28+$0x14A80] =	vst.add.f32.msk $0xffff, v1  }
0x2f8: {  	s20 =	sadd.s32 $0x1, s20  }
0x2f9: {  	p0 =	sne.s32 s20, $0x4  }
.Ltmp6:
0x2fa: {  	_ = 	snop;
	(pc) =	sbr.rel @p0 .LBB2_6-.Ltmp6, $1  }
0x2fb: {  	_ =	sdelay $0x3  }
0x2fc: {  	s0 =	rddreg [dreg:$0x5];
	s1 =	simm.s32 $0x10280  }
0x2fd: {  	[hbm4b:s0+s2] =	stream.linear.scatter [tilespmem:s1], [sflag:$0x3], $0x4000, $0x38;
	[tilespmem:$0x15280] =	vst v63  }
0x2fe: {  	_ =	swait.ge [sflag:s11], $0x4000  }
0x2ff: {  	[sflag:s11] =	ssyncset.done $0x0  }
0x300: {  	s30 =	simm.s32 $0x14280;
	[sflag:s11] =	ssyncadd.s32 $0xFFFFC000  }
0x301: {  	[hbm4b:s7+s2] =	stream.linear.scatter [tilespmem:s30], [sflag:$0x3], $0x800, $0x38;
	[tilespmem:$0x15280] =	vst v63  }
0x302: {  	s18 =	sadd.s32 $0x1, s18;
	_ =	swait.ge [sflag:s11], $0x800  }
0x303: {  	p0 =	sne.s32 s18, s9;
	[sflag:s11] =	ssyncset.done $0x0  }
.Ltmp7:
0x304: {  	s31 =	simm.s32 $0x14A80;
	[sflag:s11] =	ssyncadd.s32 $0xFFFFF800;
	(pc) =	sbr.rel @p0 .LBB2_1-.Ltmp7, $4  }
0x305: {  	[hbm4b:s8+s2] =	stream.linear.scatter [tilespmem:s31], [sflag:$0x3], $0x800, $0x38;
	[tilespmem:$0x15280] =	vst v63  }
0x306: {  	_ =	swait.ge [sflag:s11], $0x800  }
0x307: {  	[sflag:s11] =	ssyncset.done $0x0  }
0x308: {  	[sflag:s11] =	ssyncadd.s32 $0xFFFFF800  }
0x309: {  	_ =	sfence.sel $0x180000  }
0x30a: {  	[bflag:$0x0] =	sbarrier.arrive $0xFFFF  }
0x30b: {  	_ =	strace $0x90000047  }
0x30c: {  	s0 =	stileid.u32;
	[bflag:$0x2] =	sbarrier.arrive $0xFFFF  }
0x30d: {  	p0 =	sne.s32 s0, $0x0;
	s0 =	rddreg [dreg:$0x3]  }
0x30e: {  	s0 =	sadd.s32 @!p0 $0x100000, s0  }
0x30f: {  	[sflag:s0] =	ssyncadd.tile.s32 @!p0 $0x1;
	_ =	shalt  }
.Lfunc_end2:
_tile_overlayer_lowered:
.L_overlay_start_2:
0x310: {  	(tag) =	ssettag $0x2  }
0x311: {  	s0 =	rddreg [dreg:$0x0];
	s2 =	stileid.u32  }
0x312: {  	s1 =	rddreg [dreg:$0x1];
	p0 =	sne.s32 s2, $0x0  }
0x313: {  	s3 =	rddreg [dreg:$0x2];
	[bflag:$0x3] =	sbarrier.arrive $0xFFFF;
	s2 =	simm.s32 @!p0 $0x1C03  }
0x314: {  	[timem:s3], [sflag:s2] =	dma.local @!p0 [hbm:s0], s1  }
0x315: {  	s0 =	simm.s32 @!p0 $0x3  }
0x316: {  	_ =	swait.ge @!p0 [sflag:s0], s1  }
0x317: {  	s1 =	ssub.s32 @!p0 $0x0, s1;
	[sflag:s0] =	ssyncset.done @!p0 $0x0  }
0x318: {  	[sflag:s0] =	ssyncadd.s32 @!p0 s1  }
0x319: {  	[bflag:$0x3] =	sbarrier.arrive $0xFFFF  }
0x31a: {  	_ =	shalt  }

</sc_bundles>
